<compile_context>
chip_gen: v7x
topology: tpu7x:2x2x1
jax: 0.10.2.dev20260603
libtpu: 0.0.44.dev20260713+nightly
codegen_flags: <defaults>
</compile_context>

<pallas_src>
import functools

import jax
import jax.numpy as jnp
from jax import lax
from jax.experimental import pallas as pl
from jax.experimental.pallas import tpu as pltpu
from jax.experimental.pallas import tpu_sc as plsc

_CONF = 0.3
_IOU = 0.6
_MAXWH = 4096.0
_MAXDET = 300

_NCLS = 80
_NPAD = 5120
_SUB, _LANE = 8, 640
_NG = _NPAD // 16
_CAP = _NPAD + 16
_LCAP = 304
_NEG = -3.0e38

_R_SCO, _R_CLS = 0, 1
_R_SX1, _R_SY1, _R_SX2, _R_SY2, _R_AR = 2, 3, 4, 5, 6
_R_X1, _R_Y1, _R_X2, _R_Y2 = 7, 8, 9, 10


def _prep_body(pt_ref, out_ref):
    obj = pt_ref[4]
    m = pt_ref[5] * obj
    j = jnp.zeros((_SUB, _LANE), jnp.float32)
    for c in range(1, _NCLS):
        v = pt_ref[5 + c] * obj
        j = jnp.where(v > m, jnp.float32(c), j)
        m = jnp.maximum(m, v)
    cx, cy = pt_ref[0], pt_ref[1]
    w, h = pt_ref[2], pt_ref[3]
    x1 = cx - w / 2.0
    y1 = cy - h / 2.0
    x2 = cx + w / 2.0
    y2 = cy + h / 2.0
    off = j * _MAXWH
    sx1 = x1 + off
    sy1 = y1 + off
    sx2 = x2 + off
    sy2 = y2 + off
    area = (sx2 - sx1) * (sy2 - sy1)
    valid = (obj > _CONF) & (m > _CONF)
    out_ref[_R_SCO] = jnp.where(valid, m, -1.0)
    out_ref[_R_CLS] = j
    out_ref[_R_SX1] = sx1
    out_ref[_R_SY1] = sy1
    out_ref[_R_SX2] = sx2
    out_ref[_R_SY2] = sy2
    out_ref[_R_AR] = area
    out_ref[_R_X1] = x1
    out_ref[_R_Y1] = y1
    out_ref[_R_X2] = x2
    out_ref[_R_Y2] = y2


def _lanes():
    return lax.iota(jnp.int32, 16)


def _argmax_groups(ref, ngrp):
    lanes = _lanes()

    def body(g, carry):
        mx, p = carry
        v = ref[pl.ds(g * 16, 16)]
        gm = jnp.max(v)
        gp = jnp.min(jnp.where(v == gm, g * 16 + lanes, jnp.int32(2 ** 30)))
        better = gm > mx
        return jnp.where(better, gm, mx), jnp.where(better, gp, p)

    return lax.fori_loop(0, ngrp, body, (jnp.float32(_NEG), jnp.int32(0)))


def _sc_store1(ref, pos, val):
    plsc.store_scatter(ref, [jnp.full((16,), pos, jnp.int32)],
                       jnp.full((16,), val), mask=_lanes() == 0)


def _read1(ref, pos):
    return ref[pl.ds(pos, 16)][0]


def _nms_stage1(nw, nc):
    def body(prep_hbm, ksco_hbm, kidx_hbm,
             sco_v, cls_v, sx1_v, sy1_v, sx2_v, sy2_v, ar_v,
             cidx_v, csco_v, ccls_v,
             bidx_v, bsco_v, bx1_v, by1_v, bx2_v, by2_v, bar_v,
             k3s_v, k3i_v, ksco_v, kidx_v, dsem):
        w = lax.axis_index("s") * nc + lax.axis_index("c")
        lanes = _lanes()

        cps = [pltpu.async_copy(prep_hbm.at[r], v, dsem)
               for r, v in ((_R_SCO, sco_v), (_R_CLS, cls_v),
                            (_R_SX1, sx1_v), (_R_SY1, sy1_v),
                            (_R_SX2, sx2_v), (_R_SY2, sy2_v),
                            (_R_AR, ar_v))]
        for cp in cps:
            cp.wait()

        base, rem = _NCLS // nw, _NCLS % nw
        lo = jnp.where(w < rem, w * (base + 1),
                       rem * (base + 1) + (w - rem) * base)
        ncls_w = jnp.where(w < rem, base + 1, base)
        flo = lo.astype(jnp.float32)
        fhi = (lo + ncls_w - 1).astype(jnp.float32)

        def scan_body(h, off):
            for u in range(4):
                g = h * 4 + u
                cv = cls_v[pl.ds(g * 16, 16)]
                sv = sco_v[pl.ds(g * 16, 16)]
                mm = (cv >= flo) & (cv <= fhi) & (sv > 0.0)
                plsc.store_compressed(cidx_v.at[pl.ds(off, 16)],
                                      g * 16 + lanes, mask=mm)
                plsc.store_compressed(csco_v.at[pl.ds(off, 16)], sv, mask=mm)
                off = off + jnp.sum(mm.astype(jnp.int32))
            return off

        ncand = lax.fori_loop(0, _NG // 4, scan_body, jnp.int32(0))
        cidx_v[pl.ds(ncand, 16)] = jnp.zeros((16,), jnp.int32)
        csco_v[pl.ds(ncand, 16)] = jnp.full((16,), _NEG, jnp.float32)
        ngrp = (ncand + 15) // 16

        def cgather(g, _):
            ccls_v[pl.ds(g * 16, 16)] = plsc.load_gather(
                cls_v, [cidx_v[pl.ds(g * 16, 16)]])
            return 0

        lax.fori_loop(0, ngrp, cgather, 0)

        kcnt = []
        for t in range(base + 1):
            fc = (lo + t).astype(jnp.float32)

            def subscan(g, off, fc=fc):
                mm = ccls_v[pl.ds(g * 16, 16)] == fc
                plsc.store_compressed(bidx_v.at[pl.ds(off, 16)],
                                      cidx_v[pl.ds(g * 16, 16)], mask=mm)
                plsc.store_compressed(bsco_v.at[pl.ds(off, 16)],
                                      csco_v[pl.ds(g * 16, 16)], mask=mm)
                return off + jnp.sum(mm.astype(jnp.int32))

            nsub = lax.fori_loop(0, ngrp, subscan, jnp.int32(0))
            bidx_v[pl.ds(nsub, 16)] = jnp.zeros((16,), jnp.int32)
            bsco_v[pl.ds(nsub, 16)] = jnp.full((16,), _NEG, jnp.float32)
            sgrp = (nsub + 15) // 16

            def bgather(g, _):
                iv = bidx_v[pl.ds(g * 16, 16)]
                bx1_v[pl.ds(g * 16, 16)] = plsc.load_gather(sx1_v, [iv])
                by1_v[pl.ds(g * 16, 16)] = plsc.load_gather(sy1_v, [iv])
                bx2_v[pl.ds(g * 16, 16)] = plsc.load_gather(sx2_v, [iv])
                by2_v[pl.ds(g * 16, 16)] = plsc.load_gather(sy2_v, [iv])
                bar_v[pl.ds(g * 16, 16)] = plsc.load_gather(ar_v, [iv])
                return 0

            lax.fori_loop(0, sgrp, bgather, 0)

            def cond(carry):
                k, mx, _ = carry
                return (k < _MAXDET) & (mx > 0.0)

            kbase = t * _LCAP

            def gbody(carry, kbase=kbase, sgrp=sgrp):
                k, mx, pos = carry
                gidx = _read1(bidx_v, pos)
                px1 = _read1(bx1_v, pos)
                py1 = _read1(by1_v, pos)
                px2 = _read1(bx2_v, pos)
                py2 = _read1(by2_v, pos)
                par = _read1(bar_v, pos)
                _sc_store1(k3i_v, kbase + k, gidx)
                _sc_store1(k3s_v, kbase + k, mx)

                def supp(g, carry2, px1=px1, py1=py1, px2=px2, py2=py2,
                         par=par, pos=pos):
                    cm, cp = carry2
                    sl = pl.ds(g * 16, 16)
                    ix = jnp.maximum(
                        jnp.minimum(bx2_v[sl], px2)
                        - jnp.maximum(bx1_v[sl], px1), 0.0)
                    iy = jnp.maximum(
                        jnp.minimum(by2_v[sl], py2)
                        - jnp.maximum(by1_v[sl], py1), 0.0)
                    inter = ix * iy
                    iou = inter / (bar_v[sl] + par - inter + 1e-9)
                    kill = (iou > _IOU) | ((g * 16 + lanes) == pos)
                    ns = jnp.where(kill, _NEG, bsco_v[sl])
                    bsco_v[sl] = ns
                    gm = jnp.max(ns)
                    gp = jnp.min(jnp.where(ns == gm, g * 16 + lanes,
                                           jnp.int32(2 ** 30)))
                    better = gm > cm
                    return (jnp.where(better, gm, cm),
                            jnp.where(better, gp, cp))

                m2, p2 = lax.fori_loop(0, sgrp, supp,
                                       (jnp.float32(_NEG), jnp.int32(0)))
                return k + 1, m2, p2

            m0, p0 = _argmax_groups(bsco_v, sgrp)
            kt, _, _ = lax.while_loop(cond, gbody, (jnp.int32(0), m0, p0))
            kcnt.append(kt)

        nls = base + 1

        def hinit(t):
            return jnp.where(kcnt[t] > 0, _read1(k3s_v, t * _LCAP),
                             jnp.float32(_NEG))

        hh = [hinit(t) for t in range(nls)]
        pp = [jnp.int32(0)] * nls

        def mfind(hs):
            mx = hs[0]
            grp = jnp.int32(0)
            for t in range(1, nls):
                better = hs[t] > mx
                mx = jnp.where(better, hs[t], mx)
                grp = jnp.where(better, jnp.int32(t), grp)
            return mx, grp

        def mcond(carry):
            r, mx = carry[0], carry[1]
            return (r < _MAXDET) & (mx > 0.0)

        def mbody(carry):
            r, mx, grp = carry[:3]
            hs = list(carry[3:3 + nls])
            ps = list(carry[3 + nls:3 + 2 * nls])
            hp = ps[0]
            kn = kcnt[0]
            for t in range(1, nls):
                hp = jnp.where(grp == t, ps[t], hp)
                kn = jnp.where(grp == t, kcnt[t], kn)
            gidx = _read1(k3i_v, grp * _LCAP + hp)
            _sc_store1(kidx_v, r, gidx)
            _sc_store1(ksco_v, r, mx)
            hp2 = hp + 1
            nh = jnp.where(
                hp2 < kn,
                _read1(k3s_v, grp * _LCAP + jnp.minimum(hp2, _MAXDET - 1)),
                jnp.float32(_NEG))
            for t in range(nls):
                sel = grp == t
                hs[t] = jnp.where(sel, nh, hs[t])
                ps[t] = jnp.where(sel, hp2, ps[t])
            m2, g2 = mfind(hs)
            return (r + 1, m2, g2, *hs, *ps)

        m0, g0 = mfind(hh)
        fin = lax.while_loop(mcond, mbody, (jnp.int32(0), m0, g0, *hh, *pp))
        kfin = fin[0]

        _sc_store1(kidx_v, _MAXDET, kfin)
        pltpu.sync_copy(ksco_v, ksco_hbm.at[w])
        pltpu.sync_copy(kidx_v, kidx_hbm.at[w])

    return body


def _nms_stage2(nw, nc):
    def body(prep_hbm, ksco_hbm, kidx_hbm, out_hbm,
             sco_l, idx_l, x1_v, y1_v, x2_v, y2_v, cls_v,
             mg_idx, mg_sco, outv, dsem):
        w = lax.axis_index("s") * nc + lax.axis_index("c")
        lanes = _lanes()
        hgrp = nw // 16

        @pl.when(w == 0)
        def _():
            cps = [pltpu.async_copy(src, dst, dsem)
                   for src, dst in ((ksco_hbm, sco_l), (kidx_hbm, idx_l),
                                    (prep_hbm.at[_R_X1], x1_v),
                                    (prep_hbm.at[_R_Y1], y1_v),
                                    (prep_hbm.at[_R_X2], x2_v),
                                    (prep_hbm.at[_R_Y2], y2_v),
                                    (prep_hbm.at[_R_CLS], cls_v))]
            for cp in cps:
                cp.wait()

            def mg_init(g, _):
                mg_idx[pl.ds(g * 16, 16)] = jnp.zeros((16,), jnp.int32)
                return 0

            lax.fori_loop(0, _LCAP // 16, mg_init, 0)

            h, p, cn = [], [], []
            for t in range(hgrp):
                c16 = t * 16 + lanes
                cnt16 = plsc.load_gather(
                    idx_l, [c16, jnp.full((16,), _MAXDET, jnp.int32)])
                h16 = plsc.load_gather(
                    sco_l, [c16, jnp.zeros((16,), jnp.int32)])
                h.append(jnp.where(cnt16 > 0, h16, _NEG))
                p.append(jnp.zeros((16,), jnp.int32))
                cn.append(cnt16)

            def find(hs):
                mx = jnp.max(hs[0])
                grp = jnp.int32(0)
                for t in range(1, hgrp):
                    mt = jnp.max(hs[t])
                    better = mt > mx
                    mx = jnp.where(better, mt, mx)
                    grp = jnp.where(better, jnp.int32(t), grp)
                hsel = hs[0]
                for t in range(1, hgrp):
                    hsel = jnp.where(grp == t, hs[t], hsel)
                lane = jnp.min(jnp.where(hsel == mx, lanes, jnp.int32(16)))
                return mx, grp, lane

            def cond(carry):
                r, mx = carry[0], carry[1]
                return (r < _MAXDET) & (mx > 0.0)

            def mbody(carry):
                r, mx, grp, lane = carry[:4]
                hs = list(carry[4:4 + hgrp])
                ps = list(carry[4 + hgrp:4 + 2 * hgrp])
                lmask = lanes == lane
                psel = ps[0]
                csel = cn[0]
                for t in range(1, hgrp):
                    psel = jnp.where(grp == t, ps[t], psel)
                    csel = jnp.where(grp == t, cn[t], csel)
                hp = jnp.sum(jnp.where(lmask, psel, 0))
                cnl = jnp.sum(jnp.where(lmask, csel, 0))
                cpos = grp * 16 + lane
                cvec = jnp.full((16,), cpos, jnp.int32)
                gidx = plsc.load_gather(
                    idx_l, [cvec, jnp.full((16,), hp, jnp.int32)])[0]
                _sc_store1(mg_idx, r, gidx)
                _sc_store1(mg_sco, r, mx)
                hp2 = hp + 1
                nh_raw = plsc.load_gather(
                    sco_l,
                    [cvec, jnp.full((16,), jnp.minimum(hp2, _MAXDET - 1),
                                    jnp.int32)])[0]
                nhead = jnp.where(hp2 < cnl, nh_raw, jnp.float32(_NEG))
                for t in range(hgrp):
                    sel = (grp == t) & lmask
                    hs[t] = jnp.where(sel, nhead, hs[t])
                    ps[t] = jnp.where(sel, hp2, ps[t])
                m2, g2, l2 = find(hs)
                return (r + 1, m2, g2, l2, *hs, *ps)

            m0, g0, l0 = find(h)
            fin = lax.while_loop(cond, mbody,
                                 (jnp.int32(0), m0, g0, l0, *h, *p))
            rfin = fin[0]

            def asm(g, _):
                rows = g * 16 + lanes
                ok = rows < rfin
                iv = jnp.where(ok, mg_idx[pl.ds(g * 16, 16)], 0)
                flat = rows * 6
                vx1 = jnp.where(ok, plsc.load_gather(x1_v, [iv]), 0.0)
                plsc.store_scatter(outv, [flat], vx1)
                vy1 = jnp.where(ok, plsc.load_gather(y1_v, [iv]), 0.0)
                plsc.store_scatter(outv, [flat + 1], vy1)
                vx2 = jnp.where(ok, plsc.load_gather(x2_v, [iv]), 0.0)
                plsc.store_scatter(outv, [flat + 2], vx2)
                vy2 = jnp.where(ok, plsc.load_gather(y2_v, [iv]), 0.0)
                plsc.store_scatter(outv, [flat + 3], vy2)
                vcf = jnp.where(ok, mg_sco[pl.ds(g * 16, 16)], 0.0)
                plsc.store_scatter(outv, [flat + 4], vcf)
                vcl = jnp.where(ok, plsc.load_gather(cls_v, [iv]), 0.0)
                plsc.store_scatter(outv, [flat + 5], vcl)
                return 0

            lax.fori_loop(0, _LCAP // 16, asm, 0)
            pltpu.sync_copy(outv, out_hbm)

    return body


def kernel(x):
    p = x[0, 0]
    pt = jnp.pad(jnp.transpose(p), ((0, 0), (0, _NPAD - p.shape[0])))
    pt = pt.reshape(_NCLS + 5, _SUB, _LANE)
    prep = pl.pallas_call(
        _prep_body,
        out_shape=jax.ShapeDtypeStruct((16, _SUB, _LANE), jnp.float32),
    )(pt)
    prep = prep.reshape(16, _NPAD)

    info = plsc.get_sparse_core_info()
    nc, ns = info.num_cores, info.num_subcores
    nw = nc * ns
    mesh = plsc.VectorSubcoreMesh(core_axis_name="c", subcore_axis_name="s",
                                  num_cores=nc, num_subcores=ns)
    cp = pltpu.CompilerParams(needs_layout_passes=False)

    f32, i32 = jnp.float32, jnp.int32
    stage1 = functools.partial(
        pl.kernel, _nms_stage1(nw, nc), mesh=mesh, compiler_params=cp,
        out_type=(jax.ShapeDtypeStruct((nw, _LCAP), f32),
                  jax.ShapeDtypeStruct((nw, _LCAP), i32)),
        scratch_types=(
            [pltpu.VMEM((_NPAD,), f32)] * 7
            + [pltpu.VMEM((_CAP,), i32), pltpu.VMEM((_CAP,), f32),
               pltpu.VMEM((_CAP,), f32)]
            + [pltpu.VMEM((_CAP,), i32)]
            + [pltpu.VMEM((_CAP,), f32)] * 6
            + [pltpu.VMEM((944,), f32), pltpu.VMEM((944,), i32)]
            + [pltpu.VMEM((_LCAP,), f32),
               pltpu.VMEM((_LCAP,), i32),
               pltpu.SemaphoreType.DMA]),
    )()
    ksco, kidx = stage1(prep)

    stage2 = functools.partial(
        pl.kernel, _nms_stage2(nw, nc), mesh=mesh, compiler_params=cp,
        out_type=jax.ShapeDtypeStruct((6 * _LCAP,), f32),
        scratch_types=(
            [pltpu.VMEM((nw, _LCAP), f32), pltpu.VMEM((nw, _LCAP), i32)]
            + [pltpu.VMEM((_NPAD,), f32)] * 5
            + [pltpu.VMEM((_LCAP + 16,), i32), pltpu.VMEM((_LCAP + 16,), f32),
               pltpu.VMEM((6 * _LCAP,), f32),
               pltpu.SemaphoreType.DMA]),
    )()
    outflat = stage2(prep, ksco, kidx)
    return outflat[:_MAXDET * 6].reshape(_MAXDET, 6)

# --- scband reference (transcript-rebuilt; emitter-appended) ---
"""Pipeline reference for scband-nms-8985071583743 (READ-ONLY COPY).

The authoritative reference and input builder live on the scoring server;
editing this copy changes nothing except your own understanding.
"""

import jax, jax.numpy as jnp
import numpy as np

CONF_THRES = 0.3
IOU_THRES = 0.6
MAX_WH = 4096.0
MAX_DET = 300


def xywh2xyxy(b):
    cx, cy, w, h = b[:, 0], b[:, 1], b[:, 2], b[:, 3]
    return jnp.stack([cx - w / 2.0, cy - h / 2.0, cx + w / 2.0, cy + h / 2.0], axis=1)


def setup_inputs(seed: int = 0) -> dict:
    key = jax.random.key(seed)
    x = jax.random.uniform(key, (1, 1, 5000, 85), dtype=jnp.float32)
    return {"x": x}


def reference(x):
    # x[0] -> prediction [bs, N, 85]; bs == 1 here
    pred = x[0]
    p = pred[0]  # [N, 85]
    N = p.shape[0]

    obj = p[:, 4]
    cls_scores = p[:, 5:] * obj[:, None]          # conf = obj_conf * cls_conf
    box = xywh2xyxy(p[:, :4])                     # xywh -> xyxy
    conf = jnp.max(cls_scores, axis=1)            # best class conf
    j = jnp.argmax(cls_scores, axis=1)            # best class index
    valid = (obj > CONF_THRES) & (conf > CONF_THRES)
    scores = jnp.where(valid, conf, -1.0)

    # class-offset boxes so NMS is per-class (agnostic=False)
    shifted = box + (j.astype(jnp.float32) * MAX_WH)[:, None]

    # sort by descending score (torchvision nms semantics)
    order = jnp.argsort(-scores)
    b_s = shifted[order]
    s_s = scores[order]

    x1, y1, x2, y2 = b_s[:, 0], b_s[:, 1], b_s[:, 2], b_s[:, 3]
    area = (x2 - x1) * (y2 - y1)
    ix = jnp.clip(jnp.minimum(x2[:, None], x2[None, :]) - jnp.maximum(x1[:, None], x1[None, :]), 0.0)
    iy = jnp.clip(jnp.minimum(y2[:, None], y2[None, :]) - jnp.maximum(y1[:, None], y1[None, :]), 0.0)
    inter = ix * iy
    iou = inter / (area[:, None] + area[None, :] - inter + 1e-9)
    iou = jax.lax.stop_gradient(iou)
    s_sg = jax.lax.stop_gradient(s_s)

    def body(keep, i):
        suppressed = jnp.any(keep & (iou[i] > IOU_THRES))
        k = (s_sg[i] > 0.0) & (~suppressed)
        return keep.at[i].set(k), None

    keep, _ = jax.lax.scan(body, jnp.zeros((N,), dtype=bool), jnp.arange(N))

    # detections in [xyxy, conf, cls] layout like yolov5 output
    det = jnp.concatenate(
        [box[order], s_s[:, None], j[order].astype(jnp.float32)[:, None]], axis=1
    )
    kept_scores = jnp.where(keep, s_sg, -jnp.inf)
    top_vals, top_idx = jax.lax.top_k(kept_scores, MAX_DET)
    out = det[top_idx]
    out = jnp.where((top_vals > 0.0)[:, None], out, 0.0)
    return out

if __name__ == "__main__":
    import jax
    _d = setup_inputs()
    print(jax.jit(kernel)(*tuple(_d.values())))

</pallas_src>

<mosaic_0001>
#map = affine_map<(d0, d1) -> (0, 0)>
module attributes {stable_mosaic.version = 14 : i64} {
  func.func @body(%arg0: i32, %arg1: i32, %arg2: memref<16x5120xf32, #tpu.memory_space<hbm>>, %arg3: memref<32x304xf32, #tpu.memory_space<hbm>>, %arg4: memref<32x304xi32, #tpu.memory_space<hbm>>, %arg5: memref<5120xf32, #tpu.memory_space<vmem>>, %arg6: memref<5120xf32, #tpu.memory_space<vmem>>, %arg7: memref<5120xf32, #tpu.memory_space<vmem>>, %arg8: memref<5120xf32, #tpu.memory_space<vmem>>, %arg9: memref<5120xf32, #tpu.memory_space<vmem>>, %arg10: memref<5120xf32, #tpu.memory_space<vmem>>, %arg11: memref<5120xf32, #tpu.memory_space<vmem>>, %arg12: memref<5136xi32, #tpu.memory_space<vmem>>, %arg13: memref<5136xf32, #tpu.memory_space<vmem>>, %arg14: memref<5136xf32, #tpu.memory_space<vmem>>, %arg15: memref<5136xi32, #tpu.memory_space<vmem>>, %arg16: memref<5136xf32, #tpu.memory_space<vmem>>, %arg17: memref<5136xf32, #tpu.memory_space<vmem>>, %arg18: memref<5136xf32, #tpu.memory_space<vmem>>, %arg19: memref<5136xf32, #tpu.memory_space<vmem>>, %arg20: memref<5136xf32, #tpu.memory_space<vmem>>, %arg21: memref<5136xf32, #tpu.memory_space<vmem>>, %arg22: memref<944xf32, #tpu.memory_space<vmem>>, %arg23: memref<944xi32, #tpu.memory_space<vmem>>, %arg24: memref<304xf32, #tpu.memory_space<vmem>>, %arg25: memref<304xi32, #tpu.memory_space<vmem>>, %arg26: memref<!tpu.dma_semaphore, #tpu.memory_space<semaphore_mem>>) attributes {dimension_semantics = [#tpu.dimension_semantics<core_parallel>, #tpu.dimension_semantics<subcore_parallel>], iteration_bounds = array<i64: 2, 16>, scalar_prefetch = 0 : i64, scratch_operands = 22 : i64, tpu.core_type = #tpu.core_type<sc_vector_subcore>, window_params = [{transform_indices = #map}, {transform_indices = #map}, {transform_indices = #map}]} {
    %mul3A = arith.constant 2 : i32
    %mul3A_0 = arith.muli %arg1, %mul3A : i32
    %add3A = arith.addi %mul3A_0, %arg0 : i32
    %iota3A = tpu.iota {dimensions = array<i32: 0>} : vector<16xi32>
    %dma_start3A = arith.constant 0 : i32
    %dma_start3A_1 = arith.constant 0 : i32
    %dma_start3A_2 = tpu.memref_slice %arg2[%dma_start3A, %dma_start3A_1] : memref<16x5120xf32, #tpu.memory_space<hbm>> -> memref<1x5120xf32, #tpu.memory_space<hbm>>
    %dma_start3A_3 = tpu.memref_squeeze %dma_start3A_2 : memref<1x5120xf32, #tpu.memory_space<hbm>> -> memref<5120xf32, #tpu.memory_space<hbm>>
    %dma_start3A_4 = arith.constant 0 : i32
    %dma_start3A_5 = tpu.memref_slice %arg2[%dma_start3A, %dma_start3A_4] : memref<16x5120xf32, #tpu.memory_space<hbm>> -> memref<1x5120xf32, #tpu.memory_space<hbm>>
    %dma_start3A_6 = tpu.memref_squeeze %dma_start3A_5 : memref<1x5120xf32, #tpu.memory_space<hbm>> -> memref<5120xf32, #tpu.memory_space<hbm>>
    tpu.enqueue_dma source(%dma_start3A_6 : memref<5120xf32, #tpu.memory_space<hbm>>) target(%arg5 : memref<5120xf32, #tpu.memory_space<vmem>>) target_semaphore(%arg26 : memref<!tpu.dma_semaphore, #tpu.memory_space<semaphore_mem>>)
    %dma_start3A_7 = arith.constant 1 : i32
    %dma_start3A_8 = arith.constant 0 : i32
    %dma_start3A_9 = tpu.memref_slice %arg2[%dma_start3A_7, %dma_start3A_8] : memref<16x5120xf32, #tpu.memory_space<hbm>> -> memref<1x5120xf32, #tpu.memory_space<hbm>>
    %dma_start3A_10 = tpu.memref_squeeze %dma_start3A_9 : memref<1x5120xf32, #tpu.memory_space<hbm>> -> memref<5120xf32, #tpu.memory_space<hbm>>
    %dma_start3A_11 = arith.constant 0 : i32
    %dma_start3A_12 = tpu.memref_slice %arg2[%dma_start3A_7, %dma_start3A_11] : memref<16x5120xf32, #tpu.memory_space<hbm>> -> memref<1x5120xf32, #tpu.memory_space<hbm>>
    %dma_start3A_13 = tpu.memref_squeeze %dma_start3A_12 : memref<1x5120xf32, #tpu.memory_space<hbm>> -> memref<5120xf32, #tpu.memory_space<hbm>>
    tpu.enqueue_dma source(%dma_start3A_13 : memref<5120xf32, #tpu.memory_space<hbm>>) target(%arg6 : memref<5120xf32, #tpu.memory_space<vmem>>) target_semaphore(%arg26 : memref<!tpu.dma_semaphore, #tpu.memory_space<semaphore_mem>>)
    %dma_start3A_14 = arith.constant 2 : i32
    %dma_start3A_15 = arith.constant 0 : i32
    %dma_start3A_16 = tpu.memref_slice %arg2[%dma_start3A_14, %dma_start3A_15] : memref<16x5120xf32, #tpu.memory_space<hbm>> -> memref<1x5120xf32, #tpu.memory_space<hbm>>
    %dma_start3A_17 = tpu.memref_squeeze %dma_start3A_16 : memref<1x5120xf32, #tpu.memory_space<hbm>> -> memref<5120xf32, #tpu.memory_space<hbm>>
    %dma_start3A_18 = arith.constant 0 : i32
    %dma_start3A_19 = tpu.memref_slice %arg2[%dma_start3A_14, %dma_start3A_18] : memref<16x5120xf32, #tpu.memory_space<hbm>> -> memref<1x5120xf32, #tpu.memory_space<hbm>>
    %dma_start3A_20 = tpu.memref_squeeze %dma_start3A_19 : memref<1x5120xf32, #tpu.memory_space<hbm>> -> memref<5120xf32, #tpu.memory_space<hbm>>
    tpu.enqueue_dma source(%dma_start3A_20 : memref<5120xf32, #tpu.memory_space<hbm>>) target(%arg7 : memref<5120xf32, #tpu.memory_space<vmem>>) target_semaphore(%arg26 : memref<!tpu.dma_semaphore, #tpu.memory_space<semaphore_mem>>)
    %dma_start3A_21 = arith.constant 3 : i32
    %dma_start3A_22 = arith.constant 0 : i32
    %dma_start3A_23 = tpu.memref_slice %arg2[%dma_start3A_21, %dma_start3A_22] : memref<16x5120xf32, #tpu.memory_space<hbm>> -> memref<1x5120xf32, #tpu.memory_space<hbm>>
    %dma_start3A_24 = tpu.memref_squeeze %dma_start3A_23 : memref<1x5120xf32, #tpu.memory_space<hbm>> -> memref<5120xf32, #tpu.memory_space<hbm>>
    %dma_start3A_25 = arith.constant 0 : i32
    %dma_start3A_26 = tpu.memref_slice %arg2[%dma_start3A_21, %dma_start3A_25] : memref<16x5120xf32, #tpu.memory_space<hbm>> -> memref<1x5120xf32, #tpu.memory_space<hbm>>
    %dma_start3A_27 = tpu.memref_squeeze %dma_start3A_26 : memref<1x5120xf32, #tpu.memory_space<hbm>> -> memref<5120xf32, #tpu.memory_space<hbm>>
    tpu.enqueue_dma source(%dma_start3A_27 : memref<5120xf32, #tpu.memory_space<hbm>>) target(%arg8 : memref<5120xf32, #tpu.memory_space<vmem>>) target_semaphore(%arg26 : memref<!tpu.dma_semaphore, #tpu.memory_space<semaphore_mem>>)
    %dma_start3A_28 = arith.constant 4 : i32
    %dma_start3A_29 = arith.constant 0 : i32
    %dma_start3A_30 = tpu.memref_slice %arg2[%dma_start3A_28, %dma_start3A_29] : memref<16x5120xf32, #tpu.memory_space<hbm>> -> memref<1x5120xf32, #tpu.memory_space<hbm>>
    %dma_start3A_31 = tpu.memref_squeeze %dma_start3A_30 : memref<1x5120xf32, #tpu.memory_space<hbm>> -> memref<5120xf32, #tpu.memory_space<hbm>>
    %dma_start3A_32 = arith.constant 0 : i32
    %dma_start3A_33 = tpu.memref_slice %arg2[%dma_start3A_28, %dma_start3A_32] : memref<16x5120xf32, #tpu.memory_space<hbm>> -> memref<1x5120xf32, #tpu.memory_space<hbm>>
    %dma_start3A_34 = tpu.memref_squeeze %dma_start3A_33 : memref<1x5120xf32, #tpu.memory_space<hbm>> -> memref<5120xf32, #tpu.memory_space<hbm>>
    tpu.enqueue_dma source(%dma_start3A_34 : memref<5120xf32, #tpu.memory_space<hbm>>) target(%arg9 : memref<5120xf32, #tpu.memory_space<vmem>>) target_semaphore(%arg26 : memref<!tpu.dma_semaphore, #tpu.memory_space<semaphore_mem>>)
    %dma_start3A_35 = arith.constant 5 : i32
    %dma_start3A_36 = arith.constant 0 : i32
    %dma_start3A_37 = tpu.memref_slice %arg2[%dma_start3A_35, %dma_start3A_36] : memref<16x5120xf32, #tpu.memory_space<hbm>> -> memref<1x5120xf32, #tpu.memory_space<hbm>>
    %dma_start3A_38 = tpu.memref_squeeze %dma_start3A_37 : memref<1x5120xf32, #tpu.memory_space<hbm>> -> memref<5120xf32, #tpu.memory_space<hbm>>
    %dma_start3A_39 = arith.constant 0 : i32
    %dma_start3A_40 = tpu.memref_slice %arg2[%dma_start3A_35, %dma_start3A_39] : memref<16x5120xf32, #tpu.memory_space<hbm>> -> memref<1x5120xf32, #tpu.memory_space<hbm>>
    %dma_start3A_41 = tpu.memref_squeeze %dma_start3A_40 : memref<1x5120xf32, #tpu.memory_space<hbm>> -> memref<5120xf32, #tpu.memory_space<hbm>>
    tpu.enqueue_dma source(%dma_start3A_41 : memref<5120xf32, #tpu.memory_space<hbm>>) target(%arg10 : memref<5120xf32, #tpu.memory_space<vmem>>) target_semaphore(%arg26 : memref<!tpu.dma_semaphore, #tpu.memory_space<semaphore_mem>>)
    %dma_start3A_42 = arith.constant 6 : i32
    %dma_start3A_43 = arith.constant 0 : i32
    %dma_start3A_44 = tpu.memref_slice %arg2[%dma_start3A_42, %dma_start3A_43] : memref<16x5120xf32, #tpu.memory_space<hbm>> -> memref<1x5120xf32, #tpu.memory_space<hbm>>
    %dma_start3A_45 = tpu.memref_squeeze %dma_start3A_44 : memref<1x5120xf32, #tpu.memory_space<hbm>> -> memref<5120xf32, #tpu.memory_space<hbm>>
    %dma_start3A_46 = arith.constant 0 : i32
    %dma_start3A_47 = tpu.memref_slice %arg2[%dma_start3A_42, %dma_start3A_46] : memref<16x5120xf32, #tpu.memory_space<hbm>> -> memref<1x5120xf32, #tpu.memory_space<hbm>>
    %dma_start3A_48 = tpu.memref_squeeze %dma_start3A_47 : memref<1x5120xf32, #tpu.memory_space<hbm>> -> memref<5120xf32, #tpu.memory_space<hbm>>
    tpu.enqueue_dma source(%dma_start3A_48 : memref<5120xf32, #tpu.memory_space<hbm>>) target(%arg11 : memref<5120xf32, #tpu.memory_space<vmem>>) target_semaphore(%arg26 : memref<!tpu.dma_semaphore, #tpu.memory_space<semaphore_mem>>)
    %dma_wait3A = arith.constant 0 : i32
    %dma_wait3A_49 = arith.constant 0 : i32
    %dma_wait3A_50 = tpu.memref_slice %arg2[%dma_wait3A, %dma_wait3A_49] : memref<16x5120xf32, #tpu.memory_space<hbm>> -> memref<1x5120xf32, #tpu.memory_space<hbm>>
    %dma_wait3A_51 = tpu.memref_squeeze %dma_wait3A_50 : memref<1x5120xf32, #tpu.memory_space<hbm>> -> memref<5120xf32, #tpu.memory_space<hbm>>
    %dma_wait3A_52 = arith.constant 0 : i32
    %dma_wait3A_53 = tpu.memref_slice %arg2[%dma_wait3A, %dma_wait3A_52] : memref<16x5120xf32, #tpu.memory_space<hbm>> -> memref<1x5120xf32, #tpu.memory_space<hbm>>
    %dma_wait3A_54 = tpu.memref_squeeze %dma_wait3A_53 : memref<1x5120xf32, #tpu.memory_space<hbm>> -> memref<5120xf32, #tpu.memory_space<hbm>>
    tpu.wait_dma2 semaphore(%arg26 : memref<!tpu.dma_semaphore, #tpu.memory_space<semaphore_mem>>) src(%dma_wait3A_54 : memref<5120xf32, #tpu.memory_space<hbm>>) dst(%arg5 : memref<5120xf32, #tpu.memory_space<vmem>>)
    %dma_wait3A_55 = arith.constant 1 : i32
    %dma_wait3A_56 = arith.constant 0 : i32
    %dma_wait3A_57 = tpu.memref_slice %arg2[%dma_wait3A_55, %dma_wait3A_56] : memref<16x5120xf32, #tpu.memory_space<hbm>> -> memref<1x5120xf32, #tpu.memory_space<hbm>>
    %dma_wait3A_58 = tpu.memref_squeeze %dma_wait3A_57 : memref<1x5120xf32, #tpu.memory_space<hbm>> -> memref<5120xf32, #tpu.memory_space<hbm>>
    %dma_wait3A_59 = arith.constant 0 : i32
    %dma_wait3A_60 = tpu.memref_slice %arg2[%dma_wait3A_55, %dma_wait3A_59] : memref<16x5120xf32, #tpu.memory_space<hbm>> -> memref<1x5120xf32, #tpu.memory_space<hbm>>
    %dma_wait3A_61 = tpu.memref_squeeze %dma_wait3A_60 : memref<1x5120xf32, #tpu.memory_space<hbm>> -> memref<5120xf32, #tpu.memory_space<hbm>>
    tpu.wait_dma2 semaphore(%arg26 : memref<!tpu.dma_semaphore, #tpu.memory_space<semaphore_mem>>) src(%dma_wait3A_61 : memref<5120xf32, #tpu.memory_space<hbm>>) dst(%arg6 : memref<5120xf32, #tpu.memory_space<vmem>>)
    %dma_wait3A_62 = arith.constant 2 : i32
    %dma_wait3A_63 = arith.constant 0 : i32
    %dma_wait3A_64 = tpu.memref_slice %arg2[%dma_wait3A_62, %dma_wait3A_63] : memref<16x5120xf32, #tpu.memory_space<hbm>> -> memref<1x5120xf32, #tpu.memory_space<hbm>>
    %dma_wait3A_65 = tpu.memref_squeeze %dma_wait3A_64 : memref<1x5120xf32, #tpu.memory_space<hbm>> -> memref<5120xf32, #tpu.memory_space<hbm>>
    %dma_wait3A_66 = arith.constant 0 : i32
    %dma_wait3A_67 = tpu.memref_slice %arg2[%dma_wait3A_62, %dma_wait3A_66] : memref<16x5120xf32, #tpu.memory_space<hbm>> -> memref<1x5120xf32, #tpu.memory_space<hbm>>
    %dma_wait3A_68 = tpu.memref_squeeze %dma_wait3A_67 : memref<1x5120xf32, #tpu.memory_space<hbm>> -> memref<5120xf32, #tpu.memory_space<hbm>>
    tpu.wait_dma2 semaphore(%arg26 : memref<!tpu.dma_semaphore, #tpu.memory_space<semaphore_mem>>) src(%dma_wait3A_68 : memref<5120xf32, #tpu.memory_space<hbm>>) dst(%arg7 : memref<5120xf32, #tpu.memory_space<vmem>>)
    %dma_wait3A_69 = arith.constant 3 : i32
    %dma_wait3A_70 = arith.constant 0 : i32
    %dma_wait3A_71 = tpu.memref_slice %arg2[%dma_wait3A_69, %dma_wait3A_70] : memref<16x5120xf32, #tpu.memory_space<hbm>> -> memref<1x5120xf32, #tpu.memory_space<hbm>>
    %dma_wait3A_72 = tpu.memref_squeeze %dma_wait3A_71 : memref<1x5120xf32, #tpu.memory_space<hbm>> -> memref<5120xf32, #tpu.memory_space<hbm>>
    %dma_wait3A_73 = arith.constant 0 : i32
    %dma_wait3A_74 = tpu.memref_slice %arg2[%dma_wait3A_69, %dma_wait3A_73] : memref<16x5120xf32, #tpu.memory_space<hbm>> -> memref<1x5120xf32, #tpu.memory_space<hbm>>
    %dma_wait3A_75 = tpu.memref_squeeze %dma_wait3A_74 : memref<1x5120xf32, #tpu.memory_space<hbm>> -> memref<5120xf32, #tpu.memory_space<hbm>>
    tpu.wait_dma2 semaphore(%arg26 : memref<!tpu.dma_semaphore, #tpu.memory_space<semaphore_mem>>) src(%dma_wait3A_75 : memref<5120xf32, #tpu.memory_space<hbm>>) dst(%arg8 : memref<5120xf32, #tpu.memory_space<vmem>>)
    %dma_wait3A_76 = arith.constant 4 : i32
    %dma_wait3A_77 = arith.constant 0 : i32
    %dma_wait3A_78 = tpu.memref_slice %arg2[%dma_wait3A_76, %dma_wait3A_77] : memref<16x5120xf32, #tpu.memory_space<hbm>> -> memref<1x5120xf32, #tpu.memory_space<hbm>>
    %dma_wait3A_79 = tpu.memref_squeeze %dma_wait3A_78 : memref<1x5120xf32, #tpu.memory_space<hbm>> -> memref<5120xf32, #tpu.memory_space<hbm>>
    %dma_wait3A_80 = arith.constant 0 : i32
    %dma_wait3A_81 = tpu.memref_slice %arg2[%dma_wait3A_76, %dma_wait3A_80] : memref<16x5120xf32, #tpu.memory_space<hbm>> -> memref<1x5120xf32, #tpu.memory_space<hbm>>
    %dma_wait3A_82 = tpu.memref_squeeze %dma_wait3A_81 : memref<1x5120xf32, #tpu.memory_space<hbm>> -> memref<5120xf32, #tpu.memory_space<hbm>>
    tpu.wait_dma2 semaphore(%arg26 : memref<!tpu.dma_semaphore, #tpu.memory_space<semaphore_mem>>) src(%dma_wait3A_82 : memref<5120xf32, #tpu.memory_space<hbm>>) dst(%arg9 : memref<5120xf32, #tpu.memory_space<vmem>>)
    %dma_wait3A_83 = arith.constant 5 : i32
    %dma_wait3A_84 = arith.constant 0 : i32
    %dma_wait3A_85 = tpu.memref_slice %arg2[%dma_wait3A_83, %dma_wait3A_84] : memref<16x5120xf32, #tpu.memory_space<hbm>> -> memref<1x5120xf32, #tpu.memory_space<hbm>>
    %dma_wait3A_86 = tpu.memref_squeeze %dma_wait3A_85 : memref<1x5120xf32, #tpu.memory_space<hbm>> -> memref<5120xf32, #tpu.memory_space<hbm>>
    %dma_wait3A_87 = arith.constant 0 : i32
    %dma_wait3A_88 = tpu.memref_slice %arg2[%dma_wait3A_83, %dma_wait3A_87] : memref<16x5120xf32, #tpu.memory_space<hbm>> -> memref<1x5120xf32, #tpu.memory_space<hbm>>
    %dma_wait3A_89 = tpu.memref_squeeze %dma_wait3A_88 : memref<1x5120xf32, #tpu.memory_space<hbm>> -> memref<5120xf32, #tpu.memory_space<hbm>>
    tpu.wait_dma2 semaphore(%arg26 : memref<!tpu.dma_semaphore, #tpu.memory_space<semaphore_mem>>) src(%dma_wait3A_89 : memref<5120xf32, #tpu.memory_space<hbm>>) dst(%arg10 : memref<5120xf32, #tpu.memory_space<vmem>>)
    %dma_wait3A_90 = arith.constant 6 : i32
    %dma_wait3A_91 = arith.constant 0 : i32
    %dma_wait3A_92 = tpu.memref_slice %arg2[%dma_wait3A_90, %dma_wait3A_91] : memref<16x5120xf32, #tpu.memory_space<hbm>> -> memref<1x5120xf32, #tpu.memory_space<hbm>>
    %dma_wait3A_93 = tpu.memref_squeeze %dma_wait3A_92 : memref<1x5120xf32, #tpu.memory_space<hbm>> -> memref<5120xf32, #tpu.memory_space<hbm>>
    %dma_wait3A_94 = arith.constant 0 : i32
    %dma_wait3A_95 = tpu.memref_slice %arg2[%dma_wait3A_90, %dma_wait3A_94] : memref<16x5120xf32, #tpu.memory_space<hbm>> -> memref<1x5120xf32, #tpu.memory_space<hbm>>
    %dma_wait3A_96 = tpu.memref_squeeze %dma_wait3A_95 : memref<1x5120xf32, #tpu.memory_space<hbm>> -> memref<5120xf32, #tpu.memory_space<hbm>>
    tpu.wait_dma2 semaphore(%arg26 : memref<!tpu.dma_semaphore, #tpu.memory_space<semaphore_mem>>) src(%dma_wait3A_96 : memref<5120xf32, #tpu.memory_space<hbm>>) dst(%arg11 : memref<5120xf32, #tpu.memory_space<vmem>>)
    %lt3A = arith.constant 16 : i32
    %lt3A_97 = arith.cmpi slt, %add3A, %lt3A : i32
    %mul3A_98 = arith.constant 3 : i32
    %mul3A_99 = arith.muli %add3A, %mul3A_98 : i32
    %sub3A = arith.constant 16 : i32
    %sub3A_100 = arith.subi %add3A, %sub3A : i32
    %mul3A_101 = arith.constant 2 : i32
    %mul3A_102 = arith.muli %sub3A_100, %mul3A_101 : i32
    %add3A_103 = arith.constant 48 : i32
    %add3A_104 = arith.addi %add3A_103, %mul3A_102 : i32
    %select_n3A = arith.select %lt3A_97, %mul3A_99, %add3A_104 : i32
    %lt3A_105 = arith.constant 16 : i32
    %lt3A_106 = arith.cmpi slt, %add3A, %lt3A_105 : i32
    %jit3A = arith.constant 3 : i32
    %jit3A_107 = arith.constant 2 : i32
    %select_n3A_108 = arith.select %lt3A_106, %jit3A, %jit3A_107 : i32
    %convert_element_type3A = arith.sitofp %select_n3A : i32 to f32
    %add3A_109 = arith.addi %select_n3A, %select_n3A_108 : i32
    %sub3A_110 = arith.constant 1 : i32
    %sub3A_111 = arith.subi %add3A_109, %sub3A_110 : i32
    %convert_element_type3A_112 = arith.sitofp %sub3A_111 : i32 to f32
    %scan3A = arith.constant 0 : i32
    %scan3A_113 = arith.constant 0 : i32
    %scan3A_114 = arith.constant 80 : i32
    %scan3A_115 = arith.addi %scan3A_113, %scan3A_114 : i32
    %scan3A_116 = arith.constant 1 : i32
    %scan3A_117 = scf.for %scan3A_428 = %scan3A_113 to %scan3A_115 step %scan3A_116 iter_args(%scan3A_429 = %scan3A) -> (i32)  : i32 {
      %mul3A_430 = arith.constant 4 : i32
      %mul3A_431 = arith.muli %scan3A_428, %mul3A_430 : i32
      %add3A_432 = arith.constant 0 : i32
      %add3A_433 = arith.addi %mul3A_431, %add3A_432 : i32
      %mul3A_434 = arith.constant 16 : i32
      %mul3A_435 = arith.muli %add3A_433, %mul3A_434 : i32
      %get3A_436 = arith.index_cast %mul3A_435 : i32 to index
      %get3A_437 = tpu.vector_load %arg6[%get3A_436] {strides = array<i32>} : memref<5120xf32, #tpu.memory_space<vmem>>, vector<16xf32>,
      %mul3A_438 = arith.constant 16 : i32
      %mul3A_439 = arith.muli %add3A_433, %mul3A_438 : i32
      %get3A_440 = arith.index_cast %mul3A_439 : i32 to index
      %get3A_441 = tpu.vector_load %arg5[%get3A_440] {strides = array<i32>} : memref<5120xf32, #tpu.memory_space<vmem>>, vector<16xf32>,
      %ge3A = vector.broadcast %convert_element_type3A : f32 to vector<16xf32>
      %ge3A_442 = arith.cmpf oge, %get3A_437, %ge3A : vector<16xf32>
      %le3A = vector.broadcast %convert_element_type3A_112 : f32 to vector<16xf32>
      %le3A_443 = arith.cmpf ole, %get3A_437, %le3A : vector<16xf32>
      %and3A_444 = arith.andi %ge3A_442, %le3A_443 : vector<16xi1>
      %gt3A_445 = arith.constant 0.000000e+00 : f32
      %gt3A_446 = vector.broadcast %gt3A_445 : f32 to vector<16xf32>
      %gt3A_447 = arith.cmpf ogt, %get3A_441, %gt3A_446 : vector<16xf32>
      %and3A_448 = arith.andi %and3A_444, %gt3A_447 : vector<16xi1>
      %mul3A_449 = arith.constant 16 : i32
      %mul3A_450 = arith.muli %add3A_433, %mul3A_449 : i32
      %add3A_451 = vector.broadcast %mul3A_450 : i32 to vector<16xi32>
      %add3A_452 = arith.addi %add3A_451, %iota3A : vector<16xi32>
      %swap3A_453 = arith.index_cast %scan3A_429 : i32 to index
      %swap3A_454 = tpu.vector_load %arg12[%swap3A_453] masked %and3A_448 {strides = array<i32>} : memref<5136xi32, #tpu.memory_space<vmem>>, vector<16xi32>, vector<16xi1>
      tpu.vector_store %arg12[%swap3A_453], %add3A_452 masked %and3A_448 {strides = array<i32>} : memref<5136xi32, #tpu.memory_space<vmem>>, vector<16xi32>, vector<16xi1>
      %swap3A_455 = arith.index_cast %scan3A_429 : i32 to index
      %swap3A_456 = tpu.vector_load %arg13[%swap3A_455] masked %and3A_448 {strides = array<i32>} : memref<5136xf32, #tpu.memory_space<vmem>>, vector<16xf32>, vector<16xi1>
      tpu.vector_store %arg13[%swap3A_455], %get3A_441 masked %and3A_448 {strides = array<i32>} : memref<5136xf32, #tpu.memory_space<vmem>>, vector<16xf32>, vector<16xi1>
      %convert_element_type3A_457 = arith.extui %and3A_448 : vector<16xi1> to vector<16xi32>
      %reduce_sum3A = arith.constant true
      %reduce_sum3A_458 = vector.broadcast %reduce_sum3A : i1 to vector<16xi1>
      %reduce_sum3A_459 = tpu.scan <sum>, %convert_element_type3A_457 masked %reduce_sum3A_458 : vector<16xi32>, vector<16xi1> -> vector<16xi32>
      %reduce_sum3A_460 = vector.extract %reduce_sum3A_459[15] : i32 from vector<16xi32>
      %add3A_461 = arith.addi %scan3A_429, %reduce_sum3A_460 : i32
      %mul3A_462 = arith.constant 4 : i32
      %mul3A_463 = arith.muli %scan3A_428, %mul3A_462 : i32
      %add3A_464 = arith.constant 1 : i32
      %add3A_465 = arith.addi %mul3A_463, %add3A_464 : i32
      %mul3A_466 = arith.constant 16 : i32
      %mul3A_467 = arith.muli %add3A_465, %mul3A_466 : i32
      %get3A_468 = arith.index_cast %mul3A_467 : i32 to index
      %get3A_469 = tpu.vector_load %arg6[%get3A_468] {strides = array<i32>} : memref<5120xf32, #tpu.memory_space<vmem>>, vector<16xf32>,
      %mul3A_470 = arith.constant 16 : i32
      %mul3A_471 = arith.muli %add3A_465, %mul3A_470 : i32
      %get3A_472 = arith.index_cast %mul3A_471 : i32 to index
      %get3A_473 = tpu.vector_load %arg5[%get3A_472] {strides = array<i32>} : memref<5120xf32, #tpu.memory_space<vmem>>, vector<16xf32>,
      %ge3A_474 = vector.broadcast %convert_element_type3A : f32 to vector<16xf32>
      %ge3A_475 = arith.cmpf oge, %get3A_469, %ge3A_474 : vector<16xf32>
      %le3A_476 = vector.broadcast %convert_element_type3A_112 : f32 to vector<16xf32>
      %le3A_477 = arith.cmpf ole, %get3A_469, %le3A_476 : vector<16xf32>
      %and3A_478 = arith.andi %ge3A_475, %le3A_477 : vector<16xi1>
      %gt3A_479 = arith.constant 0.000000e+00 : f32
      %gt3A_480 = vector.broadcast %gt3A_479 : f32 to vector<16xf32>
      %gt3A_481 = arith.cmpf ogt, %get3A_473, %gt3A_480 : vector<16xf32>
      %and3A_482 = arith.andi %and3A_478, %gt3A_481 : vector<16xi1>
      %mul3A_483 = arith.constant 16 : i32
      %mul3A_484 = arith.muli %add3A_465, %mul3A_483 : i32
      %add3A_485 = vector.broadcast %mul3A_484 : i32 to vector<16xi32>
      %add3A_486 = arith.addi %add3A_485, %iota3A : vector<16xi32>
      %swap3A_487 = arith.index_cast %add3A_461 : i32 to index
      %swap3A_488 = tpu.vector_load %arg12[%swap3A_487] masked %and3A_482 {strides = array<i32>} : memref<5136xi32, #tpu.memory_space<vmem>>, vector<16xi32>, vector<16xi1>
      tpu.vector_store %arg12[%swap3A_487], %add3A_486 masked %and3A_482 {strides = array<i32>} : memref<5136xi32, #tpu.memory_space<vmem>>, vector<16xi32>, vector<16xi1>
      %swap3A_489 = arith.index_cast %add3A_461 : i32 to index
      %swap3A_490 = tpu.vector_load %arg13[%swap3A_489] masked %and3A_482 {strides = array<i32>} : memref<5136xf32, #tpu.memory_space<vmem>>, vector<16xf32>, vector<16xi1>
      tpu.vector_store %arg13[%swap3A_489], %get3A_473 masked %and3A_482 {strides = array<i32>} : memref<5136xf32, #tpu.memory_space<vmem>>, vector<16xf32>, vector<16xi1>
      %convert_element_type3A_491 = arith.extui %and3A_482 : vector<16xi1> to vector<16xi32>
      %reduce_sum3A_492 = arith.constant true
      %reduce_sum3A_493 = vector.broadcast %reduce_sum3A_492 : i1 to vector<16xi1>
      %reduce_sum3A_494 = tpu.scan <sum>, %convert_element_type3A_491 masked %reduce_sum3A_493 : vector<16xi32>, vector<16xi1> -> vector<16xi32>
      %reduce_sum3A_495 = vector.extract %reduce_sum3A_494[15] : i32 from vector<16xi32>
      %add3A_496 = arith.addi %add3A_461, %reduce_sum3A_495 : i32
      %mul3A_497 = arith.constant 4 : i32
      %mul3A_498 = arith.muli %scan3A_428, %mul3A_497 : i32
      %add3A_499 = arith.constant 2 : i32
      %add3A_500 = arith.addi %mul3A_498, %add3A_499 : i32
      %mul3A_501 = arith.constant 16 : i32
      %mul3A_502 = arith.muli %add3A_500, %mul3A_501 : i32
      %get3A_503 = arith.index_cast %mul3A_502 : i32 to index
      %get3A_504 = tpu.vector_load %arg6[%get3A_503] {strides = array<i32>} : memref<5120xf32, #tpu.memory_space<vmem>>, vector<16xf32>,
      %mul3A_505 = arith.constant 16 : i32
      %mul3A_506 = arith.muli %add3A_500, %mul3A_505 : i32
      %get3A_507 = arith.index_cast %mul3A_506 : i32 to index
      %get3A_508 = tpu.vector_load %arg5[%get3A_507] {strides = array<i32>} : memref<5120xf32, #tpu.memory_space<vmem>>, vector<16xf32>,
      %ge3A_509 = vector.broadcast %convert_element_type3A : f32 to vector<16xf32>
      %ge3A_510 = arith.cmpf oge, %get3A_504, %ge3A_509 : vector<16xf32>
      %le3A_511 = vector.broadcast %convert_element_type3A_112 : f32 to vector<16xf32>
      %le3A_512 = arith.cmpf ole, %get3A_504, %le3A_511 : vector<16xf32>
      %and3A_513 = arith.andi %ge3A_510, %le3A_512 : vector<16xi1>
      %gt3A_514 = arith.constant 0.000000e+00 : f32
      %gt3A_515 = vector.broadcast %gt3A_514 : f32 to vector<16xf32>
      %gt3A_516 = arith.cmpf ogt, %get3A_508, %gt3A_515 : vector<16xf32>
      %and3A_517 = arith.andi %and3A_513, %gt3A_516 : vector<16xi1>
      %mul3A_518 = arith.constant 16 : i32
      %mul3A_519 = arith.muli %add3A_500, %mul3A_518 : i32
      %add3A_520 = vector.broadcast %mul3A_519 : i32 to vector<16xi32>
      %add3A_521 = arith.addi %add3A_520, %iota3A : vector<16xi32>
      %swap3A_522 = arith.index_cast %add3A_496 : i32 to index
      %swap3A_523 = tpu.vector_load %arg12[%swap3A_522] masked %and3A_517 {strides = array<i32>} : memref<5136xi32, #tpu.memory_space<vmem>>, vector<16xi32>, vector<16xi1>
      tpu.vector_store %arg12[%swap3A_522], %add3A_521 masked %and3A_517 {strides = array<i32>} : memref<5136xi32, #tpu.memory_space<vmem>>, vector<16xi32>, vector<16xi1>
      %swap3A_524 = arith.index_cast %add3A_496 : i32 to index
      %swap3A_525 = tpu.vector_load %arg13[%swap3A_524] masked %and3A_517 {strides = array<i32>} : memref<5136xf32, #tpu.memory_space<vmem>>, vector<16xf32>, vector<16xi1>
      tpu.vector_store %arg13[%swap3A_524], %get3A_508 masked %and3A_517 {strides = array<i32>} : memref<5136xf32, #tpu.memory_space<vmem>>, vector<16xf32>, vector<16xi1>
      %convert_element_type3A_526 = arith.extui %and3A_517 : vector<16xi1> to vector<16xi32>
      %reduce_sum3A_527 = arith.constant true
      %reduce_sum3A_528 = vector.broadcast %reduce_sum3A_527 : i1 to vector<16xi1>
      %reduce_sum3A_529 = tpu.scan <sum>, %convert_element_type3A_526 masked %reduce_sum3A_528 : vector<16xi32>, vector<16xi1> -> vector<16xi32>
      %reduce_sum3A_530 = vector.extract %reduce_sum3A_529[15] : i32 from vector<16xi32>
      %add3A_531 = arith.addi %add3A_496, %reduce_sum3A_530 : i32
      %mul3A_532 = arith.constant 4 : i32
      %mul3A_533 = arith.muli %scan3A_428, %mul3A_532 : i32
      %add3A_534 = arith.constant 3 : i32
      %add3A_535 = arith.addi %mul3A_533, %add3A_534 : i32
      %mul3A_536 = arith.constant 16 : i32
      %mul3A_537 = arith.muli %add3A_535, %mul3A_536 : i32
      %get3A_538 = arith.index_cast %mul3A_537 : i32 to index
      %get3A_539 = tpu.vector_load %arg6[%get3A_538] {strides = array<i32>} : memref<5120xf32, #tpu.memory_space<vmem>>, vector<16xf32>,
      %mul3A_540 = arith.constant 16 : i32
      %mul3A_541 = arith.muli %add3A_535, %mul3A_540 : i32
      %get3A_542 = arith.index_cast %mul3A_541 : i32 to index
      %get3A_543 = tpu.vector_load %arg5[%get3A_542] {strides = array<i32>} : memref<5120xf32, #tpu.memory_space<vmem>>, vector<16xf32>,
      %ge3A_544 = vector.broadcast %convert_element_type3A : f32 to vector<16xf32>
      %ge3A_545 = arith.cmpf oge, %get3A_539, %ge3A_544 : vector<16xf32>
      %le3A_546 = vector.broadcast %convert_element_type3A_112 : f32 to vector<16xf32>
      %le3A_547 = arith.cmpf ole, %get3A_539, %le3A_546 : vector<16xf32>
      %and3A_548 = arith.andi %ge3A_545, %le3A_547 : vector<16xi1>
      %gt3A_549 = arith.constant 0.000000e+00 : f32
      %gt3A_550 = vector.broadcast %gt3A_549 : f32 to vector<16xf32>
      %gt3A_551 = arith.cmpf ogt, %get3A_543, %gt3A_550 : vector<16xf32>
      %and3A_552 = arith.andi %and3A_548, %gt3A_551 : vector<16xi1>
      %mul3A_553 = arith.constant 16 : i32
      %mul3A_554 = arith.muli %add3A_535, %mul3A_553 : i32
      %add3A_555 = vector.broadcast %mul3A_554 : i32 to vector<16xi32>
      %add3A_556 = arith.addi %add3A_555, %iota3A : vector<16xi32>
      %swap3A_557 = arith.index_cast %add3A_531 : i32 to index
      %swap3A_558 = tpu.vector_load %arg12[%swap3A_557] masked %and3A_552 {strides = array<i32>} : memref<5136xi32, #tpu.memory_space<vmem>>, vector<16xi32>, vector<16xi1>
      tpu.vector_store %arg12[%swap3A_557], %add3A_556 masked %and3A_552 {strides = array<i32>} : memref<5136xi32, #tpu.memory_space<vmem>>, vector<16xi32>, vector<16xi1>
      %swap3A_559 = arith.index_cast %add3A_531 : i32 to index
      %swap3A_560 = tpu.vector_load %arg13[%swap3A_559] masked %and3A_552 {strides = array<i32>} : memref<5136xf32, #tpu.memory_space<vmem>>, vector<16xf32>, vector<16xi1>
      tpu.vector_store %arg13[%swap3A_559], %get3A_543 masked %and3A_552 {strides = array<i32>} : memref<5136xf32, #tpu.memory_space<vmem>>, vector<16xf32>, vector<16xi1>
      %convert_element_type3A_561 = arith.extui %and3A_552 : vector<16xi1> to vector<16xi32>
      %reduce_sum3A_562 = arith.constant true
      %reduce_sum3A_563 = vector.broadcast %reduce_sum3A_562 : i1 to vector<16xi1>
      %reduce_sum3A_564 = tpu.scan <sum>, %convert_element_type3A_561 masked %reduce_sum3A_563 : vector<16xi32>, vector<16xi1> -> vector<16xi32>
      %reduce_sum3A_565 = vector.extract %reduce_sum3A_564[15] : i32 from vector<16xi32>
      %add3A_566 = arith.addi %add3A_531, %reduce_sum3A_565 : i32
      scf.yield %add3A_566 : i32
    }
    %scan3A_118 = arith.constant 80 : i32
    %broadcast_in_dim3A = arith.constant 0 : i32
    %broadcast_in_dim3A_119 = vector.broadcast %broadcast_in_dim3A : i32 to vector<16xi32>
    %swap3A = arith.index_cast %scan3A_117 : i32 to index
    %swap3A_120 = tpu.vector_load %arg12[%swap3A] {strides = array<i32>} : memref<5136xi32, #tpu.memory_space<vmem>>, vector<16xi32>,
    tpu.vector_store %arg12[%swap3A], %broadcast_in_dim3A_119 {strides = array<i32>} : memref<5136xi32, #tpu.memory_space<vmem>>, vector<16xi32>,
    %broadcast_in_dim3A_121 = arith.constant -3.000000e+38 : f32
    %broadcast_in_dim3A_122 = vector.broadcast %broadcast_in_dim3A_121 : f32 to vector<16xf32>
    %swap3A_123 = arith.index_cast %scan3A_117 : i32 to index
    %swap3A_124 = tpu.vector_load %arg13[%swap3A_123] {strides = array<i32>} : memref<5136xf32, #tpu.memory_space<vmem>>, vector<16xf32>,
    tpu.vector_store %arg13[%swap3A_123], %broadcast_in_dim3A_122 {strides = array<i32>} : memref<5136xf32, #tpu.memory_space<vmem>>, vector<16xf32>,
    %add3A_125 = arith.constant 15 : i32
    %add3A_126 = arith.addi %scan3A_117, %add3A_125 : i32
    %jit3A_127 = arith.constant 16 : i32
    %div3A = arith.divsi %add3A_126, %jit3A_127 : i32
    %sign3A = arith.constant 0 : i32
    %sign3A_128 = arith.cmpi sgt, %add3A_126, %sign3A : i32
    %sign3A_129 = arith.extui %sign3A_128 : i1 to i32
    %sign3A_130 = arith.constant 0 : i32
    %sign3A_131 = arith.cmpi slt, %add3A_126, %sign3A_130 : i32
    %sign3A_132 = arith.extui %sign3A_131 : i1 to i32
    %sign3A_133 = arith.subi %sign3A_129, %sign3A_132 : i32
    %sign3A_134 = arith.constant 0 : i32
    %sign3A_135 = arith.cmpi sgt, %jit3A_127, %sign3A_134 : i32
    %sign3A_136 = arith.extui %sign3A_135 : i1 to i32
    %sign3A_137 = arith.constant 0 : i32
    %sign3A_138 = arith.cmpi slt, %jit3A_127, %sign3A_137 : i32
    %sign3A_139 = arith.extui %sign3A_138 : i1 to i32
    %sign3A_140 = arith.subi %sign3A_136, %sign3A_139 : i32
    %ne3A = arith.cmpi ne, %sign3A_133, %sign3A_140 : i32
    %rem3A = arith.remsi %add3A_126, %jit3A_127 : i32
    %ne3A_141 = arith.constant 0 : i32
    %ne3A_142 = arith.cmpi ne, %rem3A, %ne3A_141 : i32
    %and3A = arith.andi %ne3A, %ne3A_142 : i1
    %sub3A_143 = arith.constant 1 : i32
    %sub3A_144 = arith.subi %div3A, %sub3A_143 : i32
    %select_n3A_145 = arith.select %and3A, %sub3A_144, %div3A : i32
    %while3A = arith.constant 0 : i32
    %while3A_146 = arith.constant 0 : i32
    %while3A_147 = arith.subi %select_n3A_145, %while3A : i32
    %while3A_148 = arith.addi %while3A, %while3A_147 : i32
    %while3A_149 = arith.constant 1 : i32
    %while3A_150 = arith.divsi %while3A_147, %while3A_149 : i32
    %while3A_151 = arith.muli %while3A_150, %while3A_149 : i32
    %while3A_152 = arith.addi %while3A, %while3A_151 : i32
    %while3A_153 = arith.constant 1 : i32
    %while3A_154 = scf.for %while3A_428 = %while3A to %while3A_152 step %while3A_153 iter_args(%while3A_429 = %while3A_146) -> (i32)  : i32 {
      %mul3A_430 = arith.constant 16 : i32
      %mul3A_431 = arith.muli %while3A_428, %mul3A_430 : i32
      %get3A_432 = arith.index_cast %mul3A_431 : i32 to index
      %get3A_433 = tpu.vector_load %arg12[%get3A_432] {strides = array<i32>} : memref<5136xi32, #tpu.memory_space<vmem>>, vector<16xi32>,
      %gather3A = tpu.vector_load_idx %arg6[%get3A_433] : memref<5120xf32, #tpu.memory_space<vmem>>[vector<16xi32>], vector<16xf32>,
      %mul3A_434 = arith.constant 16 : i32
      %mul3A_435 = arith.muli %while3A_428, %mul3A_434 : i32
      %swap3A_436 = arith.index_cast %mul3A_435 : i32 to index
      %swap3A_437 = tpu.vector_load %arg14[%swap3A_436] {strides = array<i32>} : memref<5136xf32, #tpu.memory_space<vmem>>, vector<16xf32>,
      tpu.vector_store %arg14[%swap3A_436], %gather3A {strides = array<i32>} : memref<5136xf32, #tpu.memory_space<vmem>>, vector<16xf32>,
      %while3A_438 = arith.constant 0 : i32
      scf.yield %while3A_438 : i32
    }
    %while3A_155 = arith.constant 1 : i32
    %while3A_156 = scf.for %while3A_428 = %while3A_152 to %while3A_148 step %while3A_155 iter_args(%while3A_429 = %while3A_154) -> (i32)  : i32 {
      %mul3A_430 = arith.constant 16 : i32
      %mul3A_431 = arith.muli %while3A_428, %mul3A_430 : i32
      %get3A_432 = arith.index_cast %mul3A_431 : i32 to index
      %get3A_433 = tpu.vector_load %arg12[%get3A_432] {strides = array<i32>} : memref<5136xi32, #tpu.memory_space<vmem>>, vector<16xi32>,
      %gather3A = tpu.vector_load_idx %arg6[%get3A_433] : memref<5120xf32, #tpu.memory_space<vmem>>[vector<16xi32>], vector<16xf32>,
      %mul3A_434 = arith.constant 16 : i32
      %mul3A_435 = arith.muli %while3A_428, %mul3A_434 : i32
      %swap3A_436 = arith.index_cast %mul3A_435 : i32 to index
      %swap3A_437 = tpu.vector_load %arg14[%swap3A_436] {strides = array<i32>} : memref<5136xf32, #tpu.memory_space<vmem>>, vector<16xf32>,
      tpu.vector_store %arg14[%swap3A_436], %gather3A {strides = array<i32>} : memref<5136xf32, #tpu.memory_space<vmem>>, vector<16xf32>,
      %while3A_438 = arith.constant 0 : i32
      scf.yield %while3A_438 : i32
    }
    %add3A_157 = arith.constant 0 : i32
    %add3A_158 = arith.addi %select_n3A, %add3A_157 : i32
    %convert_element_type3A_159 = arith.sitofp %add3A_158 : i32 to f32
    %while3A_160 = arith.constant 0 : i32
    %while3A_161 = arith.constant 0 : i32
    %while3A_162 = arith.subi %select_n3A_145, %while3A_160 : i32
    %while3A_163 = arith.addi %while3A_160, %while3A_162 : i32
    %while3A_164 = arith.constant 1 : i32
    %while3A_165 = arith.divsi %while3A_162, %while3A_164 : i32
    %while3A_166 = arith.muli %while3A_165, %while3A_164 : i32
    %while3A_167 = arith.addi %while3A_160, %while3A_166 : i32
    %while3A_168 = arith.constant 1 : i32
    %while3A_169 = scf.for %while3A_428 = %while3A_160 to %while3A_167 step %while3A_168 iter_args(%while3A_429 = %while3A_161) -> (i32)  : i32 {
      %mul3A_430 = arith.constant 16 : i32
      %mul3A_431 = arith.muli %while3A_428, %mul3A_430 : i32
      %get3A_432 = arith.index_cast %mul3A_431 : i32 to index
      %get3A_433 = tpu.vector_load %arg14[%get3A_432] {strides = array<i32>} : memref<5136xf32, #tpu.memory_space<vmem>>, vector<16xf32>,
      %eq3A_434 = vector.broadcast %convert_element_type3A_159 : f32 to vector<16xf32>
      %eq3A_435 = arith.cmpf oeq, %get3A_433, %eq3A_434 : vector<16xf32>
      %mul3A_436 = arith.constant 16 : i32
      %mul3A_437 = arith.muli %while3A_428, %mul3A_436 : i32
      %get3A_438 = arith.index_cast %mul3A_437 : i32 to index
      %get3A_439 = tpu.vector_load %arg12[%get3A_438] {strides = array<i32>} : memref<5136xi32, #tpu.memory_space<vmem>>, vector<16xi32>,
      %swap3A_440 = arith.index_cast %while3A_429 : i32 to index
      %swap3A_441 = tpu.vector_load %arg15[%swap3A_440] masked %eq3A_435 {strides = array<i32>} : memref<5136xi32, #tpu.memory_space<vmem>>, vector<16xi32>, vector<16xi1>
      tpu.vector_store %arg15[%swap3A_440], %get3A_439 masked %eq3A_435 {strides = array<i32>} : memref<5136xi32, #tpu.memory_space<vmem>>, vector<16xi32>, vector<16xi1>
      %mul3A_442 = arith.constant 16 : i32
      %mul3A_443 = arith.muli %while3A_428, %mul3A_442 : i32
      %get3A_444 = arith.index_cast %mul3A_443 : i32 to index
      %get3A_445 = tpu.vector_load %arg13[%get3A_444] {strides = array<i32>} : memref<5136xf32, #tpu.memory_space<vmem>>, vector<16xf32>,
      %swap3A_446 = arith.index_cast %while3A_429 : i32 to index
      %swap3A_447 = tpu.vector_load %arg16[%swap3A_446] masked %eq3A_435 {strides = array<i32>} : memref<5136xf32, #tpu.memory_space<vmem>>, vector<16xf32>, vector<16xi1>
      tpu.vector_store %arg16[%swap3A_446], %get3A_445 masked %eq3A_435 {strides = array<i32>} : memref<5136xf32, #tpu.memory_space<vmem>>, vector<16xf32>, vector<16xi1>
      %convert_element_type3A_448 = arith.extui %eq3A_435 : vector<16xi1> to vector<16xi32>
      %reduce_sum3A = arith.constant true
      %reduce_sum3A_449 = vector.broadcast %reduce_sum3A : i1 to vector<16xi1>
      %reduce_sum3A_450 = tpu.scan <sum>, %convert_element_type3A_448 masked %reduce_sum3A_449 : vector<16xi32>, vector<16xi1> -> vector<16xi32>
      %reduce_sum3A_451 = vector.extract %reduce_sum3A_450[15] : i32 from vector<16xi32>
      %add3A_452 = arith.addi %while3A_429, %reduce_sum3A_451 : i32
      scf.yield %add3A_452 : i32
    }
    %while3A_170 = arith.constant 1 : i32
    %while3A_171 = scf.for %while3A_428 = %while3A_167 to %while3A_163 step %while3A_170 iter_args(%while3A_429 = %while3A_169) -> (i32)  : i32 {
      %mul3A_430 = arith.constant 16 : i32
      %mul3A_431 = arith.muli %while3A_428, %mul3A_430 : i32
      %get3A_432 = arith.index_cast %mul3A_431 : i32 to index
      %get3A_433 = tpu.vector_load %arg14[%get3A_432] {strides = array<i32>} : memref<5136xf32, #tpu.memory_space<vmem>>, vector<16xf32>,
      %eq3A_434 = vector.broadcast %convert_element_type3A_159 : f32 to vector<16xf32>
      %eq3A_435 = arith.cmpf oeq, %get3A_433, %eq3A_434 : vector<16xf32>
      %mul3A_436 = arith.constant 16 : i32
      %mul3A_437 = arith.muli %while3A_428, %mul3A_436 : i32
      %get3A_438 = arith.index_cast %mul3A_437 : i32 to index
      %get3A_439 = tpu.vector_load %arg12[%get3A_438] {strides = array<i32>} : memref<5136xi32, #tpu.memory_space<vmem>>, vector<16xi32>,
      %swap3A_440 = arith.index_cast %while3A_429 : i32 to index
      %swap3A_441 = tpu.vector_load %arg15[%swap3A_440] masked %eq3A_435 {strides = array<i32>} : memref<5136xi32, #tpu.memory_space<vmem>>, vector<16xi32>, vector<16xi1>
      tpu.vector_store %arg15[%swap3A_440], %get3A_439 masked %eq3A_435 {strides = array<i32>} : memref<5136xi32, #tpu.memory_space<vmem>>, vector<16xi32>, vector<16xi1>
      %mul3A_442 = arith.constant 16 : i32
      %mul3A_443 = arith.muli %while3A_428, %mul3A_442 : i32
      %get3A_444 = arith.index_cast %mul3A_443 : i32 to index
      %get3A_445 = tpu.vector_load %arg13[%get3A_444] {strides = array<i32>} : memref<5136xf32, #tpu.memory_space<vmem>>, vector<16xf32>,
      %swap3A_446 = arith.index_cast %while3A_429 : i32 to index
      %swap3A_447 = tpu.vector_load %arg16[%swap3A_446] masked %eq3A_435 {strides = array<i32>} : memref<5136xf32, #tpu.memory_space<vmem>>, vector<16xf32>, vector<16xi1>
      tpu.vector_store %arg16[%swap3A_446], %get3A_445 masked %eq3A_435 {strides = array<i32>} : memref<5136xf32, #tpu.memory_space<vmem>>, vector<16xf32>, vector<16xi1>
      %convert_element_type3A_448 = arith.extui %eq3A_435 : vector<16xi1> to vector<16xi32>
      %reduce_sum3A = arith.constant true
      %reduce_sum3A_449 = vector.broadcast %reduce_sum3A : i1 to vector<16xi1>
      %reduce_sum3A_450 = tpu.scan <sum>, %convert_element_type3A_448 masked %reduce_sum3A_449 : vector<16xi32>, vector<16xi1> -> vector<16xi32>
      %reduce_sum3A_451 = vector.extract %reduce_sum3A_450[15] : i32 from vector<16xi32>
      %add3A_452 = arith.addi %while3A_429, %reduce_sum3A_451 : i32
      scf.yield %add3A_452 : i32
    }
    %broadcast_in_dim3A_172 = arith.constant 0 : i32
    %broadcast_in_dim3A_173 = vector.broadcast %broadcast_in_dim3A_172 : i32 to vector<16xi32>
    %swap3A_174 = arith.index_cast %while3A_171 : i32 to index
    %swap3A_175 = tpu.vector_load %arg15[%swap3A_174] {strides = array<i32>} : memref<5136xi32, #tpu.memory_space<vmem>>, vector<16xi32>,
    tpu.vector_store %arg15[%swap3A_174], %broadcast_in_dim3A_173 {strides = array<i32>} : memref<5136xi32, #tpu.memory_space<vmem>>, vector<16xi32>,
    %broadcast_in_dim3A_176 = arith.constant -3.000000e+38 : f32
    %broadcast_in_dim3A_177 = vector.broadcast %broadcast_in_dim3A_176 : f32 to vector<16xf32>
    %swap3A_178 = arith.index_cast %while3A_171 : i32 to index
    %swap3A_179 = tpu.vector_load %arg16[%swap3A_178] {strides = array<i32>} : memref<5136xf32, #tpu.memory_space<vmem>>, vector<16xf32>,
    tpu.vector_store %arg16[%swap3A_178], %broadcast_in_dim3A_177 {strides = array<i32>} : memref<5136xf32, #tpu.memory_space<vmem>>, vector<16xf32>,
    %add3A_180 = arith.constant 15 : i32
    %add3A_181 = arith.addi %while3A_171, %add3A_180 : i32
    %jit3A_182 = arith.constant 16 : i32
    %div3A_183 = arith.divsi %add3A_181, %jit3A_182 : i32
    %sign3A_184 = arith.constant 0 : i32
    %sign3A_185 = arith.cmpi sgt, %add3A_181, %sign3A_184 : i32
    %sign3A_186 = arith.extui %sign3A_185 : i1 to i32
    %sign3A_187 = arith.constant 0 : i32
    %sign3A_188 = arith.cmpi slt, %add3A_181, %sign3A_187 : i32
    %sign3A_189 = arith.extui %sign3A_188 : i1 to i32
    %sign3A_190 = arith.subi %sign3A_186, %sign3A_189 : i32
    %sign3A_191 = arith.constant 0 : i32
    %sign3A_192 = arith.cmpi sgt, %jit3A_182, %sign3A_191 : i32
    %sign3A_193 = arith.extui %sign3A_192 : i1 to i32
    %sign3A_194 = arith.constant 0 : i32
    %sign3A_195 = arith.cmpi slt, %jit3A_182, %sign3A_194 : i32
    %sign3A_196 = arith.extui %sign3A_195 : i1 to i32
    %sign3A_197 = arith.subi %sign3A_193, %sign3A_196 : i32
    %ne3A_198 = arith.cmpi ne, %sign3A_190, %sign3A_197 : i32
    %rem3A_199 = arith.remsi %add3A_181, %jit3A_182 : i32
    %ne3A_200 = arith.constant 0 : i32
    %ne3A_201 = arith.cmpi ne, %rem3A_199, %ne3A_200 : i32
    %and3A_202 = arith.andi %ne3A_198, %ne3A_201 : i1
    %sub3A_203 = arith.constant 1 : i32
    %sub3A_204 = arith.subi %div3A_183, %sub3A_203 : i32
    %select_n3A_205 = arith.select %and3A_202, %sub3A_204, %div3A_183 : i32
    %while3A_206 = arith.constant 0 : i32
    %while3A_207 = arith.constant 0 : i32
    %while3A_208 = arith.subi %select_n3A_205, %while3A_206 : i32
    %while3A_209 = arith.addi %while3A_206, %while3A_208 : i32
    %while3A_210 = arith.constant 1 : i32
    %while3A_211 = arith.divsi %while3A_208, %while3A_210 : i32
    %while3A_212 = arith.muli %while3A_211, %while3A_210 : i32
    %while3A_213 = arith.addi %while3A_206, %while3A_212 : i32
    %while3A_214 = arith.constant 1 : i32
    %while3A_215 = scf.for %while3A_428 = %while3A_206 to %while3A_213 step %while3A_214 iter_args(%while3A_429 = %while3A_207) -> (i32)  : i32 {
      %mul3A_430 = arith.constant 16 : i32
      %mul3A_431 = arith.muli %while3A_428, %mul3A_430 : i32
      %get3A_432 = arith.index_cast %mul3A_431 : i32 to index
      %get3A_433 = tpu.vector_load %arg15[%get3A_432] {strides = array<i32>} : memref<5136xi32, #tpu.memory_space<vmem>>, vector<16xi32>,
      %gather3A = tpu.vector_load_idx %arg7[%get3A_433] : memref<5120xf32, #tpu.memory_space<vmem>>[vector<16xi32>], vector<16xf32>,
      %mul3A_434 = arith.constant 16 : i32
      %mul3A_435 = arith.muli %while3A_428, %mul3A_434 : i32
      %swap3A_436 = arith.index_cast %mul3A_435 : i32 to index
      %swap3A_437 = tpu.vector_load %arg17[%swap3A_436] {strides = array<i32>} : memref<5136xf32, #tpu.memory_space<vmem>>, vector<16xf32>,
      tpu.vector_store %arg17[%swap3A_436], %gather3A {strides = array<i32>} : memref<5136xf32, #tpu.memory_space<vmem>>, vector<16xf32>,
      %gather3A_438 = tpu.vector_load_idx %arg8[%get3A_433] : memref<5120xf32, #tpu.memory_space<vmem>>[vector<16xi32>], vector<16xf32>,
      %mul3A_439 = arith.constant 16 : i32
      %mul3A_440 = arith.muli %while3A_428, %mul3A_439 : i32
      %swap3A_441 = arith.index_cast %mul3A_440 : i32 to index
      %swap3A_442 = tpu.vector_load %arg18[%swap3A_441] {strides = array<i32>} : memref<5136xf32, #tpu.memory_space<vmem>>, vector<16xf32>,
      tpu.vector_store %arg18[%swap3A_441], %gather3A_438 {strides = array<i32>} : memref<5136xf32, #tpu.memory_space<vmem>>, vector<16xf32>,
      %gather3A_443 = tpu.vector_load_idx %arg9[%get3A_433] : memref<5120xf32, #tpu.memory_space<vmem>>[vector<16xi32>], vector<16xf32>,
      %mul3A_444 = arith.constant 16 : i32
      %mul3A_445 = arith.muli %while3A_428, %mul3A_444 : i32
      %swap3A_446 = arith.index_cast %mul3A_445 : i32 to index
      %swap3A_447 = tpu.vector_load %arg19[%swap3A_446] {strides = array<i32>} : memref<5136xf32, #tpu.memory_space<vmem>>, vector<16xf32>,
      tpu.vector_store %arg19[%swap3A_446], %gather3A_443 {strides = array<i32>} : memref<5136xf32, #tpu.memory_space<vmem>>, vector<16xf32>,
      %gather3A_448 = tpu.vector_load_idx %arg10[%get3A_433] : memref<5120xf32, #tpu.memory_space<vmem>>[vector<16xi32>], vector<16xf32>,
      %mul3A_449 = arith.constant 16 : i32
      %mul3A_450 = arith.muli %while3A_428, %mul3A_449 : i32
      %swap3A_451 = arith.index_cast %mul3A_450 : i32 to index
      %swap3A_452 = tpu.vector_load %arg20[%swap3A_451] {strides = array<i32>} : memref<5136xf32, #tpu.memory_space<vmem>>, vector<16xf32>,
      tpu.vector_store %arg20[%swap3A_451], %gather3A_448 {strides = array<i32>} : memref<5136xf32, #tpu.memory_space<vmem>>, vector<16xf32>,
      %gather3A_453 = tpu.vector_load_idx %arg11[%get3A_433] : memref<5120xf32, #tpu.memory_space<vmem>>[vector<16xi32>], vector<16xf32>,
      %mul3A_454 = arith.constant 16 : i32
      %mul3A_455 = arith.muli %while3A_428, %mul3A_454 : i32
      %swap3A_456 = arith.index_cast %mul3A_455 : i32 to index
      %swap3A_457 = tpu.vector_load %arg21[%swap3A_456] {strides = array<i32>} : memref<5136xf32, #tpu.memory_space<vmem>>, vector<16xf32>,
      tpu.vector_store %arg21[%swap3A_456], %gather3A_453 {strides = array<i32>} : memref<5136xf32, #tpu.memory_space<vmem>>, vector<16xf32>,
      %while3A_458 = arith.constant 0 : i32
      scf.yield %while3A_458 : i32
    }
    %while3A_216 = arith.constant 1 : i32
    %while3A_217 = scf.for %while3A_428 = %while3A_213 to %while3A_209 step %while3A_216 iter_args(%while3A_429 = %while3A_215) -> (i32)  : i32 {
      %mul3A_430 = arith.constant 16 : i32
      %mul3A_431 = arith.muli %while3A_428, %mul3A_430 : i32
      %get3A_432 = arith.index_cast %mul3A_431 : i32 to index
      %get3A_433 = tpu.vector_load %arg15[%get3A_432] {strides = array<i32>} : memref<5136xi32, #tpu.memory_space<vmem>>, vector<16xi32>,
      %gather3A = tpu.vector_load_idx %arg7[%get3A_433] : memref<5120xf32, #tpu.memory_space<vmem>>[vector<16xi32>], vector<16xf32>,
      %mul3A_434 = arith.constant 16 : i32
      %mul3A_435 = arith.muli %while3A_428, %mul3A_434 : i32
      %swap3A_436 = arith.index_cast %mul3A_435 : i32 to index
      %swap3A_437 = tpu.vector_load %arg17[%swap3A_436] {strides = array<i32>} : memref<5136xf32, #tpu.memory_space<vmem>>, vector<16xf32>,
      tpu.vector_store %arg17[%swap3A_436], %gather3A {strides = array<i32>} : memref<5136xf32, #tpu.memory_space<vmem>>, vector<16xf32>,
      %gather3A_438 = tpu.vector_load_idx %arg8[%get3A_433] : memref<5120xf32, #tpu.memory_space<vmem>>[vector<16xi32>], vector<16xf32>,
      %mul3A_439 = arith.constant 16 : i32
      %mul3A_440 = arith.muli %while3A_428, %mul3A_439 : i32
      %swap3A_441 = arith.index_cast %mul3A_440 : i32 to index
      %swap3A_442 = tpu.vector_load %arg18[%swap3A_441] {strides = array<i32>} : memref<5136xf32, #tpu.memory_space<vmem>>, vector<16xf32>,
      tpu.vector_store %arg18[%swap3A_441], %gather3A_438 {strides = array<i32>} : memref<5136xf32, #tpu.memory_space<vmem>>, vector<16xf32>,
      %gather3A_443 = tpu.vector_load_idx %arg9[%get3A_433] : memref<5120xf32, #tpu.memory_space<vmem>>[vector<16xi32>], vector<16xf32>,
      %mul3A_444 = arith.constant 16 : i32
      %mul3A_445 = arith.muli %while3A_428, %mul3A_444 : i32
      %swap3A_446 = arith.index_cast %mul3A_445 : i32 to index
      %swap3A_447 = tpu.vector_load %arg19[%swap3A_446] {strides = array<i32>} : memref<5136xf32, #tpu.memory_space<vmem>>, vector<16xf32>,
      tpu.vector_store %arg19[%swap3A_446], %gather3A_443 {strides = array<i32>} : memref<5136xf32, #tpu.memory_space<vmem>>, vector<16xf32>,
      %gather3A_448 = tpu.vector_load_idx %arg10[%get3A_433] : memref<5120xf32, #tpu.memory_space<vmem>>[vector<16xi32>], vector<16xf32>,
      %mul3A_449 = arith.constant 16 : i32
      %mul3A_450 = arith.muli %while3A_428, %mul3A_449 : i32
      %swap3A_451 = arith.index_cast %mul3A_450 : i32 to index
      %swap3A_452 = tpu.vector_load %arg20[%swap3A_451] {strides = array<i32>} : memref<5136xf32, #tpu.memory_space<vmem>>, vector<16xf32>,
      tpu.vector_store %arg20[%swap3A_451], %gather3A_448 {strides = array<i32>} : memref<5136xf32, #tpu.memory_space<vmem>>, vector<16xf32>,
      %gather3A_453 = tpu.vector_load_idx %arg11[%get3A_433] : memref<5120xf32, #tpu.memory_space<vmem>>[vector<16xi32>], vector<16xf32>,
      %mul3A_454 = arith.constant 16 : i32
      %mul3A_455 = arith.muli %while3A_428, %mul3A_454 : i32
      %swap3A_456 = arith.index_cast %mul3A_455 : i32 to index
      %swap3A_457 = tpu.vector_load %arg21[%swap3A_456] {strides = array<i32>} : memref<5136xf32, #tpu.memory_space<vmem>>, vector<16xf32>,
      tpu.vector_store %arg21[%swap3A_456], %gather3A_453 {strides = array<i32>} : memref<5136xf32, #tpu.memory_space<vmem>>, vector<16xf32>,
      %while3A_458 = arith.constant 0 : i32
      scf.yield %while3A_458 : i32
    }
    %iota3A_218 = tpu.iota {dimensions = array<i32: 0>} : vector<16xi32>
    %while3A_219 = arith.constant 0 : i32
    %while3A_220 = arith.constant -3.000000e+38 : f32
    %while3A_221 = arith.constant 0 : i32
    %while3A_222 = arith.subi %select_n3A_205, %while3A_219 : i32
    %while3A_223 = arith.addi %while3A_219, %while3A_222 : i32
    %while3A_224 = arith.constant 1 : i32
    %while3A_225 = arith.divsi %while3A_222, %while3A_224 : i32
    %while3A_226 = arith.muli %while3A_225, %while3A_224 : i32
    %while3A_227 = arith.addi %while3A_219, %while3A_226 : i32
    %while3A_228 = arith.constant 1 : i32
    %while3A_229:2 = scf.for %while3A_428 = %while3A_219 to %while3A_227 step %while3A_228 iter_args(%while3A_429 = %while3A_220, %while3A_430 = %while3A_221) -> (f32, i32)  : i32 {
      %mul3A_431 = arith.constant 16 : i32
      %mul3A_432 = arith.muli %while3A_428, %mul3A_431 : i32
      %get3A_433 = arith.index_cast %mul3A_432 : i32 to index
      %get3A_434 = tpu.vector_load %arg16[%get3A_433] {strides = array<i32>} : memref<5136xf32, #tpu.memory_space<vmem>>, vector<16xf32>,
      %reduce_max3A = arith.constant true
      %reduce_max3A_435 = vector.broadcast %reduce_max3A : i1 to vector<16xi1>
      %reduce_max3A_436 = tpu.scan <max>, %get3A_434 masked %reduce_max3A_435 : vector<16xf32>, vector<16xi1> -> vector<16xf32>
      %reduce_max3A_437 = vector.extract %reduce_max3A_436[15] : f32 from vector<16xf32>
      %eq3A_438 = vector.broadcast %reduce_max3A_437 : f32 to vector<16xf32>
      %eq3A_439 = arith.cmpf oeq, %get3A_434, %eq3A_438 : vector<16xf32>
      %mul3A_440 = arith.constant 16 : i32
      %mul3A_441 = arith.muli %while3A_428, %mul3A_440 : i32
      %add3A_442 = vector.broadcast %mul3A_441 : i32 to vector<16xi32>
      %add3A_443 = arith.addi %add3A_442, %iota3A_218 : vector<16xi32>
      %jit3A_444 = arith.constant 1073741824 : i32
      %broadcast_in_dim3A_445 = vector.broadcast %jit3A_444 : i32 to vector<16xi32>
      %select_n3A_446 = arith.select %eq3A_439, %add3A_443, %broadcast_in_dim3A_445 : vector<16xi1>, vector<16xi32>
      %reduce_min3A = arith.constant true
      %reduce_min3A_447 = vector.broadcast %reduce_min3A : i1 to vector<16xi1>
      %reduce_min3A_448 = arith.constant -2147483648 : i32
      %reduce_min3A_449 = vector.broadcast %reduce_min3A_448 : i32 to vector<16xi32>
      %reduce_min3A_450 = arith.xori %select_n3A_446, %reduce_min3A_449 : vector<16xi32>
      %reduce_min3A_451 = tpu.scan <min>, %reduce_min3A_450 masked %reduce_min3A_447 : vector<16xi32>, vector<16xi1> -> vector<16xi32>
      %reduce_min3A_452 = arith.xori %reduce_min3A_451, %reduce_min3A_449 : vector<16xi32>
      %reduce_min3A_453 = vector.extract %reduce_min3A_452[15] : i32 from vector<16xi32>
      %gt3A_454 = arith.cmpf ogt, %reduce_max3A_437, %while3A_429 : f32
      %select_n3A_455 = arith.select %gt3A_454, %reduce_max3A_437, %while3A_429 : f32
      %select_n3A_456 = arith.select %gt3A_454, %reduce_min3A_453, %while3A_430 : i32
      scf.yield %select_n3A_455, %select_n3A_456 : f32, i32
    }
    %while3A_230 = arith.constant 1 : i32
    %while3A_231:2 = scf.for %while3A_428 = %while3A_227 to %while3A_223 step %while3A_230 iter_args(%while3A_429 = %while3A_229#0, %while3A_430 = %while3A_229#1) -> (f32, i32)  : i32 {
      %mul3A_431 = arith.constant 16 : i32
      %mul3A_432 = arith.muli %while3A_428, %mul3A_431 : i32
      %get3A_433 = arith.index_cast %mul3A_432 : i32 to index
      %get3A_434 = tpu.vector_load %arg16[%get3A_433] {strides = array<i32>} : memref<5136xf32, #tpu.memory_space<vmem>>, vector<16xf32>,
      %reduce_max3A = arith.constant true
      %reduce_max3A_435 = vector.broadcast %reduce_max3A : i1 to vector<16xi1>
      %reduce_max3A_436 = tpu.scan <max>, %get3A_434 masked %reduce_max3A_435 : vector<16xf32>, vector<16xi1> -> vector<16xf32>
      %reduce_max3A_437 = vector.extract %reduce_max3A_436[15] : f32 from vector<16xf32>
      %eq3A_438 = vector.broadcast %reduce_max3A_437 : f32 to vector<16xf32>
      %eq3A_439 = arith.cmpf oeq, %get3A_434, %eq3A_438 : vector<16xf32>
      %mul3A_440 = arith.constant 16 : i32
      %mul3A_441 = arith.muli %while3A_428, %mul3A_440 : i32
      %add3A_442 = vector.broadcast %mul3A_441 : i32 to vector<16xi32>
      %add3A_443 = arith.addi %add3A_442, %iota3A_218 : vector<16xi32>
      %jit3A_444 = arith.constant 1073741824 : i32
      %broadcast_in_dim3A_445 = vector.broadcast %jit3A_444 : i32 to vector<16xi32>
      %select_n3A_446 = arith.select %eq3A_439, %add3A_443, %broadcast_in_dim3A_445 : vector<16xi1>, vector<16xi32>
      %reduce_min3A = arith.constant true
      %reduce_min3A_447 = vector.broadcast %reduce_min3A : i1 to vector<16xi1>
      %reduce_min3A_448 = arith.constant -2147483648 : i32
      %reduce_min3A_449 = vector.broadcast %reduce_min3A_448 : i32 to vector<16xi32>
      %reduce_min3A_450 = arith.xori %select_n3A_446, %reduce_min3A_449 : vector<16xi32>
      %reduce_min3A_451 = tpu.scan <min>, %reduce_min3A_450 masked %reduce_min3A_447 : vector<16xi32>, vector<16xi1> -> vector<16xi32>
      %reduce_min3A_452 = arith.xori %reduce_min3A_451, %reduce_min3A_449 : vector<16xi32>
      %reduce_min3A_453 = vector.extract %reduce_min3A_452[15] : i32 from vector<16xi32>
      %gt3A_454 = arith.cmpf ogt, %reduce_max3A_437, %while3A_429 : f32
      %select_n3A_455 = arith.select %gt3A_454, %reduce_max3A_437, %while3A_429 : f32
      %select_n3A_456 = arith.select %gt3A_454, %reduce_min3A_453, %while3A_430 : i32
      scf.yield %select_n3A_455, %select_n3A_456 : f32, i32
    }
    %while3A_232 = arith.constant 0 : i32
    %while3A_233:3 = scf.while (%while3A_428 = %while3A_232, %while3A_429 = %while3A_231#0, %while3A_430 = %while3A_231#1) : (i32, f32, i32) -> (i32, f32, i32) {
      %lt3A_431 = arith.constant 300 : i32
      %lt3A_432 = arith.cmpi slt, %while3A_428, %lt3A_431 : i32
      %gt3A_433 = arith.constant 0.000000e+00 : f32
      %gt3A_434 = arith.cmpf ogt, %while3A_429, %gt3A_433 : f32
      %and3A_435 = arith.andi %lt3A_432, %gt3A_434 : i1
      scf.condition(%and3A_435) %while3A_428, %while3A_429, %while3A_430 : i32, f32, i32
    } do {
    ^bb0(%while3A_428: i32, %while3A_429: f32, %while3A_430: i32):
      %get3A_431 = arith.index_cast %while3A_430 : i32 to index
      %get3A_432 = tpu.vector_load %arg15[%get3A_431] {strides = array<i32>} : memref<5136xi32, #tpu.memory_space<vmem>>, vector<16xi32>,
      %slice3A_433 = vector.extract_strided_slice %get3A_432 {offsets = [0], sizes = [1], strides = [1]} : vector<16xi32> to vector<1xi32>
      %squeeze3A_434 = vector.extract %slice3A_433[0] : i32 from vector<1xi32>
      %get3A_435 = arith.index_cast %while3A_430 : i32 to index
      %get3A_436 = tpu.vector_load %arg17[%get3A_435] {strides = array<i32>} : memref<5136xf32, #tpu.memory_space<vmem>>, vector<16xf32>,
      %slice3A_437 = vector.extract_strided_slice %get3A_436 {offsets = [0], sizes = [1], strides = [1]} : vector<16xf32> to vector<1xf32>
      %squeeze3A_438 = vector.extract %slice3A_437[0] : f32 from vector<1xf32>
      %get3A_439 = arith.index_cast %while3A_430 : i32 to index
      %get3A_440 = tpu.vector_load %arg18[%get3A_439] {strides = array<i32>} : memref<5136xf32, #tpu.memory_space<vmem>>, vector<16xf32>,
      %slice3A_441 = vector.extract_strided_slice %get3A_440 {offsets = [0], sizes = [1], strides = [1]} : vector<16xf32> to vector<1xf32>
      %squeeze3A_442 = vector.extract %slice3A_441[0] : f32 from vector<1xf32>
      %get3A_443 = arith.index_cast %while3A_430 : i32 to index
      %get3A_444 = tpu.vector_load %arg19[%get3A_443] {strides = array<i32>} : memref<5136xf32, #tpu.memory_space<vmem>>, vector<16xf32>,
      %slice3A_445 = vector.extract_strided_slice %get3A_444 {offsets = [0], sizes = [1], strides = [1]} : vector<16xf32> to vector<1xf32>
      %squeeze3A_446 = vector.extract %slice3A_445[0] : f32 from vector<1xf32>
      %get3A_447 = arith.index_cast %while3A_430 : i32 to index
      %get3A_448 = tpu.vector_load %arg20[%get3A_447] {strides = array<i32>} : memref<5136xf32, #tpu.memory_space<vmem>>, vector<16xf32>,
      %slice3A_449 = vector.extract_strided_slice %get3A_448 {offsets = [0], sizes = [1], strides = [1]} : vector<16xf32> to vector<1xf32>
      %squeeze3A_450 = vector.extract %slice3A_449[0] : f32 from vector<1xf32>
      %get3A_451 = arith.index_cast %while3A_430 : i32 to index
      %get3A_452 = tpu.vector_load %arg21[%get3A_451] {strides = array<i32>} : memref<5136xf32, #tpu.memory_space<vmem>>, vector<16xf32>,
      %slice3A_453 = vector.extract_strided_slice %get3A_452 {offsets = [0], sizes = [1], strides = [1]} : vector<16xf32> to vector<1xf32>
      %squeeze3A_454 = vector.extract %slice3A_453[0] : f32 from vector<1xf32>
      %add3A_455 = arith.constant 0 : i32
      %add3A_456 = arith.addi %add3A_455, %while3A_428 : i32
      %broadcast_in_dim3A_457 = vector.broadcast %add3A_456 : i32 to vector<16xi32>
      %broadcast_in_dim3A_458 = vector.broadcast %squeeze3A_434 : i32 to vector<16xi32>
      %iota3A_459 = tpu.iota {dimensions = array<i32: 0>} : vector<16xi32>
      %eq3A_460 = arith.constant 0 : i32
      %eq3A_461 = vector.broadcast %eq3A_460 : i32 to vector<16xi32>
      %eq3A_462 = arith.cmpi eq, %iota3A_459, %eq3A_461 : vector<16xi32>
      tpu.vector_store_idx %arg23[%broadcast_in_dim3A_457], %broadcast_in_dim3A_458 masked %eq3A_462 : memref<944xi32, #tpu.memory_space<vmem>>[vector<16xi32>], vector<16xi32>, vector<16xi1>
      %add3A_463 = arith.constant 0 : i32
      %add3A_464 = arith.addi %add3A_463, %while3A_428 : i32
      %broadcast_in_dim3A_465 = vector.broadcast %add3A_464 : i32 to vector<16xi32>
      %broadcast_in_dim3A_466 = vector.broadcast %while3A_429 : f32 to vector<16xf32>
      %iota3A_467 = tpu.iota {dimensions = array<i32: 0>} : vector<16xi32>
      %eq3A_468 = arith.constant 0 : i32
      %eq3A_469 = vector.broadcast %eq3A_468 : i32 to vector<16xi32>
      %eq3A_470 = arith.cmpi eq, %iota3A_467, %eq3A_469 : vector<16xi32>
      tpu.vector_store_idx %arg22[%broadcast_in_dim3A_465], %broadcast_in_dim3A_466 masked %eq3A_470 : memref<944xf32, #tpu.memory_space<vmem>>[vector<16xi32>], vector<16xf32>, vector<16xi1>
      %while3A_471 = arith.constant 0 : i32
      %while3A_472 = arith.constant -3.000000e+38 : f32
      %while3A_473 = arith.constant 0 : i32
      %while3A_474 = arith.subi %select_n3A_205, %while3A_471 : i32
      %while3A_475 = arith.addi %while3A_471, %while3A_474 : i32
      %while3A_476 = arith.constant 1 : i32
      %while3A_477 = arith.divsi %while3A_474, %while3A_476 : i32
      %while3A_478 = arith.muli %while3A_477, %while3A_476 : i32
      %while3A_479 = arith.addi %while3A_471, %while3A_478 : i32
      %while3A_480 = arith.constant 1 : i32
      %while3A_481:2 = scf.for %while3A_486 = %while3A_471 to %while3A_479 step %while3A_480 iter_args(%while3A_487 = %while3A_472, %while3A_488 = %while3A_473) -> (f32, i32)  : i32 {
        %mul3A_489 = arith.constant 16 : i32
        %mul3A_490 = arith.muli %while3A_486, %mul3A_489 : i32
        %get3A_491 = arith.index_cast %mul3A_490 : i32 to index
        %get3A_492 = tpu.vector_load %arg19[%get3A_491] {strides = array<i32>} : memref<5136xf32, #tpu.memory_space<vmem>>, vector<16xf32>,
        %min3A = vector.broadcast %squeeze3A_446 : f32 to vector<16xf32>
        %min3A_493 = arith.minimumf %get3A_492, %min3A : vector<16xf32>
        %get3A_494 = arith.index_cast %mul3A_490 : i32 to index
        %get3A_495 = tpu.vector_load %arg17[%get3A_494] {strides = array<i32>} : memref<5136xf32, #tpu.memory_space<vmem>>, vector<16xf32>,
        %max3A = vector.broadcast %squeeze3A_438 : f32 to vector<16xf32>
        %max3A_496 = arith.maximumf %get3A_495, %max3A : vector<16xf32>
        %sub3A_497 = arith.subf %min3A_493, %max3A_496 : vector<16xf32>
        %max3A_498 = arith.constant 0.000000e+00 : f32
        %max3A_499 = vector.broadcast %max3A_498 : f32 to vector<16xf32>
        %max3A_500 = arith.maximumf %sub3A_497, %max3A_499 : vector<16xf32>
        %get3A_501 = arith.index_cast %mul3A_490 : i32 to index
        %get3A_502 = tpu.vector_load %arg20[%get3A_501] {strides = array<i32>} : memref<5136xf32, #tpu.memory_space<vmem>>, vector<16xf32>,
        %min3A_503 = vector.broadcast %squeeze3A_450 : f32 to vector<16xf32>
        %min3A_504 = arith.minimumf %get3A_502, %min3A_503 : vector<16xf32>
        %get3A_505 = arith.index_cast %mul3A_490 : i32 to index
        %get3A_506 = tpu.vector_load %arg18[%get3A_505] {strides = array<i32>} : memref<5136xf32, #tpu.memory_space<vmem>>, vector<16xf32>,
        %max3A_507 = vector.broadcast %squeeze3A_442 : f32 to vector<16xf32>
        %max3A_508 = arith.maximumf %get3A_506, %max3A_507 : vector<16xf32>
        %sub3A_509 = arith.subf %min3A_504, %max3A_508 : vector<16xf32>
        %max3A_510 = arith.constant 0.000000e+00 : f32
        %max3A_511 = vector.broadcast %max3A_510 : f32 to vector<16xf32>
        %max3A_512 = arith.maximumf %sub3A_509, %max3A_511 : vector<16xf32>
        %mul3A_513 = arith.mulf %max3A_500, %max3A_512 : vector<16xf32>
        %get3A_514 = arith.index_cast %mul3A_490 : i32 to index
        %get3A_515 = tpu.vector_load %arg21[%get3A_514] {strides = array<i32>} : memref<5136xf32, #tpu.memory_space<vmem>>, vector<16xf32>,
        %add3A_516 = vector.broadcast %squeeze3A_454 : f32 to vector<16xf32>
        %add3A_517 = arith.addf %get3A_515, %add3A_516 : vector<16xf32>
        %sub3A_518 = arith.subf %add3A_517, %mul3A_513 : vector<16xf32>
        %add3A_519 = arith.constant 9.99999971E-10 : f32
        %add3A_520 = vector.broadcast %add3A_519 : f32 to vector<16xf32>
        %add3A_521 = arith.addf %sub3A_518, %add3A_520 : vector<16xf32>
        %div3A_522 = arith.divf %mul3A_513, %add3A_521 : vector<16xf32>
        %gt3A_523 = arith.constant 6.000000e-01 : f32
        %gt3A_524 = vector.broadcast %gt3A_523 : f32 to vector<16xf32>
        %gt3A_525 = arith.cmpf ogt, %div3A_522, %gt3A_524 : vector<16xf32>
        %mul3A_526 = arith.constant 16 : i32
        %mul3A_527 = arith.muli %while3A_486, %mul3A_526 : i32
        %add3A_528 = vector.broadcast %mul3A_527 : i32 to vector<16xi32>
        %add3A_529 = arith.addi %add3A_528, %iota3A : vector<16xi32>
        %eq3A_530 = vector.broadcast %while3A_430 : i32 to vector<16xi32>
        %eq3A_531 = arith.cmpi eq, %add3A_529, %eq3A_530 : vector<16xi32>
        %or3A = arith.ori %gt3A_525, %eq3A_531 : vector<16xi1>
        %get3A_532 = arith.index_cast %mul3A_490 : i32 to index
        %get3A_533 = tpu.vector_load %arg16[%get3A_532] {strides = array<i32>} : memref<5136xf32, #tpu.memory_space<vmem>>, vector<16xf32>,
        %jit3A_534 = arith.constant -3.000000e+38 : f32
        %broadcast_in_dim3A_535 = vector.broadcast %jit3A_534 : f32 to vector<16xf32>
        %select_n3A_536 = arith.select %or3A, %broadcast_in_dim3A_535, %get3A_533 : vector<16xi1>, vector<16xf32>
        %swap3A_537 = arith.index_cast %mul3A_490 : i32 to index
        %swap3A_538 = tpu.vector_load %arg16[%swap3A_537] {strides = array<i32>} : memref<5136xf32, #tpu.memory_space<vmem>>, vector<16xf32>,
        tpu.vector_store %arg16[%swap3A_537], %select_n3A_536 {strides = array<i32>} : memref<5136xf32, #tpu.memory_space<vmem>>, vector<16xf32>,
        %reduce_max3A = arith.constant true
        %reduce_max3A_539 = vector.broadcast %reduce_max3A : i1 to vector<16xi1>
        %reduce_max3A_540 = tpu.scan <max>, %select_n3A_536 masked %reduce_max3A_539 : vector<16xf32>, vector<16xi1> -> vector<16xf32>
        %reduce_max3A_541 = vector.extract %reduce_max3A_540[15] : f32 from vector<16xf32>
        %eq3A_542 = vector.broadcast %reduce_max3A_541 : f32 to vector<16xf32>
        %eq3A_543 = arith.cmpf oeq, %select_n3A_536, %eq3A_542 : vector<16xf32>
        %mul3A_544 = arith.constant 16 : i32
        %mul3A_545 = arith.muli %while3A_486, %mul3A_544 : i32
        %add3A_546 = vector.broadcast %mul3A_545 : i32 to vector<16xi32>
        %add3A_547 = arith.addi %add3A_546, %iota3A : vector<16xi32>
        %jit3A_548 = arith.constant 1073741824 : i32
        %broadcast_in_dim3A_549 = vector.broadcast %jit3A_548 : i32 to vector<16xi32>
        %select_n3A_550 = arith.select %eq3A_543, %add3A_547, %broadcast_in_dim3A_549 : vector<16xi1>, vector<16xi32>
        %reduce_min3A = arith.constant true
        %reduce_min3A_551 = vector.broadcast %reduce_min3A : i1 to vector<16xi1>
        %reduce_min3A_552 = arith.constant -2147483648 : i32
        %reduce_min3A_553 = vector.broadcast %reduce_min3A_552 : i32 to vector<16xi32>
        %reduce_min3A_554 = arith.xori %select_n3A_550, %reduce_min3A_553 : vector<16xi32>
        %reduce_min3A_555 = tpu.scan <min>, %reduce_min3A_554 masked %reduce_min3A_551 : vector<16xi32>, vector<16xi1> -> vector<16xi32>
        %reduce_min3A_556 = arith.xori %reduce_min3A_555, %reduce_min3A_553 : vector<16xi32>
        %reduce_min3A_557 = vector.extract %reduce_min3A_556[15] : i32 from vector<16xi32>
        %gt3A_558 = arith.cmpf ogt, %reduce_max3A_541, %while3A_487 : f32
        %select_n3A_559 = arith.select %gt3A_558, %reduce_max3A_541, %while3A_487 : f32
        %select_n3A_560 = arith.select %gt3A_558, %reduce_min3A_557, %while3A_488 : i32
        scf.yield %select_n3A_559, %select_n3A_560 : f32, i32
      }
      %while3A_482 = arith.constant 1 : i32
      %while3A_483:2 = scf.for %while3A_486 = %while3A_479 to %while3A_475 step %while3A_482 iter_args(%while3A_487 = %while3A_481#0, %while3A_488 = %while3A_481#1) -> (f32, i32)  : i32 {
        %mul3A_489 = arith.constant 16 : i32
        %mul3A_490 = arith.muli %while3A_486, %mul3A_489 : i32
        %get3A_491 = arith.index_cast %mul3A_490 : i32 to index
        %get3A_492 = tpu.vector_load %arg19[%get3A_491] {strides = array<i32>} : memref<5136xf32, #tpu.memory_space<vmem>>, vector<16xf32>,
        %min3A = vector.broadcast %squeeze3A_446 : f32 to vector<16xf32>
        %min3A_493 = arith.minimumf %get3A_492, %min3A : vector<16xf32>
        %get3A_494 = arith.index_cast %mul3A_490 : i32 to index
        %get3A_495 = tpu.vector_load %arg17[%get3A_494] {strides = array<i32>} : memref<5136xf32, #tpu.memory_space<vmem>>, vector<16xf32>,
        %max3A = vector.broadcast %squeeze3A_438 : f32 to vector<16xf32>
        %max3A_496 = arith.maximumf %get3A_495, %max3A : vector<16xf32>
        %sub3A_497 = arith.subf %min3A_493, %max3A_496 : vector<16xf32>
        %max3A_498 = arith.constant 0.000000e+00 : f32
        %max3A_499 = vector.broadcast %max3A_498 : f32 to vector<16xf32>
        %max3A_500 = arith.maximumf %sub3A_497, %max3A_499 : vector<16xf32>
        %get3A_501 = arith.index_cast %mul3A_490 : i32 to index
        %get3A_502 = tpu.vector_load %arg20[%get3A_501] {strides = array<i32>} : memref<5136xf32, #tpu.memory_space<vmem>>, vector<16xf32>,
        %min3A_503 = vector.broadcast %squeeze3A_450 : f32 to vector<16xf32>
        %min3A_504 = arith.minimumf %get3A_502, %min3A_503 : vector<16xf32>
        %get3A_505 = arith.index_cast %mul3A_490 : i32 to index
        %get3A_506 = tpu.vector_load %arg18[%get3A_505] {strides = array<i32>} : memref<5136xf32, #tpu.memory_space<vmem>>, vector<16xf32>,
        %max3A_507 = vector.broadcast %squeeze3A_442 : f32 to vector<16xf32>
        %max3A_508 = arith.maximumf %get3A_506, %max3A_507 : vector<16xf32>
        %sub3A_509 = arith.subf %min3A_504, %max3A_508 : vector<16xf32>
        %max3A_510 = arith.constant 0.000000e+00 : f32
        %max3A_511 = vector.broadcast %max3A_510 : f32 to vector<16xf32>
        %max3A_512 = arith.maximumf %sub3A_509, %max3A_511 : vector<16xf32>
        %mul3A_513 = arith.mulf %max3A_500, %max3A_512 : vector<16xf32>
        %get3A_514 = arith.index_cast %mul3A_490 : i32 to index
        %get3A_515 = tpu.vector_load %arg21[%get3A_514] {strides = array<i32>} : memref<5136xf32, #tpu.memory_space<vmem>>, vector<16xf32>,
        %add3A_516 = vector.broadcast %squeeze3A_454 : f32 to vector<16xf32>
        %add3A_517 = arith.addf %get3A_515, %add3A_516 : vector<16xf32>
        %sub3A_518 = arith.subf %add3A_517, %mul3A_513 : vector<16xf32>
        %add3A_519 = arith.constant 9.99999971E-10 : f32
        %add3A_520 = vector.broadcast %add3A_519 : f32 to vector<16xf32>
        %add3A_521 = arith.addf %sub3A_518, %add3A_520 : vector<16xf32>
        %div3A_522 = arith.divf %mul3A_513, %add3A_521 : vector<16xf32>
        %gt3A_523 = arith.constant 6.000000e-01 : f32
        %gt3A_524 = vector.broadcast %gt3A_523 : f32 to vector<16xf32>
        %gt3A_525 = arith.cmpf ogt, %div3A_522, %gt3A_524 : vector<16xf32>
        %mul3A_526 = arith.constant 16 : i32
        %mul3A_527 = arith.muli %while3A_486, %mul3A_526 : i32
        %add3A_528 = vector.broadcast %mul3A_527 : i32 to vector<16xi32>
        %add3A_529 = arith.addi %add3A_528, %iota3A : vector<16xi32>
        %eq3A_530 = vector.broadcast %while3A_430 : i32 to vector<16xi32>
        %eq3A_531 = arith.cmpi eq, %add3A_529, %eq3A_530 : vector<16xi32>
        %or3A = arith.ori %gt3A_525, %eq3A_531 : vector<16xi1>
        %get3A_532 = arith.index_cast %mul3A_490 : i32 to index
        %get3A_533 = tpu.vector_load %arg16[%get3A_532] {strides = array<i32>} : memref<5136xf32, #tpu.memory_space<vmem>>, vector<16xf32>,
        %jit3A_534 = arith.constant -3.000000e+38 : f32
        %broadcast_in_dim3A_535 = vector.broadcast %jit3A_534 : f32 to vector<16xf32>
        %select_n3A_536 = arith.select %or3A, %broadcast_in_dim3A_535, %get3A_533 : vector<16xi1>, vector<16xf32>
        %swap3A_537 = arith.index_cast %mul3A_490 : i32 to index
        %swap3A_538 = tpu.vector_load %arg16[%swap3A_537] {strides = array<i32>} : memref<5136xf32, #tpu.memory_space<vmem>>, vector<16xf32>,
        tpu.vector_store %arg16[%swap3A_537], %select_n3A_536 {strides = array<i32>} : memref<5136xf32, #tpu.memory_space<vmem>>, vector<16xf32>,
        %reduce_max3A = arith.constant true
        %reduce_max3A_539 = vector.broadcast %reduce_max3A : i1 to vector<16xi1>
        %reduce_max3A_540 = tpu.scan <max>, %select_n3A_536 masked %reduce_max3A_539 : vector<16xf32>, vector<16xi1> -> vector<16xf32>
        %reduce_max3A_541 = vector.extract %reduce_max3A_540[15] : f32 from vector<16xf32>
        %eq3A_542 = vector.broadcast %reduce_max3A_541 : f32 to vector<16xf32>
        %eq3A_543 = arith.cmpf oeq, %select_n3A_536, %eq3A_542 : vector<16xf32>
        %mul3A_544 = arith.constant 16 : i32
        %mul3A_545 = arith.muli %while3A_486, %mul3A_544 : i32
        %add3A_546 = vector.broadcast %mul3A_545 : i32 to vector<16xi32>
        %add3A_547 = arith.addi %add3A_546, %iota3A : vector<16xi32>
        %jit3A_548 = arith.constant 1073741824 : i32
        %broadcast_in_dim3A_549 = vector.broadcast %jit3A_548 : i32 to vector<16xi32>
        %select_n3A_550 = arith.select %eq3A_543, %add3A_547, %broadcast_in_dim3A_549 : vector<16xi1>, vector<16xi32>
        %reduce_min3A = arith.constant true
        %reduce_min3A_551 = vector.broadcast %reduce_min3A : i1 to vector<16xi1>
        %reduce_min3A_552 = arith.constant -2147483648 : i32
        %reduce_min3A_553 = vector.broadcast %reduce_min3A_552 : i32 to vector<16xi32>
        %reduce_min3A_554 = arith.xori %select_n3A_550, %reduce_min3A_553 : vector<16xi32>
        %reduce_min3A_555 = tpu.scan <min>, %reduce_min3A_554 masked %reduce_min3A_551 : vector<16xi32>, vector<16xi1> -> vector<16xi32>
        %reduce_min3A_556 = arith.xori %reduce_min3A_555, %reduce_min3A_553 : vector<16xi32>
        %reduce_min3A_557 = vector.extract %reduce_min3A_556[15] : i32 from vector<16xi32>
        %gt3A_558 = arith.cmpf ogt, %reduce_max3A_541, %while3A_487 : f32
        %select_n3A_559 = arith.select %gt3A_558, %reduce_max3A_541, %while3A_487 : f32
        %select_n3A_560 = arith.select %gt3A_558, %reduce_min3A_557, %while3A_488 : i32
        scf.yield %select_n3A_559, %select_n3A_560 : f32, i32
      }
      %add3A_484 = arith.constant 1 : i32
      %add3A_485 = arith.addi %while3A_428, %add3A_484 : i32
      scf.yield %add3A_485, %while3A_483#0, %while3A_483#1 : i32, f32, i32
    }
    %add3A_234 = arith.constant 1 : i32
    %add3A_235 = arith.addi %select_n3A, %add3A_234 : i32
    %convert_element_type3A_236 = arith.sitofp %add3A_235 : i32 to f32
    %while3A_237 = arith.constant 0 : i32
    %while3A_238 = arith.constant 0 : i32
    %while3A_239 = arith.subi %select_n3A_145, %while3A_237 : i32
    %while3A_240 = arith.addi %while3A_237, %while3A_239 : i32
    %while3A_241 = arith.constant 1 : i32
    %while3A_242 = arith.divsi %while3A_239, %while3A_241 : i32
    %while3A_243 = arith.muli %while3A_242, %while3A_241 : i32
    %while3A_244 = arith.addi %while3A_237, %while3A_243 : i32
    %while3A_245 = arith.constant 1 : i32
    %while3A_246 = scf.for %while3A_428 = %while3A_237 to %while3A_244 step %while3A_245 iter_args(%while3A_429 = %while3A_238) -> (i32)  : i32 {
      %mul3A_430 = arith.constant 16 : i32
      %mul3A_431 = arith.muli %while3A_428, %mul3A_430 : i32
      %get3A_432 = arith.index_cast %mul3A_431 : i32 to index
      %get3A_433 = tpu.vector_load %arg14[%get3A_432] {strides = array<i32>} : memref<5136xf32, #tpu.memory_space<vmem>>, vector<16xf32>,
      %eq3A_434 = vector.broadcast %convert_element_type3A_236 : f32 to vector<16xf32>
      %eq3A_435 = arith.cmpf oeq, %get3A_433, %eq3A_434 : vector<16xf32>
      %mul3A_436 = arith.constant 16 : i32
      %mul3A_437 = arith.muli %while3A_428, %mul3A_436 : i32
      %get3A_438 = arith.index_cast %mul3A_437 : i32 to index
      %get3A_439 = tpu.vector_load %arg12[%get3A_438] {strides = array<i32>} : memref<5136xi32, #tpu.memory_space<vmem>>, vector<16xi32>,
      %swap3A_440 = arith.index_cast %while3A_429 : i32 to index
      %swap3A_441 = tpu.vector_load %arg15[%swap3A_440] masked %eq3A_435 {strides = array<i32>} : memref<5136xi32, #tpu.memory_space<vmem>>, vector<16xi32>, vector<16xi1>
      tpu.vector_store %arg15[%swap3A_440], %get3A_439 masked %eq3A_435 {strides = array<i32>} : memref<5136xi32, #tpu.memory_space<vmem>>, vector<16xi32>, vector<16xi1>
      %mul3A_442 = arith.constant 16 : i32
      %mul3A_443 = arith.muli %while3A_428, %mul3A_442 : i32
      %get3A_444 = arith.index_cast %mul3A_443 : i32 to index
      %get3A_445 = tpu.vector_load %arg13[%get3A_444] {strides = array<i32>} : memref<5136xf32, #tpu.memory_space<vmem>>, vector<16xf32>,
      %swap3A_446 = arith.index_cast %while3A_429 : i32 to index
      %swap3A_447 = tpu.vector_load %arg16[%swap3A_446] masked %eq3A_435 {strides = array<i32>} : memref<5136xf32, #tpu.memory_space<vmem>>, vector<16xf32>, vector<16xi1>
      tpu.vector_store %arg16[%swap3A_446], %get3A_445 masked %eq3A_435 {strides = array<i32>} : memref<5136xf32, #tpu.memory_space<vmem>>, vector<16xf32>, vector<16xi1>
      %convert_element_type3A_448 = arith.extui %eq3A_435 : vector<16xi1> to vector<16xi32>
      %reduce_sum3A = arith.constant true
      %reduce_sum3A_449 = vector.broadcast %reduce_sum3A : i1 to vector<16xi1>
      %reduce_sum3A_450 = tpu.scan <sum>, %convert_element_type3A_448 masked %reduce_sum3A_449 : vector<16xi32>, vector<16xi1> -> vector<16xi32>
      %reduce_sum3A_451 = vector.extract %reduce_sum3A_450[15] : i32 from vector<16xi32>
      %add3A_452 = arith.addi %while3A_429, %reduce_sum3A_451 : i32
      scf.yield %add3A_452 : i32
    }
    %while3A_247 = arith.constant 1 : i32
    %while3A_248 = scf.for %while3A_428 = %while3A_244 to %while3A_240 step %while3A_247 iter_args(%while3A_429 = %while3A_246) -> (i32)  : i32 {
      %mul3A_430 = arith.constant 16 : i32
      %mul3A_431 = arith.muli %while3A_428, %mul3A_430 : i32
      %get3A_432 = arith.index_cast %mul3A_431 : i32 to index
      %get3A_433 = tpu.vector_load %arg14[%get3A_432] {strides = array<i32>} : memref<5136xf32, #tpu.memory_space<vmem>>, vector<16xf32>,
      %eq3A_434 = vector.broadcast %convert_element_type3A_236 : f32 to vector<16xf32>
      %eq3A_435 = arith.cmpf oeq, %get3A_433, %eq3A_434 : vector<16xf32>
      %mul3A_436 = arith.constant 16 : i32
      %mul3A_437 = arith.muli %while3A_428, %mul3A_436 : i32
      %get3A_438 = arith.index_cast %mul3A_437 : i32 to index
      %get3A_439 = tpu.vector_load %arg12[%get3A_438] {strides = array<i32>} : memref<5136xi32, #tpu.memory_space<vmem>>, vector<16xi32>,
      %swap3A_440 = arith.index_cast %while3A_429 : i32 to index
      %swap3A_441 = tpu.vector_load %arg15[%swap3A_440] masked %eq3A_435 {strides = array<i32>} : memref<5136xi32, #tpu.memory_space<vmem>>, vector<16xi32>, vector<16xi1>
      tpu.vector_store %arg15[%swap3A_440], %get3A_439 masked %eq3A_435 {strides = array<i32>} : memref<5136xi32, #tpu.memory_space<vmem>>, vector<16xi32>, vector<16xi1>
      %mul3A_442 = arith.constant 16 : i32
      %mul3A_443 = arith.muli %while3A_428, %mul3A_442 : i32
      %get3A_444 = arith.index_cast %mul3A_443 : i32 to index
      %get3A_445 = tpu.vector_load %arg13[%get3A_444] {strides = array<i32>} : memref<5136xf32, #tpu.memory_space<vmem>>, vector<16xf32>,
      %swap3A_446 = arith.index_cast %while3A_429 : i32 to index
      %swap3A_447 = tpu.vector_load %arg16[%swap3A_446] masked %eq3A_435 {strides = array<i32>} : memref<5136xf32, #tpu.memory_space<vmem>>, vector<16xf32>, vector<16xi1>
      tpu.vector_store %arg16[%swap3A_446], %get3A_445 masked %eq3A_435 {strides = array<i32>} : memref<5136xf32, #tpu.memory_space<vmem>>, vector<16xf32>, vector<16xi1>
      %convert_element_type3A_448 = arith.extui %eq3A_435 : vector<16xi1> to vector<16xi32>
      %reduce_sum3A = arith.constant true
      %reduce_sum3A_449 = vector.broadcast %reduce_sum3A : i1 to vector<16xi1>
      %reduce_sum3A_450 = tpu.scan <sum>, %convert_element_type3A_448 masked %reduce_sum3A_449 : vector<16xi32>, vector<16xi1> -> vector<16xi32>
      %reduce_sum3A_451 = vector.extract %reduce_sum3A_450[15] : i32 from vector<16xi32>
      %add3A_452 = arith.addi %while3A_429, %reduce_sum3A_451 : i32
      scf.yield %add3A_452 : i32
    }
    %broadcast_in_dim3A_249 = arith.constant 0 : i32
    %broadcast_in_dim3A_250 = vector.broadcast %broadcast_in_dim3A_249 : i32 to vector<16xi32>
    %swap3A_251 = arith.index_cast %while3A_248 : i32 to index
    %swap3A_252 = tpu.vector_load %arg15[%swap3A_251] {strides = array<i32>} : memref<5136xi32, #tpu.memory_space<vmem>>, vector<16xi32>,
    tpu.vector_store %arg15[%swap3A_251], %broadcast_in_dim3A_250 {strides = array<i32>} : memref<5136xi32, #tpu.memory_space<vmem>>, vector<16xi32>,
    %broadcast_in_dim3A_253 = arith.constant -3.000000e+38 : f32
    %broadcast_in_dim3A_254 = vector.broadcast %broadcast_in_dim3A_253 : f32 to vector<16xf32>
    %swap3A_255 = arith.index_cast %while3A_248 : i32 to index
    %swap3A_256 = tpu.vector_load %arg16[%swap3A_255] {strides = array<i32>} : memref<5136xf32, #tpu.memory_space<vmem>>, vector<16xf32>,
    tpu.vector_store %arg16[%swap3A_255], %broadcast_in_dim3A_254 {strides = array<i32>} : memref<5136xf32, #tpu.memory_space<vmem>>, vector<16xf32>,
    %add3A_257 = arith.constant 15 : i32
    %add3A_258 = arith.addi %while3A_248, %add3A_257 : i32
    %jit3A_259 = arith.constant 16 : i32
    %div3A_260 = arith.divsi %add3A_258, %jit3A_259 : i32
    %sign3A_261 = arith.constant 0 : i32
    %sign3A_262 = arith.cmpi sgt, %add3A_258, %sign3A_261 : i32
    %sign3A_263 = arith.extui %sign3A_262 : i1 to i32
    %sign3A_264 = arith.constant 0 : i32
    %sign3A_265 = arith.cmpi slt, %add3A_258, %sign3A_264 : i32
    %sign3A_266 = arith.extui %sign3A_265 : i1 to i32
    %sign3A_267 = arith.subi %sign3A_263, %sign3A_266 : i32
    %sign3A_268 = arith.constant 0 : i32
    %sign3A_269 = arith.cmpi sgt, %jit3A_259, %sign3A_268 : i32
    %sign3A_270 = arith.extui %sign3A_269 : i1 to i32
    %sign3A_271 = arith.constant 0 : i32
    %sign3A_272 = arith.cmpi slt, %jit3A_259, %sign3A_271 : i32
    %sign3A_273 = arith.extui %sign3A_272 : i1 to i32
    %sign3A_274 = arith.subi %sign3A_270, %sign3A_273 : i32
    %ne3A_275 = arith.cmpi ne, %sign3A_267, %sign3A_274 : i32
    %rem3A_276 = arith.remsi %add3A_258, %jit3A_259 : i32
    %ne3A_277 = arith.constant 0 : i32
    %ne3A_278 = arith.cmpi ne, %rem3A_276, %ne3A_277 : i32
    %and3A_279 = arith.andi %ne3A_275, %ne3A_278 : i1
    %sub3A_280 = arith.constant 1 : i32
    %sub3A_281 = arith.subi %div3A_260, %sub3A_280 : i32
    %select_n3A_282 = arith.select %and3A_279, %sub3A_281, %div3A_260 : i32
    %while3A_283 = arith.constant 0 : i32
    %while3A_284 = arith.constant 0 : i32
    %while3A_285 = arith.subi %select_n3A_282, %while3A_283 : i32
    %while3A_286 = arith.addi %while3A_283, %while3A_285 : i32
    %while3A_287 = arith.constant 1 : i32
    %while3A_288 = arith.divsi %while3A_285, %while3A_287 : i32
    %while3A_289 = arith.muli %while3A_288, %while3A_287 : i32
    %while3A_290 = arith.addi %while3A_283, %while3A_289 : i32
    %while3A_291 = arith.constant 1 : i32
    %while3A_292 = scf.for %while3A_428 = %while3A_283 to %while3A_290 step %while3A_291 iter_args(%while3A_429 = %while3A_284) -> (i32)  : i32 {
      %mul3A_430 = arith.constant 16 : i32
      %mul3A_431 = arith.muli %while3A_428, %mul3A_430 : i32
      %get3A_432 = arith.index_cast %mul3A_431 : i32 to index
      %get3A_433 = tpu.vector_load %arg15[%get3A_432] {strides = array<i32>} : memref<5136xi32, #tpu.memory_space<vmem>>, vector<16xi32>,
      %gather3A = tpu.vector_load_idx %arg7[%get3A_433] : memref<5120xf32, #tpu.memory_space<vmem>>[vector<16xi32>], vector<16xf32>,
      %mul3A_434 = arith.constant 16 : i32
      %mul3A_435 = arith.muli %while3A_428, %mul3A_434 : i32
      %swap3A_436 = arith.index_cast %mul3A_435 : i32 to index
      %swap3A_437 = tpu.vector_load %arg17[%swap3A_436] {strides = array<i32>} : memref<5136xf32, #tpu.memory_space<vmem>>, vector<16xf32>,
      tpu.vector_store %arg17[%swap3A_436], %gather3A {strides = array<i32>} : memref<5136xf32, #tpu.memory_space<vmem>>, vector<16xf32>,
      %gather3A_438 = tpu.vector_load_idx %arg8[%get3A_433] : memref<5120xf32, #tpu.memory_space<vmem>>[vector<16xi32>], vector<16xf32>,
      %mul3A_439 = arith.constant 16 : i32
      %mul3A_440 = arith.muli %while3A_428, %mul3A_439 : i32
      %swap3A_441 = arith.index_cast %mul3A_440 : i32 to index
      %swap3A_442 = tpu.vector_load %arg18[%swap3A_441] {strides = array<i32>} : memref<5136xf32, #tpu.memory_space<vmem>>, vector<16xf32>,
      tpu.vector_store %arg18[%swap3A_441], %gather3A_438 {strides = array<i32>} : memref<5136xf32, #tpu.memory_space<vmem>>, vector<16xf32>,
      %gather3A_443 = tpu.vector_load_idx %arg9[%get3A_433] : memref<5120xf32, #tpu.memory_space<vmem>>[vector<16xi32>], vector<16xf32>,
      %mul3A_444 = arith.constant 16 : i32
      %mul3A_445 = arith.muli %while3A_428, %mul3A_444 : i32
      %swap3A_446 = arith.index_cast %mul3A_445 : i32 to index
      %swap3A_447 = tpu.vector_load %arg19[%swap3A_446] {strides = array<i32>} : memref<5136xf32, #tpu.memory_space<vmem>>, vector<16xf32>,
      tpu.vector_store %arg19[%swap3A_446], %gather3A_443 {strides = array<i32>} : memref<5136xf32, #tpu.memory_space<vmem>>, vector<16xf32>,
      %gather3A_448 = tpu.vector_load_idx %arg10[%get3A_433] : memref<5120xf32, #tpu.memory_space<vmem>>[vector<16xi32>], vector<16xf32>,
      %mul3A_449 = arith.constant 16 : i32
      %mul3A_450 = arith.muli %while3A_428, %mul3A_449 : i32
      %swap3A_451 = arith.index_cast %mul3A_450 : i32 to index
      %swap3A_452 = tpu.vector_load %arg20[%swap3A_451] {strides = array<i32>} : memref<5136xf32, #tpu.memory_space<vmem>>, vector<16xf32>,
      tpu.vector_store %arg20[%swap3A_451], %gather3A_448 {strides = array<i32>} : memref<5136xf32, #tpu.memory_space<vmem>>, vector<16xf32>,
      %gather3A_453 = tpu.vector_load_idx %arg11[%get3A_433] : memref<5120xf32, #tpu.memory_space<vmem>>[vector<16xi32>], vector<16xf32>,
      %mul3A_454 = arith.constant 16 : i32
      %mul3A_455 = arith.muli %while3A_428, %mul3A_454 : i32
      %swap3A_456 = arith.index_cast %mul3A_455 : i32 to index
      %swap3A_457 = tpu.vector_load %arg21[%swap3A_456] {strides = array<i32>} : memref<5136xf32, #tpu.memory_space<vmem>>, vector<16xf32>,
      tpu.vector_store %arg21[%swap3A_456], %gather3A_453 {strides = array<i32>} : memref<5136xf32, #tpu.memory_space<vmem>>, vector<16xf32>,
      %while3A_458 = arith.constant 0 : i32
      scf.yield %while3A_458 : i32
    }
    %while3A_293 = arith.constant 1 : i32
    %while3A_294 = scf.for %while3A_428 = %while3A_290 to %while3A_286 step %while3A_293 iter_args(%while3A_429 = %while3A_292) -> (i32)  : i32 {
      %mul3A_430 = arith.constant 16 : i32
      %mul3A_431 = arith.muli %while3A_428, %mul3A_430 : i32
      %get3A_432 = arith.index_cast %mul3A_431 : i32 to index
      %get3A_433 = tpu.vector_load %arg15[%get3A_432] {strides = array<i32>} : memref<5136xi32, #tpu.memory_space<vmem>>, vector<16xi32>,
      %gather3A = tpu.vector_load_idx %arg7[%get3A_433] : memref<5120xf32, #tpu.memory_space<vmem>>[vector<16xi32>], vector<16xf32>,
      %mul3A_434 = arith.constant 16 : i32
      %mul3A_435 = arith.muli %while3A_428, %mul3A_434 : i32
      %swap3A_436 = arith.index_cast %mul3A_435 : i32 to index
      %swap3A_437 = tpu.vector_load %arg17[%swap3A_436] {strides = array<i32>} : memref<5136xf32, #tpu.memory_space<vmem>>, vector<16xf32>,
      tpu.vector_store %arg17[%swap3A_436], %gather3A {strides = array<i32>} : memref<5136xf32, #tpu.memory_space<vmem>>, vector<16xf32>,
      %gather3A_438 = tpu.vector_load_idx %arg8[%get3A_433] : memref<5120xf32, #tpu.memory_space<vmem>>[vector<16xi32>], vector<16xf32>,
      %mul3A_439 = arith.constant 16 : i32
      %mul3A_440 = arith.muli %while3A_428, %mul3A_439 : i32
      %swap3A_441 = arith.index_cast %mul3A_440 : i32 to index
      %swap3A_442 = tpu.vector_load %arg18[%swap3A_441] {strides = array<i32>} : memref<5136xf32, #tpu.memory_space<vmem>>, vector<16xf32>,
      tpu.vector_store %arg18[%swap3A_441], %gather3A_438 {strides = array<i32>} : memref<5136xf32, #tpu.memory_space<vmem>>, vector<16xf32>,
      %gather3A_443 = tpu.vector_load_idx %arg9[%get3A_433] : memref<5120xf32, #tpu.memory_space<vmem>>[vector<16xi32>], vector<16xf32>,
      %mul3A_444 = arith.constant 16 : i32
      %mul3A_445 = arith.muli %while3A_428, %mul3A_444 : i32
      %swap3A_446 = arith.index_cast %mul3A_445 : i32 to index
      %swap3A_447 = tpu.vector_load %arg19[%swap3A_446] {strides = array<i32>} : memref<5136xf32, #tpu.memory_space<vmem>>, vector<16xf32>,
      tpu.vector_store %arg19[%swap3A_446], %gather3A_443 {strides = array<i32>} : memref<5136xf32, #tpu.memory_space<vmem>>, vector<16xf32>,
      %gather3A_448 = tpu.vector_load_idx %arg10[%get3A_433] : memref<5120xf32, #tpu.memory_space<vmem>>[vector<16xi32>], vector<16xf32>,
      %mul3A_449 = arith.constant 16 : i32
      %mul3A_450 = arith.muli %while3A_428, %mul3A_449 : i32
      %swap3A_451 = arith.index_cast %mul3A_450 : i32 to index
      %swap3A_452 = tpu.vector_load %arg20[%swap3A_451] {strides = array<i32>} : memref<5136xf32, #tpu.memory_space<vmem>>, vector<16xf32>,
      tpu.vector_store %arg20[%swap3A_451], %gather3A_448 {strides = array<i32>} : memref<5136xf32, #tpu.memory_space<vmem>>, vector<16xf32>,
      %gather3A_453 = tpu.vector_load_idx %arg11[%get3A_433] : memref<5120xf32, #tpu.memory_space<vmem>>[vector<16xi32>], vector<16xf32>,
      %mul3A_454 = arith.constant 16 : i32
      %mul3A_455 = arith.muli %while3A_428, %mul3A_454 : i32
      %swap3A_456 = arith.index_cast %mul3A_455 : i32 to index
      %swap3A_457 = tpu.vector_load %arg21[%swap3A_456] {strides = array<i32>} : memref<5136xf32, #tpu.memory_space<vmem>>, vector<16xf32>,
      tpu.vector_store %arg21[%swap3A_456], %gather3A_453 {strides = array<i32>} : memref<5136xf32, #tpu.memory_space<vmem>>, vector<16xf32>,
      %while3A_458 = arith.constant 0 : i32
      scf.yield %while3A_458 : i32
    }
    %iota3A_295 = tpu.iota {dimensions = array<i32: 0>} : vector<16xi32>
    %while3A_296 = arith.constant 0 : i32
    %while3A_297 = arith.constant -3.000000e+38 : f32
    %while3A_298 = arith.constant 0 : i32
    %while3A_299 = arith.subi %select_n3A_282, %while3A_296 : i32
    %while3A_300 = arith.addi %while3A_296, %while3A_299 : i32
    %while3A_301 = arith.constant 1 : i32
    %while3A_302 = arith.divsi %while3A_299, %while3A_301 : i32
    %while3A_303 = arith.muli %while3A_302, %while3A_301 : i32
    %while3A_304 = arith.addi %while3A_296, %while3A_303 : i32
    %while3A_305 = arith.constant 1 : i32
    %while3A_306:2 = scf.for %while3A_428 = %while3A_296 to %while3A_304 step %while3A_305 iter_args(%while3A_429 = %while3A_297, %while3A_430 = %while3A_298) -> (f32, i32)  : i32 {
      %mul3A_431 = arith.constant 16 : i32
      %mul3A_432 = arith.muli %while3A_428, %mul3A_431 : i32
      %get3A_433 = arith.index_cast %mul3A_432 : i32 to index
      %get3A_434 = tpu.vector_load %arg16[%get3A_433] {strides = array<i32>} : memref<5136xf32, #tpu.memory_space<vmem>>, vector<16xf32>,
      %reduce_max3A = arith.constant true
      %reduce_max3A_435 = vector.broadcast %reduce_max3A : i1 to vector<16xi1>
      %reduce_max3A_436 = tpu.scan <max>, %get3A_434 masked %reduce_max3A_435 : vector<16xf32>, vector<16xi1> -> vector<16xf32>
      %reduce_max3A_437 = vector.extract %reduce_max3A_436[15] : f32 from vector<16xf32>
      %eq3A_438 = vector.broadcast %reduce_max3A_437 : f32 to vector<16xf32>
      %eq3A_439 = arith.cmpf oeq, %get3A_434, %eq3A_438 : vector<16xf32>
      %mul3A_440 = arith.constant 16 : i32
      %mul3A_441 = arith.muli %while3A_428, %mul3A_440 : i32
      %add3A_442 = vector.broadcast %mul3A_441 : i32 to vector<16xi32>
      %add3A_443 = arith.addi %add3A_442, %iota3A_295 : vector<16xi32>
      %jit3A_444 = arith.constant 1073741824 : i32
      %broadcast_in_dim3A_445 = vector.broadcast %jit3A_444 : i32 to vector<16xi32>
      %select_n3A_446 = arith.select %eq3A_439, %add3A_443, %broadcast_in_dim3A_445 : vector<16xi1>, vector<16xi32>
      %reduce_min3A = arith.constant true
      %reduce_min3A_447 = vector.broadcast %reduce_min3A : i1 to vector<16xi1>
      %reduce_min3A_448 = arith.constant -2147483648 : i32
      %reduce_min3A_449 = vector.broadcast %reduce_min3A_448 : i32 to vector<16xi32>
      %reduce_min3A_450 = arith.xori %select_n3A_446, %reduce_min3A_449 : vector<16xi32>
      %reduce_min3A_451 = tpu.scan <min>, %reduce_min3A_450 masked %reduce_min3A_447 : vector<16xi32>, vector<16xi1> -> vector<16xi32>
      %reduce_min3A_452 = arith.xori %reduce_min3A_451, %reduce_min3A_449 : vector<16xi32>
      %reduce_min3A_453 = vector.extract %reduce_min3A_452[15] : i32 from vector<16xi32>
      %gt3A_454 = arith.cmpf ogt, %reduce_max3A_437, %while3A_429 : f32
      %select_n3A_455 = arith.select %gt3A_454, %reduce_max3A_437, %while3A_429 : f32
      %select_n3A_456 = arith.select %gt3A_454, %reduce_min3A_453, %while3A_430 : i32
      scf.yield %select_n3A_455, %select_n3A_456 : f32, i32
    }
    %while3A_307 = arith.constant 1 : i32
    %while3A_308:2 = scf.for %while3A_428 = %while3A_304 to %while3A_300 step %while3A_307 iter_args(%while3A_429 = %while3A_306#0, %while3A_430 = %while3A_306#1) -> (f32, i32)  : i32 {
      %mul3A_431 = arith.constant 16 : i32
      %mul3A_432 = arith.muli %while3A_428, %mul3A_431 : i32
      %get3A_433 = arith.index_cast %mul3A_432 : i32 to index
      %get3A_434 = tpu.vector_load %arg16[%get3A_433] {strides = array<i32>} : memref<5136xf32, #tpu.memory_space<vmem>>, vector<16xf32>,
      %reduce_max3A = arith.constant true
      %reduce_max3A_435 = vector.broadcast %reduce_max3A : i1 to vector<16xi1>
      %reduce_max3A_436 = tpu.scan <max>, %get3A_434 masked %reduce_max3A_435 : vector<16xf32>, vector<16xi1> -> vector<16xf32>
      %reduce_max3A_437 = vector.extract %reduce_max3A_436[15] : f32 from vector<16xf32>
      %eq3A_438 = vector.broadcast %reduce_max3A_437 : f32 to vector<16xf32>
      %eq3A_439 = arith.cmpf oeq, %get3A_434, %eq3A_438 : vector<16xf32>
      %mul3A_440 = arith.constant 16 : i32
      %mul3A_441 = arith.muli %while3A_428, %mul3A_440 : i32
      %add3A_442 = vector.broadcast %mul3A_441 : i32 to vector<16xi32>
      %add3A_443 = arith.addi %add3A_442, %iota3A_295 : vector<16xi32>
      %jit3A_444 = arith.constant 1073741824 : i32
      %broadcast_in_dim3A_445 = vector.broadcast %jit3A_444 : i32 to vector<16xi32>
      %select_n3A_446 = arith.select %eq3A_439, %add3A_443, %broadcast_in_dim3A_445 : vector<16xi1>, vector<16xi32>
      %reduce_min3A = arith.constant true
      %reduce_min3A_447 = vector.broadcast %reduce_min3A : i1 to vector<16xi1>
      %reduce_min3A_448 = arith.constant -2147483648 : i32
      %reduce_min3A_449 = vector.broadcast %reduce_min3A_448 : i32 to vector<16xi32>
      %reduce_min3A_450 = arith.xori %select_n3A_446, %reduce_min3A_449 : vector<16xi32>
      %reduce_min3A_451 = tpu.scan <min>, %reduce_min3A_450 masked %reduce_min3A_447 : vector<16xi32>, vector<16xi1> -> vector<16xi32>
      %reduce_min3A_452 = arith.xori %reduce_min3A_451, %reduce_min3A_449 : vector<16xi32>
      %reduce_min3A_453 = vector.extract %reduce_min3A_452[15] : i32 from vector<16xi32>
      %gt3A_454 = arith.cmpf ogt, %reduce_max3A_437, %while3A_429 : f32
      %select_n3A_455 = arith.select %gt3A_454, %reduce_max3A_437, %while3A_429 : f32
      %select_n3A_456 = arith.select %gt3A_454, %reduce_min3A_453, %while3A_430 : i32
      scf.yield %select_n3A_455, %select_n3A_456 : f32, i32
    }
    %while3A_309 = arith.constant 0 : i32
    %while3A_310:3 = scf.while (%while3A_428 = %while3A_309, %while3A_429 = %while3A_308#0, %while3A_430 = %while3A_308#1) : (i32, f32, i32) -> (i32, f32, i32) {
      %lt3A_431 = arith.constant 300 : i32
      %lt3A_432 = arith.cmpi slt, %while3A_428, %lt3A_431 : i32
      %gt3A_433 = arith.constant 0.000000e+00 : f32
      %gt3A_434 = arith.cmpf ogt, %while3A_429, %gt3A_433 : f32
      %and3A_435 = arith.andi %lt3A_432, %gt3A_434 : i1
      scf.condition(%and3A_435) %while3A_428, %while3A_429, %while3A_430 : i32, f32, i32
    } do {
    ^bb0(%while3A_428: i32, %while3A_429: f32, %while3A_430: i32):
      %get3A_431 = arith.index_cast %while3A_430 : i32 to index
      %get3A_432 = tpu.vector_load %arg15[%get3A_431] {strides = array<i32>} : memref<5136xi32, #tpu.memory_space<vmem>>, vector<16xi32>,
      %slice3A_433 = vector.extract_strided_slice %get3A_432 {offsets = [0], sizes = [1], strides = [1]} : vector<16xi32> to vector<1xi32>
      %squeeze3A_434 = vector.extract %slice3A_433[0] : i32 from vector<1xi32>
      %get3A_435 = arith.index_cast %while3A_430 : i32 to index
      %get3A_436 = tpu.vector_load %arg17[%get3A_435] {strides = array<i32>} : memref<5136xf32, #tpu.memory_space<vmem>>, vector<16xf32>,
      %slice3A_437 = vector.extract_strided_slice %get3A_436 {offsets = [0], sizes = [1], strides = [1]} : vector<16xf32> to vector<1xf32>
      %squeeze3A_438 = vector.extract %slice3A_437[0] : f32 from vector<1xf32>
      %get3A_439 = arith.index_cast %while3A_430 : i32 to index
      %get3A_440 = tpu.vector_load %arg18[%get3A_439] {strides = array<i32>} : memref<5136xf32, #tpu.memory_space<vmem>>, vector<16xf32>,
      %slice3A_441 = vector.extract_strided_slice %get3A_440 {offsets = [0], sizes = [1], strides = [1]} : vector<16xf32> to vector<1xf32>
      %squeeze3A_442 = vector.extract %slice3A_441[0] : f32 from vector<1xf32>
      %get3A_443 = arith.index_cast %while3A_430 : i32 to index
      %get3A_444 = tpu.vector_load %arg19[%get3A_443] {strides = array<i32>} : memref<5136xf32, #tpu.memory_space<vmem>>, vector<16xf32>,
      %slice3A_445 = vector.extract_strided_slice %get3A_444 {offsets = [0], sizes = [1], strides = [1]} : vector<16xf32> to vector<1xf32>
      %squeeze3A_446 = vector.extract %slice3A_445[0] : f32 from vector<1xf32>
      %get3A_447 = arith.index_cast %while3A_430 : i32 to index
      %get3A_448 = tpu.vector_load %arg20[%get3A_447] {strides = array<i32>} : memref<5136xf32, #tpu.memory_space<vmem>>, vector<16xf32>,
      %slice3A_449 = vector.extract_strided_slice %get3A_448 {offsets = [0], sizes = [1], strides = [1]} : vector<16xf32> to vector<1xf32>
      %squeeze3A_450 = vector.extract %slice3A_449[0] : f32 from vector<1xf32>
      %get3A_451 = arith.index_cast %while3A_430 : i32 to index
      %get3A_452 = tpu.vector_load %arg21[%get3A_451] {strides = array<i32>} : memref<5136xf32, #tpu.memory_space<vmem>>, vector<16xf32>,
      %slice3A_453 = vector.extract_strided_slice %get3A_452 {offsets = [0], sizes = [1], strides = [1]} : vector<16xf32> to vector<1xf32>
      %squeeze3A_454 = vector.extract %slice3A_453[0] : f32 from vector<1xf32>
      %add3A_455 = arith.constant 304 : i32
      %add3A_456 = arith.addi %add3A_455, %while3A_428 : i32
      %broadcast_in_dim3A_457 = vector.broadcast %add3A_456 : i32 to vector<16xi32>
      %broadcast_in_dim3A_458 = vector.broadcast %squeeze3A_434 : i32 to vector<16xi32>
      %iota3A_459 = tpu.iota {dimensions = array<i32: 0>} : vector<16xi32>
      %eq3A_460 = arith.constant 0 : i32
      %eq3A_461 = vector.broadcast %eq3A_460 : i32 to vector<16xi32>
      %eq3A_462 = arith.cmpi eq, %iota3A_459, %eq3A_461 : vector<16xi32>
      tpu.vector_store_idx %arg23[%broadcast_in_dim3A_457], %broadcast_in_dim3A_458 masked %eq3A_462 : memref<944xi32, #tpu.memory_space<vmem>>[vector<16xi32>], vector<16xi32>, vector<16xi1>
      %add3A_463 = arith.constant 304 : i32
      %add3A_464 = arith.addi %add3A_463, %while3A_428 : i32
      %broadcast_in_dim3A_465 = vector.broadcast %add3A_464 : i32 to vector<16xi32>
      %broadcast_in_dim3A_466 = vector.broadcast %while3A_429 : f32 to vector<16xf32>
      %iota3A_467 = tpu.iota {dimensions = array<i32: 0>} : vector<16xi32>
      %eq3A_468 = arith.constant 0 : i32
      %eq3A_469 = vector.broadcast %eq3A_468 : i32 to vector<16xi32>
      %eq3A_470 = arith.cmpi eq, %iota3A_467, %eq3A_469 : vector<16xi32>
      tpu.vector_store_idx %arg22[%broadcast_in_dim3A_465], %broadcast_in_dim3A_466 masked %eq3A_470 : memref<944xf32, #tpu.memory_space<vmem>>[vector<16xi32>], vector<16xf32>, vector<16xi1>
      %while3A_471 = arith.constant 0 : i32
      %while3A_472 = arith.constant -3.000000e+38 : f32
      %while3A_473 = arith.constant 0 : i32
      %while3A_474 = arith.subi %select_n3A_282, %while3A_471 : i32
      %while3A_475 = arith.addi %while3A_471, %while3A_474 : i32
      %while3A_476 = arith.constant 1 : i32
      %while3A_477 = arith.divsi %while3A_474, %while3A_476 : i32
      %while3A_478 = arith.muli %while3A_477, %while3A_476 : i32
      %while3A_479 = arith.addi %while3A_471, %while3A_478 : i32
      %while3A_480 = arith.constant 1 : i32
      %while3A_481:2 = scf.for %while3A_486 = %while3A_471 to %while3A_479 step %while3A_480 iter_args(%while3A_487 = %while3A_472, %while3A_488 = %while3A_473) -> (f32, i32)  : i32 {
        %mul3A_489 = arith.constant 16 : i32
        %mul3A_490 = arith.muli %while3A_486, %mul3A_489 : i32
        %get3A_491 = arith.index_cast %mul3A_490 : i32 to index
        %get3A_492 = tpu.vector_load %arg19[%get3A_491] {strides = array<i32>} : memref<5136xf32, #tpu.memory_space<vmem>>, vector<16xf32>,
        %min3A = vector.broadcast %squeeze3A_446 : f32 to vector<16xf32>
        %min3A_493 = arith.minimumf %get3A_492, %min3A : vector<16xf32>
        %get3A_494 = arith.index_cast %mul3A_490 : i32 to index
        %get3A_495 = tpu.vector_load %arg17[%get3A_494] {strides = array<i32>} : memref<5136xf32, #tpu.memory_space<vmem>>, vector<16xf32>,
        %max3A = vector.broadcast %squeeze3A_438 : f32 to vector<16xf32>
        %max3A_496 = arith.maximumf %get3A_495, %max3A : vector<16xf32>
        %sub3A_497 = arith.subf %min3A_493, %max3A_496 : vector<16xf32>
        %max3A_498 = arith.constant 0.000000e+00 : f32
        %max3A_499 = vector.broadcast %max3A_498 : f32 to vector<16xf32>
        %max3A_500 = arith.maximumf %sub3A_497, %max3A_499 : vector<16xf32>
        %get3A_501 = arith.index_cast %mul3A_490 : i32 to index
        %get3A_502 = tpu.vector_load %arg20[%get3A_501] {strides = array<i32>} : memref<5136xf32, #tpu.memory_space<vmem>>, vector<16xf32>,
        %min3A_503 = vector.broadcast %squeeze3A_450 : f32 to vector<16xf32>
        %min3A_504 = arith.minimumf %get3A_502, %min3A_503 : vector<16xf32>
        %get3A_505 = arith.index_cast %mul3A_490 : i32 to index
        %get3A_506 = tpu.vector_load %arg18[%get3A_505] {strides = array<i32>} : memref<5136xf32, #tpu.memory_space<vmem>>, vector<16xf32>,
        %max3A_507 = vector.broadcast %squeeze3A_442 : f32 to vector<16xf32>
        %max3A_508 = arith.maximumf %get3A_506, %max3A_507 : vector<16xf32>
        %sub3A_509 = arith.subf %min3A_504, %max3A_508 : vector<16xf32>
        %max3A_510 = arith.constant 0.000000e+00 : f32
        %max3A_511 = vector.broadcast %max3A_510 : f32 to vector<16xf32>
        %max3A_512 = arith.maximumf %sub3A_509, %max3A_511 : vector<16xf32>
        %mul3A_513 = arith.mulf %max3A_500, %max3A_512 : vector<16xf32>
        %get3A_514 = arith.index_cast %mul3A_490 : i32 to index
        %get3A_515 = tpu.vector_load %arg21[%get3A_514] {strides = array<i32>} : memref<5136xf32, #tpu.memory_space<vmem>>, vector<16xf32>,
        %add3A_516 = vector.broadcast %squeeze3A_454 : f32 to vector<16xf32>
        %add3A_517 = arith.addf %get3A_515, %add3A_516 : vector<16xf32>
        %sub3A_518 = arith.subf %add3A_517, %mul3A_513 : vector<16xf32>
        %add3A_519 = arith.constant 9.99999971E-10 : f32
        %add3A_520 = vector.broadcast %add3A_519 : f32 to vector<16xf32>
        %add3A_521 = arith.addf %sub3A_518, %add3A_520 : vector<16xf32>
        %div3A_522 = arith.divf %mul3A_513, %add3A_521 : vector<16xf32>
        %gt3A_523 = arith.constant 6.000000e-01 : f32
        %gt3A_524 = vector.broadcast %gt3A_523 : f32 to vector<16xf32>
        %gt3A_525 = arith.cmpf ogt, %div3A_522, %gt3A_524 : vector<16xf32>
        %mul3A_526 = arith.constant 16 : i32
        %mul3A_527 = arith.muli %while3A_486, %mul3A_526 : i32
        %add3A_528 = vector.broadcast %mul3A_527 : i32 to vector<16xi32>
        %add3A_529 = arith.addi %add3A_528, %iota3A : vector<16xi32>
        %eq3A_530 = vector.broadcast %while3A_430 : i32 to vector<16xi32>
        %eq3A_531 = arith.cmpi eq, %add3A_529, %eq3A_530 : vector<16xi32>
        %or3A = arith.ori %gt3A_525, %eq3A_531 : vector<16xi1>
        %get3A_532 = arith.index_cast %mul3A_490 : i32 to index
        %get3A_533 = tpu.vector_load %arg16[%get3A_532] {strides = array<i32>} : memref<5136xf32, #tpu.memory_space<vmem>>, vector<16xf32>,
        %jit3A_534 = arith.constant -3.000000e+38 : f32
        %broadcast_in_dim3A_535 = vector.broadcast %jit3A_534 : f32 to vector<16xf32>
        %select_n3A_536 = arith.select %or3A, %broadcast_in_dim3A_535, %get3A_533 : vector<16xi1>, vector<16xf32>
        %swap3A_537 = arith.index_cast %mul3A_490 : i32 to index
        %swap3A_538 = tpu.vector_load %arg16[%swap3A_537] {strides = array<i32>} : memref<5136xf32, #tpu.memory_space<vmem>>, vector<16xf32>,
        tpu.vector_store %arg16[%swap3A_537], %select_n3A_536 {strides = array<i32>} : memref<5136xf32, #tpu.memory_space<vmem>>, vector<16xf32>,
        %reduce_max3A = arith.constant true
        %reduce_max3A_539 = vector.broadcast %reduce_max3A : i1 to vector<16xi1>
        %reduce_max3A_540 = tpu.scan <max>, %select_n3A_536 masked %reduce_max3A_539 : vector<16xf32>, vector<16xi1> -> vector<16xf32>
        %reduce_max3A_541 = vector.extract %reduce_max3A_540[15] : f32 from vector<16xf32>
        %eq3A_542 = vector.broadcast %reduce_max3A_541 : f32 to vector<16xf32>
        %eq3A_543 = arith.cmpf oeq, %select_n3A_536, %eq3A_542 : vector<16xf32>
        %mul3A_544 = arith.constant 16 : i32
        %mul3A_545 = arith.muli %while3A_486, %mul3A_544 : i32
        %add3A_546 = vector.broadcast %mul3A_545 : i32 to vector<16xi32>
        %add3A_547 = arith.addi %add3A_546, %iota3A : vector<16xi32>
        %jit3A_548 = arith.constant 1073741824 : i32
        %broadcast_in_dim3A_549 = vector.broadcast %jit3A_548 : i32 to vector<16xi32>
        %select_n3A_550 = arith.select %eq3A_543, %add3A_547, %broadcast_in_dim3A_549 : vector<16xi1>, vector<16xi32>
        %reduce_min3A = arith.constant true
        %reduce_min3A_551 = vector.broadcast %reduce_min3A : i1 to vector<16xi1>
        %reduce_min3A_552 = arith.constant -2147483648 : i32
        %reduce_min3A_553 = vector.broadcast %reduce_min3A_552 : i32 to vector<16xi32>
        %reduce_min3A_554 = arith.xori %select_n3A_550, %reduce_min3A_553 : vector<16xi32>
        %reduce_min3A_555 = tpu.scan <min>, %reduce_min3A_554 masked %reduce_min3A_551 : vector<16xi32>, vector<16xi1> -> vector<16xi32>
        %reduce_min3A_556 = arith.xori %reduce_min3A_555, %reduce_min3A_553 : vector<16xi32>
        %reduce_min3A_557 = vector.extract %reduce_min3A_556[15] : i32 from vector<16xi32>
        %gt3A_558 = arith.cmpf ogt, %reduce_max3A_541, %while3A_487 : f32
        %select_n3A_559 = arith.select %gt3A_558, %reduce_max3A_541, %while3A_487 : f32
        %select_n3A_560 = arith.select %gt3A_558, %reduce_min3A_557, %while3A_488 : i32
        scf.yield %select_n3A_559, %select_n3A_560 : f32, i32
      }
      %while3A_482 = arith.constant 1 : i32
      %while3A_483:2 = scf.for %while3A_486 = %while3A_479 to %while3A_475 step %while3A_482 iter_args(%while3A_487 = %while3A_481#0, %while3A_488 = %while3A_481#1) -> (f32, i32)  : i32 {
        %mul3A_489 = arith.constant 16 : i32
        %mul3A_490 = arith.muli %while3A_486, %mul3A_489 : i32
        %get3A_491 = arith.index_cast %mul3A_490 : i32 to index
        %get3A_492 = tpu.vector_load %arg19[%get3A_491] {strides = array<i32>} : memref<5136xf32, #tpu.memory_space<vmem>>, vector<16xf32>,
        %min3A = vector.broadcast %squeeze3A_446 : f32 to vector<16xf32>
        %min3A_493 = arith.minimumf %get3A_492, %min3A : vector<16xf32>
        %get3A_494 = arith.index_cast %mul3A_490 : i32 to index
        %get3A_495 = tpu.vector_load %arg17[%get3A_494] {strides = array<i32>} : memref<5136xf32, #tpu.memory_space<vmem>>, vector<16xf32>,
        %max3A = vector.broadcast %squeeze3A_438 : f32 to vector<16xf32>
        %max3A_496 = arith.maximumf %get3A_495, %max3A : vector<16xf32>
        %sub3A_497 = arith.subf %min3A_493, %max3A_496 : vector<16xf32>
        %max3A_498 = arith.constant 0.000000e+00 : f32
        %max3A_499 = vector.broadcast %max3A_498 : f32 to vector<16xf32>
        %max3A_500 = arith.maximumf %sub3A_497, %max3A_499 : vector<16xf32>
        %get3A_501 = arith.index_cast %mul3A_490 : i32 to index
        %get3A_502 = tpu.vector_load %arg20[%get3A_501] {strides = array<i32>} : memref<5136xf32, #tpu.memory_space<vmem>>, vector<16xf32>,
        %min3A_503 = vector.broadcast %squeeze3A_450 : f32 to vector<16xf32>
        %min3A_504 = arith.minimumf %get3A_502, %min3A_503 : vector<16xf32>
        %get3A_505 = arith.index_cast %mul3A_490 : i32 to index
        %get3A_506 = tpu.vector_load %arg18[%get3A_505] {strides = array<i32>} : memref<5136xf32, #tpu.memory_space<vmem>>, vector<16xf32>,
        %max3A_507 = vector.broadcast %squeeze3A_442 : f32 to vector<16xf32>
        %max3A_508 = arith.maximumf %get3A_506, %max3A_507 : vector<16xf32>
        %sub3A_509 = arith.subf %min3A_504, %max3A_508 : vector<16xf32>
        %max3A_510 = arith.constant 0.000000e+00 : f32
        %max3A_511 = vector.broadcast %max3A_510 : f32 to vector<16xf32>
        %max3A_512 = arith.maximumf %sub3A_509, %max3A_511 : vector<16xf32>
        %mul3A_513 = arith.mulf %max3A_500, %max3A_512 : vector<16xf32>
        %get3A_514 = arith.index_cast %mul3A_490 : i32 to index
        %get3A_515 = tpu.vector_load %arg21[%get3A_514] {strides = array<i32>} : memref<5136xf32, #tpu.memory_space<vmem>>, vector<16xf32>,
        %add3A_516 = vector.broadcast %squeeze3A_454 : f32 to vector<16xf32>
        %add3A_517 = arith.addf %get3A_515, %add3A_516 : vector<16xf32>
        %sub3A_518 = arith.subf %add3A_517, %mul3A_513 : vector<16xf32>
        %add3A_519 = arith.constant 9.99999971E-10 : f32
        %add3A_520 = vector.broadcast %add3A_519 : f32 to vector<16xf32>
        %add3A_521 = arith.addf %sub3A_518, %add3A_520 : vector<16xf32>
        %div3A_522 = arith.divf %mul3A_513, %add3A_521 : vector<16xf32>
        %gt3A_523 = arith.constant 6.000000e-01 : f32
        %gt3A_524 = vector.broadcast %gt3A_523 : f32 to vector<16xf32>
        %gt3A_525 = arith.cmpf ogt, %div3A_522, %gt3A_524 : vector<16xf32>
        %mul3A_526 = arith.constant 16 : i32
        %mul3A_527 = arith.muli %while3A_486, %mul3A_526 : i32
        %add3A_528 = vector.broadcast %mul3A_527 : i32 to vector<16xi32>
        %add3A_529 = arith.addi %add3A_528, %iota3A : vector<16xi32>
        %eq3A_530 = vector.broadcast %while3A_430 : i32 to vector<16xi32>
        %eq3A_531 = arith.cmpi eq, %add3A_529, %eq3A_530 : vector<16xi32>
        %or3A = arith.ori %gt3A_525, %eq3A_531 : vector<16xi1>
        %get3A_532 = arith.index_cast %mul3A_490 : i32 to index
        %get3A_533 = tpu.vector_load %arg16[%get3A_532] {strides = array<i32>} : memref<5136xf32, #tpu.memory_space<vmem>>, vector<16xf32>,
        %jit3A_534 = arith.constant -3.000000e+38 : f32
        %broadcast_in_dim3A_535 = vector.broadcast %jit3A_534 : f32 to vector<16xf32>
        %select_n3A_536 = arith.select %or3A, %broadcast_in_dim3A_535, %get3A_533 : vector<16xi1>, vector<16xf32>
        %swap3A_537 = arith.index_cast %mul3A_490 : i32 to index
        %swap3A_538 = tpu.vector_load %arg16[%swap3A_537] {strides = array<i32>} : memref<5136xf32, #tpu.memory_space<vmem>>, vector<16xf32>,
        tpu.vector_store %arg16[%swap3A_537], %select_n3A_536 {strides = array<i32>} : memref<5136xf32, #tpu.memory_space<vmem>>, vector<16xf32>,
        %reduce_max3A = arith.constant true
        %reduce_max3A_539 = vector.broadcast %reduce_max3A : i1 to vector<16xi1>
        %reduce_max3A_540 = tpu.scan <max>, %select_n3A_536 masked %reduce_max3A_539 : vector<16xf32>, vector<16xi1> -> vector<16xf32>
        %reduce_max3A_541 = vector.extract %reduce_max3A_540[15] : f32 from vector<16xf32>
        %eq3A_542 = vector.broadcast %reduce_max3A_541 : f32 to vector<16xf32>
        %eq3A_543 = arith.cmpf oeq, %select_n3A_536, %eq3A_542 : vector<16xf32>
        %mul3A_544 = arith.constant 16 : i32
        %mul3A_545 = arith.muli %while3A_486, %mul3A_544 : i32
        %add3A_546 = vector.broadcast %mul3A_545 : i32 to vector<16xi32>
        %add3A_547 = arith.addi %add3A_546, %iota3A : vector<16xi32>
        %jit3A_548 = arith.constant 1073741824 : i32
        %broadcast_in_dim3A_549 = vector.broadcast %jit3A_548 : i32 to vector<16xi32>
        %select_n3A_550 = arith.select %eq3A_543, %add3A_547, %broadcast_in_dim3A_549 : vector<16xi1>, vector<16xi32>
        %reduce_min3A = arith.constant true
        %reduce_min3A_551 = vector.broadcast %reduce_min3A : i1 to vector<16xi1>
        %reduce_min3A_552 = arith.constant -2147483648 : i32
        %reduce_min3A_553 = vector.broadcast %reduce_min3A_552 : i32 to vector<16xi32>
        %reduce_min3A_554 = arith.xori %select_n3A_550, %reduce_min3A_553 : vector<16xi32>
        %reduce_min3A_555 = tpu.scan <min>, %reduce_min3A_554 masked %reduce_min3A_551 : vector<16xi32>, vector<16xi1> -> vector<16xi32>
        %reduce_min3A_556 = arith.xori %reduce_min3A_555, %reduce_min3A_553 : vector<16xi32>
        %reduce_min3A_557 = vector.extract %reduce_min3A_556[15] : i32 from vector<16xi32>
        %gt3A_558 = arith.cmpf ogt, %reduce_max3A_541, %while3A_487 : f32
        %select_n3A_559 = arith.select %gt3A_558, %reduce_max3A_541, %while3A_487 : f32
        %select_n3A_560 = arith.select %gt3A_558, %reduce_min3A_557, %while3A_488 : i32
        scf.yield %select_n3A_559, %select_n3A_560 : f32, i32
      }
      %add3A_484 = arith.constant 1 : i32
      %add3A_485 = arith.addi %while3A_428, %add3A_484 : i32
      scf.yield %add3A_485, %while3A_483#0, %while3A_483#1 : i32, f32, i32
    }
    %add3A_311 = arith.constant 2 : i32
    %add3A_312 = arith.addi %select_n3A, %add3A_311 : i32
    %convert_element_type3A_313 = arith.sitofp %add3A_312 : i32 to f32
    %while3A_314 = arith.constant 0 : i32
    %while3A_315 = arith.constant 0 : i32
    %while3A_316 = arith.subi %select_n3A_145, %while3A_314 : i32
    %while3A_317 = arith.addi %while3A_314, %while3A_316 : i32
    %while3A_318 = arith.constant 1 : i32
    %while3A_319 = arith.divsi %while3A_316, %while3A_318 : i32
    %while3A_320 = arith.muli %while3A_319, %while3A_318 : i32
    %while3A_321 = arith.addi %while3A_314, %while3A_320 : i32
    %while3A_322 = arith.constant 1 : i32
    %while3A_323 = scf.for %while3A_428 = %while3A_314 to %while3A_321 step %while3A_322 iter_args(%while3A_429 = %while3A_315) -> (i32)  : i32 {
      %mul3A_430 = arith.constant 16 : i32
      %mul3A_431 = arith.muli %while3A_428, %mul3A_430 : i32
      %get3A_432 = arith.index_cast %mul3A_431 : i32 to index
      %get3A_433 = tpu.vector_load %arg14[%get3A_432] {strides = array<i32>} : memref<5136xf32, #tpu.memory_space<vmem>>, vector<16xf32>,
      %eq3A_434 = vector.broadcast %convert_element_type3A_313 : f32 to vector<16xf32>
      %eq3A_435 = arith.cmpf oeq, %get3A_433, %eq3A_434 : vector<16xf32>
      %mul3A_436 = arith.constant 16 : i32
      %mul3A_437 = arith.muli %while3A_428, %mul3A_436 : i32
      %get3A_438 = arith.index_cast %mul3A_437 : i32 to index
      %get3A_439 = tpu.vector_load %arg12[%get3A_438] {strides = array<i32>} : memref<5136xi32, #tpu.memory_space<vmem>>, vector<16xi32>,
      %swap3A_440 = arith.index_cast %while3A_429 : i32 to index
      %swap3A_441 = tpu.vector_load %arg15[%swap3A_440] masked %eq3A_435 {strides = array<i32>} : memref<5136xi32, #tpu.memory_space<vmem>>, vector<16xi32>, vector<16xi1>
      tpu.vector_store %arg15[%swap3A_440], %get3A_439 masked %eq3A_435 {strides = array<i32>} : memref<5136xi32, #tpu.memory_space<vmem>>, vector<16xi32>, vector<16xi1>
      %mul3A_442 = arith.constant 16 : i32
      %mul3A_443 = arith.muli %while3A_428, %mul3A_442 : i32
      %get3A_444 = arith.index_cast %mul3A_443 : i32 to index
      %get3A_445 = tpu.vector_load %arg13[%get3A_444] {strides = array<i32>} : memref<5136xf32, #tpu.memory_space<vmem>>, vector<16xf32>,
      %swap3A_446 = arith.index_cast %while3A_429 : i32 to index
      %swap3A_447 = tpu.vector_load %arg16[%swap3A_446] masked %eq3A_435 {strides = array<i32>} : memref<5136xf32, #tpu.memory_space<vmem>>, vector<16xf32>, vector<16xi1>
      tpu.vector_store %arg16[%swap3A_446], %get3A_445 masked %eq3A_435 {strides = array<i32>} : memref<5136xf32, #tpu.memory_space<vmem>>, vector<16xf32>, vector<16xi1>
      %convert_element_type3A_448 = arith.extui %eq3A_435 : vector<16xi1> to vector<16xi32>
      %reduce_sum3A = arith.constant true
      %reduce_sum3A_449 = vector.broadcast %reduce_sum3A : i1 to vector<16xi1>
      %reduce_sum3A_450 = tpu.scan <sum>, %convert_element_type3A_448 masked %reduce_sum3A_449 : vector<16xi32>, vector<16xi1> -> vector<16xi32>
      %reduce_sum3A_451 = vector.extract %reduce_sum3A_450[15] : i32 from vector<16xi32>
      %add3A_452 = arith.addi %while3A_429, %reduce_sum3A_451 : i32
      scf.yield %add3A_452 : i32
    }
    %while3A_324 = arith.constant 1 : i32
    %while3A_325 = scf.for %while3A_428 = %while3A_321 to %while3A_317 step %while3A_324 iter_args(%while3A_429 = %while3A_323) -> (i32)  : i32 {
      %mul3A_430 = arith.constant 16 : i32
      %mul3A_431 = arith.muli %while3A_428, %mul3A_430 : i32
      %get3A_432 = arith.index_cast %mul3A_431 : i32 to index
      %get3A_433 = tpu.vector_load %arg14[%get3A_432] {strides = array<i32>} : memref<5136xf32, #tpu.memory_space<vmem>>, vector<16xf32>,
      %eq3A_434 = vector.broadcast %convert_element_type3A_313 : f32 to vector<16xf32>
      %eq3A_435 = arith.cmpf oeq, %get3A_433, %eq3A_434 : vector<16xf32>
      %mul3A_436 = arith.constant 16 : i32
      %mul3A_437 = arith.muli %while3A_428, %mul3A_436 : i32
      %get3A_438 = arith.index_cast %mul3A_437 : i32 to index
      %get3A_439 = tpu.vector_load %arg12[%get3A_438] {strides = array<i32>} : memref<5136xi32, #tpu.memory_space<vmem>>, vector<16xi32>,
      %swap3A_440 = arith.index_cast %while3A_429 : i32 to index
      %swap3A_441 = tpu.vector_load %arg15[%swap3A_440] masked %eq3A_435 {strides = array<i32>} : memref<5136xi32, #tpu.memory_space<vmem>>, vector<16xi32>, vector<16xi1>
      tpu.vector_store %arg15[%swap3A_440], %get3A_439 masked %eq3A_435 {strides = array<i32>} : memref<5136xi32, #tpu.memory_space<vmem>>, vector<16xi32>, vector<16xi1>
      %mul3A_442 = arith.constant 16 : i32
      %mul3A_443 = arith.muli %while3A_428, %mul3A_442 : i32
      %get3A_444 = arith.index_cast %mul3A_443 : i32 to index
      %get3A_445 = tpu.vector_load %arg13[%get3A_444] {strides = array<i32>} : memref<5136xf32, #tpu.memory_space<vmem>>, vector<16xf32>,
      %swap3A_446 = arith.index_cast %while3A_429 : i32 to index
      %swap3A_447 = tpu.vector_load %arg16[%swap3A_446] masked %eq3A_435 {strides = array<i32>} : memref<5136xf32, #tpu.memory_space<vmem>>, vector<16xf32>, vector<16xi1>
      tpu.vector_store %arg16[%swap3A_446], %get3A_445 masked %eq3A_435 {strides = array<i32>} : memref<5136xf32, #tpu.memory_space<vmem>>, vector<16xf32>, vector<16xi1>
      %convert_element_type3A_448 = arith.extui %eq3A_435 : vector<16xi1> to vector<16xi32>
      %reduce_sum3A = arith.constant true
      %reduce_sum3A_449 = vector.broadcast %reduce_sum3A : i1 to vector<16xi1>
      %reduce_sum3A_450 = tpu.scan <sum>, %convert_element_type3A_448 masked %reduce_sum3A_449 : vector<16xi32>, vector<16xi1> -> vector<16xi32>
      %reduce_sum3A_451 = vector.extract %reduce_sum3A_450[15] : i32 from vector<16xi32>
      %add3A_452 = arith.addi %while3A_429, %reduce_sum3A_451 : i32
      scf.yield %add3A_452 : i32
    }
    %broadcast_in_dim3A_326 = arith.constant 0 : i32
    %broadcast_in_dim3A_327 = vector.broadcast %broadcast_in_dim3A_326 : i32 to vector<16xi32>
    %swap3A_328 = arith.index_cast %while3A_325 : i32 to index
    %swap3A_329 = tpu.vector_load %arg15[%swap3A_328] {strides = array<i32>} : memref<5136xi32, #tpu.memory_space<vmem>>, vector<16xi32>,
    tpu.vector_store %arg15[%swap3A_328], %broadcast_in_dim3A_327 {strides = array<i32>} : memref<5136xi32, #tpu.memory_space<vmem>>, vector<16xi32>,
    %broadcast_in_dim3A_330 = arith.constant -3.000000e+38 : f32
    %broadcast_in_dim3A_331 = vector.broadcast %broadcast_in_dim3A_330 : f32 to vector<16xf32>
    %swap3A_332 = arith.index_cast %while3A_325 : i32 to index
    %swap3A_333 = tpu.vector_load %arg16[%swap3A_332] {strides = array<i32>} : memref<5136xf32, #tpu.memory_space<vmem>>, vector<16xf32>,
    tpu.vector_store %arg16[%swap3A_332], %broadcast_in_dim3A_331 {strides = array<i32>} : memref<5136xf32, #tpu.memory_space<vmem>>, vector<16xf32>,
    %add3A_334 = arith.constant 15 : i32
    %add3A_335 = arith.addi %while3A_325, %add3A_334 : i32
    %jit3A_336 = arith.constant 16 : i32
    %div3A_337 = arith.divsi %add3A_335, %jit3A_336 : i32
    %sign3A_338 = arith.constant 0 : i32
    %sign3A_339 = arith.cmpi sgt, %add3A_335, %sign3A_338 : i32
    %sign3A_340 = arith.extui %sign3A_339 : i1 to i32
    %sign3A_341 = arith.constant 0 : i32
    %sign3A_342 = arith.cmpi slt, %add3A_335, %sign3A_341 : i32
    %sign3A_343 = arith.extui %sign3A_342 : i1 to i32
    %sign3A_344 = arith.subi %sign3A_340, %sign3A_343 : i32
    %sign3A_345 = arith.constant 0 : i32
    %sign3A_346 = arith.cmpi sgt, %jit3A_336, %sign3A_345 : i32
    %sign3A_347 = arith.extui %sign3A_346 : i1 to i32
    %sign3A_348 = arith.constant 0 : i32
    %sign3A_349 = arith.cmpi slt, %jit3A_336, %sign3A_348 : i32
    %sign3A_350 = arith.extui %sign3A_349 : i1 to i32
    %sign3A_351 = arith.subi %sign3A_347, %sign3A_350 : i32
    %ne3A_352 = arith.cmpi ne, %sign3A_344, %sign3A_351 : i32
    %rem3A_353 = arith.remsi %add3A_335, %jit3A_336 : i32
    %ne3A_354 = arith.constant 0 : i32
    %ne3A_355 = arith.cmpi ne, %rem3A_353, %ne3A_354 : i32
    %and3A_356 = arith.andi %ne3A_352, %ne3A_355 : i1
    %sub3A_357 = arith.constant 1 : i32
    %sub3A_358 = arith.subi %div3A_337, %sub3A_357 : i32
    %select_n3A_359 = arith.select %and3A_356, %sub3A_358, %div3A_337 : i32
    %while3A_360 = arith.constant 0 : i32
    %while3A_361 = arith.constant 0 : i32
    %while3A_362 = arith.subi %select_n3A_359, %while3A_360 : i32
    %while3A_363 = arith.addi %while3A_360, %while3A_362 : i32
    %while3A_364 = arith.constant 1 : i32
    %while3A_365 = arith.divsi %while3A_362, %while3A_364 : i32
    %while3A_366 = arith.muli %while3A_365, %while3A_364 : i32
    %while3A_367 = arith.addi %while3A_360, %while3A_366 : i32
    %while3A_368 = arith.constant 1 : i32
    %while3A_369 = scf.for %while3A_428 = %while3A_360 to %while3A_367 step %while3A_368 iter_args(%while3A_429 = %while3A_361) -> (i32)  : i32 {
      %mul3A_430 = arith.constant 16 : i32
      %mul3A_431 = arith.muli %while3A_428, %mul3A_430 : i32
      %get3A_432 = arith.index_cast %mul3A_431 : i32 to index
      %get3A_433 = tpu.vector_load %arg15[%get3A_432] {strides = array<i32>} : memref<5136xi32, #tpu.memory_space<vmem>>, vector<16xi32>,
      %gather3A = tpu.vector_load_idx %arg7[%get3A_433] : memref<5120xf32, #tpu.memory_space<vmem>>[vector<16xi32>], vector<16xf32>,
      %mul3A_434 = arith.constant 16 : i32
      %mul3A_435 = arith.muli %while3A_428, %mul3A_434 : i32
      %swap3A_436 = arith.index_cast %mul3A_435 : i32 to index
      %swap3A_437 = tpu.vector_load %arg17[%swap3A_436] {strides = array<i32>} : memref<5136xf32, #tpu.memory_space<vmem>>, vector<16xf32>,
      tpu.vector_store %arg17[%swap3A_436], %gather3A {strides = array<i32>} : memref<5136xf32, #tpu.memory_space<vmem>>, vector<16xf32>,
      %gather3A_438 = tpu.vector_load_idx %arg8[%get3A_433] : memref<5120xf32, #tpu.memory_space<vmem>>[vector<16xi32>], vector<16xf32>,
      %mul3A_439 = arith.constant 16 : i32
      %mul3A_440 = arith.muli %while3A_428, %mul3A_439 : i32
      %swap3A_441 = arith.index_cast %mul3A_440 : i32 to index
      %swap3A_442 = tpu.vector_load %arg18[%swap3A_441] {strides = array<i32>} : memref<5136xf32, #tpu.memory_space<vmem>>, vector<16xf32>,
      tpu.vector_store %arg18[%swap3A_441], %gather3A_438 {strides = array<i32>} : memref<5136xf32, #tpu.memory_space<vmem>>, vector<16xf32>,
      %gather3A_443 = tpu.vector_load_idx %arg9[%get3A_433] : memref<5120xf32, #tpu.memory_space<vmem>>[vector<16xi32>], vector<16xf32>,
      %mul3A_444 = arith.constant 16 : i32
      %mul3A_445 = arith.muli %while3A_428, %mul3A_444 : i32
      %swap3A_446 = arith.index_cast %mul3A_445 : i32 to index
      %swap3A_447 = tpu.vector_load %arg19[%swap3A_446] {strides = array<i32>} : memref<5136xf32, #tpu.memory_space<vmem>>, vector<16xf32>,
      tpu.vector_store %arg19[%swap3A_446], %gather3A_443 {strides = array<i32>} : memref<5136xf32, #tpu.memory_space<vmem>>, vector<16xf32>,
      %gather3A_448 = tpu.vector_load_idx %arg10[%get3A_433] : memref<5120xf32, #tpu.memory_space<vmem>>[vector<16xi32>], vector<16xf32>,
      %mul3A_449 = arith.constant 16 : i32
      %mul3A_450 = arith.muli %while3A_428, %mul3A_449 : i32
      %swap3A_451 = arith.index_cast %mul3A_450 : i32 to index
      %swap3A_452 = tpu.vector_load %arg20[%swap3A_451] {strides = array<i32>} : memref<5136xf32, #tpu.memory_space<vmem>>, vector<16xf32>,
      tpu.vector_store %arg20[%swap3A_451], %gather3A_448 {strides = array<i32>} : memref<5136xf32, #tpu.memory_space<vmem>>, vector<16xf32>,
      %gather3A_453 = tpu.vector_load_idx %arg11[%get3A_433] : memref<5120xf32, #tpu.memory_space<vmem>>[vector<16xi32>], vector<16xf32>,
      %mul3A_454 = arith.constant 16 : i32
      %mul3A_455 = arith.muli %while3A_428, %mul3A_454 : i32
      %swap3A_456 = arith.index_cast %mul3A_455 : i32 to index
      %swap3A_457 = tpu.vector_load %arg21[%swap3A_456] {strides = array<i32>} : memref<5136xf32, #tpu.memory_space<vmem>>, vector<16xf32>,
      tpu.vector_store %arg21[%swap3A_456], %gather3A_453 {strides = array<i32>} : memref<5136xf32, #tpu.memory_space<vmem>>, vector<16xf32>,
      %while3A_458 = arith.constant 0 : i32
      scf.yield %while3A_458 : i32
    }
    %while3A_370 = arith.constant 1 : i32
    %while3A_371 = scf.for %while3A_428 = %while3A_367 to %while3A_363 step %while3A_370 iter_args(%while3A_429 = %while3A_369) -> (i32)  : i32 {
      %mul3A_430 = arith.constant 16 : i32
      %mul3A_431 = arith.muli %while3A_428, %mul3A_430 : i32
      %get3A_432 = arith.index_cast %mul3A_431 : i32 to index
      %get3A_433 = tpu.vector_load %arg15[%get3A_432] {strides = array<i32>} : memref<5136xi32, #tpu.memory_space<vmem>>, vector<16xi32>,
      %gather3A = tpu.vector_load_idx %arg7[%get3A_433] : memref<5120xf32, #tpu.memory_space<vmem>>[vector<16xi32>], vector<16xf32>,
      %mul3A_434 = arith.constant 16 : i32
      %mul3A_435 = arith.muli %while3A_428, %mul3A_434 : i32
      %swap3A_436 = arith.index_cast %mul3A_435 : i32 to index
      %swap3A_437 = tpu.vector_load %arg17[%swap3A_436] {strides = array<i32>} : memref<5136xf32, #tpu.memory_space<vmem>>, vector<16xf32>,
      tpu.vector_store %arg17[%swap3A_436], %gather3A {strides = array<i32>} : memref<5136xf32, #tpu.memory_space<vmem>>, vector<16xf32>,
      %gather3A_438 = tpu.vector_load_idx %arg8[%get3A_433] : memref<5120xf32, #tpu.memory_space<vmem>>[vector<16xi32>], vector<16xf32>,
      %mul3A_439 = arith.constant 16 : i32
      %mul3A_440 = arith.muli %while3A_428, %mul3A_439 : i32
      %swap3A_441 = arith.index_cast %mul3A_440 : i32 to index
      %swap3A_442 = tpu.vector_load %arg18[%swap3A_441] {strides = array<i32>} : memref<5136xf32, #tpu.memory_space<vmem>>, vector<16xf32>,
      tpu.vector_store %arg18[%swap3A_441], %gather3A_438 {strides = array<i32>} : memref<5136xf32, #tpu.memory_space<vmem>>, vector<16xf32>,
      %gather3A_443 = tpu.vector_load_idx %arg9[%get3A_433] : memref<5120xf32, #tpu.memory_space<vmem>>[vector<16xi32>], vector<16xf32>,
      %mul3A_444 = arith.constant 16 : i32
      %mul3A_445 = arith.muli %while3A_428, %mul3A_444 : i32
      %swap3A_446 = arith.index_cast %mul3A_445 : i32 to index
      %swap3A_447 = tpu.vector_load %arg19[%swap3A_446] {strides = array<i32>} : memref<5136xf32, #tpu.memory_space<vmem>>, vector<16xf32>,
      tpu.vector_store %arg19[%swap3A_446], %gather3A_443 {strides = array<i32>} : memref<5136xf32, #tpu.memory_space<vmem>>, vector<16xf32>,
      %gather3A_448 = tpu.vector_load_idx %arg10[%get3A_433] : memref<5120xf32, #tpu.memory_space<vmem>>[vector<16xi32>], vector<16xf32>,
      %mul3A_449 = arith.constant 16 : i32
      %mul3A_450 = arith.muli %while3A_428, %mul3A_449 : i32
      %swap3A_451 = arith.index_cast %mul3A_450 : i32 to index
      %swap3A_452 = tpu.vector_load %arg20[%swap3A_451] {strides = array<i32>} : memref<5136xf32, #tpu.memory_space<vmem>>, vector<16xf32>,
      tpu.vector_store %arg20[%swap3A_451], %gather3A_448 {strides = array<i32>} : memref<5136xf32, #tpu.memory_space<vmem>>, vector<16xf32>,
      %gather3A_453 = tpu.vector_load_idx %arg11[%get3A_433] : memref<5120xf32, #tpu.memory_space<vmem>>[vector<16xi32>], vector<16xf32>,
      %mul3A_454 = arith.constant 16 : i32
      %mul3A_455 = arith.muli %while3A_428, %mul3A_454 : i32
      %swap3A_456 = arith.index_cast %mul3A_455 : i32 to index
      %swap3A_457 = tpu.vector_load %arg21[%swap3A_456] {strides = array<i32>} : memref<5136xf32, #tpu.memory_space<vmem>>, vector<16xf32>,
      tpu.vector_store %arg21[%swap3A_456], %gather3A_453 {strides = array<i32>} : memref<5136xf32, #tpu.memory_space<vmem>>, vector<16xf32>,
      %while3A_458 = arith.constant 0 : i32
      scf.yield %while3A_458 : i32
    }
    %iota3A_372 = tpu.iota {dimensions = array<i32: 0>} : vector<16xi32>
    %while3A_373 = arith.constant 0 : i32
    %while3A_374 = arith.constant -3.000000e+38 : f32
    %while3A_375 = arith.constant 0 : i32
    %while3A_376 = arith.subi %select_n3A_359, %while3A_373 : i32
    %while3A_377 = arith.addi %while3A_373, %while3A_376 : i32
    %while3A_378 = arith.constant 1 : i32
    %while3A_379 = arith.divsi %while3A_376, %while3A_378 : i32
    %while3A_380 = arith.muli %while3A_379, %while3A_378 : i32
    %while3A_381 = arith.addi %while3A_373, %while3A_380 : i32
    %while3A_382 = arith.constant 1 : i32
    %while3A_383:2 = scf.for %while3A_428 = %while3A_373 to %while3A_381 step %while3A_382 iter_args(%while3A_429 = %while3A_374, %while3A_430 = %while3A_375) -> (f32, i32)  : i32 {
      %mul3A_431 = arith.constant 16 : i32
      %mul3A_432 = arith.muli %while3A_428, %mul3A_431 : i32
      %get3A_433 = arith.index_cast %mul3A_432 : i32 to index
      %get3A_434 = tpu.vector_load %arg16[%get3A_433] {strides = array<i32>} : memref<5136xf32, #tpu.memory_space<vmem>>, vector<16xf32>,
      %reduce_max3A = arith.constant true
      %reduce_max3A_435 = vector.broadcast %reduce_max3A : i1 to vector<16xi1>
      %reduce_max3A_436 = tpu.scan <max>, %get3A_434 masked %reduce_max3A_435 : vector<16xf32>, vector<16xi1> -> vector<16xf32>
      %reduce_max3A_437 = vector.extract %reduce_max3A_436[15] : f32 from vector<16xf32>
      %eq3A_438 = vector.broadcast %reduce_max3A_437 : f32 to vector<16xf32>
      %eq3A_439 = arith.cmpf oeq, %get3A_434, %eq3A_438 : vector<16xf32>
      %mul3A_440 = arith.constant 16 : i32
      %mul3A_441 = arith.muli %while3A_428, %mul3A_440 : i32
      %add3A_442 = vector.broadcast %mul3A_441 : i32 to vector<16xi32>
      %add3A_443 = arith.addi %add3A_442, %iota3A_372 : vector<16xi32>
      %jit3A_444 = arith.constant 1073741824 : i32
      %broadcast_in_dim3A_445 = vector.broadcast %jit3A_444 : i32 to vector<16xi32>
      %select_n3A_446 = arith.select %eq3A_439, %add3A_443, %broadcast_in_dim3A_445 : vector<16xi1>, vector<16xi32>
      %reduce_min3A = arith.constant true
      %reduce_min3A_447 = vector.broadcast %reduce_min3A : i1 to vector<16xi1>
      %reduce_min3A_448 = arith.constant -2147483648 : i32
      %reduce_min3A_449 = vector.broadcast %reduce_min3A_448 : i32 to vector<16xi32>
      %reduce_min3A_450 = arith.xori %select_n3A_446, %reduce_min3A_449 : vector<16xi32>
      %reduce_min3A_451 = tpu.scan <min>, %reduce_min3A_450 masked %reduce_min3A_447 : vector<16xi32>, vector<16xi1> -> vector<16xi32>
      %reduce_min3A_452 = arith.xori %reduce_min3A_451, %reduce_min3A_449 : vector<16xi32>
      %reduce_min3A_453 = vector.extract %reduce_min3A_452[15] : i32 from vector<16xi32>
      %gt3A_454 = arith.cmpf ogt, %reduce_max3A_437, %while3A_429 : f32
      %select_n3A_455 = arith.select %gt3A_454, %reduce_max3A_437, %while3A_429 : f32
      %select_n3A_456 = arith.select %gt3A_454, %reduce_min3A_453, %while3A_430 : i32
      scf.yield %select_n3A_455, %select_n3A_456 : f32, i32
    }
    %while3A_384 = arith.constant 1 : i32
    %while3A_385:2 = scf.for %while3A_428 = %while3A_381 to %while3A_377 step %while3A_384 iter_args(%while3A_429 = %while3A_383#0, %while3A_430 = %while3A_383#1) -> (f32, i32)  : i32 {
      %mul3A_431 = arith.constant 16 : i32
      %mul3A_432 = arith.muli %while3A_428, %mul3A_431 : i32
      %get3A_433 = arith.index_cast %mul3A_432 : i32 to index
      %get3A_434 = tpu.vector_load %arg16[%get3A_433] {strides = array<i32>} : memref<5136xf32, #tpu.memory_space<vmem>>, vector<16xf32>,
      %reduce_max3A = arith.constant true
      %reduce_max3A_435 = vector.broadcast %reduce_max3A : i1 to vector<16xi1>
      %reduce_max3A_436 = tpu.scan <max>, %get3A_434 masked %reduce_max3A_435 : vector<16xf32>, vector<16xi1> -> vector<16xf32>
      %reduce_max3A_437 = vector.extract %reduce_max3A_436[15] : f32 from vector<16xf32>
      %eq3A_438 = vector.broadcast %reduce_max3A_437 : f32 to vector<16xf32>
      %eq3A_439 = arith.cmpf oeq, %get3A_434, %eq3A_438 : vector<16xf32>
      %mul3A_440 = arith.constant 16 : i32
      %mul3A_441 = arith.muli %while3A_428, %mul3A_440 : i32
      %add3A_442 = vector.broadcast %mul3A_441 : i32 to vector<16xi32>
      %add3A_443 = arith.addi %add3A_442, %iota3A_372 : vector<16xi32>
      %jit3A_444 = arith.constant 1073741824 : i32
      %broadcast_in_dim3A_445 = vector.broadcast %jit3A_444 : i32 to vector<16xi32>
      %select_n3A_446 = arith.select %eq3A_439, %add3A_443, %broadcast_in_dim3A_445 : vector<16xi1>, vector<16xi32>
      %reduce_min3A = arith.constant true
      %reduce_min3A_447 = vector.broadcast %reduce_min3A : i1 to vector<16xi1>
      %reduce_min3A_448 = arith.constant -2147483648 : i32
      %reduce_min3A_449 = vector.broadcast %reduce_min3A_448 : i32 to vector<16xi32>
      %reduce_min3A_450 = arith.xori %select_n3A_446, %reduce_min3A_449 : vector<16xi32>
      %reduce_min3A_451 = tpu.scan <min>, %reduce_min3A_450 masked %reduce_min3A_447 : vector<16xi32>, vector<16xi1> -> vector<16xi32>
      %reduce_min3A_452 = arith.xori %reduce_min3A_451, %reduce_min3A_449 : vector<16xi32>
      %reduce_min3A_453 = vector.extract %reduce_min3A_452[15] : i32 from vector<16xi32>
      %gt3A_454 = arith.cmpf ogt, %reduce_max3A_437, %while3A_429 : f32
      %select_n3A_455 = arith.select %gt3A_454, %reduce_max3A_437, %while3A_429 : f32
      %select_n3A_456 = arith.select %gt3A_454, %reduce_min3A_453, %while3A_430 : i32
      scf.yield %select_n3A_455, %select_n3A_456 : f32, i32
    }
    %while3A_386 = arith.constant 0 : i32
    %while3A_387:3 = scf.while (%while3A_428 = %while3A_386, %while3A_429 = %while3A_385#0, %while3A_430 = %while3A_385#1) : (i32, f32, i32) -> (i32, f32, i32) {
      %lt3A_431 = arith.constant 300 : i32
      %lt3A_432 = arith.cmpi slt, %while3A_428, %lt3A_431 : i32
      %gt3A_433 = arith.constant 0.000000e+00 : f32
      %gt3A_434 = arith.cmpf ogt, %while3A_429, %gt3A_433 : f32
      %and3A_435 = arith.andi %lt3A_432, %gt3A_434 : i1
      scf.condition(%and3A_435) %while3A_428, %while3A_429, %while3A_430 : i32, f32, i32
    } do {
    ^bb0(%while3A_428: i32, %while3A_429: f32, %while3A_430: i32):
      %get3A_431 = arith.index_cast %while3A_430 : i32 to index
      %get3A_432 = tpu.vector_load %arg15[%get3A_431] {strides = array<i32>} : memref<5136xi32, #tpu.memory_space<vmem>>, vector<16xi32>,
      %slice3A_433 = vector.extract_strided_slice %get3A_432 {offsets = [0], sizes = [1], strides = [1]} : vector<16xi32> to vector<1xi32>
      %squeeze3A_434 = vector.extract %slice3A_433[0] : i32 from vector<1xi32>
      %get3A_435 = arith.index_cast %while3A_430 : i32 to index
      %get3A_436 = tpu.vector_load %arg17[%get3A_435] {strides = array<i32>} : memref<5136xf32, #tpu.memory_space<vmem>>, vector<16xf32>,
      %slice3A_437 = vector.extract_strided_slice %get3A_436 {offsets = [0], sizes = [1], strides = [1]} : vector<16xf32> to vector<1xf32>
      %squeeze3A_438 = vector.extract %slice3A_437[0] : f32 from vector<1xf32>
      %get3A_439 = arith.index_cast %while3A_430 : i32 to index
      %get3A_440 = tpu.vector_load %arg18[%get3A_439] {strides = array<i32>} : memref<5136xf32, #tpu.memory_space<vmem>>, vector<16xf32>,
      %slice3A_441 = vector.extract_strided_slice %get3A_440 {offsets = [0], sizes = [1], strides = [1]} : vector<16xf32> to vector<1xf32>
      %squeeze3A_442 = vector.extract %slice3A_441[0] : f32 from vector<1xf32>
      %get3A_443 = arith.index_cast %while3A_430 : i32 to index
      %get3A_444 = tpu.vector_load %arg19[%get3A_443] {strides = array<i32>} : memref<5136xf32, #tpu.memory_space<vmem>>, vector<16xf32>,
      %slice3A_445 = vector.extract_strided_slice %get3A_444 {offsets = [0], sizes = [1], strides = [1]} : vector<16xf32> to vector<1xf32>
      %squeeze3A_446 = vector.extract %slice3A_445[0] : f32 from vector<1xf32>
      %get3A_447 = arith.index_cast %while3A_430 : i32 to index
      %get3A_448 = tpu.vector_load %arg20[%get3A_447] {strides = array<i32>} : memref<5136xf32, #tpu.memory_space<vmem>>, vector<16xf32>,
      %slice3A_449 = vector.extract_strided_slice %get3A_448 {offsets = [0], sizes = [1], strides = [1]} : vector<16xf32> to vector<1xf32>
      %squeeze3A_450 = vector.extract %slice3A_449[0] : f32 from vector<1xf32>
      %get3A_451 = arith.index_cast %while3A_430 : i32 to index
      %get3A_452 = tpu.vector_load %arg21[%get3A_451] {strides = array<i32>} : memref<5136xf32, #tpu.memory_space<vmem>>, vector<16xf32>,
      %slice3A_453 = vector.extract_strided_slice %get3A_452 {offsets = [0], sizes = [1], strides = [1]} : vector<16xf32> to vector<1xf32>
      %squeeze3A_454 = vector.extract %slice3A_453[0] : f32 from vector<1xf32>
      %add3A_455 = arith.constant 608 : i32
      %add3A_456 = arith.addi %add3A_455, %while3A_428 : i32
      %broadcast_in_dim3A_457 = vector.broadcast %add3A_456 : i32 to vector<16xi32>
      %broadcast_in_dim3A_458 = vector.broadcast %squeeze3A_434 : i32 to vector<16xi32>
      %iota3A_459 = tpu.iota {dimensions = array<i32: 0>} : vector<16xi32>
      %eq3A_460 = arith.constant 0 : i32
      %eq3A_461 = vector.broadcast %eq3A_460 : i32 to vector<16xi32>
      %eq3A_462 = arith.cmpi eq, %iota3A_459, %eq3A_461 : vector<16xi32>
      tpu.vector_store_idx %arg23[%broadcast_in_dim3A_457], %broadcast_in_dim3A_458 masked %eq3A_462 : memref<944xi32, #tpu.memory_space<vmem>>[vector<16xi32>], vector<16xi32>, vector<16xi1>
      %add3A_463 = arith.constant 608 : i32
      %add3A_464 = arith.addi %add3A_463, %while3A_428 : i32
      %broadcast_in_dim3A_465 = vector.broadcast %add3A_464 : i32 to vector<16xi32>
      %broadcast_in_dim3A_466 = vector.broadcast %while3A_429 : f32 to vector<16xf32>
      %iota3A_467 = tpu.iota {dimensions = array<i32: 0>} : vector<16xi32>
      %eq3A_468 = arith.constant 0 : i32
      %eq3A_469 = vector.broadcast %eq3A_468 : i32 to vector<16xi32>
      %eq3A_470 = arith.cmpi eq, %iota3A_467, %eq3A_469 : vector<16xi32>
      tpu.vector_store_idx %arg22[%broadcast_in_dim3A_465], %broadcast_in_dim3A_466 masked %eq3A_470 : memref<944xf32, #tpu.memory_space<vmem>>[vector<16xi32>], vector<16xf32>, vector<16xi1>
      %while3A_471 = arith.constant 0 : i32
      %while3A_472 = arith.constant -3.000000e+38 : f32
      %while3A_473 = arith.constant 0 : i32
      %while3A_474 = arith.subi %select_n3A_359, %while3A_471 : i32
      %while3A_475 = arith.addi %while3A_471, %while3A_474 : i32
      %while3A_476 = arith.constant 1 : i32
      %while3A_477 = arith.divsi %while3A_474, %while3A_476 : i32
      %while3A_478 = arith.muli %while3A_477, %while3A_476 : i32
      %while3A_479 = arith.addi %while3A_471, %while3A_478 : i32
      %while3A_480 = arith.constant 1 : i32
      %while3A_481:2 = scf.for %while3A_486 = %while3A_471 to %while3A_479 step %while3A_480 iter_args(%while3A_487 = %while3A_472, %while3A_488 = %while3A_473) -> (f32, i32)  : i32 {
        %mul3A_489 = arith.constant 16 : i32
        %mul3A_490 = arith.muli %while3A_486, %mul3A_489 : i32
        %get3A_491 = arith.index_cast %mul3A_490 : i32 to index
        %get3A_492 = tpu.vector_load %arg19[%get3A_491] {strides = array<i32>} : memref<5136xf32, #tpu.memory_space<vmem>>, vector<16xf32>,
        %min3A = vector.broadcast %squeeze3A_446 : f32 to vector<16xf32>
        %min3A_493 = arith.minimumf %get3A_492, %min3A : vector<16xf32>
        %get3A_494 = arith.index_cast %mul3A_490 : i32 to index
        %get3A_495 = tpu.vector_load %arg17[%get3A_494] {strides = array<i32>} : memref<5136xf32, #tpu.memory_space<vmem>>, vector<16xf32>,
        %max3A = vector.broadcast %squeeze3A_438 : f32 to vector<16xf32>
        %max3A_496 = arith.maximumf %get3A_495, %max3A : vector<16xf32>
        %sub3A_497 = arith.subf %min3A_493, %max3A_496 : vector<16xf32>
        %max3A_498 = arith.constant 0.000000e+00 : f32
        %max3A_499 = vector.broadcast %max3A_498 : f32 to vector<16xf32>
        %max3A_500 = arith.maximumf %sub3A_497, %max3A_499 : vector<16xf32>
        %get3A_501 = arith.index_cast %mul3A_490 : i32 to index
        %get3A_502 = tpu.vector_load %arg20[%get3A_501] {strides = array<i32>} : memref<5136xf32, #tpu.memory_space<vmem>>, vector<16xf32>,
        %min3A_503 = vector.broadcast %squeeze3A_450 : f32 to vector<16xf32>
        %min3A_504 = arith.minimumf %get3A_502, %min3A_503 : vector<16xf32>
        %get3A_505 = arith.index_cast %mul3A_490 : i32 to index
        %get3A_506 = tpu.vector_load %arg18[%get3A_505] {strides = array<i32>} : memref<5136xf32, #tpu.memory_space<vmem>>, vector<16xf32>,
        %max3A_507 = vector.broadcast %squeeze3A_442 : f32 to vector<16xf32>
        %max3A_508 = arith.maximumf %get3A_506, %max3A_507 : vector<16xf32>
        %sub3A_509 = arith.subf %min3A_504, %max3A_508 : vector<16xf32>
        %max3A_510 = arith.constant 0.000000e+00 : f32
        %max3A_511 = vector.broadcast %max3A_510 : f32 to vector<16xf32>
        %max3A_512 = arith.maximumf %sub3A_509, %max3A_511 : vector<16xf32>
        %mul3A_513 = arith.mulf %max3A_500, %max3A_512 : vector<16xf32>
        %get3A_514 = arith.index_cast %mul3A_490 : i32 to index
        %get3A_515 = tpu.vector_load %arg21[%get3A_514] {strides = array<i32>} : memref<5136xf32, #tpu.memory_space<vmem>>, vector<16xf32>,
        %add3A_516 = vector.broadcast %squeeze3A_454 : f32 to vector<16xf32>
        %add3A_517 = arith.addf %get3A_515, %add3A_516 : vector<16xf32>
        %sub3A_518 = arith.subf %add3A_517, %mul3A_513 : vector<16xf32>
        %add3A_519 = arith.constant 9.99999971E-10 : f32
        %add3A_520 = vector.broadcast %add3A_519 : f32 to vector<16xf32>
        %add3A_521 = arith.addf %sub3A_518, %add3A_520 : vector<16xf32>
        %div3A_522 = arith.divf %mul3A_513, %add3A_521 : vector<16xf32>
        %gt3A_523 = arith.constant 6.000000e-01 : f32
        %gt3A_524 = vector.broadcast %gt3A_523 : f32 to vector<16xf32>
        %gt3A_525 = arith.cmpf ogt, %div3A_522, %gt3A_524 : vector<16xf32>
        %mul3A_526 = arith.constant 16 : i32
        %mul3A_527 = arith.muli %while3A_486, %mul3A_526 : i32
        %add3A_528 = vector.broadcast %mul3A_527 : i32 to vector<16xi32>
        %add3A_529 = arith.addi %add3A_528, %iota3A : vector<16xi32>
        %eq3A_530 = vector.broadcast %while3A_430 : i32 to vector<16xi32>
        %eq3A_531 = arith.cmpi eq, %add3A_529, %eq3A_530 : vector<16xi32>
        %or3A = arith.ori %gt3A_525, %eq3A_531 : vector<16xi1>
        %get3A_532 = arith.index_cast %mul3A_490 : i32 to index
        %get3A_533 = tpu.vector_load %arg16[%get3A_532] {strides = array<i32>} : memref<5136xf32, #tpu.memory_space<vmem>>, vector<16xf32>,
        %jit3A_534 = arith.constant -3.000000e+38 : f32
        %broadcast_in_dim3A_535 = vector.broadcast %jit3A_534 : f32 to vector<16xf32>
        %select_n3A_536 = arith.select %or3A, %broadcast_in_dim3A_535, %get3A_533 : vector<16xi1>, vector<16xf32>
        %swap3A_537 = arith.index_cast %mul3A_490 : i32 to index
        %swap3A_538 = tpu.vector_load %arg16[%swap3A_537] {strides = array<i32>} : memref<5136xf32, #tpu.memory_space<vmem>>, vector<16xf32>,
        tpu.vector_store %arg16[%swap3A_537], %select_n3A_536 {strides = array<i32>} : memref<5136xf32, #tpu.memory_space<vmem>>, vector<16xf32>,
        %reduce_max3A = arith.constant true
        %reduce_max3A_539 = vector.broadcast %reduce_max3A : i1 to vector<16xi1>
        %reduce_max3A_540 = tpu.scan <max>, %select_n3A_536 masked %reduce_max3A_539 : vector<16xf32>, vector<16xi1> -> vector<16xf32>
        %reduce_max3A_541 = vector.extract %reduce_max3A_540[15] : f32 from vector<16xf32>
        %eq3A_542 = vector.broadcast %reduce_max3A_541 : f32 to vector<16xf32>
        %eq3A_543 = arith.cmpf oeq, %select_n3A_536, %eq3A_542 : vector<16xf32>
        %mul3A_544 = arith.constant 16 : i32
        %mul3A_545 = arith.muli %while3A_486, %mul3A_544 : i32
        %add3A_546 = vector.broadcast %mul3A_545 : i32 to vector<16xi32>
        %add3A_547 = arith.addi %add3A_546, %iota3A : vector<16xi32>
        %jit3A_548 = arith.constant 1073741824 : i32
        %broadcast_in_dim3A_549 = vector.broadcast %jit3A_548 : i32 to vector<16xi32>
        %select_n3A_550 = arith.select %eq3A_543, %add3A_547, %broadcast_in_dim3A_549 : vector<16xi1>, vector<16xi32>
        %reduce_min3A = arith.constant true
        %reduce_min3A_551 = vector.broadcast %reduce_min3A : i1 to vector<16xi1>
        %reduce_min3A_552 = arith.constant -2147483648 : i32
        %reduce_min3A_553 = vector.broadcast %reduce_min3A_552 : i32 to vector<16xi32>
        %reduce_min3A_554 = arith.xori %select_n3A_550, %reduce_min3A_553 : vector<16xi32>
        %reduce_min3A_555 = tpu.scan <min>, %reduce_min3A_554 masked %reduce_min3A_551 : vector<16xi32>, vector<16xi1> -> vector<16xi32>
        %reduce_min3A_556 = arith.xori %reduce_min3A_555, %reduce_min3A_553 : vector<16xi32>
        %reduce_min3A_557 = vector.extract %reduce_min3A_556[15] : i32 from vector<16xi32>
        %gt3A_558 = arith.cmpf ogt, %reduce_max3A_541, %while3A_487 : f32
        %select_n3A_559 = arith.select %gt3A_558, %reduce_max3A_541, %while3A_487 : f32
        %select_n3A_560 = arith.select %gt3A_558, %reduce_min3A_557, %while3A_488 : i32
        scf.yield %select_n3A_559, %select_n3A_560 : f32, i32
      }
      %while3A_482 = arith.constant 1 : i32
      %while3A_483:2 = scf.for %while3A_486 = %while3A_479 to %while3A_475 step %while3A_482 iter_args(%while3A_487 = %while3A_481#0, %while3A_488 = %while3A_481#1) -> (f32, i32)  : i32 {
        %mul3A_489 = arith.constant 16 : i32
        %mul3A_490 = arith.muli %while3A_486, %mul3A_489 : i32
        %get3A_491 = arith.index_cast %mul3A_490 : i32 to index
        %get3A_492 = tpu.vector_load %arg19[%get3A_491] {strides = array<i32>} : memref<5136xf32, #tpu.memory_space<vmem>>, vector<16xf32>,
        %min3A = vector.broadcast %squeeze3A_446 : f32 to vector<16xf32>
        %min3A_493 = arith.minimumf %get3A_492, %min3A : vector<16xf32>
        %get3A_494 = arith.index_cast %mul3A_490 : i32 to index
        %get3A_495 = tpu.vector_load %arg17[%get3A_494] {strides = array<i32>} : memref<5136xf32, #tpu.memory_space<vmem>>, vector<16xf32>,
        %max3A = vector.broadcast %squeeze3A_438 : f32 to vector<16xf32>
        %max3A_496 = arith.maximumf %get3A_495, %max3A : vector<16xf32>
        %sub3A_497 = arith.subf %min3A_493, %max3A_496 : vector<16xf32>
        %max3A_498 = arith.constant 0.000000e+00 : f32
        %max3A_499 = vector.broadcast %max3A_498 : f32 to vector<16xf32>
        %max3A_500 = arith.maximumf %sub3A_497, %max3A_499 : vector<16xf32>
        %get3A_501 = arith.index_cast %mul3A_490 : i32 to index
        %get3A_502 = tpu.vector_load %arg20[%get3A_501] {strides = array<i32>} : memref<5136xf32, #tpu.memory_space<vmem>>, vector<16xf32>,
        %min3A_503 = vector.broadcast %squeeze3A_450 : f32 to vector<16xf32>
        %min3A_504 = arith.minimumf %get3A_502, %min3A_503 : vector<16xf32>
        %get3A_505 = arith.index_cast %mul3A_490 : i32 to index
        %get3A_506 = tpu.vector_load %arg18[%get3A_505] {strides = array<i32>} : memref<5136xf32, #tpu.memory_space<vmem>>, vector<16xf32>,
        %max3A_507 = vector.broadcast %squeeze3A_442 : f32 to vector<16xf32>
        %max3A_508 = arith.maximumf %get3A_506, %max3A_507 : vector<16xf32>
        %sub3A_509 = arith.subf %min3A_504, %max3A_508 : vector<16xf32>
        %max3A_510 = arith.constant 0.000000e+00 : f32
        %max3A_511 = vector.broadcast %max3A_510 : f32 to vector<16xf32>
        %max3A_512 = arith.maximumf %sub3A_509, %max3A_511 : vector<16xf32>
        %mul3A_513 = arith.mulf %max3A_500, %max3A_512 : vector<16xf32>
        %get3A_514 = arith.index_cast %mul3A_490 : i32 to index
        %get3A_515 = tpu.vector_load %arg21[%get3A_514] {strides = array<i32>} : memref<5136xf32, #tpu.memory_space<vmem>>, vector<16xf32>,
        %add3A_516 = vector.broadcast %squeeze3A_454 : f32 to vector<16xf32>
        %add3A_517 = arith.addf %get3A_515, %add3A_516 : vector<16xf32>
        %sub3A_518 = arith.subf %add3A_517, %mul3A_513 : vector<16xf32>
        %add3A_519 = arith.constant 9.99999971E-10 : f32
        %add3A_520 = vector.broadcast %add3A_519 : f32 to vector<16xf32>
        %add3A_521 = arith.addf %sub3A_518, %add3A_520 : vector<16xf32>
        %div3A_522 = arith.divf %mul3A_513, %add3A_521 : vector<16xf32>
        %gt3A_523 = arith.constant 6.000000e-01 : f32
        %gt3A_524 = vector.broadcast %gt3A_523 : f32 to vector<16xf32>
        %gt3A_525 = arith.cmpf ogt, %div3A_522, %gt3A_524 : vector<16xf32>
        %mul3A_526 = arith.constant 16 : i32
        %mul3A_527 = arith.muli %while3A_486, %mul3A_526 : i32
        %add3A_528 = vector.broadcast %mul3A_527 : i32 to vector<16xi32>
        %add3A_529 = arith.addi %add3A_528, %iota3A : vector<16xi32>
        %eq3A_530 = vector.broadcast %while3A_430 : i32 to vector<16xi32>
        %eq3A_531 = arith.cmpi eq, %add3A_529, %eq3A_530 : vector<16xi32>
        %or3A = arith.ori %gt3A_525, %eq3A_531 : vector<16xi1>
        %get3A_532 = arith.index_cast %mul3A_490 : i32 to index
        %get3A_533 = tpu.vector_load %arg16[%get3A_532] {strides = array<i32>} : memref<5136xf32, #tpu.memory_space<vmem>>, vector<16xf32>,
        %jit3A_534 = arith.constant -3.000000e+38 : f32
        %broadcast_in_dim3A_535 = vector.broadcast %jit3A_534 : f32 to vector<16xf32>
        %select_n3A_536 = arith.select %or3A, %broadcast_in_dim3A_535, %get3A_533 : vector<16xi1>, vector<16xf32>
        %swap3A_537 = arith.index_cast %mul3A_490 : i32 to index
        %swap3A_538 = tpu.vector_load %arg16[%swap3A_537] {strides = array<i32>} : memref<5136xf32, #tpu.memory_space<vmem>>, vector<16xf32>,
        tpu.vector_store %arg16[%swap3A_537], %select_n3A_536 {strides = array<i32>} : memref<5136xf32, #tpu.memory_space<vmem>>, vector<16xf32>,
        %reduce_max3A = arith.constant true
        %reduce_max3A_539 = vector.broadcast %reduce_max3A : i1 to vector<16xi1>
        %reduce_max3A_540 = tpu.scan <max>, %select_n3A_536 masked %reduce_max3A_539 : vector<16xf32>, vector<16xi1> -> vector<16xf32>
        %reduce_max3A_541 = vector.extract %reduce_max3A_540[15] : f32 from vector<16xf32>
        %eq3A_542 = vector.broadcast %reduce_max3A_541 : f32 to vector<16xf32>
        %eq3A_543 = arith.cmpf oeq, %select_n3A_536, %eq3A_542 : vector<16xf32>
        %mul3A_544 = arith.constant 16 : i32
        %mul3A_545 = arith.muli %while3A_486, %mul3A_544 : i32
        %add3A_546 = vector.broadcast %mul3A_545 : i32 to vector<16xi32>
        %add3A_547 = arith.addi %add3A_546, %iota3A : vector<16xi32>
        %jit3A_548 = arith.constant 1073741824 : i32
        %broadcast_in_dim3A_549 = vector.broadcast %jit3A_548 : i32 to vector<16xi32>
        %select_n3A_550 = arith.select %eq3A_543, %add3A_547, %broadcast_in_dim3A_549 : vector<16xi1>, vector<16xi32>
        %reduce_min3A = arith.constant true
        %reduce_min3A_551 = vector.broadcast %reduce_min3A : i1 to vector<16xi1>
        %reduce_min3A_552 = arith.constant -2147483648 : i32
        %reduce_min3A_553 = vector.broadcast %reduce_min3A_552 : i32 to vector<16xi32>
        %reduce_min3A_554 = arith.xori %select_n3A_550, %reduce_min3A_553 : vector<16xi32>
        %reduce_min3A_555 = tpu.scan <min>, %reduce_min3A_554 masked %reduce_min3A_551 : vector<16xi32>, vector<16xi1> -> vector<16xi32>
        %reduce_min3A_556 = arith.xori %reduce_min3A_555, %reduce_min3A_553 : vector<16xi32>
        %reduce_min3A_557 = vector.extract %reduce_min3A_556[15] : i32 from vector<16xi32>
        %gt3A_558 = arith.cmpf ogt, %reduce_max3A_541, %while3A_487 : f32
        %select_n3A_559 = arith.select %gt3A_558, %reduce_max3A_541, %while3A_487 : f32
        %select_n3A_560 = arith.select %gt3A_558, %reduce_min3A_557, %while3A_488 : i32
        scf.yield %select_n3A_559, %select_n3A_560 : f32, i32
      }
      %add3A_484 = arith.constant 1 : i32
      %add3A_485 = arith.addi %while3A_428, %add3A_484 : i32
      scf.yield %add3A_485, %while3A_483#0, %while3A_483#1 : i32, f32, i32
    }
    %gt3A = arith.constant 0 : i32
    %gt3A_388 = arith.cmpi sgt, %while3A_233#0, %gt3A : i32
    %get3A = arith.constant 0 : index
    %get3A_389 = tpu.vector_load %arg22[%get3A] {strides = array<i32>} : memref<944xf32, #tpu.memory_space<vmem>>, vector<16xf32>,
    %slice3A = vector.extract_strided_slice %get3A_389 {offsets = [0], sizes = [1], strides = [1]} : vector<16xf32> to vector<1xf32>
    %squeeze3A = vector.extract %slice3A[0] : f32 from vector<1xf32>
    %jit3A_390 = arith.constant -3.000000e+38 : f32
    %select_n3A_391 = arith.select %gt3A_388, %squeeze3A, %jit3A_390 : f32
    %gt3A_392 = arith.constant 0 : i32
    %gt3A_393 = arith.cmpi sgt, %while3A_310#0, %gt3A_392 : i32
    %get3A_394 = arith.constant 304 : index
    %get3A_395 = tpu.vector_load %arg22[%get3A_394] {strides = array<i32>} : memref<944xf32, #tpu.memory_space<vmem>>, vector<16xf32>,
    %slice3A_396 = vector.extract_strided_slice %get3A_395 {offsets = [0], sizes = [1], strides = [1]} : vector<16xf32> to vector<1xf32>
    %squeeze3A_397 = vector.extract %slice3A_396[0] : f32 from vector<1xf32>
    %jit3A_398 = arith.constant -3.000000e+38 : f32
    %select_n3A_399 = arith.select %gt3A_393, %squeeze3A_397, %jit3A_398 : f32
    %gt3A_400 = arith.constant 0 : i32
    %gt3A_401 = arith.cmpi sgt, %while3A_387#0, %gt3A_400 : i32
    %get3A_402 = arith.constant 608 : index
    %get3A_403 = tpu.vector_load %arg22[%get3A_402] {strides = array<i32>} : memref<944xf32, #tpu.memory_space<vmem>>, vector<16xf32>,
    %slice3A_404 = vector.extract_strided_slice %get3A_403 {offsets = [0], sizes = [1], strides = [1]} : vector<16xf32> to vector<1xf32>
    %squeeze3A_405 = vector.extract %slice3A_404[0] : f32 from vector<1xf32>
    %jit3A_406 = arith.constant -3.000000e+38 : f32
    %select_n3A_407 = arith.select %gt3A_401, %squeeze3A_405, %jit3A_406 : f32
    %gt3A_408 = arith.cmpf ogt, %select_n3A_399, %select_n3A_391 : f32
    %select_n3A_409 = arith.select %gt3A_408, %select_n3A_399, %select_n3A_391 : f32
    %jit3A_410 = arith.constant 1 : i32
    %jit3A_411 = arith.constant 0 : i32
    %select_n3A_412 = arith.select %gt3A_408, %jit3A_410, %jit3A_411 : i32
    %gt3A_413 = arith.cmpf ogt, %select_n3A_407, %select_n3A_409 : f32
    %select_n3A_414 = arith.select %gt3A_413, %select_n3A_407, %select_n3A_409 : f32
    %jit3A_415 = arith.constant 2 : i32
    %select_n3A_416 = arith.select %gt3A_413, %jit3A_415, %select_n3A_412 : i32
    %while3A_417 = arith.constant 0 : i32
    %while3A_418 = arith.constant 0 : i32
    %while3A_419 = arith.constant 0 : i32
    %while3A_420 = arith.constant 0 : i32
    %while3A_421:9 = scf.while (%while3A_428 = %while3A_417, %while3A_429 = %select_n3A_414, %while3A_430 = %select_n3A_416, %while3A_431 = %select_n3A_391, %while3A_432 = %select_n3A_399, %while3A_433 = %select_n3A_407, %while3A_434 = %while3A_418, %while3A_435 = %while3A_419, %while3A_436 = %while3A_420) : (i32, f32, i32, f32, f32, f32, i32, i32, i32) -> (i32, f32, i32, f32, f32, f32, i32, i32, i32) {
      %lt3A_437 = arith.constant 300 : i32
      %lt3A_438 = arith.cmpi slt, %while3A_428, %lt3A_437 : i32
      %gt3A_439 = arith.constant 0.000000e+00 : f32
      %gt3A_440 = arith.cmpf ogt, %while3A_429, %gt3A_439 : f32
      %and3A_441 = arith.andi %lt3A_438, %gt3A_440 : i1
      scf.condition(%and3A_441) %while3A_428, %while3A_429, %while3A_430, %while3A_431, %while3A_432, %while3A_433, %while3A_434, %while3A_435, %while3A_436 : i32, f32, i32, f32, f32, f32, i32, i32, i32
    } do {
    ^bb0(%while3A_428: i32, %while3A_429: f32, %while3A_430: i32, %while3A_431: f32, %while3A_432: f32, %while3A_433: f32, %while3A_434: i32, %while3A_435: i32, %while3A_436: i32):
      %eq3A_437 = arith.constant 1 : i32
      %eq3A_438 = arith.cmpi eq, %while3A_430, %eq3A_437 : i32
      %select_n3A_439 = arith.select %eq3A_438, %while3A_435, %while3A_434 : i32
      %eq3A_440 = arith.constant 1 : i32
      %eq3A_441 = arith.cmpi eq, %while3A_430, %eq3A_440 : i32
      %select_n3A_442 = arith.select %eq3A_441, %while3A_310#0, %while3A_233#0 : i32
      %eq3A_443 = arith.constant 2 : i32
      %eq3A_444 = arith.cmpi eq, %while3A_430, %eq3A_443 : i32
      %select_n3A_445 = arith.select %eq3A_444, %while3A_436, %select_n3A_439 : i32
      %eq3A_446 = arith.constant 2 : i32
      %eq3A_447 = arith.cmpi eq, %while3A_430, %eq3A_446 : i32
      %select_n3A_448 = arith.select %eq3A_447, %while3A_387#0, %select_n3A_442 : i32
      %mul3A_449 = arith.constant 304 : i32
      %mul3A_450 = arith.muli %while3A_430, %mul3A_449 : i32
      %add3A_451 = arith.addi %mul3A_450, %select_n3A_445 : i32
      %get3A_452 = arith.index_cast %add3A_451 : i32 to index
      %get3A_453 = tpu.vector_load %arg23[%get3A_452] {strides = array<i32>} : memref<944xi32, #tpu.memory_space<vmem>>, vector<16xi32>,
      %slice3A_454 = vector.extract_strided_slice %get3A_453 {offsets = [0], sizes = [1], strides = [1]} : vector<16xi32> to vector<1xi32>
      %squeeze3A_455 = vector.extract %slice3A_454[0] : i32 from vector<1xi32>
      %broadcast_in_dim3A_456 = vector.broadcast %while3A_428 : i32 to vector<16xi32>
      %broadcast_in_dim3A_457 = vector.broadcast %squeeze3A_455 : i32 to vector<16xi32>
      %iota3A_458 = tpu.iota {dimensions = array<i32: 0>} : vector<16xi32>
      %eq3A_459 = arith.constant 0 : i32
      %eq3A_460 = vector.broadcast %eq3A_459 : i32 to vector<16xi32>
      %eq3A_461 = arith.cmpi eq, %iota3A_458, %eq3A_460 : vector<16xi32>
      tpu.vector_store_idx %arg25[%broadcast_in_dim3A_456], %broadcast_in_dim3A_457 masked %eq3A_461 : memref<304xi32, #tpu.memory_space<vmem>>[vector<16xi32>], vector<16xi32>, vector<16xi1>
      %broadcast_in_dim3A_462 = vector.broadcast %while3A_428 : i32 to vector<16xi32>
      %broadcast_in_dim3A_463 = vector.broadcast %while3A_429 : f32 to vector<16xf32>
      %iota3A_464 = tpu.iota {dimensions = array<i32: 0>} : vector<16xi32>
      %eq3A_465 = arith.constant 0 : i32
      %eq3A_466 = vector.broadcast %eq3A_465 : i32 to vector<16xi32>
      %eq3A_467 = arith.cmpi eq, %iota3A_464, %eq3A_466 : vector<16xi32>
      tpu.vector_store_idx %arg24[%broadcast_in_dim3A_462], %broadcast_in_dim3A_463 masked %eq3A_467 : memref<304xf32, #tpu.memory_space<vmem>>[vector<16xi32>], vector<16xf32>, vector<16xi1>
      %add3A_468 = arith.constant 1 : i32
      %add3A_469 = arith.addi %select_n3A_445, %add3A_468 : i32
      %lt3A_470 = arith.cmpi slt, %add3A_469, %select_n3A_448 : i32
      %mul3A_471 = arith.constant 304 : i32
      %mul3A_472 = arith.muli %while3A_430, %mul3A_471 : i32
      %min3A = arith.constant 299 : i32
      %min3A_473 = arith.minsi %add3A_469, %min3A : i32
      %add3A_474 = arith.addi %mul3A_472, %min3A_473 : i32
      %get3A_475 = arith.index_cast %add3A_474 : i32 to index
      %get3A_476 = tpu.vector_load %arg22[%get3A_475] {strides = array<i32>} : memref<944xf32, #tpu.memory_space<vmem>>, vector<16xf32>,
      %slice3A_477 = vector.extract_strided_slice %get3A_476 {offsets = [0], sizes = [1], strides = [1]} : vector<16xf32> to vector<1xf32>
      %squeeze3A_478 = vector.extract %slice3A_477[0] : f32 from vector<1xf32>
      %jit3A_479 = arith.constant -3.000000e+38 : f32
      %select_n3A_480 = arith.select %lt3A_470, %squeeze3A_478, %jit3A_479 : f32
      %eq3A_481 = arith.constant 0 : i32
      %eq3A_482 = arith.cmpi eq, %while3A_430, %eq3A_481 : i32
      %select_n3A_483 = arith.select %eq3A_482, %select_n3A_480, %while3A_431 : f32
      %select_n3A_484 = arith.select %eq3A_482, %add3A_469, %while3A_434 : i32
      %eq3A_485 = arith.constant 1 : i32
      %eq3A_486 = arith.cmpi eq, %while3A_430, %eq3A_485 : i32
      %select_n3A_487 = arith.select %eq3A_486, %select_n3A_480, %while3A_432 : f32
      %select_n3A_488 = arith.select %eq3A_486, %add3A_469, %while3A_435 : i32
      %eq3A_489 = arith.constant 2 : i32
      %eq3A_490 = arith.cmpi eq, %while3A_430, %eq3A_489 : i32
      %select_n3A_491 = arith.select %eq3A_490, %select_n3A_480, %while3A_433 : f32
      %select_n3A_492 = arith.select %eq3A_490, %add3A_469, %while3A_436 : i32
      %gt3A_493 = arith.cmpf ogt, %select_n3A_487, %select_n3A_483 : f32
      %select_n3A_494 = arith.select %gt3A_493, %select_n3A_487, %select_n3A_483 : f32
      %jit3A_495 = arith.constant 1 : i32
      %jit3A_496 = arith.constant 0 : i32
      %select_n3A_497 = arith.select %gt3A_493, %jit3A_495, %jit3A_496 : i32
      %gt3A_498 = arith.cmpf ogt, %select_n3A_491, %select_n3A_494 : f32
      %select_n3A_499 = arith.select %gt3A_498, %select_n3A_491, %select_n3A_494 : f32
      %jit3A_500 = arith.constant 2 : i32
      %select_n3A_501 = arith.select %gt3A_498, %jit3A_500, %select_n3A_497 : i32
      %add3A_502 = arith.constant 1 : i32
      %add3A_503 = arith.addi %while3A_428, %add3A_502 : i32
      scf.yield %add3A_503, %select_n3A_499, %select_n3A_501, %select_n3A_483, %select_n3A_487, %select_n3A_491, %select_n3A_484, %select_n3A_488, %select_n3A_492 : i32, f32, i32, f32, f32, f32, i32, i32, i32
    }
    %broadcast_in_dim3A_422 = arith.constant 300 : i32
    %broadcast_in_dim3A_423 = vector.broadcast %broadcast_in_dim3A_422 : i32 to vector<16xi32>
    %broadcast_in_dim3A_424 = vector.broadcast %while3A_421#0 : i32 to vector<16xi32>
    %iota3A_425 = tpu.iota {dimensions = array<i32: 0>} : vector<16xi32>
    %eq3A = arith.constant 0 : i32
    %eq3A_426 = vector.broadcast %eq3A : i32 to vector<16xi32>
    %eq3A_427 = arith.cmpi eq, %iota3A_425, %eq3A_426 : vector<16xi32>
    tpu.vector_store_idx %arg25[%broadcast_in_dim3A_423], %broadcast_in_dim3A_424 masked %eq3A_427 : memref<304xi32, #tpu.memory_space<vmem>>[vector<16xi32>], vector<16xi32>, vector<16xi1>
    "tpu.region"() ({
      %run_scoped3A = tpu.sem_alloc : memref<!tpu.dma_semaphore, #tpu.memory_space<semaphore_mem>>
      %dma_start3A_428 = arith.constant 0 : i32
      %dma_start3A_429 = tpu.memref_slice %arg3[%add3A, %dma_start3A_428] : memref<32x304xf32, #tpu.memory_space<hbm>> -> memref<1x304xf32, #tpu.memory_space<hbm>>
      %dma_start3A_430 = tpu.memref_squeeze %dma_start3A_429 : memref<1x304xf32, #tpu.memory_space<hbm>> -> memref<304xf32, #tpu.memory_space<hbm>>
      %dma_start3A_431 = arith.constant 0 : i32
      %dma_start3A_432 = tpu.memref_slice %arg3[%add3A, %dma_start3A_431] : memref<32x304xf32, #tpu.memory_space<hbm>> -> memref<1x304xf32, #tpu.memory_space<hbm>>
      %dma_start3A_433 = tpu.memref_squeeze %dma_start3A_432 : memref<1x304xf32, #tpu.memory_space<hbm>> -> memref<304xf32, #tpu.memory_space<hbm>>
      tpu.enqueue_dma source(%arg24 : memref<304xf32, #tpu.memory_space<vmem>>) target(%dma_start3A_433 : memref<304xf32, #tpu.memory_space<hbm>>) target_semaphore(%run_scoped3A : memref<!tpu.dma_semaphore, #tpu.memory_space<semaphore_mem>>)
      %dma_wait3A_434 = arith.constant 0 : i32
      %dma_wait3A_435 = tpu.memref_slice %arg3[%add3A, %dma_wait3A_434] : memref<32x304xf32, #tpu.memory_space<hbm>> -> memref<1x304xf32, #tpu.memory_space<hbm>>
      %dma_wait3A_436 = tpu.memref_squeeze %dma_wait3A_435 : memref<1x304xf32, #tpu.memory_space<hbm>> -> memref<304xf32, #tpu.memory_space<hbm>>
      %dma_wait3A_437 = arith.constant 0 : i32
      %dma_wait3A_438 = tpu.memref_slice %arg3[%add3A, %dma_wait3A_437] : memref<32x304xf32, #tpu.memory_space<hbm>> -> memref<1x304xf32, #tpu.memory_space<hbm>>
      %dma_wait3A_439 = tpu.memref_squeeze %dma_wait3A_438 : memref<1x304xf32, #tpu.memory_space<hbm>> -> memref<304xf32, #tpu.memory_space<hbm>>
      tpu.wait_dma2 semaphore(%run_scoped3A : memref<!tpu.dma_semaphore, #tpu.memory_space<semaphore_mem>>) src(%arg24 : memref<304xf32, #tpu.memory_space<vmem>>) dst(%dma_wait3A_439 : memref<304xf32, #tpu.memory_space<hbm>>)
      tpu.yield
    }) : () -> ()
    "tpu.region"() ({
      %run_scoped3A = tpu.sem_alloc : memref<!tpu.dma_semaphore, #tpu.memory_space<semaphore_mem>>
      %dma_start3A_428 = arith.constant 0 : i32
      %dma_start3A_429 = tpu.memref_slice %arg4[%add3A, %dma_start3A_428] : memref<32x304xi32, #tpu.memory_space<hbm>> -> memref<1x304xi32, #tpu.memory_space<hbm>>
      %dma_start3A_430 = tpu.memref_squeeze %dma_start3A_429 : memref<1x304xi32, #tpu.memory_space<hbm>> -> memref<304xi32, #tpu.memory_space<hbm>>
      %dma_start3A_431 = arith.constant 0 : i32
      %dma_start3A_432 = tpu.memref_slice %arg4[%add3A, %dma_start3A_431] : memref<32x304xi32, #tpu.memory_space<hbm>> -> memref<1x304xi32, #tpu.memory_space<hbm>>
      %dma_start3A_433 = tpu.memref_squeeze %dma_start3A_432 : memref<1x304xi32, #tpu.memory_space<hbm>> -> memref<304xi32, #tpu.memory_space<hbm>>
      tpu.enqueue_dma source(%arg25 : memref<304xi32, #tpu.memory_space<vmem>>) target(%dma_start3A_433 : memref<304xi32, #tpu.memory_space<hbm>>) target_semaphore(%run_scoped3A : memref<!tpu.dma_semaphore, #tpu.memory_space<semaphore_mem>>)
      %dma_wait3A_434 = arith.constant 0 : i32
      %dma_wait3A_435 = tpu.memref_slice %arg4[%add3A, %dma_wait3A_434] : memref<32x304xi32, #tpu.memory_space<hbm>> -> memref<1x304xi32, #tpu.memory_space<hbm>>
      %dma_wait3A_436 = tpu.memref_squeeze %dma_wait3A_435 : memref<1x304xi32, #tpu.memory_space<hbm>> -> memref<304xi32, #tpu.memory_space<hbm>>
      %dma_wait3A_437 = arith.constant 0 : i32
      %dma_wait3A_438 = tpu.memref_slice %arg4[%add3A, %dma_wait3A_437] : memref<32x304xi32, #tpu.memory_space<hbm>> -> memref<1x304xi32, #tpu.memory_space<hbm>>
      %dma_wait3A_439 = tpu.memref_squeeze %dma_wait3A_438 : memref<1x304xi32, #tpu.memory_space<hbm>> -> memref<304xi32, #tpu.memory_space<hbm>>
      tpu.wait_dma2 semaphore(%run_scoped3A : memref<!tpu.dma_semaphore, #tpu.memory_space<semaphore_mem>>) src(%arg25 : memref<304xi32, #tpu.memory_space<vmem>>) dst(%dma_wait3A_439 : memref<304xi32, #tpu.memory_space<hbm>>)
      tpu.yield
    }) : () -> ()
    return
  }
}

#map = affine_map<(d0, d1) -> (0, 0)>
#map1 = affine_map<(d0, d1) -> (0)>
module attributes {stable_mosaic.version = 14 : i64} {
  func.func @body(%arg0: i32, %arg1: i32, %arg2: memref<16x5120xf32, #tpu.memory_space<hbm>>, %arg3: memref<32x304xf32, #tpu.memory_space<hbm>>, %arg4: memref<32x304xi32, #tpu.memory_space<hbm>>, %arg5: memref<1824xf32, #tpu.memory_space<hbm>>, %arg6: memref<32x304xf32, #tpu.memory_space<vmem>>, %arg7: memref<32x304xi32, #tpu.memory_space<vmem>>, %arg8: memref<5120xf32, #tpu.memory_space<vmem>>, %arg9: memref<5120xf32, #tpu.memory_space<vmem>>, %arg10: memref<5120xf32, #tpu.memory_space<vmem>>, %arg11: memref<5120xf32, #tpu.memory_space<vmem>>, %arg12: memref<5120xf32, #tpu.memory_space<vmem>>, %arg13: memref<320xi32, #tpu.memory_space<vmem>>, %arg14: memref<320xf32, #tpu.memory_space<vmem>>, %arg15: memref<1824xf32, #tpu.memory_space<vmem>>, %arg16: memref<!tpu.dma_semaphore, #tpu.memory_space<semaphore_mem>>) attributes {dimension_semantics = [#tpu.dimension_semantics<core_parallel>, #tpu.dimension_semantics<subcore_parallel>], iteration_bounds = array<i64: 2, 16>, scalar_prefetch = 0 : i64, scratch_operands = 11 : i64, tpu.core_type = #tpu.core_type<sc_vector_subcore>, window_params = [{transform_indices = #map}, {transform_indices = #map}, {transform_indices = #map}, {transform_indices = #map1}]} {
    %mul3A = arith.constant 2 : i32
    %mul3A_0 = arith.muli %arg1, %mul3A : i32
    %add3A = arith.addi %mul3A_0, %arg0 : i32
    %iota3A = tpu.iota {dimensions = array<i32: 0>} : vector<16xi32>
    %eq3A = arith.constant 0 : i32
    %eq3A_1 = arith.cmpi eq, %add3A, %eq3A : i32
    %convert_element_type3A = arith.extui %eq3A_1 : i1 to i32
    %cond3A = arith.constant 0 : i32
    %cond3A_2 = arith.cmpi ne, %convert_element_type3A, %cond3A : i32
    scf.if %cond3A_2 {
      tpu.enqueue_dma source(%arg3 : memref<32x304xf32, #tpu.memory_space<hbm>>) target(%arg6 : memref<32x304xf32, #tpu.memory_space<vmem>>) target_semaphore(%arg16 : memref<!tpu.dma_semaphore, #tpu.memory_space<semaphore_mem>>)
      tpu.enqueue_dma source(%arg4 : memref<32x304xi32, #tpu.memory_space<hbm>>) target(%arg7 : memref<32x304xi32, #tpu.memory_space<vmem>>) target_semaphore(%arg16 : memref<!tpu.dma_semaphore, #tpu.memory_space<semaphore_mem>>)
      %dma_start3A = arith.constant 7 : i32
      %dma_start3A_3 = arith.constant 0 : i32
      %dma_start3A_4 = tpu.memref_slice %arg2[%dma_start3A, %dma_start3A_3] : memref<16x5120xf32, #tpu.memory_space<hbm>> -> memref<1x5120xf32, #tpu.memory_space<hbm>>
      %dma_start3A_5 = tpu.memref_squeeze %dma_start3A_4 : memref<1x5120xf32, #tpu.memory_space<hbm>> -> memref<5120xf32, #tpu.memory_space<hbm>>
      %dma_start3A_6 = arith.constant 0 : i32
      %dma_start3A_7 = tpu.memref_slice %arg2[%dma_start3A, %dma_start3A_6] : memref<16x5120xf32, #tpu.memory_space<hbm>> -> memref<1x5120xf32, #tpu.memory_space<hbm>>
      %dma_start3A_8 = tpu.memref_squeeze %dma_start3A_7 : memref<1x5120xf32, #tpu.memory_space<hbm>> -> memref<5120xf32, #tpu.memory_space<hbm>>
      tpu.enqueue_dma source(%dma_start3A_8 : memref<5120xf32, #tpu.memory_space<hbm>>) target(%arg8 : memref<5120xf32, #tpu.memory_space<vmem>>) target_semaphore(%arg16 : memref<!tpu.dma_semaphore, #tpu.memory_space<semaphore_mem>>)
      %dma_start3A_9 = arith.constant 8 : i32
      %dma_start3A_10 = arith.constant 0 : i32
      %dma_start3A_11 = tpu.memref_slice %arg2[%dma_start3A_9, %dma_start3A_10] : memref<16x5120xf32, #tpu.memory_space<hbm>> -> memref<1x5120xf32, #tpu.memory_space<hbm>>
      %dma_start3A_12 = tpu.memref_squeeze %dma_start3A_11 : memref<1x5120xf32, #tpu.memory_space<hbm>> -> memref<5120xf32, #tpu.memory_space<hbm>>
      %dma_start3A_13 = arith.constant 0 : i32
      %dma_start3A_14 = tpu.memref_slice %arg2[%dma_start3A_9, %dma_start3A_13] : memref<16x5120xf32, #tpu.memory_space<hbm>> -> memref<1x5120xf32, #tpu.memory_space<hbm>>
      %dma_start3A_15 = tpu.memref_squeeze %dma_start3A_14 : memref<1x5120xf32, #tpu.memory_space<hbm>> -> memref<5120xf32, #tpu.memory_space<hbm>>
      tpu.enqueue_dma source(%dma_start3A_15 : memref<5120xf32, #tpu.memory_space<hbm>>) target(%arg9 : memref<5120xf32, #tpu.memory_space<vmem>>) target_semaphore(%arg16 : memref<!tpu.dma_semaphore, #tpu.memory_space<semaphore_mem>>)
      %dma_start3A_16 = arith.constant 9 : i32
      %dma_start3A_17 = arith.constant 0 : i32
      %dma_start3A_18 = tpu.memref_slice %arg2[%dma_start3A_16, %dma_start3A_17] : memref<16x5120xf32, #tpu.memory_space<hbm>> -> memref<1x5120xf32, #tpu.memory_space<hbm>>
      %dma_start3A_19 = tpu.memref_squeeze %dma_start3A_18 : memref<1x5120xf32, #tpu.memory_space<hbm>> -> memref<5120xf32, #tpu.memory_space<hbm>>
      %dma_start3A_20 = arith.constant 0 : i32
      %dma_start3A_21 = tpu.memref_slice %arg2[%dma_start3A_16, %dma_start3A_20] : memref<16x5120xf32, #tpu.memory_space<hbm>> -> memref<1x5120xf32, #tpu.memory_space<hbm>>
      %dma_start3A_22 = tpu.memref_squeeze %dma_start3A_21 : memref<1x5120xf32, #tpu.memory_space<hbm>> -> memref<5120xf32, #tpu.memory_space<hbm>>
      tpu.enqueue_dma source(%dma_start3A_22 : memref<5120xf32, #tpu.memory_space<hbm>>) target(%arg10 : memref<5120xf32, #tpu.memory_space<vmem>>) target_semaphore(%arg16 : memref<!tpu.dma_semaphore, #tpu.memory_space<semaphore_mem>>)
      %dma_start3A_23 = arith.constant 10 : i32
      %dma_start3A_24 = arith.constant 0 : i32
      %dma_start3A_25 = tpu.memref_slice %arg2[%dma_start3A_23, %dma_start3A_24] : memref<16x5120xf32, #tpu.memory_space<hbm>> -> memref<1x5120xf32, #tpu.memory_space<hbm>>
      %dma_start3A_26 = tpu.memref_squeeze %dma_start3A_25 : memref<1x5120xf32, #tpu.memory_space<hbm>> -> memref<5120xf32, #tpu.memory_space<hbm>>
      %dma_start3A_27 = arith.constant 0 : i32
      %dma_start3A_28 = tpu.memref_slice %arg2[%dma_start3A_23, %dma_start3A_27] : memref<16x5120xf32, #tpu.memory_space<hbm>> -> memref<1x5120xf32, #tpu.memory_space<hbm>>
      %dma_start3A_29 = tpu.memref_squeeze %dma_start3A_28 : memref<1x5120xf32, #tpu.memory_space<hbm>> -> memref<5120xf32, #tpu.memory_space<hbm>>
      tpu.enqueue_dma source(%dma_start3A_29 : memref<5120xf32, #tpu.memory_space<hbm>>) target(%arg11 : memref<5120xf32, #tpu.memory_space<vmem>>) target_semaphore(%arg16 : memref<!tpu.dma_semaphore, #tpu.memory_space<semaphore_mem>>)
      %dma_start3A_30 = arith.constant 1 : i32
      %dma_start3A_31 = arith.constant 0 : i32
      %dma_start3A_32 = tpu.memref_slice %arg2[%dma_start3A_30, %dma_start3A_31] : memref<16x5120xf32, #tpu.memory_space<hbm>> -> memref<1x5120xf32, #tpu.memory_space<hbm>>
      %dma_start3A_33 = tpu.memref_squeeze %dma_start3A_32 : memref<1x5120xf32, #tpu.memory_space<hbm>> -> memref<5120xf32, #tpu.memory_space<hbm>>
      %dma_start3A_34 = arith.constant 0 : i32
      %dma_start3A_35 = tpu.memref_slice %arg2[%dma_start3A_30, %dma_start3A_34] : memref<16x5120xf32, #tpu.memory_space<hbm>> -> memref<1x5120xf32, #tpu.memory_space<hbm>>
      %dma_start3A_36 = tpu.memref_squeeze %dma_start3A_35 : memref<1x5120xf32, #tpu.memory_space<hbm>> -> memref<5120xf32, #tpu.memory_space<hbm>>
      tpu.enqueue_dma source(%dma_start3A_36 : memref<5120xf32, #tpu.memory_space<hbm>>) target(%arg12 : memref<5120xf32, #tpu.memory_space<vmem>>) target_semaphore(%arg16 : memref<!tpu.dma_semaphore, #tpu.memory_space<semaphore_mem>>)
      tpu.wait_dma2 semaphore(%arg16 : memref<!tpu.dma_semaphore, #tpu.memory_space<semaphore_mem>>) src(%arg3 : memref<32x304xf32, #tpu.memory_space<hbm>>) dst(%arg6 : memref<32x304xf32, #tpu.memory_space<vmem>>)
      tpu.wait_dma2 semaphore(%arg16 : memref<!tpu.dma_semaphore, #tpu.memory_space<semaphore_mem>>) src(%arg4 : memref<32x304xi32, #tpu.memory_space<hbm>>) dst(%arg7 : memref<32x304xi32, #tpu.memory_space<vmem>>)
      %dma_wait3A = arith.constant 7 : i32
      %dma_wait3A_37 = arith.constant 0 : i32
      %dma_wait3A_38 = tpu.memref_slice %arg2[%dma_wait3A, %dma_wait3A_37] : memref<16x5120xf32, #tpu.memory_space<hbm>> -> memref<1x5120xf32, #tpu.memory_space<hbm>>
      %dma_wait3A_39 = tpu.memref_squeeze %dma_wait3A_38 : memref<1x5120xf32, #tpu.memory_space<hbm>> -> memref<5120xf32, #tpu.memory_space<hbm>>
      %dma_wait3A_40 = arith.constant 0 : i32
      %dma_wait3A_41 = tpu.memref_slice %arg2[%dma_wait3A, %dma_wait3A_40] : memref<16x5120xf32, #tpu.memory_space<hbm>> -> memref<1x5120xf32, #tpu.memory_space<hbm>>
      %dma_wait3A_42 = tpu.memref_squeeze %dma_wait3A_41 : memref<1x5120xf32, #tpu.memory_space<hbm>> -> memref<5120xf32, #tpu.memory_space<hbm>>
      tpu.wait_dma2 semaphore(%arg16 : memref<!tpu.dma_semaphore, #tpu.memory_space<semaphore_mem>>) src(%dma_wait3A_42 : memref<5120xf32, #tpu.memory_space<hbm>>) dst(%arg8 : memref<5120xf32, #tpu.memory_space<vmem>>)
      %dma_wait3A_43 = arith.constant 8 : i32
      %dma_wait3A_44 = arith.constant 0 : i32
      %dma_wait3A_45 = tpu.memref_slice %arg2[%dma_wait3A_43, %dma_wait3A_44] : memref<16x5120xf32, #tpu.memory_space<hbm>> -> memref<1x5120xf32, #tpu.memory_space<hbm>>
      %dma_wait3A_46 = tpu.memref_squeeze %dma_wait3A_45 : memref<1x5120xf32, #tpu.memory_space<hbm>> -> memref<5120xf32, #tpu.memory_space<hbm>>
      %dma_wait3A_47 = arith.constant 0 : i32
      %dma_wait3A_48 = tpu.memref_slice %arg2[%dma_wait3A_43, %dma_wait3A_47] : memref<16x5120xf32, #tpu.memory_space<hbm>> -> memref<1x5120xf32, #tpu.memory_space<hbm>>
      %dma_wait3A_49 = tpu.memref_squeeze %dma_wait3A_48 : memref<1x5120xf32, #tpu.memory_space<hbm>> -> memref<5120xf32, #tpu.memory_space<hbm>>
      tpu.wait_dma2 semaphore(%arg16 : memref<!tpu.dma_semaphore, #tpu.memory_space<semaphore_mem>>) src(%dma_wait3A_49 : memref<5120xf32, #tpu.memory_space<hbm>>) dst(%arg9 : memref<5120xf32, #tpu.memory_space<vmem>>)
      %dma_wait3A_50 = arith.constant 9 : i32
      %dma_wait3A_51 = arith.constant 0 : i32
      %dma_wait3A_52 = tpu.memref_slice %arg2[%dma_wait3A_50, %dma_wait3A_51] : memref<16x5120xf32, #tpu.memory_space<hbm>> -> memref<1x5120xf32, #tpu.memory_space<hbm>>
      %dma_wait3A_53 = tpu.memref_squeeze %dma_wait3A_52 : memref<1x5120xf32, #tpu.memory_space<hbm>> -> memref<5120xf32, #tpu.memory_space<hbm>>
      %dma_wait3A_54 = arith.constant 0 : i32
      %dma_wait3A_55 = tpu.memref_slice %arg2[%dma_wait3A_50, %dma_wait3A_54] : memref<16x5120xf32, #tpu.memory_space<hbm>> -> memref<1x5120xf32, #tpu.memory_space<hbm>>
      %dma_wait3A_56 = tpu.memref_squeeze %dma_wait3A_55 : memref<1x5120xf32, #tpu.memory_space<hbm>> -> memref<5120xf32, #tpu.memory_space<hbm>>
      tpu.wait_dma2 semaphore(%arg16 : memref<!tpu.dma_semaphore, #tpu.memory_space<semaphore_mem>>) src(%dma_wait3A_56 : memref<5120xf32, #tpu.memory_space<hbm>>) dst(%arg10 : memref<5120xf32, #tpu.memory_space<vmem>>)
      %dma_wait3A_57 = arith.constant 10 : i32
      %dma_wait3A_58 = arith.constant 0 : i32
      %dma_wait3A_59 = tpu.memref_slice %arg2[%dma_wait3A_57, %dma_wait3A_58] : memref<16x5120xf32, #tpu.memory_space<hbm>> -> memref<1x5120xf32, #tpu.memory_space<hbm>>
      %dma_wait3A_60 = tpu.memref_squeeze %dma_wait3A_59 : memref<1x5120xf32, #tpu.memory_space<hbm>> -> memref<5120xf32, #tpu.memory_space<hbm>>
      %dma_wait3A_61 = arith.constant 0 : i32
      %dma_wait3A_62 = tpu.memref_slice %arg2[%dma_wait3A_57, %dma_wait3A_61] : memref<16x5120xf32, #tpu.memory_space<hbm>> -> memref<1x5120xf32, #tpu.memory_space<hbm>>
      %dma_wait3A_63 = tpu.memref_squeeze %dma_wait3A_62 : memref<1x5120xf32, #tpu.memory_space<hbm>> -> memref<5120xf32, #tpu.memory_space<hbm>>
      tpu.wait_dma2 semaphore(%arg16 : memref<!tpu.dma_semaphore, #tpu.memory_space<semaphore_mem>>) src(%dma_wait3A_63 : memref<5120xf32, #tpu.memory_space<hbm>>) dst(%arg11 : memref<5120xf32, #tpu.memory_space<vmem>>)
      %dma_wait3A_64 = arith.constant 1 : i32
      %dma_wait3A_65 = arith.constant 0 : i32
      %dma_wait3A_66 = tpu.memref_slice %arg2[%dma_wait3A_64, %dma_wait3A_65] : memref<16x5120xf32, #tpu.memory_space<hbm>> -> memref<1x5120xf32, #tpu.memory_space<hbm>>
      %dma_wait3A_67 = tpu.memref_squeeze %dma_wait3A_66 : memref<1x5120xf32, #tpu.memory_space<hbm>> -> memref<5120xf32, #tpu.memory_space<hbm>>
      %dma_wait3A_68 = arith.constant 0 : i32
      %dma_wait3A_69 = tpu.memref_slice %arg2[%dma_wait3A_64, %dma_wait3A_68] : memref<16x5120xf32, #tpu.memory_space<hbm>> -> memref<1x5120xf32, #tpu.memory_space<hbm>>
      %dma_wait3A_70 = tpu.memref_squeeze %dma_wait3A_69 : memref<1x5120xf32, #tpu.memory_space<hbm>> -> memref<5120xf32, #tpu.memory_space<hbm>>
      tpu.wait_dma2 semaphore(%arg16 : memref<!tpu.dma_semaphore, #tpu.memory_space<semaphore_mem>>) src(%dma_wait3A_70 : memref<5120xf32, #tpu.memory_space<hbm>>) dst(%arg12 : memref<5120xf32, #tpu.memory_space<vmem>>)
      %scan3A = arith.constant 0 : i32
      %scan3A_71 = arith.constant 0 : i32
      %scan3A_72 = arith.constant 19 : i32
      %scan3A_73 = arith.addi %scan3A_71, %scan3A_72 : i32
      %scan3A_74 = arith.constant 1 : i32
      %scan3A_75 = scf.for %scan3A_141 = %scan3A_71 to %scan3A_73 step %scan3A_74 iter_args(%scan3A_142 = %scan3A) -> (i32)  : i32 {
        %broadcast_in_dim3A_143 = arith.constant 0 : i32
        %broadcast_in_dim3A_144 = vector.broadcast %broadcast_in_dim3A_143 : i32 to vector<16xi32>
        %mul3A_145 = arith.constant 16 : i32
        %mul3A_146 = arith.muli %scan3A_141, %mul3A_145 : i32
        %swap3A = arith.index_cast %mul3A_146 : i32 to index
        %swap3A_147 = tpu.vector_load %arg13[%swap3A] {strides = array<i32>} : memref<320xi32, #tpu.memory_space<vmem>>, vector<16xi32>,
        tpu.vector_store %arg13[%swap3A], %broadcast_in_dim3A_144 {strides = array<i32>} : memref<320xi32, #tpu.memory_space<vmem>>, vector<16xi32>,
        %scan3A_148 = arith.constant 0 : i32
        scf.yield %scan3A_148 : i32
      }
      %scan3A_76 = arith.constant 19 : i32
      %add3A_77 = arith.constant 0 : i32
      %add3A_78 = vector.broadcast %add3A_77 : i32 to vector<16xi32>
      %add3A_79 = arith.addi %add3A_78, %iota3A : vector<16xi32>
      %broadcast_in_dim3A = arith.constant 300 : i32
      %broadcast_in_dim3A_80 = vector.broadcast %broadcast_in_dim3A : i32 to vector<16xi32>
      %gather3A = tpu.vector_load_idx %arg7[%add3A_79, %broadcast_in_dim3A_80] : memref<32x304xi32, #tpu.memory_space<vmem>>[vector<16xi32>, vector<16xi32>], vector<16xi32>,
      %broadcast_in_dim3A_81 = arith.constant 0 : i32
      %broadcast_in_dim3A_82 = vector.broadcast %broadcast_in_dim3A_81 : i32 to vector<16xi32>
      %gather3A_83 = tpu.vector_load_idx %arg6[%add3A_79, %broadcast_in_dim3A_82] : memref<32x304xf32, #tpu.memory_space<vmem>>[vector<16xi32>, vector<16xi32>], vector<16xf32>,
      %gt3A = arith.constant 0 : i32
      %gt3A_84 = vector.broadcast %gt3A : i32 to vector<16xi32>
      %gt3A_85 = arith.cmpi sgt, %gather3A, %gt3A_84 : vector<16xi32>
      %jit3A = arith.constant -3.000000e+38 : f32
      %broadcast_in_dim3A_86 = vector.broadcast %jit3A : f32 to vector<16xf32>
      %select_n3A = arith.select %gt3A_85, %gather3A_83, %broadcast_in_dim3A_86 : vector<16xi1>, vector<16xf32>
      %broadcast_in_dim3A_87 = arith.constant 0 : i32
      %broadcast_in_dim3A_88 = vector.broadcast %broadcast_in_dim3A_87 : i32 to vector<16xi32>
      %add3A_89 = arith.constant 16 : i32
      %add3A_90 = vector.broadcast %add3A_89 : i32 to vector<16xi32>
      %add3A_91 = arith.addi %add3A_90, %iota3A : vector<16xi32>
      %broadcast_in_dim3A_92 = arith.constant 300 : i32
      %broadcast_in_dim3A_93 = vector.broadcast %broadcast_in_dim3A_92 : i32 to vector<16xi32>
      %gather3A_94 = tpu.vector_load_idx %arg7[%add3A_91, %broadcast_in_dim3A_93] : memref<32x304xi32, #tpu.memory_space<vmem>>[vector<16xi32>, vector<16xi32>], vector<16xi32>,
      %broadcast_in_dim3A_95 = arith.constant 0 : i32
      %broadcast_in_dim3A_96 = vector.broadcast %broadcast_in_dim3A_95 : i32 to vector<16xi32>
      %gather3A_97 = tpu.vector_load_idx %arg6[%add3A_91, %broadcast_in_dim3A_96] : memref<32x304xf32, #tpu.memory_space<vmem>>[vector<16xi32>, vector<16xi32>], vector<16xf32>,
      %gt3A_98 = arith.constant 0 : i32
      %gt3A_99 = vector.broadcast %gt3A_98 : i32 to vector<16xi32>
      %gt3A_100 = arith.cmpi sgt, %gather3A_94, %gt3A_99 : vector<16xi32>
      %jit3A_101 = arith.constant -3.000000e+38 : f32
      %broadcast_in_dim3A_102 = vector.broadcast %jit3A_101 : f32 to vector<16xf32>
      %select_n3A_103 = arith.select %gt3A_100, %gather3A_97, %broadcast_in_dim3A_102 : vector<16xi1>, vector<16xf32>
      %broadcast_in_dim3A_104 = arith.constant 0 : i32
      %broadcast_in_dim3A_105 = vector.broadcast %broadcast_in_dim3A_104 : i32 to vector<16xi32>
      %reduce_max3A = arith.constant true
      %reduce_max3A_106 = vector.broadcast %reduce_max3A : i1 to vector<16xi1>
      %reduce_max3A_107 = tpu.scan <max>, %select_n3A masked %reduce_max3A_106 : vector<16xf32>, vector<16xi1> -> vector<16xf32>
      %reduce_max3A_108 = vector.extract %reduce_max3A_107[15] : f32 from vector<16xf32>
      %reduce_max3A_109 = arith.constant true
      %reduce_max3A_110 = vector.broadcast %reduce_max3A_109 : i1 to vector<16xi1>
      %reduce_max3A_111 = tpu.scan <max>, %select_n3A_103 masked %reduce_max3A_110 : vector<16xf32>, vector<16xi1> -> vector<16xf32>
      %reduce_max3A_112 = vector.extract %reduce_max3A_111[15] : f32 from vector<16xf32>
      %gt3A_113 = arith.cmpf ogt, %reduce_max3A_112, %reduce_max3A_108 : f32
      %select_n3A_114 = arith.select %gt3A_113, %reduce_max3A_112, %reduce_max3A_108 : f32
      %jit3A_115 = arith.constant 1 : i32
      %jit3A_116 = arith.constant 0 : i32
      %select_n3A_117 = arith.select %gt3A_113, %jit3A_115, %jit3A_116 : i32
      %eq3A_118 = arith.constant 1 : i32
      %eq3A_119 = arith.cmpi eq, %select_n3A_117, %eq3A_118 : i32
      %select_n3A_120 = arith.select %eq3A_119, %select_n3A_103, %select_n3A : vector<16xf32>
      %eq3A_121 = vector.broadcast %select_n3A_114 : f32 to vector<16xf32>
      %eq3A_122 = arith.cmpf oeq, %select_n3A_120, %eq3A_121 : vector<16xf32>
      %jit3A_123 = arith.constant 16 : i32
      %broadcast_in_dim3A_124 = vector.broadcast %jit3A_123 : i32 to vector<16xi32>
      %select_n3A_125 = arith.select %eq3A_122, %iota3A, %broadcast_in_dim3A_124 : vector<16xi1>, vector<16xi32>
      %reduce_min3A = arith.constant true
      %reduce_min3A_126 = vector.broadcast %reduce_min3A : i1 to vector<16xi1>
      %reduce_min3A_127 = arith.constant -2147483648 : i32
      %reduce_min3A_128 = vector.broadcast %reduce_min3A_127 : i32 to vector<16xi32>
      %reduce_min3A_129 = arith.xori %select_n3A_125, %reduce_min3A_128 : vector<16xi32>
      %reduce_min3A_130 = tpu.scan <min>, %reduce_min3A_129 masked %reduce_min3A_126 : vector<16xi32>, vector<16xi1> -> vector<16xi32>
      %reduce_min3A_131 = arith.xori %reduce_min3A_130, %reduce_min3A_128 : vector<16xi32>
      %reduce_min3A_132 = vector.extract %reduce_min3A_131[15] : i32 from vector<16xi32>
      %while3A = arith.constant 0 : i32
      %while3A_133:8 = scf.while (%while3A_141 = %while3A, %while3A_142 = %select_n3A_114, %while3A_143 = %select_n3A_117, %while3A_144 = %reduce_min3A_132, %while3A_145 = %select_n3A, %while3A_146 = %select_n3A_103, %while3A_147 = %broadcast_in_dim3A_88, %while3A_148 = %broadcast_in_dim3A_105) : (i32, f32, i32, i32, vector<16xf32>, vector<16xf32>, vector<16xi32>, vector<16xi32>) -> (i32, f32, i32, i32, vector<16xf32>, vector<16xf32>, vector<16xi32>, vector<16xi32>) {
        %lt3A = arith.constant 300 : i32
        %lt3A_149 = arith.cmpi slt, %while3A_141, %lt3A : i32
        %gt3A_150 = arith.constant 0.000000e+00 : f32
        %gt3A_151 = arith.cmpf ogt, %while3A_142, %gt3A_150 : f32
        %and3A = arith.andi %lt3A_149, %gt3A_151 : i1
        scf.condition(%and3A) %while3A_141, %while3A_142, %while3A_143, %while3A_144, %while3A_145, %while3A_146, %while3A_147, %while3A_148 : i32, f32, i32, i32, vector<16xf32>, vector<16xf32>, vector<16xi32>, vector<16xi32>
      } do {
      ^bb0(%while3A_141: i32, %while3A_142: f32, %while3A_143: i32, %while3A_144: i32, %while3A_145: vector<16xf32>, %while3A_146: vector<16xf32>, %while3A_147: vector<16xi32>, %while3A_148: vector<16xi32>):
        %eq3A_149 = vector.broadcast %while3A_144 : i32 to vector<16xi32>
        %eq3A_150 = arith.cmpi eq, %iota3A, %eq3A_149 : vector<16xi32>
        %eq3A_151 = arith.constant 1 : i32
        %eq3A_152 = arith.cmpi eq, %while3A_143, %eq3A_151 : i32
        %select_n3A_153 = arith.select %eq3A_152, %while3A_148, %while3A_147 : vector<16xi32>
        %eq3A_154 = arith.constant 1 : i32
        %eq3A_155 = arith.cmpi eq, %while3A_143, %eq3A_154 : i32
        %select_n3A_156 = arith.select %eq3A_155, %gather3A_94, %gather3A : vector<16xi32>
        %jit3A_157 = arith.constant 0 : i32
        %broadcast_in_dim3A_158 = vector.broadcast %jit3A_157 : i32 to vector<16xi32>
        %select_n3A_159 = arith.select %eq3A_150, %select_n3A_153, %broadcast_in_dim3A_158 : vector<16xi1>, vector<16xi32>
        %reduce_sum3A = arith.constant true
        %reduce_sum3A_160 = vector.broadcast %reduce_sum3A : i1 to vector<16xi1>
        %reduce_sum3A_161 = tpu.scan <sum>, %select_n3A_159 masked %reduce_sum3A_160 : vector<16xi32>, vector<16xi1> -> vector<16xi32>
        %reduce_sum3A_162 = vector.extract %reduce_sum3A_161[15] : i32 from vector<16xi32>
        %jit3A_163 = arith.constant 0 : i32
        %broadcast_in_dim3A_164 = vector.broadcast %jit3A_163 : i32 to vector<16xi32>
        %select_n3A_165 = arith.select %eq3A_150, %select_n3A_156, %broadcast_in_dim3A_164 : vector<16xi1>, vector<16xi32>
        %reduce_sum3A_166 = arith.constant true
        %reduce_sum3A_167 = vector.broadcast %reduce_sum3A_166 : i1 to vector<16xi1>
        %reduce_sum3A_168 = tpu.scan <sum>, %select_n3A_165 masked %reduce_sum3A_167 : vector<16xi32>, vector<16xi1> -> vector<16xi32>
        %reduce_sum3A_169 = vector.extract %reduce_sum3A_168[15] : i32 from vector<16xi32>
        %mul3A_170 = arith.constant 16 : i32
        %mul3A_171 = arith.muli %while3A_143, %mul3A_170 : i32
        %add3A_172 = arith.addi %mul3A_171, %while3A_144 : i32
        %broadcast_in_dim3A_173 = vector.broadcast %add3A_172 : i32 to vector<16xi32>
        %broadcast_in_dim3A_174 = vector.broadcast %reduce_sum3A_162 : i32 to vector<16xi32>
        %gather3A_175 = tpu.vector_load_idx %arg7[%broadcast_in_dim3A_173, %broadcast_in_dim3A_174] : memref<32x304xi32, #tpu.memory_space<vmem>>[vector<16xi32>, vector<16xi32>], vector<16xi32>,
        %slice3A = vector.extract_strided_slice %gather3A_175 {offsets = [0], sizes = [1], strides = [1]} : vector<16xi32> to vector<1xi32>
        %squeeze3A = vector.extract %slice3A[0] : i32 from vector<1xi32>
        %broadcast_in_dim3A_176 = vector.broadcast %while3A_141 : i32 to vector<16xi32>
        %broadcast_in_dim3A_177 = vector.broadcast %squeeze3A : i32 to vector<16xi32>
        %iota3A_178 = tpu.iota {dimensions = array<i32: 0>} : vector<16xi32>
        %eq3A_179 = arith.constant 0 : i32
        %eq3A_180 = vector.broadcast %eq3A_179 : i32 to vector<16xi32>
        %eq3A_181 = arith.cmpi eq, %iota3A_178, %eq3A_180 : vector<16xi32>
        tpu.vector_store_idx %arg13[%broadcast_in_dim3A_176], %broadcast_in_dim3A_177 masked %eq3A_181 : memref<320xi32, #tpu.memory_space<vmem>>[vector<16xi32>], vector<16xi32>, vector<16xi1>
        %broadcast_in_dim3A_182 = vector.broadcast %while3A_141 : i32 to vector<16xi32>
        %broadcast_in_dim3A_183 = vector.broadcast %while3A_142 : f32 to vector<16xf32>
        %iota3A_184 = tpu.iota {dimensions = array<i32: 0>} : vector<16xi32>
        %eq3A_185 = arith.constant 0 : i32
        %eq3A_186 = vector.broadcast %eq3A_185 : i32 to vector<16xi32>
        %eq3A_187 = arith.cmpi eq, %iota3A_184, %eq3A_186 : vector<16xi32>
        tpu.vector_store_idx %arg14[%broadcast_in_dim3A_182], %broadcast_in_dim3A_183 masked %eq3A_187 : memref<320xf32, #tpu.memory_space<vmem>>[vector<16xi32>], vector<16xf32>, vector<16xi1>
        %add3A_188 = arith.constant 1 : i32
        %add3A_189 = arith.addi %reduce_sum3A_162, %add3A_188 : i32
        %min3A = arith.constant 299 : i32
        %min3A_190 = arith.minsi %add3A_189, %min3A : i32
        %broadcast_in_dim3A_191 = vector.broadcast %min3A_190 : i32 to vector<16xi32>
        %gather3A_192 = tpu.vector_load_idx %arg6[%broadcast_in_dim3A_173, %broadcast_in_dim3A_191] : memref<32x304xf32, #tpu.memory_space<vmem>>[vector<16xi32>, vector<16xi32>], vector<16xf32>,
        %slice3A_193 = vector.extract_strided_slice %gather3A_192 {offsets = [0], sizes = [1], strides = [1]} : vector<16xf32> to vector<1xf32>
        %squeeze3A_194 = vector.extract %slice3A_193[0] : f32 from vector<1xf32>
        %lt3A = arith.cmpi slt, %add3A_189, %reduce_sum3A_169 : i32
        %jit3A_195 = arith.constant -3.000000e+38 : f32
        %select_n3A_196 = arith.select %lt3A, %squeeze3A_194, %jit3A_195 : f32
        %eq3A_197 = arith.constant 0 : i32
        %eq3A_198 = arith.cmpi eq, %while3A_143, %eq3A_197 : i32
        %and3A = vector.broadcast %eq3A_198 : i1 to vector<16xi1>
        %and3A_199 = arith.andi %and3A, %eq3A_150 : vector<16xi1>
        %broadcast_in_dim3A_200 = vector.broadcast %select_n3A_196 : f32 to vector<16xf32>
        %select_n3A_201 = arith.select %and3A_199, %broadcast_in_dim3A_200, %while3A_145 : vector<16xi1>, vector<16xf32>
        %broadcast_in_dim3A_202 = vector.broadcast %add3A_189 : i32 to vector<16xi32>
        %select_n3A_203 = arith.select %and3A_199, %broadcast_in_dim3A_202, %while3A_147 : vector<16xi1>, vector<16xi32>
        %eq3A_204 = arith.constant 1 : i32
        %eq3A_205 = arith.cmpi eq, %while3A_143, %eq3A_204 : i32
        %and3A_206 = vector.broadcast %eq3A_205 : i1 to vector<16xi1>
        %and3A_207 = arith.andi %and3A_206, %eq3A_150 : vector<16xi1>
        %broadcast_in_dim3A_208 = vector.broadcast %select_n3A_196 : f32 to vector<16xf32>
        %select_n3A_209 = arith.select %and3A_207, %broadcast_in_dim3A_208, %while3A_146 : vector<16xi1>, vector<16xf32>
        %broadcast_in_dim3A_210 = vector.broadcast %add3A_189 : i32 to vector<16xi32>
        %select_n3A_211 = arith.select %and3A_207, %broadcast_in_dim3A_210, %while3A_148 : vector<16xi1>, vector<16xi32>
        %reduce_max3A_212 = arith.constant true
        %reduce_max3A_213 = vector.broadcast %reduce_max3A_212 : i1 to vector<16xi1>
        %reduce_max3A_214 = tpu.scan <max>, %select_n3A_201 masked %reduce_max3A_213 : vector<16xf32>, vector<16xi1> -> vector<16xf32>
        %reduce_max3A_215 = vector.extract %reduce_max3A_214[15] : f32 from vector<16xf32>
        %reduce_max3A_216 = arith.constant true
        %reduce_max3A_217 = vector.broadcast %reduce_max3A_216 : i1 to vector<16xi1>
        %reduce_max3A_218 = tpu.scan <max>, %select_n3A_209 masked %reduce_max3A_217 : vector<16xf32>, vector<16xi1> -> vector<16xf32>
        %reduce_max3A_219 = vector.extract %reduce_max3A_218[15] : f32 from vector<16xf32>
        %gt3A_220 = arith.cmpf ogt, %reduce_max3A_219, %reduce_max3A_215 : f32
        %select_n3A_221 = arith.select %gt3A_220, %reduce_max3A_219, %reduce_max3A_215 : f32
        %jit3A_222 = arith.constant 1 : i32
        %jit3A_223 = arith.constant 0 : i32
        %select_n3A_224 = arith.select %gt3A_220, %jit3A_222, %jit3A_223 : i32
        %eq3A_225 = arith.constant 1 : i32
        %eq3A_226 = arith.cmpi eq, %select_n3A_224, %eq3A_225 : i32
        %select_n3A_227 = arith.select %eq3A_226, %select_n3A_209, %select_n3A_201 : vector<16xf32>
        %eq3A_228 = vector.broadcast %select_n3A_221 : f32 to vector<16xf32>
        %eq3A_229 = arith.cmpf oeq, %select_n3A_227, %eq3A_228 : vector<16xf32>
        %jit3A_230 = arith.constant 16 : i32
        %broadcast_in_dim3A_231 = vector.broadcast %jit3A_230 : i32 to vector<16xi32>
        %select_n3A_232 = arith.select %eq3A_229, %iota3A, %broadcast_in_dim3A_231 : vector<16xi1>, vector<16xi32>
        %reduce_min3A_233 = arith.constant true
        %reduce_min3A_234 = vector.broadcast %reduce_min3A_233 : i1 to vector<16xi1>
        %reduce_min3A_235 = arith.constant -2147483648 : i32
        %reduce_min3A_236 = vector.broadcast %reduce_min3A_235 : i32 to vector<16xi32>
        %reduce_min3A_237 = arith.xori %select_n3A_232, %reduce_min3A_236 : vector<16xi32>
        %reduce_min3A_238 = tpu.scan <min>, %reduce_min3A_237 masked %reduce_min3A_234 : vector<16xi32>, vector<16xi1> -> vector<16xi32>
        %reduce_min3A_239 = arith.xori %reduce_min3A_238, %reduce_min3A_236 : vector<16xi32>
        %reduce_min3A_240 = vector.extract %reduce_min3A_239[15] : i32 from vector<16xi32>
        %add3A_241 = arith.constant 1 : i32
        %add3A_242 = arith.addi %while3A_141, %add3A_241 : i32
        scf.yield %add3A_242, %select_n3A_221, %select_n3A_224, %reduce_min3A_240, %select_n3A_201, %select_n3A_209, %select_n3A_203, %select_n3A_211 : i32, f32, i32, i32, vector<16xf32>, vector<16xf32>, vector<16xi32>, vector<16xi32>
      }
      %scan3A_134 = arith.constant 0 : i32
      %scan3A_135 = arith.constant 0 : i32
      %scan3A_136 = arith.constant 19 : i32
      %scan3A_137 = arith.addi %scan3A_135, %scan3A_136 : i32
      %scan3A_138 = arith.constant 1 : i32
      %scan3A_139 = scf.for %scan3A_141 = %scan3A_135 to %scan3A_137 step %scan3A_138 iter_args(%scan3A_142 = %scan3A_134) -> (i32)  : i32 {
        %mul3A_143 = arith.constant 16 : i32
        %mul3A_144 = arith.muli %scan3A_141, %mul3A_143 : i32
        %add3A_145 = vector.broadcast %mul3A_144 : i32 to vector<16xi32>
        %add3A_146 = arith.addi %add3A_145, %iota3A : vector<16xi32>
        %lt3A = vector.broadcast %while3A_133#0 : i32 to vector<16xi32>
        %lt3A_147 = arith.cmpi slt, %add3A_146, %lt3A : vector<16xi32>
        %mul3A_148 = arith.constant 16 : i32
        %mul3A_149 = arith.muli %scan3A_141, %mul3A_148 : i32
        %get3A = arith.index_cast %mul3A_149 : i32 to index
        %get3A_150 = tpu.vector_load %arg13[%get3A] {strides = array<i32>} : memref<320xi32, #tpu.memory_space<vmem>>, vector<16xi32>,
        %jit3A_151 = arith.constant 0 : i32
        %broadcast_in_dim3A_152 = vector.broadcast %jit3A_151 : i32 to vector<16xi32>
        %select_n3A_153 = arith.select %lt3A_147, %get3A_150, %broadcast_in_dim3A_152 : vector<16xi1>, vector<16xi32>
        %mul3A_154 = arith.constant 6 : i32
        %mul3A_155 = vector.broadcast %mul3A_154 : i32 to vector<16xi32>
        %mul3A_156 = arith.muli %add3A_146, %mul3A_155 : vector<16xi32>
        %gather3A_157 = tpu.vector_load_idx %arg8[%select_n3A_153] : memref<5120xf32, #tpu.memory_space<vmem>>[vector<16xi32>], vector<16xf32>,
        %jit3A_158 = arith.constant 0.000000e+00 : f32
        %broadcast_in_dim3A_159 = vector.broadcast %jit3A_158 : f32 to vector<16xf32>
        %select_n3A_160 = arith.select %lt3A_147, %gather3A_157, %broadcast_in_dim3A_159 : vector<16xi1>, vector<16xf32>
        tpu.vector_store_idx %arg15[%mul3A_156], %select_n3A_160 : memref<1824xf32, #tpu.memory_space<vmem>>[vector<16xi32>], vector<16xf32>,
        %gather3A_161 = tpu.vector_load_idx %arg9[%select_n3A_153] : memref<5120xf32, #tpu.memory_space<vmem>>[vector<16xi32>], vector<16xf32>,
        %jit3A_162 = arith.constant 0.000000e+00 : f32
        %broadcast_in_dim3A_163 = vector.broadcast %jit3A_162 : f32 to vector<16xf32>
        %select_n3A_164 = arith.select %lt3A_147, %gather3A_161, %broadcast_in_dim3A_163 : vector<16xi1>, vector<16xf32>
        %add3A_165 = arith.constant 1 : i32
        %add3A_166 = vector.broadcast %add3A_165 : i32 to vector<16xi32>
        %add3A_167 = arith.addi %mul3A_156, %add3A_166 : vector<16xi32>
        tpu.vector_store_idx %arg15[%add3A_167], %select_n3A_164 : memref<1824xf32, #tpu.memory_space<vmem>>[vector<16xi32>], vector<16xf32>,
        %gather3A_168 = tpu.vector_load_idx %arg10[%select_n3A_153] : memref<5120xf32, #tpu.memory_space<vmem>>[vector<16xi32>], vector<16xf32>,
        %jit3A_169 = arith.constant 0.000000e+00 : f32
        %broadcast_in_dim3A_170 = vector.broadcast %jit3A_169 : f32 to vector<16xf32>
        %select_n3A_171 = arith.select %lt3A_147, %gather3A_168, %broadcast_in_dim3A_170 : vector<16xi1>, vector<16xf32>
        %add3A_172 = arith.constant 2 : i32
        %add3A_173 = vector.broadcast %add3A_172 : i32 to vector<16xi32>
        %add3A_174 = arith.addi %mul3A_156, %add3A_173 : vector<16xi32>
        tpu.vector_store_idx %arg15[%add3A_174], %select_n3A_171 : memref<1824xf32, #tpu.memory_space<vmem>>[vector<16xi32>], vector<16xf32>,
        %gather3A_175 = tpu.vector_load_idx %arg11[%select_n3A_153] : memref<5120xf32, #tpu.memory_space<vmem>>[vector<16xi32>], vector<16xf32>,
        %jit3A_176 = arith.constant 0.000000e+00 : f32
        %broadcast_in_dim3A_177 = vector.broadcast %jit3A_176 : f32 to vector<16xf32>
        %select_n3A_178 = arith.select %lt3A_147, %gather3A_175, %broadcast_in_dim3A_177 : vector<16xi1>, vector<16xf32>
        %add3A_179 = arith.constant 3 : i32
        %add3A_180 = vector.broadcast %add3A_179 : i32 to vector<16xi32>
        %add3A_181 = arith.addi %mul3A_156, %add3A_180 : vector<16xi32>
        tpu.vector_store_idx %arg15[%add3A_181], %select_n3A_178 : memref<1824xf32, #tpu.memory_space<vmem>>[vector<16xi32>], vector<16xf32>,
        %mul3A_182 = arith.constant 16 : i32
        %mul3A_183 = arith.muli %scan3A_141, %mul3A_182 : i32
        %get3A_184 = arith.index_cast %mul3A_183 : i32 to index
        %get3A_185 = tpu.vector_load %arg14[%get3A_184] {strides = array<i32>} : memref<320xf32, #tpu.memory_space<vmem>>, vector<16xf32>,
        %jit3A_186 = arith.constant 0.000000e+00 : f32
        %broadcast_in_dim3A_187 = vector.broadcast %jit3A_186 : f32 to vector<16xf32>
        %select_n3A_188 = arith.select %lt3A_147, %get3A_185, %broadcast_in_dim3A_187 : vector<16xi1>, vector<16xf32>
        %add3A_189 = arith.constant 4 : i32
        %add3A_190 = vector.broadcast %add3A_189 : i32 to vector<16xi32>
        %add3A_191 = arith.addi %mul3A_156, %add3A_190 : vector<16xi32>
        tpu.vector_store_idx %arg15[%add3A_191], %select_n3A_188 : memref<1824xf32, #tpu.memory_space<vmem>>[vector<16xi32>], vector<16xf32>,
        %gather3A_192 = tpu.vector_load_idx %arg12[%select_n3A_153] : memref<5120xf32, #tpu.memory_space<vmem>>[vector<16xi32>], vector<16xf32>,
        %jit3A_193 = arith.constant 0.000000e+00 : f32
        %broadcast_in_dim3A_194 = vector.broadcast %jit3A_193 : f32 to vector<16xf32>
        %select_n3A_195 = arith.select %lt3A_147, %gather3A_192, %broadcast_in_dim3A_194 : vector<16xi1>, vector<16xf32>
        %add3A_196 = arith.constant 5 : i32
        %add3A_197 = vector.broadcast %add3A_196 : i32 to vector<16xi32>
        %add3A_198 = arith.addi %mul3A_156, %add3A_197 : vector<16xi32>
        tpu.vector_store_idx %arg15[%add3A_198], %select_n3A_195 : memref<1824xf32, #tpu.memory_space<vmem>>[vector<16xi32>], vector<16xf32>,
        %scan3A_199 = arith.constant 0 : i32
        scf.yield %scan3A_199 : i32
      }
      %scan3A_140 = arith.constant 19 : i32
      "tpu.region"() ({
        %run_scoped3A = tpu.sem_alloc : memref<!tpu.dma_semaphore, #tpu.memory_space<semaphore_mem>>
        tpu.enqueue_dma source(%arg15 : memref<1824xf32, #tpu.memory_space<vmem>>) target(%arg5 : memref<1824xf32, #tpu.memory_space<hbm>>) target_semaphore(%run_scoped3A : memref<!tpu.dma_semaphore, #tpu.memory_space<semaphore_mem>>)
        tpu.wait_dma2 semaphore(%run_scoped3A : memref<!tpu.dma_semaphore, #tpu.memory_space<semaphore_mem>>) src(%arg15 : memref<1824xf32, #tpu.memory_space<vmem>>) dst(%arg5 : memref<1824xf32, #tpu.memory_space<hbm>>)
        tpu.yield
      }) : () -> ()
    } else {
    }
    return
  }
}

module attributes {stable_mosaic.version = 14 : i64} {
  func.func @_prep_body(%arg0: memref<85x8x640xf32, #tpu.memory_space<vmem>>, %arg1: memref<16x8x640xf32, #tpu.memory_space<vmem>>) attributes {dimension_semantics = [], scalar_prefetch = 0 : i64, scratch_operands = 0 : i64, tpu.core_type = #tpu.core_type<tc>} {
    %get3A = arith.constant 4 : index
    %get3A_0 = arith.constant 0 : index
    %get3A_1 = arith.constant 0 : index
    %get3A_2 = vector.load %arg0[%get3A, %get3A_0, %get3A_1] : memref<85x8x640xf32, #tpu.memory_space<vmem>>, vector<1x8x640xf32>
    %get3A_3 = vector.shape_cast %get3A_2 : vector<1x8x640xf32> to vector<8x640xf32>
    %get3A_4 = arith.constant 5 : index
    %get3A_5 = arith.constant 0 : index
    %get3A_6 = arith.constant 0 : index
    %get3A_7 = vector.load %arg0[%get3A_4, %get3A_5, %get3A_6] : memref<85x8x640xf32, #tpu.memory_space<vmem>>, vector<1x8x640xf32>
    %get3A_8 = vector.shape_cast %get3A_7 : vector<1x8x640xf32> to vector<8x640xf32>
    %mul3A = arith.mulf %get3A_8, %get3A_3 : vector<8x640xf32>
    %broadcast_in_dim3A = arith.constant 0.000000e+00 : f32
    %broadcast_in_dim3A_9 = vector.broadcast %broadcast_in_dim3A : f32 to vector<8x640xf32>
    %get3A_10 = arith.constant 6 : index
    %get3A_11 = arith.constant 0 : index
    %get3A_12 = arith.constant 0 : index
    %get3A_13 = vector.load %arg0[%get3A_10, %get3A_11, %get3A_12] : memref<85x8x640xf32, #tpu.memory_space<vmem>>, vector<1x8x640xf32>
    %get3A_14 = vector.shape_cast %get3A_13 : vector<1x8x640xf32> to vector<8x640xf32>
    %mul3A_15 = arith.mulf %get3A_14, %get3A_3 : vector<8x640xf32>
    %gt3A = arith.cmpf ogt, %mul3A_15, %mul3A : vector<8x640xf32>
    %jit3A = arith.constant 1.000000e+00 : f32
    %broadcast_in_dim3A_16 = vector.broadcast %jit3A : f32 to vector<8x640xf32>
    %select_n3A = arith.select %gt3A, %broadcast_in_dim3A_16, %broadcast_in_dim3A_9 : vector<8x640xi1>, vector<8x640xf32>
    %max3A = arith.maximumf %mul3A, %mul3A_15 : vector<8x640xf32>
    %get3A_17 = arith.constant 7 : index
    %get3A_18 = arith.constant 0 : index
    %get3A_19 = arith.constant 0 : index
    %get3A_20 = vector.load %arg0[%get3A_17, %get3A_18, %get3A_19] : memref<85x8x640xf32, #tpu.memory_space<vmem>>, vector<1x8x640xf32>
    %get3A_21 = vector.shape_cast %get3A_20 : vector<1x8x640xf32> to vector<8x640xf32>
    %mul3A_22 = arith.mulf %get3A_21, %get3A_3 : vector<8x640xf32>
    %gt3A_23 = arith.cmpf ogt, %mul3A_22, %max3A : vector<8x640xf32>
    %jit3A_24 = arith.constant 2.000000e+00 : f32
    %broadcast_in_dim3A_25 = vector.broadcast %jit3A_24 : f32 to vector<8x640xf32>
    %select_n3A_26 = arith.select %gt3A_23, %broadcast_in_dim3A_25, %select_n3A : vector<8x640xi1>, vector<8x640xf32>
    %max3A_27 = arith.maximumf %max3A, %mul3A_22 : vector<8x640xf32>
    %get3A_28 = arith.constant 8 : index
    %get3A_29 = arith.constant 0 : index
    %get3A_30 = arith.constant 0 : index
    %get3A_31 = vector.load %arg0[%get3A_28, %get3A_29, %get3A_30] : memref<85x8x640xf32, #tpu.memory_space<vmem>>, vector<1x8x640xf32>
    %get3A_32 = vector.shape_cast %get3A_31 : vector<1x8x640xf32> to vector<8x640xf32>
    %mul3A_33 = arith.mulf %get3A_32, %get3A_3 : vector<8x640xf32>
    %gt3A_34 = arith.cmpf ogt, %mul3A_33, %max3A_27 : vector<8x640xf32>
    %jit3A_35 = arith.constant 3.000000e+00 : f32
    %broadcast_in_dim3A_36 = vector.broadcast %jit3A_35 : f32 to vector<8x640xf32>
    %select_n3A_37 = arith.select %gt3A_34, %broadcast_in_dim3A_36, %select_n3A_26 : vector<8x640xi1>, vector<8x640xf32>
    %max3A_38 = arith.maximumf %max3A_27, %mul3A_33 : vector<8x640xf32>
    %get3A_39 = arith.constant 9 : index
    %get3A_40 = arith.constant 0 : index
    %get3A_41 = arith.constant 0 : index
    %get3A_42 = vector.load %arg0[%get3A_39, %get3A_40, %get3A_41] : memref<85x8x640xf32, #tpu.memory_space<vmem>>, vector<1x8x640xf32>
    %get3A_43 = vector.shape_cast %get3A_42 : vector<1x8x640xf32> to vector<8x640xf32>
    %mul3A_44 = arith.mulf %get3A_43, %get3A_3 : vector<8x640xf32>
    %gt3A_45 = arith.cmpf ogt, %mul3A_44, %max3A_38 : vector<8x640xf32>
    %jit3A_46 = arith.constant 4.000000e+00 : f32
    %broadcast_in_dim3A_47 = vector.broadcast %jit3A_46 : f32 to vector<8x640xf32>
    %select_n3A_48 = arith.select %gt3A_45, %broadcast_in_dim3A_47, %select_n3A_37 : vector<8x640xi1>, vector<8x640xf32>
    %max3A_49 = arith.maximumf %max3A_38, %mul3A_44 : vector<8x640xf32>
    %get3A_50 = arith.constant 10 : index
    %get3A_51 = arith.constant 0 : index
    %get3A_52 = arith.constant 0 : index
    %get3A_53 = vector.load %arg0[%get3A_50, %get3A_51, %get3A_52] : memref<85x8x640xf32, #tpu.memory_space<vmem>>, vector<1x8x640xf32>
    %get3A_54 = vector.shape_cast %get3A_53 : vector<1x8x640xf32> to vector<8x640xf32>
    %mul3A_55 = arith.mulf %get3A_54, %get3A_3 : vector<8x640xf32>
    %gt3A_56 = arith.cmpf ogt, %mul3A_55, %max3A_49 : vector<8x640xf32>
    %jit3A_57 = arith.constant 5.000000e+00 : f32
    %broadcast_in_dim3A_58 = vector.broadcast %jit3A_57 : f32 to vector<8x640xf32>
    %select_n3A_59 = arith.select %gt3A_56, %broadcast_in_dim3A_58, %select_n3A_48 : vector<8x640xi1>, vector<8x640xf32>
    %max3A_60 = arith.maximumf %max3A_49, %mul3A_55 : vector<8x640xf32>
    %get3A_61 = arith.constant 11 : index
    %get3A_62 = arith.constant 0 : index
    %get3A_63 = arith.constant 0 : index
    %get3A_64 = vector.load %arg0[%get3A_61, %get3A_62, %get3A_63] : memref<85x8x640xf32, #tpu.memory_space<vmem>>, vector<1x8x640xf32>
    %get3A_65 = vector.shape_cast %get3A_64 : vector<1x8x640xf32> to vector<8x640xf32>
    %mul3A_66 = arith.mulf %get3A_65, %get3A_3 : vector<8x640xf32>
    %gt3A_67 = arith.cmpf ogt, %mul3A_66, %max3A_60 : vector<8x640xf32>
    %jit3A_68 = arith.constant 6.000000e+00 : f32
    %broadcast_in_dim3A_69 = vector.broadcast %jit3A_68 : f32 to vector<8x640xf32>
    %select_n3A_70 = arith.select %gt3A_67, %broadcast_in_dim3A_69, %select_n3A_59 : vector<8x640xi1>, vector<8x640xf32>
    %max3A_71 = arith.maximumf %max3A_60, %mul3A_66 : vector<8x640xf32>
    %get3A_72 = arith.constant 12 : index
    %get3A_73 = arith.constant 0 : index
    %get3A_74 = arith.constant 0 : index
    %get3A_75 = vector.load %arg0[%get3A_72, %get3A_73, %get3A_74] : memref<85x8x640xf32, #tpu.memory_space<vmem>>, vector<1x8x640xf32>
    %get3A_76 = vector.shape_cast %get3A_75 : vector<1x8x640xf32> to vector<8x640xf32>
    %mul3A_77 = arith.mulf %get3A_76, %get3A_3 : vector<8x640xf32>
    %gt3A_78 = arith.cmpf ogt, %mul3A_77, %max3A_71 : vector<8x640xf32>
    %jit3A_79 = arith.constant 7.000000e+00 : f32
    %broadcast_in_dim3A_80 = vector.broadcast %jit3A_79 : f32 to vector<8x640xf32>
    %select_n3A_81 = arith.select %gt3A_78, %broadcast_in_dim3A_80, %select_n3A_70 : vector<8x640xi1>, vector<8x640xf32>
    %max3A_82 = arith.maximumf %max3A_71, %mul3A_77 : vector<8x640xf32>
    %get3A_83 = arith.constant 13 : index
    %get3A_84 = arith.constant 0 : index
    %get3A_85 = arith.constant 0 : index
    %get3A_86 = vector.load %arg0[%get3A_83, %get3A_84, %get3A_85] : memref<85x8x640xf32, #tpu.memory_space<vmem>>, vector<1x8x640xf32>
    %get3A_87 = vector.shape_cast %get3A_86 : vector<1x8x640xf32> to vector<8x640xf32>
    %mul3A_88 = arith.mulf %get3A_87, %get3A_3 : vector<8x640xf32>
    %gt3A_89 = arith.cmpf ogt, %mul3A_88, %max3A_82 : vector<8x640xf32>
    %jit3A_90 = arith.constant 8.000000e+00 : f32
    %broadcast_in_dim3A_91 = vector.broadcast %jit3A_90 : f32 to vector<8x640xf32>
    %select_n3A_92 = arith.select %gt3A_89, %broadcast_in_dim3A_91, %select_n3A_81 : vector<8x640xi1>, vector<8x640xf32>
    %max3A_93 = arith.maximumf %max3A_82, %mul3A_88 : vector<8x640xf32>
    %get3A_94 = arith.constant 14 : index
    %get3A_95 = arith.constant 0 : index
    %get3A_96 = arith.constant 0 : index
    %get3A_97 = vector.load %arg0[%get3A_94, %get3A_95, %get3A_96] : memref<85x8x640xf32, #tpu.memory_space<vmem>>, vector<1x8x640xf32>
    %get3A_98 = vector.shape_cast %get3A_97 : vector<1x8x640xf32> to vector<8x640xf32>
    %mul3A_99 = arith.mulf %get3A_98, %get3A_3 : vector<8x640xf32>
    %gt3A_100 = arith.cmpf ogt, %mul3A_99, %max3A_93 : vector<8x640xf32>
    %jit3A_101 = arith.constant 9.000000e+00 : f32
    %broadcast_in_dim3A_102 = vector.broadcast %jit3A_101 : f32 to vector<8x640xf32>
    %select_n3A_103 = arith.select %gt3A_100, %broadcast_in_dim3A_102, %select_n3A_92 : vector<8x640xi1>, vector<8x640xf32>
    %max3A_104 = arith.maximumf %max3A_93, %mul3A_99 : vector<8x640xf32>
    %get3A_105 = arith.constant 15 : index
    %get3A_106 = arith.constant 0 : index
    %get3A_107 = arith.constant 0 : index
    %get3A_108 = vector.load %arg0[%get3A_105, %get3A_106, %get3A_107] : memref<85x8x640xf32, #tpu.memory_space<vmem>>, vector<1x8x640xf32>
    %get3A_109 = vector.shape_cast %get3A_108 : vector<1x8x640xf32> to vector<8x640xf32>
    %mul3A_110 = arith.mulf %get3A_109, %get3A_3 : vector<8x640xf32>
    %gt3A_111 = arith.cmpf ogt, %mul3A_110, %max3A_104 : vector<8x640xf32>
    %jit3A_112 = arith.constant 1.000000e+01 : f32
    %broadcast_in_dim3A_113 = vector.broadcast %jit3A_112 : f32 to vector<8x640xf32>
    %select_n3A_114 = arith.select %gt3A_111, %broadcast_in_dim3A_113, %select_n3A_103 : vector<8x640xi1>, vector<8x640xf32>
    %max3A_115 = arith.maximumf %max3A_104, %mul3A_110 : vector<8x640xf32>
    %get3A_116 = arith.constant 16 : index
    %get3A_117 = arith.constant 0 : index
    %get3A_118 = arith.constant 0 : index
    %get3A_119 = vector.load %arg0[%get3A_116, %get3A_117, %get3A_118] : memref<85x8x640xf32, #tpu.memory_space<vmem>>, vector<1x8x640xf32>
    %get3A_120 = vector.shape_cast %get3A_119 : vector<1x8x640xf32> to vector<8x640xf32>
    %mul3A_121 = arith.mulf %get3A_120, %get3A_3 : vector<8x640xf32>
    %gt3A_122 = arith.cmpf ogt, %mul3A_121, %max3A_115 : vector<8x640xf32>
    %jit3A_123 = arith.constant 1.100000e+01 : f32
    %broadcast_in_dim3A_124 = vector.broadcast %jit3A_123 : f32 to vector<8x640xf32>
    %select_n3A_125 = arith.select %gt3A_122, %broadcast_in_dim3A_124, %select_n3A_114 : vector<8x640xi1>, vector<8x640xf32>
    %max3A_126 = arith.maximumf %max3A_115, %mul3A_121 : vector<8x640xf32>
    %get3A_127 = arith.constant 17 : index
    %get3A_128 = arith.constant 0 : index
    %get3A_129 = arith.constant 0 : index
    %get3A_130 = vector.load %arg0[%get3A_127, %get3A_128, %get3A_129] : memref<85x8x640xf32, #tpu.memory_space<vmem>>, vector<1x8x640xf32>
    %get3A_131 = vector.shape_cast %get3A_130 : vector<1x8x640xf32> to vector<8x640xf32>
    %mul3A_132 = arith.mulf %get3A_131, %get3A_3 : vector<8x640xf32>
    %gt3A_133 = arith.cmpf ogt, %mul3A_132, %max3A_126 : vector<8x640xf32>
    %jit3A_134 = arith.constant 1.200000e+01 : f32
    %broadcast_in_dim3A_135 = vector.broadcast %jit3A_134 : f32 to vector<8x640xf32>
    %select_n3A_136 = arith.select %gt3A_133, %broadcast_in_dim3A_135, %select_n3A_125 : vector<8x640xi1>, vector<8x640xf32>
    %max3A_137 = arith.maximumf %max3A_126, %mul3A_132 : vector<8x640xf32>
    %get3A_138 = arith.constant 18 : index
    %get3A_139 = arith.constant 0 : index
    %get3A_140 = arith.constant 0 : index
    %get3A_141 = vector.load %arg0[%get3A_138, %get3A_139, %get3A_140] : memref<85x8x640xf32, #tpu.memory_space<vmem>>, vector<1x8x640xf32>
    %get3A_142 = vector.shape_cast %get3A_141 : vector<1x8x640xf32> to vector<8x640xf32>
    %mul3A_143 = arith.mulf %get3A_142, %get3A_3 : vector<8x640xf32>
    %gt3A_144 = arith.cmpf ogt, %mul3A_143, %max3A_137 : vector<8x640xf32>
    %jit3A_145 = arith.constant 1.300000e+01 : f32
    %broadcast_in_dim3A_146 = vector.broadcast %jit3A_145 : f32 to vector<8x640xf32>
    %select_n3A_147 = arith.select %gt3A_144, %broadcast_in_dim3A_146, %select_n3A_136 : vector<8x640xi1>, vector<8x640xf32>
    %max3A_148 = arith.maximumf %max3A_137, %mul3A_143 : vector<8x640xf32>
    %get3A_149 = arith.constant 19 : index
    %get3A_150 = arith.constant 0 : index
    %get3A_151 = arith.constant 0 : index
    %get3A_152 = vector.load %arg0[%get3A_149, %get3A_150, %get3A_151] : memref<85x8x640xf32, #tpu.memory_space<vmem>>, vector<1x8x640xf32>
    %get3A_153 = vector.shape_cast %get3A_152 : vector<1x8x640xf32> to vector<8x640xf32>
    %mul3A_154 = arith.mulf %get3A_153, %get3A_3 : vector<8x640xf32>
    %gt3A_155 = arith.cmpf ogt, %mul3A_154, %max3A_148 : vector<8x640xf32>
    %jit3A_156 = arith.constant 1.400000e+01 : f32
    %broadcast_in_dim3A_157 = vector.broadcast %jit3A_156 : f32 to vector<8x640xf32>
    %select_n3A_158 = arith.select %gt3A_155, %broadcast_in_dim3A_157, %select_n3A_147 : vector<8x640xi1>, vector<8x640xf32>
    %max3A_159 = arith.maximumf %max3A_148, %mul3A_154 : vector<8x640xf32>
    %get3A_160 = arith.constant 20 : index
    %get3A_161 = arith.constant 0 : index
    %get3A_162 = arith.constant 0 : index
    %get3A_163 = vector.load %arg0[%get3A_160, %get3A_161, %get3A_162] : memref<85x8x640xf32, #tpu.memory_space<vmem>>, vector<1x8x640xf32>
    %get3A_164 = vector.shape_cast %get3A_163 : vector<1x8x640xf32> to vector<8x640xf32>
    %mul3A_165 = arith.mulf %get3A_164, %get3A_3 : vector<8x640xf32>
    %gt3A_166 = arith.cmpf ogt, %mul3A_165, %max3A_159 : vector<8x640xf32>
    %jit3A_167 = arith.constant 1.500000e+01 : f32
    %broadcast_in_dim3A_168 = vector.broadcast %jit3A_167 : f32 to vector<8x640xf32>
    %select_n3A_169 = arith.select %gt3A_166, %broadcast_in_dim3A_168, %select_n3A_158 : vector<8x640xi1>, vector<8x640xf32>
    %max3A_170 = arith.maximumf %max3A_159, %mul3A_165 : vector<8x640xf32>
    %get3A_171 = arith.constant 21 : index
    %get3A_172 = arith.constant 0 : index
    %get3A_173 = arith.constant 0 : index
    %get3A_174 = vector.load %arg0[%get3A_171, %get3A_172, %get3A_173] : memref<85x8x640xf32, #tpu.memory_space<vmem>>, vector<1x8x640xf32>
    %get3A_175 = vector.shape_cast %get3A_174 : vector<1x8x640xf32> to vector<8x640xf32>
    %mul3A_176 = arith.mulf %get3A_175, %get3A_3 : vector<8x640xf32>
    %gt3A_177 = arith.cmpf ogt, %mul3A_176, %max3A_170 : vector<8x640xf32>
    %jit3A_178 = arith.constant 1.600000e+01 : f32
    %broadcast_in_dim3A_179 = vector.broadcast %jit3A_178 : f32 to vector<8x640xf32>
    %select_n3A_180 = arith.select %gt3A_177, %broadcast_in_dim3A_179, %select_n3A_169 : vector<8x640xi1>, vector<8x640xf32>
    %max3A_181 = arith.maximumf %max3A_170, %mul3A_176 : vector<8x640xf32>
    %get3A_182 = arith.constant 22 : index
    %get3A_183 = arith.constant 0 : index
    %get3A_184 = arith.constant 0 : index
    %get3A_185 = vector.load %arg0[%get3A_182, %get3A_183, %get3A_184] : memref<85x8x640xf32, #tpu.memory_space<vmem>>, vector<1x8x640xf32>
    %get3A_186 = vector.shape_cast %get3A_185 : vector<1x8x640xf32> to vector<8x640xf32>
    %mul3A_187 = arith.mulf %get3A_186, %get3A_3 : vector<8x640xf32>
    %gt3A_188 = arith.cmpf ogt, %mul3A_187, %max3A_181 : vector<8x640xf32>
    %jit3A_189 = arith.constant 1.700000e+01 : f32
    %broadcast_in_dim3A_190 = vector.broadcast %jit3A_189 : f32 to vector<8x640xf32>
    %select_n3A_191 = arith.select %gt3A_188, %broadcast_in_dim3A_190, %select_n3A_180 : vector<8x640xi1>, vector<8x640xf32>
    %max3A_192 = arith.maximumf %max3A_181, %mul3A_187 : vector<8x640xf32>
    %get3A_193 = arith.constant 23 : index
    %get3A_194 = arith.constant 0 : index
    %get3A_195 = arith.constant 0 : index
    %get3A_196 = vector.load %arg0[%get3A_193, %get3A_194, %get3A_195] : memref<85x8x640xf32, #tpu.memory_space<vmem>>, vector<1x8x640xf32>
    %get3A_197 = vector.shape_cast %get3A_196 : vector<1x8x640xf32> to vector<8x640xf32>
    %mul3A_198 = arith.mulf %get3A_197, %get3A_3 : vector<8x640xf32>
    %gt3A_199 = arith.cmpf ogt, %mul3A_198, %max3A_192 : vector<8x640xf32>
    %jit3A_200 = arith.constant 1.800000e+01 : f32
    %broadcast_in_dim3A_201 = vector.broadcast %jit3A_200 : f32 to vector<8x640xf32>
    %select_n3A_202 = arith.select %gt3A_199, %broadcast_in_dim3A_201, %select_n3A_191 : vector<8x640xi1>, vector<8x640xf32>
    %max3A_203 = arith.maximumf %max3A_192, %mul3A_198 : vector<8x640xf32>
    %get3A_204 = arith.constant 24 : index
    %get3A_205 = arith.constant 0 : index
    %get3A_206 = arith.constant 0 : index
    %get3A_207 = vector.load %arg0[%get3A_204, %get3A_205, %get3A_206] : memref<85x8x640xf32, #tpu.memory_space<vmem>>, vector<1x8x640xf32>
    %get3A_208 = vector.shape_cast %get3A_207 : vector<1x8x640xf32> to vector<8x640xf32>
    %mul3A_209 = arith.mulf %get3A_208, %get3A_3 : vector<8x640xf32>
    %gt3A_210 = arith.cmpf ogt, %mul3A_209, %max3A_203 : vector<8x640xf32>
    %jit3A_211 = arith.constant 1.900000e+01 : f32
    %broadcast_in_dim3A_212 = vector.broadcast %jit3A_211 : f32 to vector<8x640xf32>
    %select_n3A_213 = arith.select %gt3A_210, %broadcast_in_dim3A_212, %select_n3A_202 : vector<8x640xi1>, vector<8x640xf32>
    %max3A_214 = arith.maximumf %max3A_203, %mul3A_209 : vector<8x640xf32>
    %get3A_215 = arith.constant 25 : index
    %get3A_216 = arith.constant 0 : index
    %get3A_217 = arith.constant 0 : index
    %get3A_218 = vector.load %arg0[%get3A_215, %get3A_216, %get3A_217] : memref<85x8x640xf32, #tpu.memory_space<vmem>>, vector<1x8x640xf32>
    %get3A_219 = vector.shape_cast %get3A_218 : vector<1x8x640xf32> to vector<8x640xf32>
    %mul3A_220 = arith.mulf %get3A_219, %get3A_3 : vector<8x640xf32>
    %gt3A_221 = arith.cmpf ogt, %mul3A_220, %max3A_214 : vector<8x640xf32>
    %jit3A_222 = arith.constant 2.000000e+01 : f32
    %broadcast_in_dim3A_223 = vector.broadcast %jit3A_222 : f32 to vector<8x640xf32>
    %select_n3A_224 = arith.select %gt3A_221, %broadcast_in_dim3A_223, %select_n3A_213 : vector<8x640xi1>, vector<8x640xf32>
    %max3A_225 = arith.maximumf %max3A_214, %mul3A_220 : vector<8x640xf32>
    %get3A_226 = arith.constant 26 : index
    %get3A_227 = arith.constant 0 : index
    %get3A_228 = arith.constant 0 : index
    %get3A_229 = vector.load %arg0[%get3A_226, %get3A_227, %get3A_228] : memref<85x8x640xf32, #tpu.memory_space<vmem>>, vector<1x8x640xf32>
    %get3A_230 = vector.shape_cast %get3A_229 : vector<1x8x640xf32> to vector<8x640xf32>
    %mul3A_231 = arith.mulf %get3A_230, %get3A_3 : vector<8x640xf32>
    %gt3A_232 = arith.cmpf ogt, %mul3A_231, %max3A_225 : vector<8x640xf32>
    %jit3A_233 = arith.constant 2.100000e+01 : f32
    %broadcast_in_dim3A_234 = vector.broadcast %jit3A_233 : f32 to vector<8x640xf32>
    %select_n3A_235 = arith.select %gt3A_232, %broadcast_in_dim3A_234, %select_n3A_224 : vector<8x640xi1>, vector<8x640xf32>
    %max3A_236 = arith.maximumf %max3A_225, %mul3A_231 : vector<8x640xf32>
    %get3A_237 = arith.constant 27 : index
    %get3A_238 = arith.constant 0 : index
    %get3A_239 = arith.constant 0 : index
    %get3A_240 = vector.load %arg0[%get3A_237, %get3A_238, %get3A_239] : memref<85x8x640xf32, #tpu.memory_space<vmem>>, vector<1x8x640xf32>
    %get3A_241 = vector.shape_cast %get3A_240 : vector<1x8x640xf32> to vector<8x640xf32>
    %mul3A_242 = arith.mulf %get3A_241, %get3A_3 : vector<8x640xf32>
    %gt3A_243 = arith.cmpf ogt, %mul3A_242, %max3A_236 : vector<8x640xf32>
    %jit3A_244 = arith.constant 2.200000e+01 : f32
    %broadcast_in_dim3A_245 = vector.broadcast %jit3A_244 : f32 to vector<8x640xf32>
    %select_n3A_246 = arith.select %gt3A_243, %broadcast_in_dim3A_245, %select_n3A_235 : vector<8x640xi1>, vector<8x640xf32>
    %max3A_247 = arith.maximumf %max3A_236, %mul3A_242 : vector<8x640xf32>
    %get3A_248 = arith.constant 28 : index
    %get3A_249 = arith.constant 0 : index
    %get3A_250 = arith.constant 0 : index
    %get3A_251 = vector.load %arg0[%get3A_248, %get3A_249, %get3A_250] : memref<85x8x640xf32, #tpu.memory_space<vmem>>, vector<1x8x640xf32>
    %get3A_252 = vector.shape_cast %get3A_251 : vector<1x8x640xf32> to vector<8x640xf32>
    %mul3A_253 = arith.mulf %get3A_252, %get3A_3 : vector<8x640xf32>
    %gt3A_254 = arith.cmpf ogt, %mul3A_253, %max3A_247 : vector<8x640xf32>
    %jit3A_255 = arith.constant 2.300000e+01 : f32
    %broadcast_in_dim3A_256 = vector.broadcast %jit3A_255 : f32 to vector<8x640xf32>
    %select_n3A_257 = arith.select %gt3A_254, %broadcast_in_dim3A_256, %select_n3A_246 : vector<8x640xi1>, vector<8x640xf32>
    %max3A_258 = arith.maximumf %max3A_247, %mul3A_253 : vector<8x640xf32>
    %get3A_259 = arith.constant 29 : index
    %get3A_260 = arith.constant 0 : index
    %get3A_261 = arith.constant 0 : index
    %get3A_262 = vector.load %arg0[%get3A_259, %get3A_260, %get3A_261] : memref<85x8x640xf32, #tpu.memory_space<vmem>>, vector<1x8x640xf32>
    %get3A_263 = vector.shape_cast %get3A_262 : vector<1x8x640xf32> to vector<8x640xf32>
    %mul3A_264 = arith.mulf %get3A_263, %get3A_3 : vector<8x640xf32>
    %gt3A_265 = arith.cmpf ogt, %mul3A_264, %max3A_258 : vector<8x640xf32>
    %jit3A_266 = arith.constant 2.400000e+01 : f32
    %broadcast_in_dim3A_267 = vector.broadcast %jit3A_266 : f32 to vector<8x640xf32>
    %select_n3A_268 = arith.select %gt3A_265, %broadcast_in_dim3A_267, %select_n3A_257 : vector<8x640xi1>, vector<8x640xf32>
    %max3A_269 = arith.maximumf %max3A_258, %mul3A_264 : vector<8x640xf32>
    %get3A_270 = arith.constant 30 : index
    %get3A_271 = arith.constant 0 : index
    %get3A_272 = arith.constant 0 : index
    %get3A_273 = vector.load %arg0[%get3A_270, %get3A_271, %get3A_272] : memref<85x8x640xf32, #tpu.memory_space<vmem>>, vector<1x8x640xf32>
    %get3A_274 = vector.shape_cast %get3A_273 : vector<1x8x640xf32> to vector<8x640xf32>
    %mul3A_275 = arith.mulf %get3A_274, %get3A_3 : vector<8x640xf32>
    %gt3A_276 = arith.cmpf ogt, %mul3A_275, %max3A_269 : vector<8x640xf32>
    %jit3A_277 = arith.constant 2.500000e+01 : f32
    %broadcast_in_dim3A_278 = vector.broadcast %jit3A_277 : f32 to vector<8x640xf32>
    %select_n3A_279 = arith.select %gt3A_276, %broadcast_in_dim3A_278, %select_n3A_268 : vector<8x640xi1>, vector<8x640xf32>
    %max3A_280 = arith.maximumf %max3A_269, %mul3A_275 : vector<8x640xf32>
    %get3A_281 = arith.constant 31 : index
    %get3A_282 = arith.constant 0 : index
    %get3A_283 = arith.constant 0 : index
    %get3A_284 = vector.load %arg0[%get3A_281, %get3A_282, %get3A_283] : memref<85x8x640xf32, #tpu.memory_space<vmem>>, vector<1x8x640xf32>
    %get3A_285 = vector.shape_cast %get3A_284 : vector<1x8x640xf32> to vector<8x640xf32>
    %mul3A_286 = arith.mulf %get3A_285, %get3A_3 : vector<8x640xf32>
    %gt3A_287 = arith.cmpf ogt, %mul3A_286, %max3A_280 : vector<8x640xf32>
    %jit3A_288 = arith.constant 2.600000e+01 : f32
    %broadcast_in_dim3A_289 = vector.broadcast %jit3A_288 : f32 to vector<8x640xf32>
    %select_n3A_290 = arith.select %gt3A_287, %broadcast_in_dim3A_289, %select_n3A_279 : vector<8x640xi1>, vector<8x640xf32>
    %max3A_291 = arith.maximumf %max3A_280, %mul3A_286 : vector<8x640xf32>
    %get3A_292 = arith.constant 32 : index
    %get3A_293 = arith.constant 0 : index
    %get3A_294 = arith.constant 0 : index
    %get3A_295 = vector.load %arg0[%get3A_292, %get3A_293, %get3A_294] : memref<85x8x640xf32, #tpu.memory_space<vmem>>, vector<1x8x640xf32>
    %get3A_296 = vector.shape_cast %get3A_295 : vector<1x8x640xf32> to vector<8x640xf32>
    %mul3A_297 = arith.mulf %get3A_296, %get3A_3 : vector<8x640xf32>
    %gt3A_298 = arith.cmpf ogt, %mul3A_297, %max3A_291 : vector<8x640xf32>
    %jit3A_299 = arith.constant 2.700000e+01 : f32
    %broadcast_in_dim3A_300 = vector.broadcast %jit3A_299 : f32 to vector<8x640xf32>
    %select_n3A_301 = arith.select %gt3A_298, %broadcast_in_dim3A_300, %select_n3A_290 : vector<8x640xi1>, vector<8x640xf32>
    %max3A_302 = arith.maximumf %max3A_291, %mul3A_297 : vector<8x640xf32>
    %get3A_303 = arith.constant 33 : index
    %get3A_304 = arith.constant 0 : index
    %get3A_305 = arith.constant 0 : index
    %get3A_306 = vector.load %arg0[%get3A_303, %get3A_304, %get3A_305] : memref<85x8x640xf32, #tpu.memory_space<vmem>>, vector<1x8x640xf32>
    %get3A_307 = vector.shape_cast %get3A_306 : vector<1x8x640xf32> to vector<8x640xf32>
    %mul3A_308 = arith.mulf %get3A_307, %get3A_3 : vector<8x640xf32>
    %gt3A_309 = arith.cmpf ogt, %mul3A_308, %max3A_302 : vector<8x640xf32>
    %jit3A_310 = arith.constant 2.800000e+01 : f32
    %broadcast_in_dim3A_311 = vector.broadcast %jit3A_310 : f32 to vector<8x640xf32>
    %select_n3A_312 = arith.select %gt3A_309, %broadcast_in_dim3A_311, %select_n3A_301 : vector<8x640xi1>, vector<8x640xf32>
    %max3A_313 = arith.maximumf %max3A_302, %mul3A_308 : vector<8x640xf32>
    %get3A_314 = arith.constant 34 : index
    %get3A_315 = arith.constant 0 : index
    %get3A_316 = arith.constant 0 : index
    %get3A_317 = vector.load %arg0[%get3A_314, %get3A_315, %get3A_316] : memref<85x8x640xf32, #tpu.memory_space<vmem>>, vector<1x8x640xf32>
    %get3A_318 = vector.shape_cast %get3A_317 : vector<1x8x640xf32> to vector<8x640xf32>
    %mul3A_319 = arith.mulf %get3A_318, %get3A_3 : vector<8x640xf32>
    %gt3A_320 = arith.cmpf ogt, %mul3A_319, %max3A_313 : vector<8x640xf32>
    %jit3A_321 = arith.constant 2.900000e+01 : f32
    %broadcast_in_dim3A_322 = vector.broadcast %jit3A_321 : f32 to vector<8x640xf32>
    %select_n3A_323 = arith.select %gt3A_320, %broadcast_in_dim3A_322, %select_n3A_312 : vector<8x640xi1>, vector<8x640xf32>
    %max3A_324 = arith.maximumf %max3A_313, %mul3A_319 : vector<8x640xf32>
    %get3A_325 = arith.constant 35 : index
    %get3A_326 = arith.constant 0 : index
    %get3A_327 = arith.constant 0 : index
    %get3A_328 = vector.load %arg0[%get3A_325, %get3A_326, %get3A_327] : memref<85x8x640xf32, #tpu.memory_space<vmem>>, vector<1x8x640xf32>
    %get3A_329 = vector.shape_cast %get3A_328 : vector<1x8x640xf32> to vector<8x640xf32>
    %mul3A_330 = arith.mulf %get3A_329, %get3A_3 : vector<8x640xf32>
    %gt3A_331 = arith.cmpf ogt, %mul3A_330, %max3A_324 : vector<8x640xf32>
    %jit3A_332 = arith.constant 3.000000e+01 : f32
    %broadcast_in_dim3A_333 = vector.broadcast %jit3A_332 : f32 to vector<8x640xf32>
    %select_n3A_334 = arith.select %gt3A_331, %broadcast_in_dim3A_333, %select_n3A_323 : vector<8x640xi1>, vector<8x640xf32>
    %max3A_335 = arith.maximumf %max3A_324, %mul3A_330 : vector<8x640xf32>
    %get3A_336 = arith.constant 36 : index
    %get3A_337 = arith.constant 0 : index
    %get3A_338 = arith.constant 0 : index
    %get3A_339 = vector.load %arg0[%get3A_336, %get3A_337, %get3A_338] : memref<85x8x640xf32, #tpu.memory_space<vmem>>, vector<1x8x640xf32>
    %get3A_340 = vector.shape_cast %get3A_339 : vector<1x8x640xf32> to vector<8x640xf32>
    %mul3A_341 = arith.mulf %get3A_340, %get3A_3 : vector<8x640xf32>
    %gt3A_342 = arith.cmpf ogt, %mul3A_341, %max3A_335 : vector<8x640xf32>
    %jit3A_343 = arith.constant 3.100000e+01 : f32
    %broadcast_in_dim3A_344 = vector.broadcast %jit3A_343 : f32 to vector<8x640xf32>
    %select_n3A_345 = arith.select %gt3A_342, %broadcast_in_dim3A_344, %select_n3A_334 : vector<8x640xi1>, vector<8x640xf32>
    %max3A_346 = arith.maximumf %max3A_335, %mul3A_341 : vector<8x640xf32>
    %get3A_347 = arith.constant 37 : index
    %get3A_348 = arith.constant 0 : index
    %get3A_349 = arith.constant 0 : index
    %get3A_350 = vector.load %arg0[%get3A_347, %get3A_348, %get3A_349] : memref<85x8x640xf32, #tpu.memory_space<vmem>>, vector<1x8x640xf32>
    %get3A_351 = vector.shape_cast %get3A_350 : vector<1x8x640xf32> to vector<8x640xf32>
    %mul3A_352 = arith.mulf %get3A_351, %get3A_3 : vector<8x640xf32>
    %gt3A_353 = arith.cmpf ogt, %mul3A_352, %max3A_346 : vector<8x640xf32>
    %jit3A_354 = arith.constant 3.200000e+01 : f32
    %broadcast_in_dim3A_355 = vector.broadcast %jit3A_354 : f32 to vector<8x640xf32>
    %select_n3A_356 = arith.select %gt3A_353, %broadcast_in_dim3A_355, %select_n3A_345 : vector<8x640xi1>, vector<8x640xf32>
    %max3A_357 = arith.maximumf %max3A_346, %mul3A_352 : vector<8x640xf32>
    %get3A_358 = arith.constant 38 : index
    %get3A_359 = arith.constant 0 : index
    %get3A_360 = arith.constant 0 : index
    %get3A_361 = vector.load %arg0[%get3A_358, %get3A_359, %get3A_360] : memref<85x8x640xf32, #tpu.memory_space<vmem>>, vector<1x8x640xf32>
    %get3A_362 = vector.shape_cast %get3A_361 : vector<1x8x640xf32> to vector<8x640xf32>
    %mul3A_363 = arith.mulf %get3A_362, %get3A_3 : vector<8x640xf32>
    %gt3A_364 = arith.cmpf ogt, %mul3A_363, %max3A_357 : vector<8x640xf32>
    %jit3A_365 = arith.constant 3.300000e+01 : f32
    %broadcast_in_dim3A_366 = vector.broadcast %jit3A_365 : f32 to vector<8x640xf32>
    %select_n3A_367 = arith.select %gt3A_364, %broadcast_in_dim3A_366, %select_n3A_356 : vector<8x640xi1>, vector<8x640xf32>
    %max3A_368 = arith.maximumf %max3A_357, %mul3A_363 : vector<8x640xf32>
    %get3A_369 = arith.constant 39 : index
    %get3A_370 = arith.constant 0 : index
    %get3A_371 = arith.constant 0 : index
    %get3A_372 = vector.load %arg0[%get3A_369, %get3A_370, %get3A_371] : memref<85x8x640xf32, #tpu.memory_space<vmem>>, vector<1x8x640xf32>
    %get3A_373 = vector.shape_cast %get3A_372 : vector<1x8x640xf32> to vector<8x640xf32>
    %mul3A_374 = arith.mulf %get3A_373, %get3A_3 : vector<8x640xf32>
    %gt3A_375 = arith.cmpf ogt, %mul3A_374, %max3A_368 : vector<8x640xf32>
    %jit3A_376 = arith.constant 3.400000e+01 : f32
    %broadcast_in_dim3A_377 = vector.broadcast %jit3A_376 : f32 to vector<8x640xf32>
    %select_n3A_378 = arith.select %gt3A_375, %broadcast_in_dim3A_377, %select_n3A_367 : vector<8x640xi1>, vector<8x640xf32>
    %max3A_379 = arith.maximumf %max3A_368, %mul3A_374 : vector<8x640xf32>
    %get3A_380 = arith.constant 40 : index
    %get3A_381 = arith.constant 0 : index
    %get3A_382 = arith.constant 0 : index
    %get3A_383 = vector.load %arg0[%get3A_380, %get3A_381, %get3A_382] : memref<85x8x640xf32, #tpu.memory_space<vmem>>, vector<1x8x640xf32>
    %get3A_384 = vector.shape_cast %get3A_383 : vector<1x8x640xf32> to vector<8x640xf32>
    %mul3A_385 = arith.mulf %get3A_384, %get3A_3 : vector<8x640xf32>
    %gt3A_386 = arith.cmpf ogt, %mul3A_385, %max3A_379 : vector<8x640xf32>
    %jit3A_387 = arith.constant 3.500000e+01 : f32
    %broadcast_in_dim3A_388 = vector.broadcast %jit3A_387 : f32 to vector<8x640xf32>
    %select_n3A_389 = arith.select %gt3A_386, %broadcast_in_dim3A_388, %select_n3A_378 : vector<8x640xi1>, vector<8x640xf32>
    %max3A_390 = arith.maximumf %max3A_379, %mul3A_385 : vector<8x640xf32>
    %get3A_391 = arith.constant 41 : index
    %get3A_392 = arith.constant 0 : index
    %get3A_393 = arith.constant 0 : index
    %get3A_394 = vector.load %arg0[%get3A_391, %get3A_392, %get3A_393] : memref<85x8x640xf32, #tpu.memory_space<vmem>>, vector<1x8x640xf32>
    %get3A_395 = vector.shape_cast %get3A_394 : vector<1x8x640xf32> to vector<8x640xf32>
    %mul3A_396 = arith.mulf %get3A_395, %get3A_3 : vector<8x640xf32>
    %gt3A_397 = arith.cmpf ogt, %mul3A_396, %max3A_390 : vector<8x640xf32>
    %jit3A_398 = arith.constant 3.600000e+01 : f32
    %broadcast_in_dim3A_399 = vector.broadcast %jit3A_398 : f32 to vector<8x640xf32>
    %select_n3A_400 = arith.select %gt3A_397, %broadcast_in_dim3A_399, %select_n3A_389 : vector<8x640xi1>, vector<8x640xf32>
    %max3A_401 = arith.maximumf %max3A_390, %mul3A_396 : vector<8x640xf32>
    %get3A_402 = arith.constant 42 : index
    %get3A_403 = arith.constant 0 : index
    %get3A_404 = arith.constant 0 : index
    %get3A_405 = vector.load %arg0[%get3A_402, %get3A_403, %get3A_404] : memref<85x8x640xf32, #tpu.memory_space<vmem>>, vector<1x8x640xf32>
    %get3A_406 = vector.shape_cast %get3A_405 : vector<1x8x640xf32> to vector<8x640xf32>
    %mul3A_407 = arith.mulf %get3A_406, %get3A_3 : vector<8x640xf32>
    %gt3A_408 = arith.cmpf ogt, %mul3A_407, %max3A_401 : vector<8x640xf32>
    %jit3A_409 = arith.constant 3.700000e+01 : f32
    %broadcast_in_dim3A_410 = vector.broadcast %jit3A_409 : f32 to vector<8x640xf32>
    %select_n3A_411 = arith.select %gt3A_408, %broadcast_in_dim3A_410, %select_n3A_400 : vector<8x640xi1>, vector<8x640xf32>
    %max3A_412 = arith.maximumf %max3A_401, %mul3A_407 : vector<8x640xf32>
    %get3A_413 = arith.constant 43 : index
    %get3A_414 = arith.constant 0 : index
    %get3A_415 = arith.constant 0 : index
    %get3A_416 = vector.load %arg0[%get3A_413, %get3A_414, %get3A_415] : memref<85x8x640xf32, #tpu.memory_space<vmem>>, vector<1x8x640xf32>
    %get3A_417 = vector.shape_cast %get3A_416 : vector<1x8x640xf32> to vector<8x640xf32>
    %mul3A_418 = arith.mulf %get3A_417, %get3A_3 : vector<8x640xf32>
    %gt3A_419 = arith.cmpf ogt, %mul3A_418, %max3A_412 : vector<8x640xf32>
    %jit3A_420 = arith.constant 3.800000e+01 : f32
    %broadcast_in_dim3A_421 = vector.broadcast %jit3A_420 : f32 to vector<8x640xf32>
    %select_n3A_422 = arith.select %gt3A_419, %broadcast_in_dim3A_421, %select_n3A_411 : vector<8x640xi1>, vector<8x640xf32>
    %max3A_423 = arith.maximumf %max3A_412, %mul3A_418 : vector<8x640xf32>
    %get3A_424 = arith.constant 44 : index
    %get3A_425 = arith.constant 0 : index
    %get3A_426 = arith.constant 0 : index
    %get3A_427 = vector.load %arg0[%get3A_424, %get3A_425, %get3A_426] : memref<85x8x640xf32, #tpu.memory_space<vmem>>, vector<1x8x640xf32>
    %get3A_428 = vector.shape_cast %get3A_427 : vector<1x8x640xf32> to vector<8x640xf32>
    %mul3A_429 = arith.mulf %get3A_428, %get3A_3 : vector<8x640xf32>
    %gt3A_430 = arith.cmpf ogt, %mul3A_429, %max3A_423 : vector<8x640xf32>
    %jit3A_431 = arith.constant 3.900000e+01 : f32
    %broadcast_in_dim3A_432 = vector.broadcast %jit3A_431 : f32 to vector<8x640xf32>
    %select_n3A_433 = arith.select %gt3A_430, %broadcast_in_dim3A_432, %select_n3A_422 : vector<8x640xi1>, vector<8x640xf32>
    %max3A_434 = arith.maximumf %max3A_423, %mul3A_429 : vector<8x640xf32>
    %get3A_435 = arith.constant 45 : index
    %get3A_436 = arith.constant 0 : index
    %get3A_437 = arith.constant 0 : index
    %get3A_438 = vector.load %arg0[%get3A_435, %get3A_436, %get3A_437] : memref<85x8x640xf32, #tpu.memory_space<vmem>>, vector<1x8x640xf32>
    %get3A_439 = vector.shape_cast %get3A_438 : vector<1x8x640xf32> to vector<8x640xf32>
    %mul3A_440 = arith.mulf %get3A_439, %get3A_3 : vector<8x640xf32>
    %gt3A_441 = arith.cmpf ogt, %mul3A_440, %max3A_434 : vector<8x640xf32>
    %jit3A_442 = arith.constant 4.000000e+01 : f32
    %broadcast_in_dim3A_443 = vector.broadcast %jit3A_442 : f32 to vector<8x640xf32>
    %select_n3A_444 = arith.select %gt3A_441, %broadcast_in_dim3A_443, %select_n3A_433 : vector<8x640xi1>, vector<8x640xf32>
    %max3A_445 = arith.maximumf %max3A_434, %mul3A_440 : vector<8x640xf32>
    %get3A_446 = arith.constant 46 : index
    %get3A_447 = arith.constant 0 : index
    %get3A_448 = arith.constant 0 : index
    %get3A_449 = vector.load %arg0[%get3A_446, %get3A_447, %get3A_448] : memref<85x8x640xf32, #tpu.memory_space<vmem>>, vector<1x8x640xf32>
    %get3A_450 = vector.shape_cast %get3A_449 : vector<1x8x640xf32> to vector<8x640xf32>
    %mul3A_451 = arith.mulf %get3A_450, %get3A_3 : vector<8x640xf32>
    %gt3A_452 = arith.cmpf ogt, %mul3A_451, %max3A_445 : vector<8x640xf32>
    %jit3A_453 = arith.constant 4.100000e+01 : f32
    %broadcast_in_dim3A_454 = vector.broadcast %jit3A_453 : f32 to vector<8x640xf32>
    %select_n3A_455 = arith.select %gt3A_452, %broadcast_in_dim3A_454, %select_n3A_444 : vector<8x640xi1>, vector<8x640xf32>
    %max3A_456 = arith.maximumf %max3A_445, %mul3A_451 : vector<8x640xf32>
    %get3A_457 = arith.constant 47 : index
    %get3A_458 = arith.constant 0 : index
    %get3A_459 = arith.constant 0 : index
    %get3A_460 = vector.load %arg0[%get3A_457, %get3A_458, %get3A_459] : memref<85x8x640xf32, #tpu.memory_space<vmem>>, vector<1x8x640xf32>
    %get3A_461 = vector.shape_cast %get3A_460 : vector<1x8x640xf32> to vector<8x640xf32>
    %mul3A_462 = arith.mulf %get3A_461, %get3A_3 : vector<8x640xf32>
    %gt3A_463 = arith.cmpf ogt, %mul3A_462, %max3A_456 : vector<8x640xf32>
    %jit3A_464 = arith.constant 4.200000e+01 : f32
    %broadcast_in_dim3A_465 = vector.broadcast %jit3A_464 : f32 to vector<8x640xf32>
    %select_n3A_466 = arith.select %gt3A_463, %broadcast_in_dim3A_465, %select_n3A_455 : vector<8x640xi1>, vector<8x640xf32>
    %max3A_467 = arith.maximumf %max3A_456, %mul3A_462 : vector<8x640xf32>
    %get3A_468 = arith.constant 48 : index
    %get3A_469 = arith.constant 0 : index
    %get3A_470 = arith.constant 0 : index
    %get3A_471 = vector.load %arg0[%get3A_468, %get3A_469, %get3A_470] : memref<85x8x640xf32, #tpu.memory_space<vmem>>, vector<1x8x640xf32>
    %get3A_472 = vector.shape_cast %get3A_471 : vector<1x8x640xf32> to vector<8x640xf32>
    %mul3A_473 = arith.mulf %get3A_472, %get3A_3 : vector<8x640xf32>
    %gt3A_474 = arith.cmpf ogt, %mul3A_473, %max3A_467 : vector<8x640xf32>
    %jit3A_475 = arith.constant 4.300000e+01 : f32
    %broadcast_in_dim3A_476 = vector.broadcast %jit3A_475 : f32 to vector<8x640xf32>
    %select_n3A_477 = arith.select %gt3A_474, %broadcast_in_dim3A_476, %select_n3A_466 : vector<8x640xi1>, vector<8x640xf32>
    %max3A_478 = arith.maximumf %max3A_467, %mul3A_473 : vector<8x640xf32>
    %get3A_479 = arith.constant 49 : index
    %get3A_480 = arith.constant 0 : index
    %get3A_481 = arith.constant 0 : index
    %get3A_482 = vector.load %arg0[%get3A_479, %get3A_480, %get3A_481] : memref<85x8x640xf32, #tpu.memory_space<vmem>>, vector<1x8x640xf32>
    %get3A_483 = vector.shape_cast %get3A_482 : vector<1x8x640xf32> to vector<8x640xf32>
    %mul3A_484 = arith.mulf %get3A_483, %get3A_3 : vector<8x640xf32>
    %gt3A_485 = arith.cmpf ogt, %mul3A_484, %max3A_478 : vector<8x640xf32>
    %jit3A_486 = arith.constant 4.400000e+01 : f32
    %broadcast_in_dim3A_487 = vector.broadcast %jit3A_486 : f32 to vector<8x640xf32>
    %select_n3A_488 = arith.select %gt3A_485, %broadcast_in_dim3A_487, %select_n3A_477 : vector<8x640xi1>, vector<8x640xf32>
    %max3A_489 = arith.maximumf %max3A_478, %mul3A_484 : vector<8x640xf32>
    %get3A_490 = arith.constant 50 : index
    %get3A_491 = arith.constant 0 : index
    %get3A_492 = arith.constant 0 : index
    %get3A_493 = vector.load %arg0[%get3A_490, %get3A_491, %get3A_492] : memref<85x8x640xf32, #tpu.memory_space<vmem>>, vector<1x8x640xf32>
    %get3A_494 = vector.shape_cast %get3A_493 : vector<1x8x640xf32> to vector<8x640xf32>
    %mul3A_495 = arith.mulf %get3A_494, %get3A_3 : vector<8x640xf32>
    %gt3A_496 = arith.cmpf ogt, %mul3A_495, %max3A_489 : vector<8x640xf32>
    %jit3A_497 = arith.constant 4.500000e+01 : f32
    %broadcast_in_dim3A_498 = vector.broadcast %jit3A_497 : f32 to vector<8x640xf32>
    %select_n3A_499 = arith.select %gt3A_496, %broadcast_in_dim3A_498, %select_n3A_488 : vector<8x640xi1>, vector<8x640xf32>
    %max3A_500 = arith.maximumf %max3A_489, %mul3A_495 : vector<8x640xf32>
    %get3A_501 = arith.constant 51 : index
    %get3A_502 = arith.constant 0 : index
    %get3A_503 = arith.constant 0 : index
    %get3A_504 = vector.load %arg0[%get3A_501, %get3A_502, %get3A_503] : memref<85x8x640xf32, #tpu.memory_space<vmem>>, vector<1x8x640xf32>
    %get3A_505 = vector.shape_cast %get3A_504 : vector<1x8x640xf32> to vector<8x640xf32>
    %mul3A_506 = arith.mulf %get3A_505, %get3A_3 : vector<8x640xf32>
    %gt3A_507 = arith.cmpf ogt, %mul3A_506, %max3A_500 : vector<8x640xf32>
    %jit3A_508 = arith.constant 4.600000e+01 : f32
    %broadcast_in_dim3A_509 = vector.broadcast %jit3A_508 : f32 to vector<8x640xf32>
    %select_n3A_510 = arith.select %gt3A_507, %broadcast_in_dim3A_509, %select_n3A_499 : vector<8x640xi1>, vector<8x640xf32>
    %max3A_511 = arith.maximumf %max3A_500, %mul3A_506 : vector<8x640xf32>
    %get3A_512 = arith.constant 52 : index
    %get3A_513 = arith.constant 0 : index
    %get3A_514 = arith.constant 0 : index
    %get3A_515 = vector.load %arg0[%get3A_512, %get3A_513, %get3A_514] : memref<85x8x640xf32, #tpu.memory_space<vmem>>, vector<1x8x640xf32>
    %get3A_516 = vector.shape_cast %get3A_515 : vector<1x8x640xf32> to vector<8x640xf32>
    %mul3A_517 = arith.mulf %get3A_516, %get3A_3 : vector<8x640xf32>
    %gt3A_518 = arith.cmpf ogt, %mul3A_517, %max3A_511 : vector<8x640xf32>
    %jit3A_519 = arith.constant 4.700000e+01 : f32
    %broadcast_in_dim3A_520 = vector.broadcast %jit3A_519 : f32 to vector<8x640xf32>
    %select_n3A_521 = arith.select %gt3A_518, %broadcast_in_dim3A_520, %select_n3A_510 : vector<8x640xi1>, vector<8x640xf32>
    %max3A_522 = arith.maximumf %max3A_511, %mul3A_517 : vector<8x640xf32>
    %get3A_523 = arith.constant 53 : index
    %get3A_524 = arith.constant 0 : index
    %get3A_525 = arith.constant 0 : index
    %get3A_526 = vector.load %arg0[%get3A_523, %get3A_524, %get3A_525] : memref<85x8x640xf32, #tpu.memory_space<vmem>>, vector<1x8x640xf32>
    %get3A_527 = vector.shape_cast %get3A_526 : vector<1x8x640xf32> to vector<8x640xf32>
    %mul3A_528 = arith.mulf %get3A_527, %get3A_3 : vector<8x640xf32>
    %gt3A_529 = arith.cmpf ogt, %mul3A_528, %max3A_522 : vector<8x640xf32>
    %jit3A_530 = arith.constant 4.800000e+01 : f32
    %broadcast_in_dim3A_531 = vector.broadcast %jit3A_530 : f32 to vector<8x640xf32>
    %select_n3A_532 = arith.select %gt3A_529, %broadcast_in_dim3A_531, %select_n3A_521 : vector<8x640xi1>, vector<8x640xf32>
    %max3A_533 = arith.maximumf %max3A_522, %mul3A_528 : vector<8x640xf32>
    %get3A_534 = arith.constant 54 : index
    %get3A_535 = arith.constant 0 : index
    %get3A_536 = arith.constant 0 : index
    %get3A_537 = vector.load %arg0[%get3A_534, %get3A_535, %get3A_536] : memref<85x8x640xf32, #tpu.memory_space<vmem>>, vector<1x8x640xf32>
    %get3A_538 = vector.shape_cast %get3A_537 : vector<1x8x640xf32> to vector<8x640xf32>
    %mul3A_539 = arith.mulf %get3A_538, %get3A_3 : vector<8x640xf32>
    %gt3A_540 = arith.cmpf ogt, %mul3A_539, %max3A_533 : vector<8x640xf32>
    %jit3A_541 = arith.constant 4.900000e+01 : f32
    %broadcast_in_dim3A_542 = vector.broadcast %jit3A_541 : f32 to vector<8x640xf32>
    %select_n3A_543 = arith.select %gt3A_540, %broadcast_in_dim3A_542, %select_n3A_532 : vector<8x640xi1>, vector<8x640xf32>
    %max3A_544 = arith.maximumf %max3A_533, %mul3A_539 : vector<8x640xf32>
    %get3A_545 = arith.constant 55 : index
    %get3A_546 = arith.constant 0 : index
    %get3A_547 = arith.constant 0 : index
    %get3A_548 = vector.load %arg0[%get3A_545, %get3A_546, %get3A_547] : memref<85x8x640xf32, #tpu.memory_space<vmem>>, vector<1x8x640xf32>
    %get3A_549 = vector.shape_cast %get3A_548 : vector<1x8x640xf32> to vector<8x640xf32>
    %mul3A_550 = arith.mulf %get3A_549, %get3A_3 : vector<8x640xf32>
    %gt3A_551 = arith.cmpf ogt, %mul3A_550, %max3A_544 : vector<8x640xf32>
    %jit3A_552 = arith.constant 5.000000e+01 : f32
    %broadcast_in_dim3A_553 = vector.broadcast %jit3A_552 : f32 to vector<8x640xf32>
    %select_n3A_554 = arith.select %gt3A_551, %broadcast_in_dim3A_553, %select_n3A_543 : vector<8x640xi1>, vector<8x640xf32>
    %max3A_555 = arith.maximumf %max3A_544, %mul3A_550 : vector<8x640xf32>
    %get3A_556 = arith.constant 56 : index
    %get3A_557 = arith.constant 0 : index
    %get3A_558 = arith.constant 0 : index
    %get3A_559 = vector.load %arg0[%get3A_556, %get3A_557, %get3A_558] : memref<85x8x640xf32, #tpu.memory_space<vmem>>, vector<1x8x640xf32>
    %get3A_560 = vector.shape_cast %get3A_559 : vector<1x8x640xf32> to vector<8x640xf32>
    %mul3A_561 = arith.mulf %get3A_560, %get3A_3 : vector<8x640xf32>
    %gt3A_562 = arith.cmpf ogt, %mul3A_561, %max3A_555 : vector<8x640xf32>
    %jit3A_563 = arith.constant 5.100000e+01 : f32
    %broadcast_in_dim3A_564 = vector.broadcast %jit3A_563 : f32 to vector<8x640xf32>
    %select_n3A_565 = arith.select %gt3A_562, %broadcast_in_dim3A_564, %select_n3A_554 : vector<8x640xi1>, vector<8x640xf32>
    %max3A_566 = arith.maximumf %max3A_555, %mul3A_561 : vector<8x640xf32>
    %get3A_567 = arith.constant 57 : index
    %get3A_568 = arith.constant 0 : index
    %get3A_569 = arith.constant 0 : index
    %get3A_570 = vector.load %arg0[%get3A_567, %get3A_568, %get3A_569] : memref<85x8x640xf32, #tpu.memory_space<vmem>>, vector<1x8x640xf32>
    %get3A_571 = vector.shape_cast %get3A_570 : vector<1x8x640xf32> to vector<8x640xf32>
    %mul3A_572 = arith.mulf %get3A_571, %get3A_3 : vector<8x640xf32>
    %gt3A_573 = arith.cmpf ogt, %mul3A_572, %max3A_566 : vector<8x640xf32>
    %jit3A_574 = arith.constant 5.200000e+01 : f32
    %broadcast_in_dim3A_575 = vector.broadcast %jit3A_574 : f32 to vector<8x640xf32>
    %select_n3A_576 = arith.select %gt3A_573, %broadcast_in_dim3A_575, %select_n3A_565 : vector<8x640xi1>, vector<8x640xf32>
    %max3A_577 = arith.maximumf %max3A_566, %mul3A_572 : vector<8x640xf32>
    %get3A_578 = arith.constant 58 : index
    %get3A_579 = arith.constant 0 : index
    %get3A_580 = arith.constant 0 : index
    %get3A_581 = vector.load %arg0[%get3A_578, %get3A_579, %get3A_580] : memref<85x8x640xf32, #tpu.memory_space<vmem>>, vector<1x8x640xf32>
    %get3A_582 = vector.shape_cast %get3A_581 : vector<1x8x640xf32> to vector<8x640xf32>
    %mul3A_583 = arith.mulf %get3A_582, %get3A_3 : vector<8x640xf32>
    %gt3A_584 = arith.cmpf ogt, %mul3A_583, %max3A_577 : vector<8x640xf32>
    %jit3A_585 = arith.constant 5.300000e+01 : f32
    %broadcast_in_dim3A_586 = vector.broadcast %jit3A_585 : f32 to vector<8x640xf32>
    %select_n3A_587 = arith.select %gt3A_584, %broadcast_in_dim3A_586, %select_n3A_576 : vector<8x640xi1>, vector<8x640xf32>
    %max3A_588 = arith.maximumf %max3A_577, %mul3A_583 : vector<8x640xf32>
    %get3A_589 = arith.constant 59 : index
    %get3A_590 = arith.constant 0 : index
    %get3A_591 = arith.constant 0 : index
    %get3A_592 = vector.load %arg0[%get3A_589, %get3A_590, %get3A_591] : memref<85x8x640xf32, #tpu.memory_space<vmem>>, vector<1x8x640xf32>
    %get3A_593 = vector.shape_cast %get3A_592 : vector<1x8x640xf32> to vector<8x640xf32>
    %mul3A_594 = arith.mulf %get3A_593, %get3A_3 : vector<8x640xf32>
    %gt3A_595 = arith.cmpf ogt, %mul3A_594, %max3A_588 : vector<8x640xf32>
    %jit3A_596 = arith.constant 5.400000e+01 : f32
    %broadcast_in_dim3A_597 = vector.broadcast %jit3A_596 : f32 to vector<8x640xf32>
    %select_n3A_598 = arith.select %gt3A_595, %broadcast_in_dim3A_597, %select_n3A_587 : vector<8x640xi1>, vector<8x640xf32>
    %max3A_599 = arith.maximumf %max3A_588, %mul3A_594 : vector<8x640xf32>
    %get3A_600 = arith.constant 60 : index
    %get3A_601 = arith.constant 0 : index
    %get3A_602 = arith.constant 0 : index
    %get3A_603 = vector.load %arg0[%get3A_600, %get3A_601, %get3A_602] : memref<85x8x640xf32, #tpu.memory_space<vmem>>, vector<1x8x640xf32>
    %get3A_604 = vector.shape_cast %get3A_603 : vector<1x8x640xf32> to vector<8x640xf32>
    %mul3A_605 = arith.mulf %get3A_604, %get3A_3 : vector<8x640xf32>
    %gt3A_606 = arith.cmpf ogt, %mul3A_605, %max3A_599 : vector<8x640xf32>
    %jit3A_607 = arith.constant 5.500000e+01 : f32
    %broadcast_in_dim3A_608 = vector.broadcast %jit3A_607 : f32 to vector<8x640xf32>
    %select_n3A_609 = arith.select %gt3A_606, %broadcast_in_dim3A_608, %select_n3A_598 : vector<8x640xi1>, vector<8x640xf32>
    %max3A_610 = arith.maximumf %max3A_599, %mul3A_605 : vector<8x640xf32>
    %get3A_611 = arith.constant 61 : index
    %get3A_612 = arith.constant 0 : index
    %get3A_613 = arith.constant 0 : index
    %get3A_614 = vector.load %arg0[%get3A_611, %get3A_612, %get3A_613] : memref<85x8x640xf32, #tpu.memory_space<vmem>>, vector<1x8x640xf32>
    %get3A_615 = vector.shape_cast %get3A_614 : vector<1x8x640xf32> to vector<8x640xf32>
    %mul3A_616 = arith.mulf %get3A_615, %get3A_3 : vector<8x640xf32>
    %gt3A_617 = arith.cmpf ogt, %mul3A_616, %max3A_610 : vector<8x640xf32>
    %jit3A_618 = arith.constant 5.600000e+01 : f32
    %broadcast_in_dim3A_619 = vector.broadcast %jit3A_618 : f32 to vector<8x640xf32>
    %select_n3A_620 = arith.select %gt3A_617, %broadcast_in_dim3A_619, %select_n3A_609 : vector<8x640xi1>, vector<8x640xf32>
    %max3A_621 = arith.maximumf %max3A_610, %mul3A_616 : vector<8x640xf32>
    %get3A_622 = arith.constant 62 : index
    %get3A_623 = arith.constant 0 : index
    %get3A_624 = arith.constant 0 : index
    %get3A_625 = vector.load %arg0[%get3A_622, %get3A_623, %get3A_624] : memref<85x8x640xf32, #tpu.memory_space<vmem>>, vector<1x8x640xf32>
    %get3A_626 = vector.shape_cast %get3A_625 : vector<1x8x640xf32> to vector<8x640xf32>
    %mul3A_627 = arith.mulf %get3A_626, %get3A_3 : vector<8x640xf32>
    %gt3A_628 = arith.cmpf ogt, %mul3A_627, %max3A_621 : vector<8x640xf32>
    %jit3A_629 = arith.constant 5.700000e+01 : f32
    %broadcast_in_dim3A_630 = vector.broadcast %jit3A_629 : f32 to vector<8x640xf32>
    %select_n3A_631 = arith.select %gt3A_628, %broadcast_in_dim3A_630, %select_n3A_620 : vector<8x640xi1>, vector<8x640xf32>
    %max3A_632 = arith.maximumf %max3A_621, %mul3A_627 : vector<8x640xf32>
    %get3A_633 = arith.constant 63 : index
    %get3A_634 = arith.constant 0 : index
    %get3A_635 = arith.constant 0 : index
    %get3A_636 = vector.load %arg0[%get3A_633, %get3A_634, %get3A_635] : memref<85x8x640xf32, #tpu.memory_space<vmem>>, vector<1x8x640xf32>
    %get3A_637 = vector.shape_cast %get3A_636 : vector<1x8x640xf32> to vector<8x640xf32>
    %mul3A_638 = arith.mulf %get3A_637, %get3A_3 : vector<8x640xf32>
    %gt3A_639 = arith.cmpf ogt, %mul3A_638, %max3A_632 : vector<8x640xf32>
    %jit3A_640 = arith.constant 5.800000e+01 : f32
    %broadcast_in_dim3A_641 = vector.broadcast %jit3A_640 : f32 to vector<8x640xf32>
    %select_n3A_642 = arith.select %gt3A_639, %broadcast_in_dim3A_641, %select_n3A_631 : vector<8x640xi1>, vector<8x640xf32>
    %max3A_643 = arith.maximumf %max3A_632, %mul3A_638 : vector<8x640xf32>
    %get3A_644 = arith.constant 64 : index
    %get3A_645 = arith.constant 0 : index
    %get3A_646 = arith.constant 0 : index
    %get3A_647 = vector.load %arg0[%get3A_644, %get3A_645, %get3A_646] : memref<85x8x640xf32, #tpu.memory_space<vmem>>, vector<1x8x640xf32>
    %get3A_648 = vector.shape_cast %get3A_647 : vector<1x8x640xf32> to vector<8x640xf32>
    %mul3A_649 = arith.mulf %get3A_648, %get3A_3 : vector<8x640xf32>
    %gt3A_650 = arith.cmpf ogt, %mul3A_649, %max3A_643 : vector<8x640xf32>
    %jit3A_651 = arith.constant 5.900000e+01 : f32
    %broadcast_in_dim3A_652 = vector.broadcast %jit3A_651 : f32 to vector<8x640xf32>
    %select_n3A_653 = arith.select %gt3A_650, %broadcast_in_dim3A_652, %select_n3A_642 : vector<8x640xi1>, vector<8x640xf32>
    %max3A_654 = arith.maximumf %max3A_643, %mul3A_649 : vector<8x640xf32>
    %get3A_655 = arith.constant 65 : index
    %get3A_656 = arith.constant 0 : index
    %get3A_657 = arith.constant 0 : index
    %get3A_658 = vector.load %arg0[%get3A_655, %get3A_656, %get3A_657] : memref<85x8x640xf32, #tpu.memory_space<vmem>>, vector<1x8x640xf32>
    %get3A_659 = vector.shape_cast %get3A_658 : vector<1x8x640xf32> to vector<8x640xf32>
    %mul3A_660 = arith.mulf %get3A_659, %get3A_3 : vector<8x640xf32>
    %gt3A_661 = arith.cmpf ogt, %mul3A_660, %max3A_654 : vector<8x640xf32>
    %jit3A_662 = arith.constant 6.000000e+01 : f32
    %broadcast_in_dim3A_663 = vector.broadcast %jit3A_662 : f32 to vector<8x640xf32>
    %select_n3A_664 = arith.select %gt3A_661, %broadcast_in_dim3A_663, %select_n3A_653 : vector<8x640xi1>, vector<8x640xf32>
    %max3A_665 = arith.maximumf %max3A_654, %mul3A_660 : vector<8x640xf32>
    %get3A_666 = arith.constant 66 : index
    %get3A_667 = arith.constant 0 : index
    %get3A_668 = arith.constant 0 : index
    %get3A_669 = vector.load %arg0[%get3A_666, %get3A_667, %get3A_668] : memref<85x8x640xf32, #tpu.memory_space<vmem>>, vector<1x8x640xf32>
    %get3A_670 = vector.shape_cast %get3A_669 : vector<1x8x640xf32> to vector<8x640xf32>
    %mul3A_671 = arith.mulf %get3A_670, %get3A_3 : vector<8x640xf32>
    %gt3A_672 = arith.cmpf ogt, %mul3A_671, %max3A_665 : vector<8x640xf32>
    %jit3A_673 = arith.constant 6.100000e+01 : f32
    %broadcast_in_dim3A_674 = vector.broadcast %jit3A_673 : f32 to vector<8x640xf32>
    %select_n3A_675 = arith.select %gt3A_672, %broadcast_in_dim3A_674, %select_n3A_664 : vector<8x640xi1>, vector<8x640xf32>
    %max3A_676 = arith.maximumf %max3A_665, %mul3A_671 : vector<8x640xf32>
    %get3A_677 = arith.constant 67 : index
    %get3A_678 = arith.constant 0 : index
    %get3A_679 = arith.constant 0 : index
    %get3A_680 = vector.load %arg0[%get3A_677, %get3A_678, %get3A_679] : memref<85x8x640xf32, #tpu.memory_space<vmem>>, vector<1x8x640xf32>
    %get3A_681 = vector.shape_cast %get3A_680 : vector<1x8x640xf32> to vector<8x640xf32>
    %mul3A_682 = arith.mulf %get3A_681, %get3A_3 : vector<8x640xf32>
    %gt3A_683 = arith.cmpf ogt, %mul3A_682, %max3A_676 : vector<8x640xf32>
    %jit3A_684 = arith.constant 6.200000e+01 : f32
    %broadcast_in_dim3A_685 = vector.broadcast %jit3A_684 : f32 to vector<8x640xf32>
    %select_n3A_686 = arith.select %gt3A_683, %broadcast_in_dim3A_685, %select_n3A_675 : vector<8x640xi1>, vector<8x640xf32>
    %max3A_687 = arith.maximumf %max3A_676, %mul3A_682 : vector<8x640xf32>
    %get3A_688 = arith.constant 68 : index
    %get3A_689 = arith.constant 0 : index
    %get3A_690 = arith.constant 0 : index
    %get3A_691 = vector.load %arg0[%get3A_688, %get3A_689, %get3A_690] : memref<85x8x640xf32, #tpu.memory_space<vmem>>, vector<1x8x640xf32>
    %get3A_692 = vector.shape_cast %get3A_691 : vector<1x8x640xf32> to vector<8x640xf32>
    %mul3A_693 = arith.mulf %get3A_692, %get3A_3 : vector<8x640xf32>
    %gt3A_694 = arith.cmpf ogt, %mul3A_693, %max3A_687 : vector<8x640xf32>
    %jit3A_695 = arith.constant 6.300000e+01 : f32
    %broadcast_in_dim3A_696 = vector.broadcast %jit3A_695 : f32 to vector<8x640xf32>
    %select_n3A_697 = arith.select %gt3A_694, %broadcast_in_dim3A_696, %select_n3A_686 : vector<8x640xi1>, vector<8x640xf32>
    %max3A_698 = arith.maximumf %max3A_687, %mul3A_693 : vector<8x640xf32>
    %get3A_699 = arith.constant 69 : index
    %get3A_700 = arith.constant 0 : index
    %get3A_701 = arith.constant 0 : index
    %get3A_702 = vector.load %arg0[%get3A_699, %get3A_700, %get3A_701] : memref<85x8x640xf32, #tpu.memory_space<vmem>>, vector<1x8x640xf32>
    %get3A_703 = vector.shape_cast %get3A_702 : vector<1x8x640xf32> to vector<8x640xf32>
    %mul3A_704 = arith.mulf %get3A_703, %get3A_3 : vector<8x640xf32>
    %gt3A_705 = arith.cmpf ogt, %mul3A_704, %max3A_698 : vector<8x640xf32>
    %jit3A_706 = arith.constant 6.400000e+01 : f32
    %broadcast_in_dim3A_707 = vector.broadcast %jit3A_706 : f32 to vector<8x640xf32>
    %select_n3A_708 = arith.select %gt3A_705, %broadcast_in_dim3A_707, %select_n3A_697 : vector<8x640xi1>, vector<8x640xf32>
    %max3A_709 = arith.maximumf %max3A_698, %mul3A_704 : vector<8x640xf32>
    %get3A_710 = arith.constant 70 : index
    %get3A_711 = arith.constant 0 : index
    %get3A_712 = arith.constant 0 : index
    %get3A_713 = vector.load %arg0[%get3A_710, %get3A_711, %get3A_712] : memref<85x8x640xf32, #tpu.memory_space<vmem>>, vector<1x8x640xf32>
    %get3A_714 = vector.shape_cast %get3A_713 : vector<1x8x640xf32> to vector<8x640xf32>
    %mul3A_715 = arith.mulf %get3A_714, %get3A_3 : vector<8x640xf32>
    %gt3A_716 = arith.cmpf ogt, %mul3A_715, %max3A_709 : vector<8x640xf32>
    %jit3A_717 = arith.constant 6.500000e+01 : f32
    %broadcast_in_dim3A_718 = vector.broadcast %jit3A_717 : f32 to vector<8x640xf32>
    %select_n3A_719 = arith.select %gt3A_716, %broadcast_in_dim3A_718, %select_n3A_708 : vector<8x640xi1>, vector<8x640xf32>
    %max3A_720 = arith.maximumf %max3A_709, %mul3A_715 : vector<8x640xf32>
    %get3A_721 = arith.constant 71 : index
    %get3A_722 = arith.constant 0 : index
    %get3A_723 = arith.constant 0 : index
    %get3A_724 = vector.load %arg0[%get3A_721, %get3A_722, %get3A_723] : memref<85x8x640xf32, #tpu.memory_space<vmem>>, vector<1x8x640xf32>
    %get3A_725 = vector.shape_cast %get3A_724 : vector<1x8x640xf32> to vector<8x640xf32>
    %mul3A_726 = arith.mulf %get3A_725, %get3A_3 : vector<8x640xf32>
    %gt3A_727 = arith.cmpf ogt, %mul3A_726, %max3A_720 : vector<8x640xf32>
    %jit3A_728 = arith.constant 6.600000e+01 : f32
    %broadcast_in_dim3A_729 = vector.broadcast %jit3A_728 : f32 to vector<8x640xf32>
    %select_n3A_730 = arith.select %gt3A_727, %broadcast_in_dim3A_729, %select_n3A_719 : vector<8x640xi1>, vector<8x640xf32>
    %max3A_731 = arith.maximumf %max3A_720, %mul3A_726 : vector<8x640xf32>
    %get3A_732 = arith.constant 72 : index
    %get3A_733 = arith.constant 0 : index
    %get3A_734 = arith.constant 0 : index
    %get3A_735 = vector.load %arg0[%get3A_732, %get3A_733, %get3A_734] : memref<85x8x640xf32, #tpu.memory_space<vmem>>, vector<1x8x640xf32>
    %get3A_736 = vector.shape_cast %get3A_735 : vector<1x8x640xf32> to vector<8x640xf32>
    %mul3A_737 = arith.mulf %get3A_736, %get3A_3 : vector<8x640xf32>
    %gt3A_738 = arith.cmpf ogt, %mul3A_737, %max3A_731 : vector<8x640xf32>
    %jit3A_739 = arith.constant 6.700000e+01 : f32
    %broadcast_in_dim3A_740 = vector.broadcast %jit3A_739 : f32 to vector<8x640xf32>
    %select_n3A_741 = arith.select %gt3A_738, %broadcast_in_dim3A_740, %select_n3A_730 : vector<8x640xi1>, vector<8x640xf32>
    %max3A_742 = arith.maximumf %max3A_731, %mul3A_737 : vector<8x640xf32>
    %get3A_743 = arith.constant 73 : index
    %get3A_744 = arith.constant 0 : index
    %get3A_745 = arith.constant 0 : index
    %get3A_746 = vector.load %arg0[%get3A_743, %get3A_744, %get3A_745] : memref<85x8x640xf32, #tpu.memory_space<vmem>>, vector<1x8x640xf32>
    %get3A_747 = vector.shape_cast %get3A_746 : vector<1x8x640xf32> to vector<8x640xf32>
    %mul3A_748 = arith.mulf %get3A_747, %get3A_3 : vector<8x640xf32>
    %gt3A_749 = arith.cmpf ogt, %mul3A_748, %max3A_742 : vector<8x640xf32>
    %jit3A_750 = arith.constant 6.800000e+01 : f32
    %broadcast_in_dim3A_751 = vector.broadcast %jit3A_750 : f32 to vector<8x640xf32>
    %select_n3A_752 = arith.select %gt3A_749, %broadcast_in_dim3A_751, %select_n3A_741 : vector<8x640xi1>, vector<8x640xf32>
    %max3A_753 = arith.maximumf %max3A_742, %mul3A_748 : vector<8x640xf32>
    %get3A_754 = arith.constant 74 : index
    %get3A_755 = arith.constant 0 : index
    %get3A_756 = arith.constant 0 : index
    %get3A_757 = vector.load %arg0[%get3A_754, %get3A_755, %get3A_756] : memref<85x8x640xf32, #tpu.memory_space<vmem>>, vector<1x8x640xf32>
    %get3A_758 = vector.shape_cast %get3A_757 : vector<1x8x640xf32> to vector<8x640xf32>
    %mul3A_759 = arith.mulf %get3A_758, %get3A_3 : vector<8x640xf32>
    %gt3A_760 = arith.cmpf ogt, %mul3A_759, %max3A_753 : vector<8x640xf32>
    %jit3A_761 = arith.constant 6.900000e+01 : f32
    %broadcast_in_dim3A_762 = vector.broadcast %jit3A_761 : f32 to vector<8x640xf32>
    %select_n3A_763 = arith.select %gt3A_760, %broadcast_in_dim3A_762, %select_n3A_752 : vector<8x640xi1>, vector<8x640xf32>
    %max3A_764 = arith.maximumf %max3A_753, %mul3A_759 : vector<8x640xf32>
    %get3A_765 = arith.constant 75 : index
    %get3A_766 = arith.constant 0 : index
    %get3A_767 = arith.constant 0 : index
    %get3A_768 = vector.load %arg0[%get3A_765, %get3A_766, %get3A_767] : memref<85x8x640xf32, #tpu.memory_space<vmem>>, vector<1x8x640xf32>
    %get3A_769 = vector.shape_cast %get3A_768 : vector<1x8x640xf32> to vector<8x640xf32>
    %mul3A_770 = arith.mulf %get3A_769, %get3A_3 : vector<8x640xf32>
    %gt3A_771 = arith.cmpf ogt, %mul3A_770, %max3A_764 : vector<8x640xf32>
    %jit3A_772 = arith.constant 7.000000e+01 : f32
    %broadcast_in_dim3A_773 = vector.broadcast %jit3A_772 : f32 to vector<8x640xf32>
    %select_n3A_774 = arith.select %gt3A_771, %broadcast_in_dim3A_773, %select_n3A_763 : vector<8x640xi1>, vector<8x640xf32>
    %max3A_775 = arith.maximumf %max3A_764, %mul3A_770 : vector<8x640xf32>
    %get3A_776 = arith.constant 76 : index
    %get3A_777 = arith.constant 0 : index
    %get3A_778 = arith.constant 0 : index
    %get3A_779 = vector.load %arg0[%get3A_776, %get3A_777, %get3A_778] : memref<85x8x640xf32, #tpu.memory_space<vmem>>, vector<1x8x640xf32>
    %get3A_780 = vector.shape_cast %get3A_779 : vector<1x8x640xf32> to vector<8x640xf32>
    %mul3A_781 = arith.mulf %get3A_780, %get3A_3 : vector<8x640xf32>
    %gt3A_782 = arith.cmpf ogt, %mul3A_781, %max3A_775 : vector<8x640xf32>
    %jit3A_783 = arith.constant 7.100000e+01 : f32
    %broadcast_in_dim3A_784 = vector.broadcast %jit3A_783 : f32 to vector<8x640xf32>
    %select_n3A_785 = arith.select %gt3A_782, %broadcast_in_dim3A_784, %select_n3A_774 : vector<8x640xi1>, vector<8x640xf32>
    %max3A_786 = arith.maximumf %max3A_775, %mul3A_781 : vector<8x640xf32>
    %get3A_787 = arith.constant 77 : index
    %get3A_788 = arith.constant 0 : index
    %get3A_789 = arith.constant 0 : index
    %get3A_790 = vector.load %arg0[%get3A_787, %get3A_788, %get3A_789] : memref<85x8x640xf32, #tpu.memory_space<vmem>>, vector<1x8x640xf32>
    %get3A_791 = vector.shape_cast %get3A_790 : vector<1x8x640xf32> to vector<8x640xf32>
    %mul3A_792 = arith.mulf %get3A_791, %get3A_3 : vector<8x640xf32>
    %gt3A_793 = arith.cmpf ogt, %mul3A_792, %max3A_786 : vector<8x640xf32>
    %jit3A_794 = arith.constant 7.200000e+01 : f32
    %broadcast_in_dim3A_795 = vector.broadcast %jit3A_794 : f32 to vector<8x640xf32>
    %select_n3A_796 = arith.select %gt3A_793, %broadcast_in_dim3A_795, %select_n3A_785 : vector<8x640xi1>, vector<8x640xf32>
    %max3A_797 = arith.maximumf %max3A_786, %mul3A_792 : vector<8x640xf32>
    %get3A_798 = arith.constant 78 : index
    %get3A_799 = arith.constant 0 : index
    %get3A_800 = arith.constant 0 : index
    %get3A_801 = vector.load %arg0[%get3A_798, %get3A_799, %get3A_800] : memref<85x8x640xf32, #tpu.memory_space<vmem>>, vector<1x8x640xf32>
    %get3A_802 = vector.shape_cast %get3A_801 : vector<1x8x640xf32> to vector<8x640xf32>
    %mul3A_803 = arith.mulf %get3A_802, %get3A_3 : vector<8x640xf32>
    %gt3A_804 = arith.cmpf ogt, %mul3A_803, %max3A_797 : vector<8x640xf32>
    %jit3A_805 = arith.constant 7.300000e+01 : f32
    %broadcast_in_dim3A_806 = vector.broadcast %jit3A_805 : f32 to vector<8x640xf32>
    %select_n3A_807 = arith.select %gt3A_804, %broadcast_in_dim3A_806, %select_n3A_796 : vector<8x640xi1>, vector<8x640xf32>
    %max3A_808 = arith.maximumf %max3A_797, %mul3A_803 : vector<8x640xf32>
    %get3A_809 = arith.constant 79 : index
    %get3A_810 = arith.constant 0 : index
    %get3A_811 = arith.constant 0 : index
    %get3A_812 = vector.load %arg0[%get3A_809, %get3A_810, %get3A_811] : memref<85x8x640xf32, #tpu.memory_space<vmem>>, vector<1x8x640xf32>
    %get3A_813 = vector.shape_cast %get3A_812 : vector<1x8x640xf32> to vector<8x640xf32>
    %mul3A_814 = arith.mulf %get3A_813, %get3A_3 : vector<8x640xf32>
    %gt3A_815 = arith.cmpf ogt, %mul3A_814, %max3A_808 : vector<8x640xf32>
    %jit3A_816 = arith.constant 7.400000e+01 : f32
    %broadcast_in_dim3A_817 = vector.broadcast %jit3A_816 : f32 to vector<8x640xf32>
    %select_n3A_818 = arith.select %gt3A_815, %broadcast_in_dim3A_817, %select_n3A_807 : vector<8x640xi1>, vector<8x640xf32>
    %max3A_819 = arith.maximumf %max3A_808, %mul3A_814 : vector<8x640xf32>
    %get3A_820 = arith.constant 80 : index
    %get3A_821 = arith.constant 0 : index
    %get3A_822 = arith.constant 0 : index
    %get3A_823 = vector.load %arg0[%get3A_820, %get3A_821, %get3A_822] : memref<85x8x640xf32, #tpu.memory_space<vmem>>, vector<1x8x640xf32>
    %get3A_824 = vector.shape_cast %get3A_823 : vector<1x8x640xf32> to vector<8x640xf32>
    %mul3A_825 = arith.mulf %get3A_824, %get3A_3 : vector<8x640xf32>
    %gt3A_826 = arith.cmpf ogt, %mul3A_825, %max3A_819 : vector<8x640xf32>
    %jit3A_827 = arith.constant 7.500000e+01 : f32
    %broadcast_in_dim3A_828 = vector.broadcast %jit3A_827 : f32 to vector<8x640xf32>
    %select_n3A_829 = arith.select %gt3A_826, %broadcast_in_dim3A_828, %select_n3A_818 : vector<8x640xi1>, vector<8x640xf32>
    %max3A_830 = arith.maximumf %max3A_819, %mul3A_825 : vector<8x640xf32>
    %get3A_831 = arith.constant 81 : index
    %get3A_832 = arith.constant 0 : index
    %get3A_833 = arith.constant 0 : index
    %get3A_834 = vector.load %arg0[%get3A_831, %get3A_832, %get3A_833] : memref<85x8x640xf32, #tpu.memory_space<vmem>>, vector<1x8x640xf32>
    %get3A_835 = vector.shape_cast %get3A_834 : vector<1x8x640xf32> to vector<8x640xf32>
    %mul3A_836 = arith.mulf %get3A_835, %get3A_3 : vector<8x640xf32>
    %gt3A_837 = arith.cmpf ogt, %mul3A_836, %max3A_830 : vector<8x640xf32>
    %jit3A_838 = arith.constant 7.600000e+01 : f32
    %broadcast_in_dim3A_839 = vector.broadcast %jit3A_838 : f32 to vector<8x640xf32>
    %select_n3A_840 = arith.select %gt3A_837, %broadcast_in_dim3A_839, %select_n3A_829 : vector<8x640xi1>, vector<8x640xf32>
    %max3A_841 = arith.maximumf %max3A_830, %mul3A_836 : vector<8x640xf32>
    %get3A_842 = arith.constant 82 : index
    %get3A_843 = arith.constant 0 : index
    %get3A_844 = arith.constant 0 : index
    %get3A_845 = vector.load %arg0[%get3A_842, %get3A_843, %get3A_844] : memref<85x8x640xf32, #tpu.memory_space<vmem>>, vector<1x8x640xf32>
    %get3A_846 = vector.shape_cast %get3A_845 : vector<1x8x640xf32> to vector<8x640xf32>
    %mul3A_847 = arith.mulf %get3A_846, %get3A_3 : vector<8x640xf32>
    %gt3A_848 = arith.cmpf ogt, %mul3A_847, %max3A_841 : vector<8x640xf32>
    %jit3A_849 = arith.constant 7.700000e+01 : f32
    %broadcast_in_dim3A_850 = vector.broadcast %jit3A_849 : f32 to vector<8x640xf32>
    %select_n3A_851 = arith.select %gt3A_848, %broadcast_in_dim3A_850, %select_n3A_840 : vector<8x640xi1>, vector<8x640xf32>
    %max3A_852 = arith.maximumf %max3A_841, %mul3A_847 : vector<8x640xf32>
    %get3A_853 = arith.constant 83 : index
    %get3A_854 = arith.constant 0 : index
    %get3A_855 = arith.constant 0 : index
    %get3A_856 = vector.load %arg0[%get3A_853, %get3A_854, %get3A_855] : memref<85x8x640xf32, #tpu.memory_space<vmem>>, vector<1x8x640xf32>
    %get3A_857 = vector.shape_cast %get3A_856 : vector<1x8x640xf32> to vector<8x640xf32>
    %mul3A_858 = arith.mulf %get3A_857, %get3A_3 : vector<8x640xf32>
    %gt3A_859 = arith.cmpf ogt, %mul3A_858, %max3A_852 : vector<8x640xf32>
    %jit3A_860 = arith.constant 7.800000e+01 : f32
    %broadcast_in_dim3A_861 = vector.broadcast %jit3A_860 : f32 to vector<8x640xf32>
    %select_n3A_862 = arith.select %gt3A_859, %broadcast_in_dim3A_861, %select_n3A_851 : vector<8x640xi1>, vector<8x640xf32>
    %max3A_863 = arith.maximumf %max3A_852, %mul3A_858 : vector<8x640xf32>
    %get3A_864 = arith.constant 84 : index
    %get3A_865 = arith.constant 0 : index
    %get3A_866 = arith.constant 0 : index
    %get3A_867 = vector.load %arg0[%get3A_864, %get3A_865, %get3A_866] : memref<85x8x640xf32, #tpu.memory_space<vmem>>, vector<1x8x640xf32>
    %get3A_868 = vector.shape_cast %get3A_867 : vector<1x8x640xf32> to vector<8x640xf32>
    %mul3A_869 = arith.mulf %get3A_868, %get3A_3 : vector<8x640xf32>
    %gt3A_870 = arith.cmpf ogt, %mul3A_869, %max3A_863 : vector<8x640xf32>
    %jit3A_871 = arith.constant 7.900000e+01 : f32
    %broadcast_in_dim3A_872 = vector.broadcast %jit3A_871 : f32 to vector<8x640xf32>
    %select_n3A_873 = arith.select %gt3A_870, %broadcast_in_dim3A_872, %select_n3A_862 : vector<8x640xi1>, vector<8x640xf32>
    %max3A_874 = arith.maximumf %max3A_863, %mul3A_869 : vector<8x640xf32>
    %get3A_875 = arith.constant 0 : index
    %get3A_876 = arith.constant 0 : index
    %get3A_877 = arith.constant 0 : index
    %get3A_878 = vector.load %arg0[%get3A_875, %get3A_876, %get3A_877] : memref<85x8x640xf32, #tpu.memory_space<vmem>>, vector<1x8x640xf32>
    %get3A_879 = vector.shape_cast %get3A_878 : vector<1x8x640xf32> to vector<8x640xf32>
    %get3A_880 = arith.constant 1 : index
    %get3A_881 = arith.constant 0 : index
    %get3A_882 = arith.constant 0 : index
    %get3A_883 = vector.load %arg0[%get3A_880, %get3A_881, %get3A_882] : memref<85x8x640xf32, #tpu.memory_space<vmem>>, vector<1x8x640xf32>
    %get3A_884 = vector.shape_cast %get3A_883 : vector<1x8x640xf32> to vector<8x640xf32>
    %get3A_885 = arith.constant 2 : index
    %get3A_886 = arith.constant 0 : index
    %get3A_887 = arith.constant 0 : index
    %get3A_888 = vector.load %arg0[%get3A_885, %get3A_886, %get3A_887] : memref<85x8x640xf32, #tpu.memory_space<vmem>>, vector<1x8x640xf32>
    %get3A_889 = vector.shape_cast %get3A_888 : vector<1x8x640xf32> to vector<8x640xf32>
    %get3A_890 = arith.constant 3 : index
    %get3A_891 = arith.constant 0 : index
    %get3A_892 = arith.constant 0 : index
    %get3A_893 = vector.load %arg0[%get3A_890, %get3A_891, %get3A_892] : memref<85x8x640xf32, #tpu.memory_space<vmem>>, vector<1x8x640xf32>
    %get3A_894 = vector.shape_cast %get3A_893 : vector<1x8x640xf32> to vector<8x640xf32>
    %div3A = arith.constant 2.000000e+00 : f32
    %div3A_895 = vector.broadcast %div3A : f32 to vector<8x640xf32>
    %div3A_896 = arith.divf %get3A_889, %div3A_895 : vector<8x640xf32>
    %sub3A = arith.subf %get3A_879, %div3A_896 : vector<8x640xf32>
    %div3A_897 = arith.constant 2.000000e+00 : f32
    %div3A_898 = vector.broadcast %div3A_897 : f32 to vector<8x640xf32>
    %div3A_899 = arith.divf %get3A_894, %div3A_898 : vector<8x640xf32>
    %sub3A_900 = arith.subf %get3A_884, %div3A_899 : vector<8x640xf32>
    %div3A_901 = arith.constant 2.000000e+00 : f32
    %div3A_902 = vector.broadcast %div3A_901 : f32 to vector<8x640xf32>
    %div3A_903 = arith.divf %get3A_889, %div3A_902 : vector<8x640xf32>
    %add3A = arith.addf %get3A_879, %div3A_903 : vector<8x640xf32>
    %div3A_904 = arith.constant 2.000000e+00 : f32
    %div3A_905 = vector.broadcast %div3A_904 : f32 to vector<8x640xf32>
    %div3A_906 = arith.divf %get3A_894, %div3A_905 : vector<8x640xf32>
    %add3A_907 = arith.addf %get3A_884, %div3A_906 : vector<8x640xf32>
    %mul3A_908 = arith.constant 4.096000e+03 : f32
    %mul3A_909 = vector.broadcast %mul3A_908 : f32 to vector<8x640xf32>
    %mul3A_910 = arith.mulf %select_n3A_873, %mul3A_909 : vector<8x640xf32>
    %add3A_911 = arith.addf %sub3A, %mul3A_910 : vector<8x640xf32>
    %add3A_912 = arith.addf %sub3A_900, %mul3A_910 : vector<8x640xf32>
    %add3A_913 = arith.addf %add3A, %mul3A_910 : vector<8x640xf32>
    %add3A_914 = arith.addf %add3A_907, %mul3A_910 : vector<8x640xf32>
    %sub3A_915 = arith.subf %add3A_913, %add3A_911 : vector<8x640xf32>
    %sub3A_916 = arith.subf %add3A_914, %add3A_912 : vector<8x640xf32>
    %mul3A_917 = arith.mulf %sub3A_915, %sub3A_916 : vector<8x640xf32>
    %gt3A_918 = arith.constant 3.000000e-01 : f32
    %gt3A_919 = vector.broadcast %gt3A_918 : f32 to vector<8x640xf32>
    %gt3A_920 = arith.cmpf ogt, %get3A_3, %gt3A_919 : vector<8x640xf32>
    %gt3A_921 = arith.constant 3.000000e-01 : f32
    %gt3A_922 = vector.broadcast %gt3A_921 : f32 to vector<8x640xf32>
    %gt3A_923 = arith.cmpf ogt, %max3A_874, %gt3A_922 : vector<8x640xf32>
    %and3A = arith.andi %gt3A_920, %gt3A_923 : vector<8x640xi1>
    %jit3A_924 = arith.constant -1.000000e+00 : f32
    %broadcast_in_dim3A_925 = vector.broadcast %jit3A_924 : f32 to vector<8x640xf32>
    %select_n3A_926 = arith.select %and3A, %max3A_874, %broadcast_in_dim3A_925 : vector<8x640xi1>, vector<8x640xf32>
    %swap3A = arith.constant 0 : index
    %swap3A_927 = arith.constant 0 : index
    %swap3A_928 = arith.constant 0 : index
    %swap3A_929 = vector.load %arg1[%swap3A, %swap3A_927, %swap3A_928] : memref<16x8x640xf32, #tpu.memory_space<vmem>>, vector<1x8x640xf32>
    %swap3A_930 = vector.shape_cast %swap3A_929 : vector<1x8x640xf32> to vector<8x640xf32>
    %swap3A_931 = vector.shape_cast %select_n3A_926 : vector<8x640xf32> to vector<1x8x640xf32>
    tpu.vector_store %arg1[%swap3A, %swap3A_927, %swap3A_928], %swap3A_931 {strides = array<i32>} : memref<16x8x640xf32, #tpu.memory_space<vmem>>, vector<1x8x640xf32>,
    %swap3A_932 = arith.constant 1 : index
    %swap3A_933 = arith.constant 0 : index
    %swap3A_934 = arith.constant 0 : index
    %swap3A_935 = vector.load %arg1[%swap3A_932, %swap3A_933, %swap3A_934] : memref<16x8x640xf32, #tpu.memory_space<vmem>>, vector<1x8x640xf32>
    %swap3A_936 = vector.shape_cast %swap3A_935 : vector<1x8x640xf32> to vector<8x640xf32>
    %swap3A_937 = vector.shape_cast %select_n3A_873 : vector<8x640xf32> to vector<1x8x640xf32>
    tpu.vector_store %arg1[%swap3A_932, %swap3A_933, %swap3A_934], %swap3A_937 {strides = array<i32>} : memref<16x8x640xf32, #tpu.memory_space<vmem>>, vector<1x8x640xf32>,
    %swap3A_938 = arith.constant 2 : index
    %swap3A_939 = arith.constant 0 : index
    %swap3A_940 = arith.constant 0 : index
    %swap3A_941 = vector.load %arg1[%swap3A_938, %swap3A_939, %swap3A_940] : memref<16x8x640xf32, #tpu.memory_space<vmem>>, vector<1x8x640xf32>
    %swap3A_942 = vector.shape_cast %swap3A_941 : vector<1x8x640xf32> to vector<8x640xf32>
    %swap3A_943 = vector.shape_cast %add3A_911 : vector<8x640xf32> to vector<1x8x640xf32>
    tpu.vector_store %arg1[%swap3A_938, %swap3A_939, %swap3A_940], %swap3A_943 {strides = array<i32>} : memref<16x8x640xf32, #tpu.memory_space<vmem>>, vector<1x8x640xf32>,
    %swap3A_944 = arith.constant 3 : index
    %swap3A_945 = arith.constant 0 : index
    %swap3A_946 = arith.constant 0 : index
    %swap3A_947 = vector.load %arg1[%swap3A_944, %swap3A_945, %swap3A_946] : memref<16x8x640xf32, #tpu.memory_space<vmem>>, vector<1x8x640xf32>
    %swap3A_948 = vector.shape_cast %swap3A_947 : vector<1x8x640xf32> to vector<8x640xf32>
    %swap3A_949 = vector.shape_cast %add3A_912 : vector<8x640xf32> to vector<1x8x640xf32>
    tpu.vector_store %arg1[%swap3A_944, %swap3A_945, %swap3A_946], %swap3A_949 {strides = array<i32>} : memref<16x8x640xf32, #tpu.memory_space<vmem>>, vector<1x8x640xf32>,
    %swap3A_950 = arith.constant 4 : index
    %swap3A_951 = arith.constant 0 : index
    %swap3A_952 = arith.constant 0 : index
    %swap3A_953 = vector.load %arg1[%swap3A_950, %swap3A_951, %swap3A_952] : memref<16x8x640xf32, #tpu.memory_space<vmem>>, vector<1x8x640xf32>
    %swap3A_954 = vector.shape_cast %swap3A_953 : vector<1x8x640xf32> to vector<8x640xf32>
    %swap3A_955 = vector.shape_cast %add3A_913 : vector<8x640xf32> to vector<1x8x640xf32>
    tpu.vector_store %arg1[%swap3A_950, %swap3A_951, %swap3A_952], %swap3A_955 {strides = array<i32>} : memref<16x8x640xf32, #tpu.memory_space<vmem>>, vector<1x8x640xf32>,
    %swap3A_956 = arith.constant 5 : index
    %swap3A_957 = arith.constant 0 : index
    %swap3A_958 = arith.constant 0 : index
    %swap3A_959 = vector.load %arg1[%swap3A_956, %swap3A_957, %swap3A_958] : memref<16x8x640xf32, #tpu.memory_space<vmem>>, vector<1x8x640xf32>
    %swap3A_960 = vector.shape_cast %swap3A_959 : vector<1x8x640xf32> to vector<8x640xf32>
    %swap3A_961 = vector.shape_cast %add3A_914 : vector<8x640xf32> to vector<1x8x640xf32>
    tpu.vector_store %arg1[%swap3A_956, %swap3A_957, %swap3A_958], %swap3A_961 {strides = array<i32>} : memref<16x8x640xf32, #tpu.memory_space<vmem>>, vector<1x8x640xf32>,
    %swap3A_962 = arith.constant 6 : index
    %swap3A_963 = arith.constant 0 : index
    %swap3A_964 = arith.constant 0 : index
    %swap3A_965 = vector.load %arg1[%swap3A_962, %swap3A_963, %swap3A_964] : memref<16x8x640xf32, #tpu.memory_space<vmem>>, vector<1x8x640xf32>
    %swap3A_966 = vector.shape_cast %swap3A_965 : vector<1x8x640xf32> to vector<8x640xf32>
    %swap3A_967 = vector.shape_cast %mul3A_917 : vector<8x640xf32> to vector<1x8x640xf32>
    tpu.vector_store %arg1[%swap3A_962, %swap3A_963, %swap3A_964], %swap3A_967 {strides = array<i32>} : memref<16x8x640xf32, #tpu.memory_space<vmem>>, vector<1x8x640xf32>,
    %swap3A_968 = arith.constant 7 : index
    %swap3A_969 = arith.constant 0 : index
    %swap3A_970 = arith.constant 0 : index
    %swap3A_971 = vector.load %arg1[%swap3A_968, %swap3A_969, %swap3A_970] : memref<16x8x640xf32, #tpu.memory_space<vmem>>, vector<1x8x640xf32>
    %swap3A_972 = vector.shape_cast %swap3A_971 : vector<1x8x640xf32> to vector<8x640xf32>
    %swap3A_973 = vector.shape_cast %sub3A : vector<8x640xf32> to vector<1x8x640xf32>
    tpu.vector_store %arg1[%swap3A_968, %swap3A_969, %swap3A_970], %swap3A_973 {strides = array<i32>} : memref<16x8x640xf32, #tpu.memory_space<vmem>>, vector<1x8x640xf32>,
    %swap3A_974 = arith.constant 8 : index
    %swap3A_975 = arith.constant 0 : index
    %swap3A_976 = arith.constant 0 : index
    %swap3A_977 = vector.load %arg1[%swap3A_974, %swap3A_975, %swap3A_976] : memref<16x8x640xf32, #tpu.memory_space<vmem>>, vector<1x8x640xf32>
    %swap3A_978 = vector.shape_cast %swap3A_977 : vector<1x8x640xf32> to vector<8x640xf32>
    %swap3A_979 = vector.shape_cast %sub3A_900 : vector<8x640xf32> to vector<1x8x640xf32>
    tpu.vector_store %arg1[%swap3A_974, %swap3A_975, %swap3A_976], %swap3A_979 {strides = array<i32>} : memref<16x8x640xf32, #tpu.memory_space<vmem>>, vector<1x8x640xf32>,
    %swap3A_980 = arith.constant 9 : index
    %swap3A_981 = arith.constant 0 : index
    %swap3A_982 = arith.constant 0 : index
    %swap3A_983 = vector.load %arg1[%swap3A_980, %swap3A_981, %swap3A_982] : memref<16x8x640xf32, #tpu.memory_space<vmem>>, vector<1x8x640xf32>
    %swap3A_984 = vector.shape_cast %swap3A_983 : vector<1x8x640xf32> to vector<8x640xf32>
    %swap3A_985 = vector.shape_cast %add3A : vector<8x640xf32> to vector<1x8x640xf32>
    tpu.vector_store %arg1[%swap3A_980, %swap3A_981, %swap3A_982], %swap3A_985 {strides = array<i32>} : memref<16x8x640xf32, #tpu.memory_space<vmem>>, vector<1x8x640xf32>,
    %swap3A_986 = arith.constant 10 : index
    %swap3A_987 = arith.constant 0 : index
    %swap3A_988 = arith.constant 0 : index
    %swap3A_989 = vector.load %arg1[%swap3A_986, %swap3A_987, %swap3A_988] : memref<16x8x640xf32, #tpu.memory_space<vmem>>, vector<1x8x640xf32>
    %swap3A_990 = vector.shape_cast %swap3A_989 : vector<1x8x640xf32> to vector<8x640xf32>
    %swap3A_991 = vector.shape_cast %add3A_907 : vector<8x640xf32> to vector<1x8x640xf32>
    tpu.vector_store %arg1[%swap3A_986, %swap3A_987, %swap3A_988], %swap3A_991 {strides = array<i32>} : memref<16x8x640xf32, #tpu.memory_space<vmem>>, vector<1x8x640xf32>,
    return
  }
}

</mosaic_0001>

<sc_bundles>
// kernel: kernel.5.cloned.1.call-start
scs
__scs_entry_jumppad:
0x0: {  	(pc) =	sbr.rel $0x88, $3  }
0x1: {  	(tag) =	ssettag $0x0;
	lr =	simm.s32 $0x1  }
0x2: {  	[smem:$0x3FA0] =	sst lr;
	_ =	strace $0xD0000000  }
0x3: {  	_ = 	snop  }
0x4: {  	_ = 	snop  }
0x5: {  	_ = 	snop  }
0x6: {  	_ = 	snop  }
0x7: {  	_ = 	snop  }
__scs_overlays_trampoline_lowered:
0x8: {  	[smem:$0x3FAF] =	sst s0  }
0x9: {  	[smem:$0x3FB0] =	sst s1  }
0xa: {  	[smem:$0x3FB1] =	sst s2  }
0xb: {  	[smem:$0x3FB2] =	sst s3  }
0xc: {  	[smem:$0x3FB3] =	sst s4  }
0xd: {  	[smem:$0x3FB4] =	sst s5  }
0xe: {  	[smem:$0x3FB5] =	sst s6  }
0xf: {  	[smem:$0x3FB6] =	sst s7  }
0x10: {  	[smem:$0x3FB7] =	sst s8  }
0x11: {  	[smem:$0x3FB8] =	sst s9;
	s0 =	simm.s32 @!p0 $0x0  }
0x12: {  	s1 =	sld [smem:$0x3F9E];
	s0 =	simm.s32 @p0 $0x1  }
0x13: {  	[smem:$0x3FB9] =	sst s0;
	s0 =	simm.s32 @!p1 $0x0  }
0x14: {  	s2 =	sld [smem:$0x3F9D];
	s0 =	simm.s32 @p1 $0x1  }
0x15: {  	[smem:$0x3FBA] =	sst s0;
	s0 =	simm.s32 @!p2 $0x0  }
0x16: {  	s3 =	sld [smem:$0x3FDB];
	s0 =	simm.s32 @p2 $0x1  }
0x17: {  	s4 =	simm.s32 $0x1BF5;
	[smem:$0x3FBC] =	sst s0  }
0x18: {  	s0 =	sld [smem:$0x3F9F];
	_ =	swait.ge [sflag:s4], $0x0  }
0x19: {  	s7 =	sld [smem:$0x3FA0]  }
0x1a: {  	s8 =	sadd.s32 $0xFFFFE003, lr  }
0x1b: {  	s9 =	sadd.s32 $0xFFFFFEF7, lr;
	s5 =	simm.s32 $0xFFFFFFFF;
	p2 =	slt.u32 s8, $0xFFFFF086  }
0x1c: {  	p1 =	slt.u32 s9, $0xF7A;
	s5 =	simm.s32 @!p2 $0x0  }
0x1d: {  	s5 =	simm.s32 @p1 $0x1;
	p0 =	seq.s32 s7, s2  }
0x1e: {  	s7 =	smul.u32 @!p0 $0xF7A, s2;
	p2 =	seq.s32 @!p0 s5, $0x0  }
0x1f: {  	s9 =	smul.u32 $0xF7A, s1;
	s8 =	simm.s32 @!p0 $0x1BF5;
	p2 =	por !p2, p0  }
0x20: {  	[sflag:s8] =	ssyncset.s32 @!p0 $0xFFFFF086;
	s6 =	sadd.s32 @!p0 s3, s7;
	s7 =	simm.s32 @!p0 $0x108  }
0x21: {  	s3 =	sadd.s32 s3, s9;
	s6 =	sadd.s32 @!p0 $0x88, s6;
	s7 =	simm.s32 @p2 $0x1082  }
0x22: {  	[simem:s7], [sflag:s8] =	dma.local @!p0 [hbm:s6], $0xF7A  }
0x23: {  	s9 =	sor.u32 $0xD0000000, s2;
	s6 =	simm.s32 $0x108;
	_ =	swait.ge @!p0 [sflag:s8], $0x0  }
0x24: {  	s3 =	sadd.s32 $0x88, s3;
	s6 =	simm.s32 @!p1 $0x1082;
	[sflag:s4] =	ssyncset.s32 $0xFFFFF086  }
0x25: {  	[simem:s6], [sflag:s4] =	dma.local [hbm:s3], $0xF7A  }
0x26: {  	[smem:$0x3FA0] =	sst s1;
	(tag) =	ssettag s2;
	_ =	strace s9  }
0x27: {  	s1 =	sld [smem:$0x3FB0]  }
0x28: {  	s2 =	sld [smem:$0x3FB1]  }
0x29: {  	s4 =	sld [smem:$0x3FB3]  }
0x2a: {  	p0 =	seq.s32 s5, $0x0;
	s5 =	sld [smem:$0x3FB4]  }
0x2b: {  	s6 =	sld [smem:$0x3FB5]  }
0x2c: {  	s7 =	sld [smem:$0x3FB6]  }
0x2d: {  	s3 =	simm.s32 $0x108;
	s8 =	sld [smem:$0x3FB7]  }
0x2e: {  	s3 =	simm.s32 @!p0 $0x1082;
	s9 =	sld [smem:$0x3FB8]  }
0x2f: {  	lr =	sadd.s32 s0, s3;
	s0 =	sld [smem:$0x3FAF]  }
0x30: {  	s3 =	sld [smem:$0x3FB2]  }
0x31: {  	[smem:$0x3FBB] =	sst s10  }
0x32: {  	s10 =	sld [smem:$0x3FB9];
	_ =	sdelay $0x3  }
0x33: {  	p0 =	seq.s32 s10, $0x1;
	s10 =	sld [smem:$0x3FBB];
	_ =	sdelay $0x3  }
0x34: {  	[smem:$0x3FBB] =	sst s10  }
0x35: {  	s10 =	sld [smem:$0x3FBA];
	_ =	sdelay $0x3  }
0x36: {  	p1 =	seq.s32 s10, $0x1;
	s10 =	sld [smem:$0x3FBB];
	_ =	sdelay $0x3  }
0x37: {  	[smem:$0x3FBB] =	sst s10  }
0x38: {  	s10 =	sld [smem:$0x3FBC]  }
0x39: {  	_ = 	snop;
	(pc) =	sbr.ind lr, $3  }
0x3a: {  	_ = 	snop  }
0x3b: {  	_ = 	snop  }
0x3c: {  	p2 =	seq.s32 s10, $0x1;
	s10 =	sld [smem:$0x3FBB]  }
0x3d: {  	_ =	shalt  }
0x3e: {  	_ =	shalt  }
0x3f: {  	_ =	shalt  }
0x40: {  	_ =	shalt  }
0x41: {  	_ =	shalt  }
0x42: {  	_ =	shalt  }
0x43: {  	_ =	shalt  }
0x44: {  	_ =	shalt  }
0x45: {  	_ =	shalt  }
0x46: {  	_ =	shalt  }
0x47: {  	_ =	shalt  }
0x48: {  	_ =	shalt  }
0x49: {  	_ =	shalt  }
0x4a: {  	_ =	shalt  }
0x4b: {  	_ =	shalt  }
0x4c: {  	_ =	shalt  }
0x4d: {  	_ =	shalt  }
0x4e: {  	_ =	shalt  }
0x4f: {  	_ =	shalt  }
0x50: {  	_ =	shalt  }
0x51: {  	_ =	shalt  }
0x52: {  	_ =	shalt  }
0x53: {  	_ =	shalt  }
0x54: {  	_ =	shalt  }
0x55: {  	_ =	shalt  }
0x56: {  	_ =	shalt  }
0x57: {  	_ =	shalt  }
0x58: {  	_ =	shalt  }
0x59: {  	_ =	shalt  }
0x5a: {  	_ =	shalt  }
0x5b: {  	_ =	shalt  }
0x5c: {  	_ =	shalt  }
0x5d: {  	_ =	shalt  }
0x5e: {  	_ =	shalt  }
0x5f: {  	_ =	shalt  }
0x60: {  	_ =	shalt  }
0x61: {  	_ =	shalt  }
0x62: {  	_ =	shalt  }
0x63: {  	_ =	shalt  }
0x64: {  	_ =	shalt  }
0x65: {  	_ =	shalt  }
0x66: {  	_ =	shalt  }
0x67: {  	_ =	shalt  }
0x68: {  	_ =	shalt  }
0x69: {  	_ =	shalt  }
0x6a: {  	_ =	shalt  }
0x6b: {  	_ =	shalt  }
0x6c: {  	_ =	shalt  }
0x6d: {  	_ =	shalt  }
0x6e: {  	_ =	shalt  }
0x6f: {  	_ =	shalt  }
0x70: {  	_ =	shalt  }
0x71: {  	_ =	shalt  }
0x72: {  	_ =	shalt  }
0x73: {  	_ =	shalt  }
0x74: {  	_ =	shalt  }
0x75: {  	_ =	shalt  }
0x76: {  	_ =	shalt  }
0x77: {  	_ =	shalt  }
0x78: {  	_ =	shalt  }
0x79: {  	_ =	shalt  }
0x7a: {  	_ =	shalt  }
0x7b: {  	_ =	shalt  }
0x7c: {  	_ =	shalt  }
0x7d: {  	_ =	shalt  }
0x7e: {  	_ =	shalt  }
0x7f: {  	_ =	shalt  }
0x80: {  	_ =	shalt  }
0x81: {  	_ =	shalt  }
0x82: {  	_ =	shalt  }
0x83: {  	_ =	shalt  }
0x84: {  	_ =	shalt  }
0x85: {  	_ =	shalt  }
0x86: {  	_ =	shalt  }
0x87: {  	_ =	shalt  }
.Lfunc_end0:
.L_simem_size_0:
called_computation_lowered:
.L_overlay_start_0:
0x88: {  	s2 =	sld [smem:$0x3FD9]  }
0x89: {  	s3 =	sld [smem:$0x3FFE];
	_ =	sdelay $0x1  }
0x8a: {  	s1 =	srdreg.scid  }
0x8b: {  	s0 =	sand.u32 $0x1, s1  }
0x8c: {  	s16 =	sshll.u32 s0, $0xA;
	s2 =	sadd.s32 s3, s2  }
0x8d: {  	s2 =	sadd.s32 s2, s16  }
0x8e: {  	[smem:$0x3FC7] =	sst s2  }
0x8f: {  	_ = 	snop  }
0x90: {  	(tm) =	ssettm $0x1  }
0x91: {  	s17 =	sld [smem:$0x3FFB];
	_ =	sdelay $0x3  }
0x92: {  	_ =	strace s17  }
0x93: {  	s2 =	sld [smem:$0x3FFC];
	_ =	sdelay $0x3  }
0x94: {  	_ =	strace s2  }
0x95: {  	s2 =	sld [smem:$0x3FFD];
	_ =	sdelay $0x3  }
0x96: {  	_ =	strace s2  }
0x97: {  	_ =	strace $0x8FFFFFFF  }
0x98: {  	s18 =	sld [smem:$0x3FDB];
	_ =	sdelay $0x1  }
0x99: {  	s19 =	simm.s32 $_scs_section_size  }
0x9a: {  	s4 =	simm.s32 $_size__tile_overlayer_lowered;
	s5 =	simm.s32 $_tile_overlayer_lowered  }
0x9b: {  	s22 =	simm.s32 $0x1BFF;
	s21 =	sshll.u32 s5, $0x1;
	s2 =	sadd.s32 s19, s18  }
0x9c: {  	s6 =	simm.s32 $0x0;
	s20 =	sshll.u32 s4, $0x1;
	s4 =	sadd.s32 s21, s2  }
0x9d: {  	[timem:s6], [sflag:s22] =	dma.local [hbm:s4], s20  }
0x9e: {  	_ =	swait.ge [sflag:s22], s20  }
0x9f: {  	s3 =	ssub.s32 $0x0, s20;
	[sflag:s22] =	ssyncset.done $0x0  }
0xa0: {  	[sflag:s22] =	ssyncadd.s32 s3;
	_ =	sdelay $0x1  }
0xa1: {  	s23 =	simm.s32 $0x1B8B  }
0xa2: {  	_ =	swait.ge [sflag:s23], $0x1  }
0xa3: {  	[sflag:s23] =	ssyncset.done $0x0  }
0xa4: {  	s25 =	simm.s32 $0x1B8E;
	s24 =	sld [smem:$0x3FFE];
	[sflag:s23] =	ssyncadd.s32 $0xFFFFFFFF  }
0xa5: {  	s26 =	simm.s32 $execute0_lowered;
	[smem:$0x3FD2] =	sst s25  }
0xa6: {  	s4 =	sshll.u32 s26, $0x1;
	_ =	strace $0x80000046;
	[dreg:$0x1] =	wrdreg $0xFFFFFFFF  }
0xa7: {  	s28 =	simm.s32 $_size_execute0_lowered;
	s2 =	sadd.s32 s2, s4;
	[dreg:$0x0] =	wrdreg $0x0  }
0xa8: {  	s4 =	sshll.u32 s28, $0x1;
	[dreg:$0x2] =	wrdreg s2  }
0xa9: {  	[dreg:$0x3] =	wrdreg s4  }
0xaa: {  	[dreg:$0x4] =	wrdreg $0xC0  }
0xab: {  	_ =	task [dreg:s6], $0x5FFFF  }
0xac: {  	[dreg:$0x1] =	wrdreg $0xFFFFFFFF  }
0xad: {  	[dreg:$0x0] =	wrdreg $0x60  }
0xae: {  	[dreg:$0x2] =	wrdreg s24  }
0xaf: {  	[dreg:$0x3] =	wrdreg $0x9  }
0xb0: {  	_ =	task.clear_ibuf [dreg:s6], $0x4FFFF;
	_ =	strace $0x90000046  }
0xb1: {  	s29 =	simm.s32 $0x9;
	_ =	strace $0x80000048  }
0xb2: {  	_ =	swait.ge [sflag:s29], $0x1  }
0xb3: {  	[sflag:s29] =	ssyncadd.s32 $0xFFFFFFFF  }
0xb4: {  	_ =	strace $0x90000048  }
0xb5: {  	_ =	sfence  }
0xb6: {  	s30 =	sld [smem:$0x0];
	_ =	sdelay $0x2  }
0xb7: {  	s31 =	sshll.u32 s1, $0xD;
	s1 =	sshrl.u32 s1, $0x2  }
0xb8: {  	s3 =	sand.u32 $0x4000, s31;
	s1 =	sadd.s32 s1, s30  }
0xb9: {  	s0 =	sor.u32 s3, s0;
	s1 =	sshll.u32 s1, $0x11  }
0xba: {  	s0 =	sor.u32 s1, s0  }
0xbb: {  	s0 =	sadd.s32 $0x8F2B, s0  }
0xbc: {  	[sflag:s0] =	ssyncadd.remote.s32 $0x1  }
0xbd: {  	_ =	sfence.sel $0xFFFF  }
0xbe: {  	[dreg:$0x0] =	wrdreg $0xFFFFFFFF;
	(pc) =	sbr.abs _section_cstart, $3  }
0xbf: {  	[dreg:$0x1] =	wrdreg $0xFFFFFFFF  }
0xc0: {  	_ =	task.clear_ibuf [dreg:s6], $0x2FFFF;
	_ =	strace $0x9FFFFFFF  }
0xc1: {  	(tm) =	ssettm $0x7FFFFFFF  }
tec
execute0_lowered:
.L_overlay_start_1:
0x0: {  	(tag) =	ssettag $0x1  }
0x1: {  	s0 =	srdreg.scid;
	s5 =	stileid.u32  }
0x2: {  	s3 =	rddreg [dreg:$0x0];
	s6 =	simm.s32 $0x0;
	s8 =	simm.s32 $0x1400  }
0x3: {  	s16 =	simm.s32 $0x2800;
	s17 =	simm.s32 $0x3C00;
	s18 =	simm.s32 $0x5000  }
0x4: {  	s19 =	simm.s32 $0x6400;
	s30 =	simm.s32 $0x16100;
	s0 =	sand.u32 $0x1, s0  }
0x5: {  	s1 =	sshll.u32 s5, $0x1;
	[smem:$0x7FF] =	sst s6;
	s21 =	sadd.s32 $0xC00, s3  }
0x6: {  	s22 =	sadd.s32 $0xC10, s3;
	_ =	strace $0x80000047;
	[dreg:$0x2] =	wrdreg s21  }
0x7: {  	s2 =	sshrl.u32 s5, $0x2;
	s23 =	sadd.s32 $0xC20, s3;
	[dreg:$0x3] =	wrdreg s22  }
0x8: {  	s24 =	sadd.s32 $0xC30, s3;
	p0 =	slt.u32 s5, $0x8;
	[dreg:$0x4] =	wrdreg s23  }
0x9: {  	s7 =	sadd.s32 $0xC40, s3;
	s25 =	sadd.s32 $0xC50, s3;
	[dreg:$0x5] =	wrdreg s24  }
0xa: {  	s1 =	sor.u32 s0, s1;
	s2 =	smul.u32 $0xC00, s2;
	[dreg:$0x6] =	wrdreg s7  }
0xb: {  	s0 =	ssub.s32 $0x2, s0;
	[dreg:$0x7] =	wrdreg s25;
	s22 =	simm.s32 $0x15D00  }
0xc: {  	s23 =	simm.s32 $0x15900;
	s4 =	sshll.u32 s1, $0x7;
	s20 =	sshrl.u32 s0, $0x1  }
0xd: {  	s24 =	simm.s32 $0x16280;
	s4 =	sand.u32 $0x380, s4;
	s0 =	ssub.s32 s0, s20  }
0xe: {  	s20 =	simm.s32 $0x7800;
	s2 =	sor.u32 s2, s4;
	s4 =	smul.u32 $0x3, s1  }
0xf: {  	s1 =	sshll.u32 s1, $0x1;
	s0 =	smax.u32 s0, $0x1;
	s2 =	sshrl.u32 s2, $0x3  }
0x10: {  	s5 =	sadd.s32 $0x10, s1;
	s1 =	sadd.s32 $0x12, s1;
	[dreg:$0xb] =	wrdreg s0  }
0x11: {  	s2 =	sadd.s32 s2, s3;
	s6 =	sadd.s32 $0x3, s4;
	s5 =	smov.u32 @p0 s4  }
0x12: {  	s3 =	sadd.s32 $0xC60, s3;
	s1 =	smov.u32 @p0 s6;
	s26 =	scvt.s32.f32 s5  }
.Ltmp0:
0x13: {  	s28 =	sadd.s32 $0x1, s5;
	s5 =	sadd.s32 $0x2, s5;
	(pc) =	sbr.rel .LBB2_1-.Ltmp0, $4  }
0x14: {  	[dreg:$0x8] =	wrdreg s3;
	s1 =	sadd.s32 $0xFFFFFFFF, s1;
	s29 =	scvt.s32.f32 s28  }
0x15: {  	v4 =	vlaneseq.u32;
	v5 =	vimm.s32 $0x0;
	v6 =	vimm.f32 $-3.000000010e+38;
	s31 =	sadd.s32 $0x3400, s2;
	s5 =	scvt.s32.f32 s5;
	s1 =	scvt.s32.f32 s1  }
0x16: {  	v8 =	vimm.s32 $0x12C;
	v7 =	vor.u32 $0x80000000, v4;
	s2 =	sadd.s32 $0x3A00, s2;
	s6 =	simm.s32 $0x400;
	[dreg:$0x9] =	wrdreg s31;
	v0 =	vmov s26  }
0x17: {  	s3 =	simm.s32 $0x0;
	[dreg:$0xa] =	wrdreg s2;
	s2 =	simm.s32 $0x80;
	v2 =	vmov s29;
	v3 =	vmov s5;
	v1 =	vmov s1  }
.LBB2_129:
0x18: {  	_ =	sdelay $0x2  }
0x19: {  	v9 =	vmov s9;
	s0 =	rddreg [dreg:$0x9]  }
0x1a: {  	s2 =	simm.s32 $0x80;
	s6 =	simm.s32 $0x400;
	s1 =	simm.s32 $0x2;
	[tilespmem:v8+s24+$0x0] =	vst.idx.msk $0x1, v9  }
0x1b: {  	[hbm4b:s0+s2] =	stream.strided.scatter [tilespmem:s30], [sflag:$0x2], $0x180, s6, s2, $0x38;
	[tilespmem:$0x16400] =	vst v63  }
0x1c: {  	_ =	swait.ge [sflag:s1], $0x180  }
0x1d: {  	[sflag:s1] =	ssyncset.done $0x0  }
0x1e: {  	s29 =	rddreg [dreg:$0xa];
	[sflag:s1] =	ssyncadd.s32 $0xFFFFFE80  }
0x1f: {  	[hbm4b:s29+s2] =	stream.strided.scatter [tilespmem:s24], [sflag:$0x2], $0x180, s6, s2, $0x38;
	[tilespmem:$0x16400] =	vst v63  }
0x20: {  	_ =	swait.ge [sflag:s1], $0x180  }
0x21: {  	s3 =	sadd.s32 $0x1, s3;
	s31 =	rddreg [dreg:$0xb]  }
0x22: {  	p0 =	sne.s32 s3, s31  }
.Ltmp1:
0x23: {  	_ = 	snop;
	(pc) =	sbr.rel @!p0 .LBB2_130-.Ltmp1, $3  }
0x24: {  	_ =	sdelay $0x1  }
0x25: {  	[sflag:s1] =	ssyncset.done $0x0  }
0x26: {  	s8 =	simm.s32 $0x1400;
	[sflag:s1] =	ssyncadd.s32 $0xFFFFFE80  }
.LBB2_1:
0x27: {  	[dreg:$0xc] =	wrdreg s3  }
0x28: {  	s5 =	simm.s32 $0x0;
	s0 =	rddreg [dreg:$0x2]  }
0x29: {  	[tilespmem:s5], [sflag:$0x1] =	stream.strided.gather [hbm4b:s0+s2], $0x1400, s6, s2, $0x38;
	[tilespmem:$0x16400] =	vst v63  }
0x2a: {  	s7 =	rddreg [dreg:$0x3]  }
0x2b: {  	[tilespmem:s8], [sflag:$0x1] =	stream.strided.gather [hbm4b:s7+s2], $0x1400, s6, s2, $0x38;
	[tilespmem:$0x16400] =	vst v63  }
0x2c: {  	s9 =	rddreg [dreg:$0x4]  }
0x2d: {  	[tilespmem:s16], [sflag:$0x1] =	stream.strided.gather [hbm4b:s9+s2], $0x1400, s6, s2, $0x38;
	[tilespmem:$0x16400] =	vst v63  }
0x2e: {  	s10 =	rddreg [dreg:$0x5]  }
0x2f: {  	[tilespmem:s17], [sflag:$0x1] =	stream.strided.gather [hbm4b:s10+s2], $0x1400, s6, s2, $0x38;
	[tilespmem:$0x16400] =	vst v63  }
0x30: {  	s11 =	rddreg [dreg:$0x6]  }
0x31: {  	[tilespmem:s18], [sflag:$0x1] =	stream.strided.gather [hbm4b:s11+s2], $0x1400, s6, s2, $0x38;
	[tilespmem:$0x16400] =	vst v63  }
0x32: {  	s12 =	rddreg [dreg:$0x7]  }
0x33: {  	[tilespmem:s19], [sflag:$0x1] =	stream.strided.gather [hbm4b:s12+s2], $0x1400, s6, s2, $0x38;
	[tilespmem:$0x16400] =	vst v63  }
0x34: {  	s13 =	rddreg [dreg:$0x8];
	s14 =	simm.s32 $0x1  }
0x35: {  	[tilespmem:s20], [sflag:$0x1] =	stream.strided.gather [hbm4b:s13+s2], $0x1400, s6, s2, $0x38;
	[tilespmem:$0x16400] =	vst v63  }
0x36: {  	_ =	swait.ge [sflag:s14], $0x1400  }
0x37: {  	[sflag:s14] =	ssyncset.done $0x0  }
0x38: {  	[sflag:s14] =	ssyncadd.s32 $0xFFFFEC00  }
0x39: {  	_ =	swait.ge [sflag:s14], $0x1400  }
0x3a: {  	[sflag:s14] =	ssyncset.done $0x0  }
0x3b: {  	[sflag:s14] =	ssyncadd.s32 $0xFFFFEC00  }
0x3c: {  	_ =	swait.ge [sflag:s14], $0x1400  }
0x3d: {  	[sflag:s14] =	ssyncset.done $0x0  }
0x3e: {  	[sflag:s14] =	ssyncadd.s32 $0xFFFFEC00  }
0x3f: {  	_ =	swait.ge [sflag:s14], $0x1400  }
0x40: {  	[sflag:s14] =	ssyncset.done $0x0  }
0x41: {  	[sflag:s14] =	ssyncadd.s32 $0xFFFFEC00  }
0x42: {  	_ =	swait.ge [sflag:s14], $0x1400  }
0x43: {  	[sflag:s14] =	ssyncset.done $0x0  }
0x44: {  	[sflag:s14] =	ssyncadd.s32 $0xFFFFEC00  }
0x45: {  	_ =	swait.ge [sflag:s14], $0x1400  }
0x46: {  	[sflag:s14] =	ssyncset.done $0x0  }
0x47: {  	[sflag:s14] =	ssyncadd.s32 $0xFFFFEC00  }
0x48: {  	_ =	swait.ge [sflag:s14], $0x1400  }
0x49: {  	[sflag:s14] =	ssyncset.done $0x0  }
0x4a: {  	s15 =	simm.s32 $0x1420;
	[sflag:s14] =	ssyncadd.s32 $0xFFFFEC00  }
0x4b: {  	s1 =	simm.s32 $0x20;
	v9 =	vld [tilespmem:s15+$0xFFFFFFE0]  }
0x4c: {  	v10 =	vld [tilespmem:s1+$0xFFFFFFE0];
	_ =	sdelay $0x3  }
0x4d: {  	vm0 =	vge.f32 v9, v0;
	vm1 =	vle.f32 v9, v1  }
0x4e: {  	s21 =	simm.s32 $0x0;
	vm0 =	vmand vm0, vm1;
	vm1 =	vgt.f32 v10, $0.0e+00  }
0x4f: {  	v9 =	vor.u32 s21, v4;
	vm0 =	vmand vm0, vm1  }
0x50: {  	[tilespmem:s5+$0x8C00] =	vst.msk vm0, v9;
	v9 =	vsel vm0, $0x1, v5  }
0x51: {  	[tilespmem:s5+$0xA080] =	vst.msk vm0, v10;
	(xrf0) =	vadd.scan.msk.s32 $0xffff, v9  }
0x52: {  	v9 =	vld [tilespmem:s15+$0xFFFFFFF0]  }
0x53: {  	v10 =	vld [tilespmem:s1+$0xFFFFFFF0];
	_ =	sdelay $0x3  }
0x54: {  	vm0 =	vge.f32 v9, v0;
	vm1 =	vle.f32 v9, v1;
	v9, _, _ =	vpop (xrf0)  }
0x55: {  	vm0 =	vmand vm0, vm1;
	vm1 =	vgt.f32 v10, $0.0e+00;
	(v2sf) =	vpush v9, $0xF  }
0x56: {  	vm0 =	vmand vm0, vm1  }
0x57: {  	v9 =	vsel vm0, $0x1, v5  }
0x58: {  	(xrf0) =	vadd.scan.msk.s32 $0xffff, v9;
	_ =	sdelay $0x5  }
0x59: {  	v9, _, _ =	vpop (xrf0)  }
0x5a: {  	(v2sf) =	vpush v9, $0xF;
	_ =	sdelay $0x4  }
0x5b: {  	s25 =	simm.s32 $0x10;
	s26 =	spop (v2sf)  }
0x5c: {  	v9 =	vor.u32 s25, v4;
	s3 =	sadd.s32 $0x0, s26  }
0x5d: {  	[tilespmem:s3+$0x8C00] =	vst.msk vm0, v9  }
0x5e: {  	[tilespmem:s3+$0xA080] =	vst.msk vm0, v10  }
0x5f: {  	v9 =	vld [tilespmem:s15+$0x0]  }
0x60: {  	v10 =	vld [tilespmem:s1+$0x0];
	_ =	sdelay $0x3  }
0x61: {  	vm0 =	vge.f32 v9, v0;
	vm1 =	vle.f32 v9, v1  }
0x62: {  	s28 =	simm.s32 $0x20;
	vm0 =	vmand vm0, vm1;
	vm1 =	vgt.f32 v10, $0.0e+00;
	s4 =	spop (v2sf)  }
0x63: {  	v9 =	vor.u32 s28, v4;
	s3 =	sadd.s32 s3, s4;
	vm0 =	vmand vm0, vm1  }
0x64: {  	[tilespmem:s3+$0x8C00] =	vst.msk vm0, v9;
	v9 =	vsel vm0, $0x1, v5  }
0x65: {  	[tilespmem:s3+$0xA080] =	vst.msk vm0, v10;
	(xrf0) =	vadd.scan.msk.s32 $0xffff, v9  }
0x66: {  	v9 =	vld [tilespmem:s15+$0x10]  }
0x67: {  	v10 =	vld [tilespmem:s1+$0x10];
	_ =	sdelay $0x3  }
0x68: {  	vm0 =	vge.f32 v9, v0;
	vm1 =	vle.f32 v9, v1;
	v9, _, _ =	vpop (xrf0)  }
0x69: {  	vm0 =	vmand vm0, vm1;
	vm1 =	vgt.f32 v10, $0.0e+00;
	(v2sf) =	vpush v9, $0xF  }
0x6a: {  	vm0 =	vmand vm0, vm1  }
0x6b: {  	v9 =	vsel vm0, $0x1, v5  }
0x6c: {  	(xrf0) =	vadd.scan.msk.s32 $0xffff, v9;
	_ =	sdelay $0x5  }
0x6d: {  	v9, _, _ =	vpop (xrf0)  }
0x6e: {  	(v2sf) =	vpush v9, $0xF;
	_ =	sdelay $0x4  }
0x6f: {  	s29 =	simm.s32 $0x30;
	s31 =	spop (v2sf)  }
0x70: {  	v9 =	vor.u32 s29, v4;
	s5 =	sadd.s32 s3, s31  }
0x71: {  	[tilespmem:s5+$0x8C00] =	vst.msk vm0, v9  }
0x72: {  	s1 =	simm.s32 $0x1460;
	[tilespmem:s5+$0xA080] =	vst.msk vm0, v10  }
0x73: {  	s3 =	simm.s32 $0x60;
	v10 =	vld [tilespmem:s1+$0xFFFFFFE0]  }
0x74: {  	v9 =	vld [tilespmem:s3+$0xFFFFFFE0];
	_ =	sdelay $0x3  }
0x75: {  	s0 =	simm.s32 $0x70;
	vm0 =	vge.f32 v10, v0;
	vm1 =	vle.f32 v10, v1  }
0x76: {  	s2 =	simm.s32 $0xB0;
	s4 =	simm.s32 $0x40;
	vm0 =	vmand vm0, vm1;
	vm1 =	vgt.f32 v9, $0.0e+00;
	s6 =	spop (v2sf)  }
.LBB2_2:
0x77: {  	p0 =	sne.s32 s2, $0x13F0  }
0x78: {  	vm0 =	vmand vm0, vm1;
	v10 =	vor.u32 s4, v4;
	s5 =	sadd.s32 s5, s6;
	s4 =	smov.u32 s2;
	s2 =	sadd.s32 $0x40, s2  }
0x79: {  	[tilespmem:s5+$0x8C00] =	vst.msk vm0, v10;
	v10 =	vsel vm0, $0x1, v5  }
0x7a: {  	[tilespmem:s5+$0xA080] =	vst.msk vm0, v9;
	(xrf0) =	vadd.scan.msk.s32 $0xffff, v10  }
0x7b: {  	v9 =	vld [tilespmem:s1+$0xFFFFFFF0]  }
0x7c: {  	v10 =	vld [tilespmem:s3+$0xFFFFFFF0];
	_ =	sdelay $0x3  }
0x7d: {  	vm0 =	vge.f32 v9, v0;
	vm1 =	vle.f32 v9, v1;
	v9, _, _ =	vpop (xrf0)  }
0x7e: {  	vm0 =	vmand vm0, vm1;
	vm1 =	vgt.f32 v10, $0.0e+00;
	(v2sf) =	vpush v9, $0xF  }
0x7f: {  	vm0 =	vmand vm0, vm1  }
0x80: {  	v9 =	vsel vm0, $0x1, v5  }
0x81: {  	(xrf0) =	vadd.scan.msk.s32 $0xffff, v9;
	_ =	sdelay $0x5  }
0x82: {  	v9, _, _ =	vpop (xrf0)  }
0x83: {  	(v2sf) =	vpush v9, $0xF;
	_ =	sdelay $0x4  }
0x84: {  	s6 =	sadd.s32 $0xFFFFFFE0, s0;
	s7 =	spop (v2sf)  }
0x85: {  	v9 =	vor.u32 s6, v4;
	s5 =	sadd.s32 s5, s7  }
0x86: {  	[tilespmem:s5+$0x8C00] =	vst.msk vm0, v9  }
0x87: {  	[tilespmem:s5+$0xA080] =	vst.msk vm0, v10  }
0x88: {  	v9 =	vld [tilespmem:s1+$0x0]  }
0x89: {  	v10 =	vld [tilespmem:s3+$0x0];
	_ =	sdelay $0x3  }
0x8a: {  	vm0 =	vge.f32 v9, v0;
	vm1 =	vle.f32 v9, v1  }
0x8b: {  	s6 =	sadd.s32 $0xFFFFFFF0, s0;
	vm0 =	vmand vm0, vm1;
	vm1 =	vgt.f32 v10, $0.0e+00;
	s7 =	spop (v2sf)  }
0x8c: {  	v9 =	vor.u32 s6, v4;
	s5 =	sadd.s32 s5, s7;
	vm0 =	vmand vm0, vm1  }
0x8d: {  	[tilespmem:s5+$0x8C00] =	vst.msk vm0, v9;
	v9 =	vsel vm0, $0x1, v5  }
0x8e: {  	[tilespmem:s5+$0xA080] =	vst.msk vm0, v10;
	(xrf0) =	vadd.scan.msk.s32 $0xffff, v9  }
0x8f: {  	v9 =	vld [tilespmem:s1+$0x10]  }
0x90: {  	v10 =	vld [tilespmem:s3+$0x10];
	_ =	sdelay $0x3  }
0x91: {  	vm0 =	vge.f32 v9, v0;
	vm1 =	vle.f32 v9, v1;
	v9, _, _ =	vpop (xrf0)  }
0x92: {  	vm0 =	vmand vm0, vm1;
	vm1 =	vgt.f32 v10, $0.0e+00;
	(v2sf) =	vpush v9, $0xF  }
0x93: {  	vm0 =	vmand vm0, vm1  }
0x94: {  	v9 =	vsel vm0, $0x1, v5  }
0x95: {  	(xrf0) =	vadd.scan.msk.s32 $0xffff, v9;
	_ =	sdelay $0x5  }
0x96: {  	v9, _, _ =	vpop (xrf0)  }
0x97: {  	(v2sf) =	vpush v9, $0xF;
	_ =	sdelay $0x4  }
0x98: {  	s6 =	spop (v2sf)  }
0x99: {  	v9 =	vor.u32 s0, v4;
	s0 =	smov.u32 s4;
	s5 =	sadd.s32 s5, s6  }
0x9a: {  	[tilespmem:s5+$0x8C00] =	vst.msk vm0, v9  }
0x9b: {  	s1 =	sadd.s32 $0x40, s1;
	[tilespmem:s5+$0xA080] =	vst.msk vm0, v10  }
0x9c: {  	s3 =	sadd.s32 $0x40, s3;
	v10 =	vld [tilespmem:s1+$0xFFFFFFE0]  }
0x9d: {  	v9 =	vld [tilespmem:s3+$0xFFFFFFE0]  }
.Ltmp2:
0x9e: {  	(pc) =	sbr.rel @p0 .LBB2_2-.Ltmp2, $3  }
0x9f: {  	_ =	sdelay $0x1  }
0xa0: {  	vm0 =	vge.f32 v10, v0;
	vm1 =	vle.f32 v10, v1  }
0xa1: {  	s4 =	sadd.s32 $0xFFFFFFD0, s0;
	vm0 =	vmand vm0, vm1;
	vm1 =	vgt.f32 v9, $0.0e+00;
	s6 =	spop (v2sf)  }
0xa2: {  	vm0 =	vmand vm0, vm1;
	v10 =	vor.u32 s4, v4;
	s2 =	sadd.s32 s5, s6  }
0xa3: {  	[tilespmem:s2+$0x8C00] =	vst.msk vm0, v10;
	v10 =	vsel vm0, $0x1, v5  }
0xa4: {  	[tilespmem:s2+$0xA080] =	vst.msk vm0, v9;
	(xrf0) =	vadd.scan.msk.s32 $0xffff, v10  }
0xa5: {  	v9 =	vld [tilespmem:s1+$0xFFFFFFF0]  }
0xa6: {  	v10 =	vld [tilespmem:s3+$0xFFFFFFF0];
	_ =	sdelay $0x3  }
0xa7: {  	vm7 =	vge.f32 v9, v0;
	vm8 =	vle.f32 v9, v1;
	v9, _, _ =	vpop (xrf0)  }
0xa8: {  	vm9 =	vgt.f32 v10, $0.0e+00;
	vm0 =	vmand vm7, vm8;
	(v2sf) =	vpush v9, $0xF  }
0xa9: {  	vm0 =	vmand vm0, vm9  }
0xaa: {  	v9 =	vsel vm0, $0x1, v5  }
0xab: {  	(xrf0) =	vadd.scan.msk.s32 $0xffff, v9;
	_ =	sdelay $0x5  }
0xac: {  	v9, _, _ =	vpop (xrf0)  }
0xad: {  	(v2sf) =	vpush v9, $0xF;
	_ =	sdelay $0x4  }
0xae: {  	s10 =	sadd.s32 $0xFFFFFFE0, s0;
	s11 =	spop (v2sf)  }
0xaf: {  	v9 =	vor.u32 s10, v4;
	s2 =	sadd.s32 s2, s11  }
0xb0: {  	[tilespmem:s2+$0x8C00] =	vst.msk vm0, v9  }
0xb1: {  	[tilespmem:s2+$0xA080] =	vst.msk vm0, v10  }
0xb2: {  	v9 =	vld [tilespmem:s1+$0x0]  }
0xb3: {  	v10 =	vld [tilespmem:s3+$0x0];
	_ =	sdelay $0x3  }
0xb4: {  	vm10 =	vge.f32 v9, v0;
	vm11 =	vle.f32 v9, v1  }
0xb5: {  	s12 =	sadd.s32 $0xFFFFFFF0, s0;
	vm12 =	vgt.f32 v10, $0.0e+00;
	vm0 =	vmand vm10, vm11;
	s13 =	spop (v2sf)  }
0xb6: {  	v9 =	vor.u32 s12, v4;
	s2 =	sadd.s32 s2, s13;
	vm0 =	vmand vm0, vm12  }
0xb7: {  	[tilespmem:s2+$0x8C00] =	vst.msk vm0, v9  }
0xb8: {  	[tilespmem:s2+$0xA080] =	vst.msk vm0, v10  }
0xb9: {  	v9 =	vld [tilespmem:s1+$0x10]  }
0xba: {  	v10 =	vld [tilespmem:s3+$0x10];
	_ =	sdelay $0x3  }
0xbb: {  	vm13 =	vge.f32 v9, v0;
	vm2 =	vle.f32 v9, v1  }
0xbc: {  	vm14 =	vgt.f32 v10, $0.0e+00;
	vm1 =	vmand vm13, vm2  }
0xbd: {  	v9 =	vsel vm0, $0x1, v5;
	vm15 =	vmand vm1, vm14  }
0xbe: {  	(xrf0) =	vadd.scan.msk.s32 $0xffff, v9;
	v9 =	vsel vm15, $0x1, v5  }
0xbf: {  	(xrf0) =	vadd.scan.msk.s32 $0xffff, v9;
	_ =	sdelay $0x4  }
0xc0: {  	v9, _, _ =	vpop (xrf0)  }
0xc1: {  	(v2sf) =	vpush v9, $0xF;
	v9, _, _ =	vpop (xrf0)  }
0xc2: {  	(v2sf) =	vpush v9, $0xF;
	_ =	sdelay $0xd  }
0xc3: {  	s14 =	spop (v2sf)  }
0xc4: {  	s1 =	sadd.s32 s2, s14;
	s15 =	spop (v2sf)  }
0xc5: {  	s2 =	sadd.s32 s1, s15  }
0xc6: {  	s21 =	sadd.s32 $0xF, s2  }
0xc7: {  	s25 =	sand.u32 $0xF, s21  }
0xc8: {  	s26 =	sshra.s32 s21, $0x1F;
	p0 =	slt.s32 s21, $0x1;
	p1 =	sne.s32 s25, $0x0  }
0xc9: {  	s28 =	sshrl.u32 s26, $0x1C;
	p0 =	por !p0, !p1  }
0xca: {  	s4 =	simm.s32 $0x1;
	s3 =	sadd.s32 s28, s21;
	p0 =	por !p0, !p0  }
0xcb: {  	s31 =	sshra.s32 s3, $0x4;
	s4 =	simm.s32 @!p0 $0x0  }
0xcc: {  	s9 =	ssub.s32 s31, s4  }
0xcd: {  	v9 =	vor.u32 s0, v4;
	p5 =	slt.s32 s9, $0x1  }
.Ltmp3:
0xce: {  	[tilespmem:s1+$0x8C00] =	vst.msk vm15, v9;
	(pc) =	sbr.rel @p5 .LBB2_11-.Ltmp3, $4  }
0xcf: {  	[tilespmem:s1+$0xA080] =	vst.msk vm15, v10  }
0xd0: {  	s29 =	simm.s32 $0x0;
	[tilespmem:s2+$0x8C00] =	vst v5  }
0xd1: {  	s0 =	simm.s32 $0x0;
	s1 =	simm.s32 $0x8C00;
	[tilespmem:s2+$0xA080] =	vst v6;
	s2 =	simm.s32 $0xB500  }
0xd2: {  	s3 =	simm.s32 $0xB500;
	s4 =	simm.s32 $0x8C00;
	s5 =	smov.u32 s9  }
.LBB2_4:
0xd3: {  	v9 =	vld [tilespmem:s4+$0x0];
	_ =	sdelay $0x7  }
0xd4: {  	p0 =	sne.s32 s5, $0x1;
	v9 =	vld.idx.msk [tilespmem:v9+s8+$0x0], $0xffff  }
.Ltmp4:
0xd5: {  	_ = 	snop;
	(pc) =	sbr.rel @p0 .LBB2_4-.Ltmp4, $2  }
0xd6: {  	_ =	sdelay $0x2  }
0xd7: {  	s4 =	sadd.s32 $0x10, s4;
	s5 =	sadd.s32 $0xFFFFFFFF, s5;
	[tilespmem:s2+$0x0] =	vst v9;
	s2 =	sadd.s32 $0x10, s2  }
0xd8: {  	p1 =	sne.s32 s9, $0x1  }
.Ltmp5:
0xd9: {  	_ = 	snop;
	(pc) =	sbr.rel @!p1 .LBB2_6-.Ltmp5, $3  }
0xda: {  	_ =	sdelay $0x1  }
0xdb: {  	s0 =	simm.s32 $0x0  }
0xdc: {  	s2 =	simm.s32 $0xA080;
	v9 =	vld [tilespmem:s3+$0x0];
	s3 =	sadd.s32 $0xFFFFFFFF, s9;
	p0 =	por $0x0, $0x0  }
0xdd: {  	_ =	sdelay $0x3  }
0xde: {  	vm0 =	veq.f32 v9, v0  }
0xdf: {  	v9 =	vsel vm0, $0x1, v5  }
0xe0: {  	v10 =	vld [tilespmem:s1+$0x0];
	(xrf0) =	vadd.scan.msk.s32 $0xffff, v9;
	_ =	sdelay $0x4  }
0xe1: {  	[tilespmem:s0+$0xC980] =	vst.msk vm0, v10  }
0xe2: {  	v9 =	vld [tilespmem:s2+$0x0];
	v10, _, _ =	vpop (xrf0)  }
0xe3: {  	p1 =	sne.s32 s3, $0x1;
	(v2sf) =	vpush v10, $0xF  }
.Ltmp6:
0xe4: {  	_ = 	snop;
	(pc) =	sbr.rel @!p1 .LBB2_8-.Ltmp6, $3  }
0xe5: {  	_ =	sdelay $0x1  }
0xe6: {  	s5 =	simm.s32 $0xB510;
	s6 =	sadd.s32 $0xFFFFFFFF, s3;
	s1 =	simm.s32 $0x8C10;
	[tilespmem:s0+$0xDE00] =	vst.msk vm0, v9  }
0xe7: {  	p0 =	por $0x1, $0x1;
	s3 =	simm.s32 $0x0;
	s4 =	simm.s32 $0xA080;
	v9 =	vld [tilespmem:s5+$0x0]  }
.LBB2_9:
0xe8: {  	p1 =	sne.s32 s6, $0x1;
	v10 =	vld [tilespmem:s1+$0x0];
	_ =	sdelay $0x3  }
0xe9: {  	vm0 =	veq.f32 v9, v0  }
0xea: {  	v9 =	vsel vm0, $0x1, v5  }
0xeb: {  	(xrf0) =	vadd.scan.msk.s32 $0xffff, v9;
	_ =	sdelay $0x2  }
0xec: {  	s7 =	spop (v2sf)  }
0xed: {  	s3 =	sadd.s32 s3, s7  }
0xee: {  	s4 =	sadd.s32 $0x10, s4;
	[tilespmem:s3+$0xC980] =	vst.msk vm0, v10  }
0xef: {  	v9 =	vld [tilespmem:s4+$0x0];
	v10, _, _ =	vpop (xrf0)  }
0xf0: {  	(v2sf) =	vpush v10, $0xF  }
.Ltmp7:
0xf1: {  	(pc) =	sbr.rel @p1 .LBB2_9-.Ltmp7, $3  }
0xf2: {  	_ =	sdelay $0x1  }
0xf3: {  	s5 =	sadd.s32 $0x10, s5;
	[tilespmem:s3+$0xDE00] =	vst.msk vm0, v9  }
0xf4: {  	s6 =	sadd.s32 $0xFFFFFFFF, s6;
	s1 =	sadd.s32 $0x10, s1;
	v9 =	vld [tilespmem:s5+$0x0]  }
.LBB2_10:
0xf5: {  	_ =	sdelay $0x3  }
0xf6: {  	vm0 =	veq.f32 v9, v0  }
0xf7: {  	v9 =	vsel vm0, $0x1, v5  }
0xf8: {  	(xrf0) =	vadd.scan.msk.s32 $0xffff, v9;
	_ =	sdelay $0x5  }
0xf9: {  	v9, _, _ =	vpop (xrf0)  }
0xfa: {  	(v2sf) =	vpush v9, $0xF;
	_ =	sdelay $0x4  }
0xfb: {  	v9 =	vld [tilespmem:s1+$0x0];
	_ =	sdelay $0x1  }
0xfc: {  	s1 =	spop @p0 (v2sf)  }
0xfd: {  	s1 =	sadd.s32 @p0 s3, s1  }
0xfe: {  	s0 =	smov.u32 @p0 s1;
	s1 =	sadd.s32 @p0 $0x10, s4  }
0xff: {  	s2 =	smov.u32 @p0 s1;
	[tilespmem:s0+$0xC980] =	vst.msk vm0, v9  }
0x100: {  	v9 =	vld [tilespmem:s2+$0x0];
	_ =	sdelay $0x3  }
0x101: {  	s31 =	spop (v2sf)  }
0x102: {  	[tilespmem:s0+$0xDE00] =	vst.msk vm0, v9;
	s0 =	sadd.s32 s0, s31  }
.LBB2_11:
0x103: {  	s1 =	sadd.s32 $0xF, s0  }
0x104: {  	s2 =	sand.u32 $0xF, s1  }
0x105: {  	s31 =	sshra.s32 s1, $0x1F;
	p1 =	slt.s32 s1, $0x1;
	p0 =	sne.s32 s2, $0x0  }
0x106: {  	s2 =	sshrl.u32 s31, $0x1C;
	p0 =	por !p1, !p0  }
0x107: {  	s1 =	sadd.s32 s2, s1;
	s2 =	simm.s32 $0x1;
	p0 =	por !p0, !p0  }
0x108: {  	s1 =	sshra.s32 s1, $0x4;
	s2 =	simm.s32 @!p0 $0x0  }
0x109: {  	s1 =	ssub.s32 s1, s2  }
0x10a: {  	p0 =	slt.s32 s1, $0x1  }
.Ltmp8:
0x10b: {  	_ = 	snop;
	(pc) =	sbr.rel @p0 .LBB2_44-.Ltmp8, $4  }
0x10c: {  	[tilespmem:s0+$0xC980] =	vst v5  }
0x10d: {  	[tilespmem:s0+$0xDE00] =	vst v6;
	s0 =	simm.s32 @!p5 $0x0  }
0x10e: {  	[dreg:$0xd] =	wrdreg s9;
	s0 =	simm.s32 @p5 $0x1  }
0x10f: {  	[smem:$0x7FD] =	sst s0  }
0x110: {  	s0 =	simm.s32 $0xC980  }
0x111: {  	s2 =	simm.s32 $0xF280;
	s3 =	simm.s32 $0x10700;
	s4 =	simm.s32 $0x11B80  }
0x112: {  	s5 =	simm.s32 $0x13000;
	s6 =	simm.s32 $0x14480;
	s7 =	smov.u32 s1  }
.LBB2_13:
0x113: {  	v9 =	vld [tilespmem:s0+$0x0];
	_ =	sdelay $0x7  }
0x114: {  	v10 =	vld.idx.msk [tilespmem:v9+s16+$0x0], $0xffff;
	_ =	sdelay $0x4  }
0x115: {  	[tilespmem:s2+$0x0] =	vst v10  }
0x116: {  	v10 =	vld.idx.msk [tilespmem:v9+s17+$0x0], $0xffff;
	_ =	sdelay $0x4  }
0x117: {  	[tilespmem:s3+$0x0] =	vst v10  }
0x118: {  	v10 =	vld.idx.msk [tilespmem:v9+s18+$0x0], $0xffff;
	_ =	sdelay $0x4  }
0x119: {  	[tilespmem:s4+$0x0] =	vst v10  }
0x11a: {  	v10 =	vld.idx.msk [tilespmem:v9+s19+$0x0], $0xffff;
	_ =	sdelay $0x4  }
0x11b: {  	[tilespmem:s5+$0x0] =	vst v10  }
0x11c: {  	p0 =	seq.s32 s7, $0x1;
	v9 =	vld.idx.msk [tilespmem:v9+s20+$0x0], $0xffff  }
.Ltmp9:
0x11d: {  	_ = 	snop;
	(pc) =	sbr.rel @!p0 .LBB2_13-.Ltmp9, $4  }
0x11e: {  	_ = 	snop  }
0x11f: {  	s0 =	sadd.s32 $0x10, s0  }
0x120: {  	s7 =	sadd.s32 $0xFFFFFFFF, s7;
	s2 =	sadd.s32 $0x10, s2;
	s3 =	sadd.s32 $0x10, s3  }
0x121: {  	s4 =	sadd.s32 $0x10, s4;
	s5 =	sadd.s32 $0x10, s5;
	[tilespmem:s6+$0x0] =	vst v9;
	s6 =	sadd.s32 $0x10, s6  }
0x122: {  	p0 =	seq.s32 s1, $0x1  }
.Ltmp10:
0x123: {  	_ = 	snop;
	(pc) =	sbr.rel @p0 .LBB2_15-.Ltmp10, $4  }
0x124: {  	s0 =	simm.f32 $-3.000000010e+38;
	p4 =	por $0x0, $0x0  }
0x125: {  	s29 =	simm.s32 $0xDE00;
	s4 =	simm.s32 $0x0;
	s2 =	simm.s32 @!p4 $0x0  }
0x126: {  	s3 =	sadd.s32 $0xFFFFFFFF, s1;
	p2 =	por $0x0, $0x0;
	s2 =	simm.s32 @p4 $0x1  }
0x127: {  	p3 =	por $0x0, $0x0;
	p1 =	por $0x0, $0x0;
	[smem:$0x7FC] =	sst s2  }
0x128: {  	p0 =	seq.s32 s3, $0x1  }
.Ltmp11:
0x129: {  	_ = 	snop;
	(pc) =	sbr.rel @p0 .LBB2_19-.Ltmp11, $2  }
0x12a: {  	_ =	sdelay $0x2  }
0x12b: {  	s2 =	sadd.s32 $0xFFFFFFFF, s3;
	v11 =	vld [tilespmem:s29+$0x0];
	p2 =	por $0x1, $0x1  }
0x12c: {  	p0 =	seq.s32 s2, $0x1  }
.Ltmp12:
0x12d: {  	_ = 	snop;
	(pc) =	sbr.rel @p0 .LBB2_21-.Ltmp12, $3  }
0x12e: {  	_ =	sdelay $0x1  }
0x12f: {  	s5 =	simm.s32 $0xDE10  }
0x130: {  	s2 =	sadd.s32 $0xFFFFFFFF, s2;
	p3 =	por $0x1, $0x1;
	v10 =	vld [tilespmem:s5+$0x0];
	(xrf0) =	vmax.scan.msk.f32 $0xffff, v11  }
0x131: {  	_ = 	snop  }
0x132: {  	p0 =	seq.s32 s2, $0x1  }
.Ltmp13:
0x133: {  	_ = 	snop;
	(pc) =	sbr.rel @p0 .LBB2_23-.Ltmp13, $3  }
0x134: {  	_ =	sdelay $0x1  }
0x135: {  	s5 =	simm.s32 $0xDE20;
	v12, _, _ =	vpop (xrf0)  }
0x136: {  	s2 =	sadd.s32 $0xFFFFFFFF, s2;
	p1 =	por $0x1, $0x1;
	v9 =	vld [tilespmem:s5+$0x0];
	(xrf0) =	vmax.scan.msk.f32 $0xffff, v10;
	v15 =	vbroadcast v12, $0xF;
	(v2sf) =	vpush v12, $0xF  }
0x137: {  	_ = 	snop  }
0x138: {  	p0 =	seq.s32 s2, $0x1;
	vm0 =	veq.f32 v11, v15;
	v11 =	vxor.u32 s4, v7  }
.Ltmp14:
0x139: {  	v11 =	vnsel vm0, $0xC0000000, v11;
	(pc) =	sbr.rel @p0 .LBB2_25-.Ltmp14, $4  }
0x13a: {  	p4 =	por $0x1, $0x1  }
0x13b: {  	s7 =	simm.s32 @!p4 $0x0  }
0x13c: {  	s5 =	simm.s32 $0xDE30;
	s7 =	simm.s32 @p4 $0x1;
	(xrf0) =	vmin.scan.msk.u32 $0xffff, v11;
	v11, _, _ =	vpop (xrf0)  }
0x13d: {  	s2 =	sadd.s32 $0xFFFFFFFF, s2;
	s6 =	simm.s32 $0x10;
	v12 =	vld [tilespmem:s5+$0x0];
	[smem:$0x7FC] =	sst s7;
	(xrf0) =	vmax.scan.msk.f32 $0xffff, v9;
	v15 =	vbroadcast v11, $0xF;
	(v2sf) =	vpush v11, $0xF  }
0x13e: {  	_ = 	snop  }
0x13f: {  	vm0 =	veq.f32 v10, v15;
	v10 =	vxor.u32 s6, v7  }
0x140: {  	v10 =	vnsel vm0, $0xC0000000, v10;
	_ =	sdelay $0x1  }
0x141: {  	v11, _, _ =	vpop (xrf0)  }
0x142: {  	(xrf0) =	vmin.scan.msk.u32 $0xffff, v10;
	v10, _, _ =	vpop (xrf0);
	(v2sf) =	vpush v11, $0xF  }
0x143: {  	(v2sf) =	vpush v10, $0xF;
	_ =	sdelay $0x7  }
0x144: {  	p0 =	seq.s32 s2, $0x1  }
.Ltmp15:
0x145: {  	_ = 	snop;
	(pc) =	sbr.rel @p0 .LBB2_27-.Ltmp15, $3  }
0x146: {  	_ =	sdelay $0x1  }
0x147: {  	s5 =	simm.s32 $0xDE40  }
0x148: {  	s2 =	sadd.s32 $0xFFFFFFFF, s2;
	s9 =	simm.s32 $0x20;
	v14 =	vld [tilespmem:s5+$0x0];
	(xrf0) =	vmax.scan.msk.f32 $0xffff, v12;
	v13 =	vbroadcast v10, $0xF  }
0x149: {  	_ =	sdelay $0x3  }
0x14a: {  	v11, _, _ =	vpop (xrf0)  }
0x14b: {  	(v2sf) =	vpush v11, $0xF;
	v15, _, _ =	vpop (xrf0)  }
0x14c: {  	(v2sf) =	vpush v15, $0xF  }
0x14d: {  	p0 =	por $0x1, $0x1  }
0x14e: {  	s7 =	spop (v2sf);
	s11 =	simm.f32 $-3.000000010e+38;
	s5 =	simm.s32 @!p0 $0x0  }
0x14f: {  	v10 =	vxor.u32 s9, v7;
	p5 =	por $0x1, $0x1;
	vm0 =	veq.f32 v9, v13;
	p4 =	sgt.f32 s7, s0;
	s5 =	simm.s32 @p0 $0x1  }
0x150: {  	p0 =	seq.s32 s2, $0x1;
	v10 =	vnsel vm0, $0xC0000000, v10;
	[smem:$0x7FB] =	sst s5;
	s5 =	simm.s32 $0xDE50  }
.Ltmp16:
0x151: {  	(xrf0) =	vmin.scan.msk.u32 $0xffff, v10;
	s11 =	smov.u32 @p4 s7;
	s7 =	simm.s32 @!p5 $0x0;
	v10 =	vld [tilespmem:s5+$0x0];
	(pc) =	sbr.rel @p0 .LBB2_29-.Ltmp16, $4  }
0x152: {  	s7 =	simm.s32 @p5 $0x1  }
0x153: {  	[smem:$0x7FA] =	sst s7;
	s7 =	simm.s32 @!p4 $0x0  }
0x154: {  	s7 =	simm.s32 @p4 $0x1  }
0x155: {  	s31 =	simm.s32 $0x30;
	s2 =	sadd.s32 $0xFFFFFFFF, s2;
	(xrf0) =	vmax.scan.msk.f32 $0xffff, v14;
	v16 =	vbroadcast v15, $0xF;
	[smem:$0x7F8] =	sst s7  }
0x156: {  	_ = 	snop  }
0x157: {  	v11 =	vxor.u32 s31, v7;
	vm0 =	veq.f32 v12, v16  }
0x158: {  	v11 =	vnsel vm0, $0xC0000000, v11;
	_ =	sdelay $0x1  }
0x159: {  	v15, _, _ =	vpop (xrf0)  }
0x15a: {  	(v2sf) =	vpush v15, $0xF;
	(xrf0) =	vmin.scan.msk.u32 $0xffff, v11;
	v11, _, _ =	vpop (xrf0)  }
0x15b: {  	(v2sf) =	vpush v11, $0xF;
	_ =	sdelay $0x3  }
0x15c: {  	p5 =	seq.s32 s2, $0x1  }
.Ltmp17:
0x15d: {  	s8 =	spop (v2sf);
	(pc) =	sbr.rel @p5 .LBB2_31-.Ltmp17, $4  }
0x15e: {  	p6 =	por p4, p4;
	p4 =	por $0x1, $0x1;
	p0 =	sgt.f32 s8, s11  }
0x15f: {  	s7 =	smov.u32 s11;
	s5 =	simm.s32 $0xDE60;
	s10 =	simm.s32 @!p4 $0x0;
	(xrf0) =	vmax.scan.msk.f32 $0xffff, v10  }
0x160: {  	s2 =	sadd.s32 $0xFFFFFFFF, s2;
	v18 =	vld [tilespmem:s5+$0x0];
	s10 =	simm.s32 @p4 $0x1;
	s7 =	smov.u32 @p0 s8;
	v15 =	vbroadcast v11, $0xF  }
0x161: {  	s8 =	simm.s32 $0x40;
	[smem:$0x7F9] =	sst s10;
	s10 =	simm.s32 $0x0;
	v11 =	vmov v14  }
.LBB2_32:
0x162: {  	p5 =	seq.s32 s2, $0x1;
	s2 =	sadd.s32 $0xFFFFFFFF, s2;
	vm0 =	veq.f32 v11, v15;
	v15 =	vxor.u32 s8, v7;
	s12 =	spop (v2sf);
	v11 =	vmov v10  }
.Ltmp18:
0x163: {  	v15 =	vnsel vm0, $0xC0000000, v15;
	s13 =	spop (v2sf);
	s12 =	sxor.u32 $0x80000000, s12;
	(pc) =	sbr.rel @!p5 .LBB2_32-.Ltmp18, $4  }
0x164: {  	(xrf0) =	vmin.scan.msk.u32 $0xffff, v15;
	v10, _, _ =	vpop (xrf0);
	s10 =	smov.u32 @p6 s12;
	p6 =	por p0, p0;
	p0 =	sgt.f32 s13, s7  }
0x165: {  	s5 =	sadd.s32 $0x10, s5;
	(xrf0) =	vmax.scan.msk.f32 $0xffff, v18;
	v17, _, _ =	vpop (xrf0);
	(v2sf) =	vpush v10, $0xF;
	v10 =	vmov v18  }
0x166: {  	v18 =	vld [tilespmem:s5+$0x0];
	v15 =	vbroadcast v17, $0xF;
	(v2sf) =	vpush v17, $0xF;
	s7 =	smov.u32 @p0 s13  }
0x167: {  	s8 =	sadd.s32 $0x10, s8  }
0x168: {  	_ =	sdelay $0x2  }
0x169: {  	v17 =	vmov v10;
	v10 =	vmov v18  }
.LBB2_34:
0x16a: {  	s2 =	sld [smem:$0x7FC];
	_ =	sdelay $0x2  }
0x16b: {  	p4 =	seq.s32 s2, $0x1  }
0x16c: {  	s14 =	sld [smem:$0x7F9];
	s2 =	simm.s32 @!p4 $0x0  }
0x16d: {  	s15 =	sld [smem:$0x7FB];
	s2 =	simm.s32 @p4 $0x1  }
0x16e: {  	[smem:$0x7FC] =	sst s2;
	s2 =	sadd.s32 @p2 $0x10, s5  }
0x16f: {  	s29 =	smov.u32 @p2 s2;
	s2 =	simm.s32 @!p2 $0x0  }
0x170: {  	p5 =	seq.s32 s15, $0x1;
	v18, _, _ =	vpop @p4 (xrf0);
	p4 =	seq.s32 s14, $0x1;
	s2 =	simm.s32 @p2 $0x1  }
0x171: {  	vm0 =	veq.f32 @p1 v11, v15;
	v11 =	vxor.u32 @p1 s8, v7;
	s5 =	simm.s32 @!p5 $0x0;
	[smem:$0x7F2] =	sst s2;
	s2 =	sadd.s32 @p1 $0x10, s8  }
0x172: {  	v11 =	vnsel @p1 vm0, $0xC0000000, v11;
	s5 =	simm.s32 @p5 $0x1;
	s31 =	smov.u32 @p1 s2;
	s2 =	spop @p4 (v2sf)  }
0x173: {  	v19, _, _ =	vpop @p3 (xrf0);
	(xrf0) =	vmin.scan.msk.u32 @p1 $0xffff, v11;
	[smem:$0x7FB] =	sst s5;
	s5 =	spop @p5 (v2sf)  }
0x174: {  	(xrf0) =	vmax.scan.msk.f32 @p2 $0xffff, v10;
	p2 =	sgt.f32 @p5 s5, s7;
	_ =	sdelay $0x1  }
0x175: {  	s21 =	sld [smem:$0x7FC];
	s8 =	simm.s32 @!p2 $0x0  }
0x176: {  	s8 =	simm.s32 @p2 $0x1  }
0x177: {  	[smem:$0x7F5] =	sst s8  }
0x178: {  	p2 =	seq.s32 s21, $0x1;
	s26 =	sld [smem:$0x7F5]  }
0x179: {  	(v2sf) =	vpush @p2 v18, $0xF;
	p2 =	por !p6, !p4  }
0x17a: {  	s8 =	simm.s32 @!p2 $0x0  }
0x17b: {  	s8 =	simm.s32 @p2 $0x1;
	p2 =	seq.s32 s26, $0x1  }
0x17c: {  	p5 =	por !p2, !p5  }
0x17d: {  	[smem:$0x7F3] =	sst s8;
	s8 =	simm.s32 @!p5 $0x0  }
0x17e: {  	s28 =	sld [smem:$0x7F3];
	s8 =	simm.s32 @p5 $0x1  }
0x17f: {  	[smem:$0x7F4] =	sst s8  }
0x180: {  	v20 =	vld [tilespmem:s29+$0x0];
	s29 =	sld [smem:$0x7F4]  }
0x181: {  	s2 =	sxor.u32 @p4 $0x80000000, s2;
	p5 =	seq.s32 s28, $0x1;
	s8 =	sld [smem:$0x7F8]  }
0x182: {  	s2 =	smov.u32 @p5 s10;
	s10 =	sld [smem:$0x7FB]  }
0x183: {  	p5 =	seq.s32 s29, $0x1  }
0x184: {  	s12 =	sld [smem:$0x7FA];
	s5 =	smov.u32 @p5 s7;
	s7 =	simm.s32 $0x0  }
0x185: {  	p5 =	seq.s32 s10, $0x1;
	s7 =	smov.u32 @p4 s2;
	p4 =	seq.s32 s8, $0x1  }
0x186: {  	p2 =	por @!p5 p4, p4  }
0x187: {  	s2 =	simm.s32 @!p2 $0x0  }
0x188: {  	s13 =	sld [smem:$0x7FC];
	s2 =	simm.s32 @p2 $0x1;
	p2 =	seq.s32 s12, $0x1  }
0x189: {  	[smem:$0x7F5] =	sst s2;
	s2 =	simm.s32 @!p2 $0x0;
	p4 =	por @p2 p0, p0  }
0x18a: {  	s2 =	simm.s32 @p2 $0x1;
	p4 =	por @!p2 p0, p0  }
0x18b: {  	[smem:$0x7FA] =	sst s2;
	s2 =	spop @p2 (v2sf);
	p2 =	seq.s32 s13, $0x1  }
0x18c: {  	s11 =	smov.u32 @p5 s5;
	s5 =	spop @p2 (v2sf)  }
0x18d: {  	p0 =	sgt.f32 @p2 s5, s11  }
0x18e: {  	v15 =	vbroadcast @p3 v19, $0xF;
	s8 =	sadd.s32 @p3 $0x10, s31  }
0x18f: {  	s25 =	sld [smem:$0x7F2];
	s9 =	smov.u32 @p3 s8;
	s8 =	simm.s32 @!p0 $0x0  }
0x190: {  	v11 =	vpsel p3, v17, v12;
	v12 =	vpsel p3, v15, v16;
	s14 =	sld [smem:$0x7FA];
	s8 =	simm.s32 @p0 $0x1  }
0x191: {  	vm0 =	veq.f32 @p3 v11, v12;
	v11 =	vxor.u32 @p3 s31, v7;
	[smem:$0x7F6] =	sst s8  }
0x192: {  	v11 =	vnsel @p3 vm0, $0xC0000000, v11;
	s15 =	sld [smem:$0x7F6]  }
0x193: {  	(xrf0) =	vmin.scan.msk.u32 @p3 $0xffff, v11;
	p6 =	por p1, p1;
	p0 =	seq.s32 s14, $0x1  }
0x194: {  	(xrf0) =	vmax.scan.msk.f32 $0xffff, v20;
	p1 =	seq.s32 s25, $0x1;
	s2 =	sxor.u32 @p0 $0x80000000, s2;
	p4 =	por !p4, !p0  }
0x195: {  	s8 =	sadd.s32 @p1 $0x10, s9;
	s2 =	smov.u32 @p4 s7;
	p4 =	seq.s32 s15, $0x1  }
0x196: {  	(v2sf) =	vpush @p3 v19, $0xF;
	v11, _, _ =	vpop @p6 (xrf0);
	s6 =	smov.u32 @p1 s8;
	p4 =	por !p4, !p2  }
0x197: {  	v12, _, _ =	vpop @p1 (xrf0);
	s7 =	simm.f32 $-3.000000010e+38;
	s8 =	spop @p5 (v2sf);
	s5 =	smov.u32 @p4 s11  }
0x198: {  	v10 =	vpsel p1, v10, v14;
	v14 =	vbroadcast @p1 v12, $0xF;
	s7 =	smov.u32 @p2 s5;
	s5 =	spop @p6 (v2sf)  }
0x199: {  	(v2sf) =	vpush @p6 v11, $0xF;
	v11, _, _ =	vpop @p3 (xrf0);
	p0 =	sgt.f32 @p6 s5, s7  }
0x19a: {  	v9 =	vpsel p1, v10, v9;
	v10 =	vpsel p1, v14, v13;
	v63, _, _ =	vpop (xrf0)  }
0x19b: {  	vm0 =	veq.f32 @p1 v9, v10;
	v9 =	vxor.u32 @p1 s9, v7;
	s21 =	sld [smem:$0x7F5];
	v10 =	vbroadcast v63, $0xF;
	s9 =	simm.s32 @!p0 $0x0  }
0x19c: {  	v9 =	vnsel @p1 vm0, $0xC0000000, v9;
	(v2sf) =	vpush @p1 v12, $0xF;
	s25 =	sld [smem:$0x7FA];
	s9 =	simm.s32 @p0 $0x1  }
0x19d: {  	(xrf0) =	vmin.scan.msk.u32 @p1 $0xffff, v9;
	vm15 =	veq.f32 v20, v10;
	v9 =	vxor.u32 s6, v7;
	[smem:$0x7F7] =	sst s9  }
0x19e: {  	v9 =	vnsel vm15, $0xC0000000, v9;
	s26 =	sld [smem:$0x7F7]  }
0x19f: {  	s6 =	simm.s32 $0x0;
	(xrf0) =	vmin.scan.msk.u32 $0xffff, v9;
	p4 =	seq.s32 s21, $0x1;
	p0 =	seq.s32 s25, $0x1  }
0x1a0: {  	s28 =	sld [smem:$0x7F6];
	p4 =	por @p5 p4, p4;
	s6 =	smov.u32 @p0 s2  }
0x1a1: {  	(v2sf) =	vpush @p3 v11, $0xF;
	p4 =	por @!p5 p0, p0;
	s2 =	sxor.u32 @p5 $0x80000000, s8;
	p0 =	seq.s32 s26, $0x1  }
0x1a2: {  	s8 =	simm.s32 $0x0;
	p4 =	por !p4, !p5;
	p0 =	por !p0, !p6  }
0x1a3: {  	v9, _, _ =	vpop @p1 (xrf0);
	(v2sf) =	vpush v63, $0xF;
	s2 =	smov.u32 @p4 s6;
	s5 =	smov.u32 @p0 s7;
	p0 =	seq.s32 s28, $0x1  }
0x1a4: {  	s6 =	simm.f32 $-3.000000010e+38;
	s7 =	spop @p2 (v2sf);
	(v2sf) =	vpush @p1 v9, $0xF;
	p0 =	por @!p2 p0, p0  }
0x1a5: {  	v9, _, _ =	vpop (xrf0);
	s6 =	smov.u32 @p6 s5;
	s5 =	spop @p3 (v2sf);
	p4 =	por @p2 p0, p0  }
0x1a6: {  	s29 =	sld [smem:$0x7F7];
	(v2sf) =	vpush v9, $0xF;
	p4 =	por @!p2 p0, p0;
	p0 =	sgt.f32 @p3 s5, s6  }
0x1a7: {  	s8 =	smov.u32 @p5 s2;
	s2 =	sxor.u32 @p2 $0x80000000, s7;
	p4 =	por !p4, !p2  }
0x1a8: {  	s7 =	simm.s32 $0x0;
	s2 =	smov.u32 @p4 s8;
	p4 =	por !p0, !p3  }
0x1a9: {  	s5 =	smov.u32 @p4 s6;
	p4 =	seq.s32 s29, $0x1;
	s6 =	simm.f32 $-3.000000010e+38  }
0x1aa: {  	p4 =	por @!p6 p0, p0;
	s6 =	smov.u32 @p3 s5;
	s5 =	spop @p6 (v2sf)  }
0x1ab: {  	s7 =	smov.u32 @p2 s2;
	p5 =	por @p6 p4, p4;
	s8 =	spop @p1 (v2sf)  }
0x1ac: {  	s2 =	sxor.u32 @p6 $0x80000000, s5;
	p5 =	por @!p6 p0, p0;
	p4 =	sgt.f32 @p1 s8, s6  }
0x1ad: {  	s5 =	simm.s32 $0x0;
	p0 =	por @!p3 p0, p0;
	p5 =	por !p5, !p6  }
0x1ae: {  	p0 =	por @p3 p0, p0;
	s2 =	smov.u32 @p5 s7;
	p5 =	por !p4, !p1  }
0x1af: {  	p0 =	por @!p3 p0, p0;
	s8 =	smov.u32 @p5 s6;
	s5 =	smov.u32 @p6 s2  }
0x1b0: {  	s2 =	spop @p3 (v2sf);
	p4 =	por @!p1 p0, p0;
	p0 =	por !p0, !p3  }
0x1b1: {  	s6 =	simm.s32 $0x0;
	s2 =	sxor.u32 @p3 $0x80000000, s2;
	s0 =	smov.u32 @p1 s8  }
0x1b2: {  	s2 =	smov.u32 @p0 s5;
	p0 =	por @p1 p4, p4;
	s5 =	spop (v2sf)  }
0x1b3: {  	p0 =	por @!p1 p0, p0;
	s6 =	smov.u32 @p3 s2;
	s2 =	spop @p1 (v2sf)  }
0x1b4: {  	p2 =	sgt.f32 s5, s0;
	s2 =	sxor.u32 @p1 $0x80000000, s2;
	p0 =	por !p0, !p1  }
0x1b5: {  	s31 =	spop (v2sf);
	s2 =	smov.u32 @p0 s6  }
0x1b6: {  	p0 =	por p2, p2;
	s4 =	smov.u32 @p1 s2;
	s2 =	sxor.u32 $0x80000000, s31  }
0x1b7: {  	s0 =	smov.u32 @p2 s5;
	s4 =	smov.u32 @p0 s2  }
0x1b8: {  	p0 =	sgt.f32 s0, $0.0e+00  }
.Ltmp19:
0x1b9: {  	_ = 	snop;
	(pc) =	sbr.rel @!p0 .LBB2_17-.Ltmp19, $2  }
0x1ba: {  	s2 =	sld [smem:$0x7FD];
	_ =	sdelay $0x2  }
0x1bb: {  	s29 =	simm.s32 $0x0;
	s5 =	simm.s32 $0x0;
	p5 =	seq.s32 s2, $0x1  }
.LBB2_35:
0x1bc: {  	v9 =	vld.msk [tilespmem:s4+$0xC980 ss:$0x0], $0xffff;
	v15 =	vmov s5  }
0x1bd: {  	v13 =	vld.msk [tilespmem:s4+$0x11B80 ss:$0x0], $0xffff;
	p2 =	sne.s32 s1, $0x1  }
.Ltmp20:
0x1be: {  	v11 =	vld.msk [tilespmem:s4+$0xF280 ss:$0x0], $0xffff;
	(pc) =	sbr.rel @!p2 .LBB2_36-.Ltmp20, $4  }
0x1bf: {  	v12 =	vld.msk [tilespmem:s4+$0x13000 ss:$0x0], $0xffff  }
0x1c0: {  	v16 =	vmov s0;
	v14 =	vld.msk [tilespmem:s4+$0x10700 ss:$0x0], $0xffff;
	s0 =	simm.f32 $-3.000000010e+38;
	s10 =	simm.s32 $0x11B80;
	s9 =	simm.s32 $0xF280  }
0x1c1: {  	v10 =	vld.msk [tilespmem:s4+$0x14480 ss:$0x0], $0xffff;
	s8 =	simm.s32 $0x13000;
	s7 =	simm.s32 $0x10700;
	s6 =	simm.s32 $0x14480;
	[tilespmem:v15+s22+$0x0] =	vst.idx.msk $0x1, v9  }
0x1c2: {  	s31 =	simm.s32 $0xDE00;
	p0 =	por $0x0, $0x0;
	p1 =	por $0x0, $0x0;
	v9 =	vmov s4;
	[tilespmem:v15+s23+$0x0] =	vst.idx.msk $0x1, v16  }
0x1c3: {  	p2 =	sne.s32 s3, $0x1  }
.Ltmp21:
0x1c4: {  	_ = 	snop;
	(pc) =	sbr.rel @!p2 .LBB2_38-.Ltmp21, $4  }
0x1c5: {  	_ = 	snop  }
0x1c6: {  	v17 =	vld [tilespmem:s10+$0x0]  }
0x1c7: {  	v18 =	vld [tilespmem:s9+$0x0]  }
0x1c8: {  	s4 =	sadd.s32 $0xFFFFFFFF, s3;
	v19 =	vld [tilespmem:s8+$0x0];
	p0 =	por $0x1, $0x1  }
0x1c9: {  	v15 =	vld [tilespmem:s7+$0x0];
	_ =	sdelay $0x3  }
0x1ca: {  	v16 =	vmin.f32 v17, v13;
	v17 =	vld [tilespmem:s6+$0x0]  }
0x1cb: {  	v18 =	vmax.f32 v18, v11;
	v19 =	vmin.f32 v19, v12;
	v15 =	vmax.f32 v15, v14  }
0x1cc: {  	v16 =	vsub.f32 v16, v18;
	v15 =	vsub.f32 v19, v15;
	_ =	sdelay $0x1  }
0x1cd: {  	v16 =	vmax.f32 v16, $0.0e+00;
	v15 =	vmax.f32 v15, $0.0e+00  }
0x1ce: {  	v15 =	vmul.f32 v15, v16;
	v16 =	vadd.f32 v17, v10;
	_ =	sdelay $0x1  }
0x1cf: {  	v16 =	vsub.f32 v16, v15;
	_ =	sdelay $0x1  }
0x1d0: {  	v16 =	vadd.f32 $9.999999710e-10, v16;
	_ =	sdelay $0x1  }
0x1d1: {  	(erf) = vrcp.f32 v16;
	_ =	sdelay $0x8  }
0x1d2: {  	v16 =	vld [tilespmem:s31+$0x0];
	v17 =	vpop (erf)  }
0x1d3: {  	v15 =	vmul.f32 v17, v15  }
0x1d4: {  	v19 =	vor.u32 s29, v4  }
0x1d5: {  	vm1 =	veq.s32 v19, v9;
	vm0 =	vgt.f32 v15, $6.000000240e-01  }
0x1d6: {  	p2 =	sne.s32 s4, $0x1;
	vm0 =	vmor vm1, vm0  }
.Ltmp22:
0x1d7: {  	v15 =	vsel vm0, $0xFF61B1E6, v16;
	(pc) =	sbr.rel @!p2 .LBB2_40-.Ltmp22, $4  }
0x1d8: {  	s2 =	simm.s32 $0x11B90;
	s26 =	simm.s32 $0xF290;
	[tilespmem:s31+$0x0] =	vst v15;
	(xrf0) =	vmax.scan.msk.f32 $0xffff, v15  }
0x1d9: {  	s13 =	simm.s32 $0x13010;
	s21 =	sadd.s32 $0xFFFFFFFF, s4;
	s12 =	simm.s32 $0x10710;
	v17 =	vld [tilespmem:s2+$0x0]  }
0x1da: {  	p1 =	por $0x1, $0x1;
	s15 =	simm.s32 $0x14480;
	s4 =	simm.f32 $-3.000000010e+38;
	v18 =	vld [tilespmem:s26+$0x0]  }
0x1db: {  	s28 =	simm.s32 $0xDE00;
	s14 =	simm.s32 $0x0;
	s11 =	simm.s32 $0x0;
	v16 =	vxor.u32 $0x80000000, v19;
	v19 =	vld [tilespmem:s13+$0x0]  }
.LBB2_41:
0x1dc: {  	p2 =	sne.s32 s21, $0x1;
	v20 =	vld [tilespmem:s12+$0x0];
	_ =	sdelay $0x1  }
0x1dd: {  	v21, _, _ =	vpop (xrf0)  }
0x1de: {  	s15 =	sadd.s32 $0x10, s15;
	v22 =	vbroadcast v21, $0xF;
	(v2sf) =	vpush v21, $0xF  }
0x1df: {  	v17 =	vmin.f32 v17, v13;
	v21 =	vld [tilespmem:s15+$0x0]  }
0x1e0: {  	v18 =	vmax.f32 v18, v11;
	v19 =	vmin.f32 v19, v12;
	v20 =	vmax.f32 v20, v14  }
0x1e1: {  	v17 =	vsub.f32 v17, v18;
	vm0 =	veq.f32 v15, v22;
	v18 =	vsub.f32 v19, v20  }
0x1e2: {  	v15 =	vnsel vm0, $0xC0000000, v16  }
0x1e3: {  	v16 =	vmax.f32 v17, $0.0e+00;
	v17 =	vmax.f32 v18, $0.0e+00;
	(xrf0) =	vmin.scan.msk.u32 $0xffff, v15  }
0x1e4: {  	v15 =	vmul.f32 v17, v16;
	v16 =	vadd.f32 v21, v10;
	_ =	sdelay $0x1  }
0x1e5: {  	v16 =	vsub.f32 v16, v15;
	_ =	sdelay $0x1  }
0x1e6: {  	v16 =	vadd.f32 $9.999999710e-10, v16  }
0x1e7: {  	v17, _, _ =	vpop (xrf0)  }
0x1e8: {  	(erf) = vrcp.f32 v16;
	(v2sf) =	vpush v17, $0xF;
	_ =	sdelay $0x2  }
0x1e9: {  	s25 =	spop (v2sf)  }
0x1ea: {  	p3 =	sgt.f32 s25, s4;
	_ =	sdelay $0x1  }
0x1eb: {  	s4 =	smov.u32 @p3 s25;
	_ =	sdelay $0x1  }
0x1ec: {  	s28 =	sadd.s32 $0x10, s28  }
0x1ed: {  	v17 =	vld [tilespmem:s28+$0x0];
	v16 =	vpop (erf)  }
0x1ee: {  	s14 =	sadd.s32 $0x10, s14;
	v15 =	vmul.f32 v16, v15  }
0x1ef: {  	v16 =	vor.u32 s14, v4  }
0x1f0: {  	vm1 =	veq.s32 v16, v9;
	v16 =	vxor.u32 $0x80000000, v16;
	vm0 =	vgt.f32 v15, $6.000000240e-01  }
0x1f1: {  	vm0 =	vmor vm1, vm0  }
.Ltmp23:
0x1f2: {  	v15 =	vsel vm0, $0xFF61B1E6, v17;
	(pc) =	sbr.rel @p2 .LBB2_41-.Ltmp23, $4  }
0x1f3: {  	s2 =	sadd.s32 $0x10, s2;
	[tilespmem:s28+$0x0] =	vst v15;
	(xrf0) =	vmax.scan.msk.f32 $0xffff, v15;
	s25 =	spop (v2sf)  }
0x1f4: {  	s26 =	sadd.s32 $0x10, s26;
	v17 =	vld [tilespmem:s2+$0x0];
	s25 =	sxor.u32 $0x80000000, s25  }
0x1f5: {  	s13 =	sadd.s32 $0x10, s13;
	v18 =	vld [tilespmem:s26+$0x0];
	s11 =	smov.u32 @p3 s25  }
0x1f6: {  	s21 =	sadd.s32 $0xFFFFFFFF, s21;
	s12 =	sadd.s32 $0x10, s12;
	v19 =	vld [tilespmem:s13+$0x0]  }
.LBB2_42:
0x1f7: {  	v20 =	vld @p0 [tilespmem:s12+$0x0];
	_ =	sdelay $0x1  }
0x1f8: {  	s15 =	sadd.s32 @p1 $0x10, s15;
	s21 =	simm.s32 $0x14480  }
0x1f9: {  	s21 =	smov.u32 @p1 s15  }
0x1fa: {  	v17 =	vmin.f32 @p0 v17, v13;
	v21 =	vld @p0 [tilespmem:s21+$0x0]  }
0x1fb: {  	v18 =	vmax.f32 @p0 v18, v11;
	v19 =	vmin.f32 @p0 v19, v12;
	v20 =	vmax.f32 @p0 v20, v14  }
0x1fc: {  	v17 =	vsub.f32 @p0 v17, v18;
	v18 =	vsub.f32 @p0 v19, v20;
	_ =	sdelay $0x1  }
0x1fd: {  	v17 =	vmax.f32 @p0 v17, $0.0e+00;
	v18 =	vmax.f32 @p0 v18, $0.0e+00  }
0x1fe: {  	v17 =	vmul.f32 @p0 v18, v17;
	v18 =	vadd.f32 @p0 v21, v10;
	_ =	sdelay $0x1  }
0x1ff: {  	v18 =	vsub.f32 @p0 v18, v17;
	_ =	sdelay $0x1  }
0x200: {  	v18 =	vadd.f32 @p0 $9.999999710e-10, v18;
	_ =	sdelay $0x1  }
0x201: {  	(erf) = vrcp.f32 @p0 v18;
	_ =	sdelay $0x6  }
0x202: {  	s25 =	simm.s32 $0xDE00;
	s15 =	sadd.s32 @p1 $0x10, s28  }
0x203: {  	s25 =	smov.u32 @p1 s15  }
0x204: {  	s14 =	sadd.s32 @p1 $0x10, s14;
	s15 =	simm.s32 $0x0;
	v18 =	vld @p0 [tilespmem:s25+$0x0];
	v19 =	vpop @p0 (erf)  }
0x205: {  	s15 =	smov.u32 @p1 s14;
	v17 =	vmul.f32 @p0 v19, v17  }
0x206: {  	v19 =	vor.u32 @p0 s15, v4  }
0x207: {  	vm1 =	veq.s32 @p0 v19, v9;
	vm0 =	vgt.f32 @p0 v17, $6.000000240e-01  }
0x208: {  	vm0 =	vmor @p0 vm1, vm0  }
0x209: {  	s2 =	sadd.s32 @p0 $0x10, s2;
	v17 =	vsel @p0 vm0, $0xFF61B1E6, v18  }
0x20a: {  	s10 =	smov.u32 @p0 s2;
	s2 =	sadd.s32 @p0 $0x10, s26;
	[tilespmem:s25+$0x0] =	vst @p0 v17  }
0x20b: {  	s9 =	smov.u32 @p0 s2;
	s2 =	sadd.s32 @p0 $0x10, s13;
	v52 =	vld [tilespmem:s10+$0x0]  }
0x20c: {  	s8 =	smov.u32 @p0 s2;
	s2 =	sadd.s32 @p0 $0x10, s12;
	v53 =	vld [tilespmem:s9+$0x0]  }
0x20d: {  	s7 =	smov.u32 @p0 s2;
	v54 =	vld [tilespmem:s8+$0x0]  }
0x20e: {  	v22 =	vld [tilespmem:s7+$0x0];
	_ =	sdelay $0x1  }
0x20f: {  	s2 =	sadd.s32 @p0 $0x10, s21  }
0x210: {  	s6 =	smov.u32 @p0 s2  }
0x211: {  	v56 =	vld [tilespmem:s6+$0x0];
	v55 =	vmin.f32 v52, v13  }
0x212: {  	v11 =	vmax.f32 v53, v11;
	v57 =	vmin.f32 v54, v12;
	v58 =	vmax.f32 v22, v14  }
0x213: {  	v11 =	vsub.f32 v55, v11;
	v12 =	vsub.f32 v57, v58;
	_ =	sdelay $0x1  }
0x214: {  	v11 =	vmax.f32 v11, $0.0e+00;
	v12 =	vmax.f32 v12, $0.0e+00  }
0x215: {  	v10 =	vadd.f32 v56, v10;
	v11 =	vmul.f32 v12, v11;
	_ =	sdelay $0x1  }
0x216: {  	v12, _, _ =	vpop @p1 (xrf0);
	v10 =	vsub.f32 v10, v11  }
0x217: {  	v13 =	vbroadcast @p1 v12, $0xF  }
0x218: {  	v10 =	vadd.f32 $9.999999710e-10, v10  }
0x219: {  	vm0 =	veq.f32 @p1 v15, v13  }
0x21a: {  	v13 =	vnsel @p1 vm0, $0xC0000000, v16;
	(erf) = vrcp.f32 v10  }
0x21b: {  	(xrf0) =	vmin.scan.msk.u32 @p1 $0xffff, v13  }
0x21c: {  	(xrf0) =	vmax.scan.msk.f32 @p0 $0xffff, v17;
	_ =	sdelay $0x4  }
0x21d: {  	s2 =	sadd.s32 @p0 $0x10, s25;
	v10, _, _ =	vpop @p1 (xrf0)  }
0x21e: {  	s31 =	smov.u32 @p0 s2;
	s2 =	sadd.s32 @p0 $0x10, s15;
	s6 =	simm.s32 $0x0;
	v13, _, _ =	vpop @p0 (xrf0)  }
0x21f: {  	v59 =	vld [tilespmem:s31+$0x0];
	s6 =	smov.u32 @p0 s2;
	v60 =	vpop (erf)  }
0x220: {  	v61 =	vor.u32 s6, v4;
	v18 =	vbroadcast @p0 v13, $0xF;
	v11 =	vmul.f32 v60, v11  }
0x221: {  	vm2 =	veq.s32 v61, v9;
	v15 =	vpsel p0, v17, v0;
	v16 =	vxor.u32 @p0 $0x80000000, v19  }
0x222: {  	v16 =	vpsel p0, v16, v0;
	vm0 =	veq.f32 @p0 v15, v18;
	vm14 =	vgt.f32 v11, $6.000000240e-01  }
0x223: {  	v9 =	vnsel @p0 vm0, $0xC0000000, v16;
	vm15 =	vmor vm2, vm14  }
0x224: {  	(v2sf) =	vpush @p1 v12, $0xF;
	(xrf0) =	vmin.scan.msk.u32 @p0 $0xffff, v9;
	v9 =	vsel vm15, $0xFF61B1E6, v59  }
0x225: {  	(xrf0) =	vmax.scan.msk.f32 $0xffff, v9;
	_ =	sdelay $0x2  }
0x226: {  	(v2sf) =	vpush @p1 v10, $0xF  }
0x227: {  	(v2sf) =	vpush @p0 v13, $0xF  }
0x228: {  	v11, _, _ =	vpop @p0 (xrf0)  }
0x229: {  	v62, _, _ =	vpop (xrf0)  }
0x22a: {  	v10 =	vbroadcast v62, $0xF  }
0x22b: {  	(v2sf) =	vpush @p0 v11, $0xF  }
0x22c: {  	v63 =	vxor.u32 $0x80000000, v61;
	(v2sf) =	vpush v62, $0xF;
	vm0 =	veq.f32 v9, v10  }
0x22d: {  	v10 =	vnsel vm0, $0xC0000000, v63  }
0x22e: {  	(xrf0) =	vmin.scan.msk.u32 $0xffff, v10;
	_ =	sdelay $0x2  }
0x22f: {  	s2 =	spop @p1 (v2sf)  }
0x230: {  	p2 =	sgt.f32 @p1 s2, s4;
	_ =	sdelay $0x1  }
0x231: {  	p2 =	por !p2, !p1;
	v10, _, _ =	vpop (xrf0)  }
0x232: {  	s2 =	smov.u32 @p2 s4;
	s4 =	simm.f32 $-3.000000010e+38;
	s6 =	spop @p1 (v2sf);
	(v2sf) =	vpush v10, $0xF  }
0x233: {  	s4 =	smov.u32 @p1 s2;
	s7 =	spop @p0 (v2sf)  }
0x234: {  	p3 =	sgt.f32 @p0 s7, s4;
	_ =	sdelay $0x1  }
0x235: {  	p4 =	por !p3, !p0  }
0x236: {  	s7 =	smov.u32 @p4 s4;
	s2 =	spop @p0 (v2sf)  }
0x237: {  	s0 =	smov.u32 @p0 s7;
	s4 =	spop (v2sf)  }
0x238: {  	s6 =	sxor.u32 @p1 $0x80000000, s6;
	p3 =	sgt.f32 s4, s0  }
0x239: {  	s6 =	smov.u32 @p2 s11  }
0x23a: {  	p2 =	sgt.u32 s5, $0x12A;
	s7 =	simm.s32 $0x0;
	s0 =	smov.u32 @p3 s4  }
0x23b: {  	s7 =	smov.u32 @p1 s6;
	s2 =	sxor.u32 @p0 $0x80000000, s2;
	p1 =	sgt.f32 @!p2 s0, $0.0e+00  }
0x23c: {  	s2 =	smov.u32 @p4 s7;
	s4 =	simm.s32 $0x0  }
0x23d: {  	s4 =	smov.u32 @p0 s2;
	p0 =	por p2, !p1  }
.Ltmp24:
0x23e: {  	_ = 	snop;
	(pc) =	sbr.rel @!p0 .LBB2_35-.Ltmp24, $4  }
.Ltmp25:
0x23f: {  	_ = 	snop;
	(pc) =	sbr.rel @p0 .LBB2_43-.Ltmp25, $4  }
0x240: {  	s28 =	spop (v2sf)  }
0x241: {  	s2 =	sxor.u32 $0x80000000, s28  }
0x242: {  	[tilespmem:s31+$0x0] =	vst v9;
	s5 =	sadd.s32 $0x1, s5;
	s4 =	smov.u32 @p3 s2  }
0x243: {  	_ = 	snop  }
.LBB2_36:
.Ltmp26:
0x244: {  	(pc) =	sbr.rel .LBB2_42-.Ltmp26, $4  }
0x245: {  	_ = 	snop  }
0x246: {  	s12 =	simm.s32 $0x10700;
	s15 =	simm.s32 $0x14480;
	s4 =	simm.f32 $-3.000000010e+38  }
0x247: {  	s28 =	simm.s32 $0xDE00;
	s14 =	simm.s32 $0x0;
	s2 =	simm.s32 $0x11B80  }
0x248: {  	s26 =	simm.s32 $0xF280;
	s13 =	simm.s32 $0x13000;
	s11 =	simm.s32 $0x0  }
.LBB2_38:
.Ltmp27:
0x249: {  	(pc) =	sbr.rel .LBB2_42-.Ltmp27, $4  }
0x24a: {  	_ = 	snop  }
0x24b: {  	s12 =	simm.s32 $0x10700;
	s15 =	simm.s32 $0x14480;
	s4 =	simm.f32 $-3.000000010e+38  }
0x24c: {  	s28 =	simm.s32 $0xDE00;
	s14 =	simm.s32 $0x0;
	s2 =	simm.s32 $0x11B80  }
0x24d: {  	s26 =	simm.s32 $0xF280;
	s13 =	simm.s32 $0x13000;
	s11 =	simm.s32 $0x0  }
.LBB2_40:
.Ltmp28:
0x24e: {  	(pc) =	sbr.rel .LBB2_42-.Ltmp28, $3  }
0x24f: {  	_ =	sdelay $0x1  }
0x250: {  	s15 =	simm.s32 $0x14480;
	s4 =	simm.f32 $-3.000000010e+38  }
0x251: {  	s28 =	simm.s32 $0xDE00;
	s14 =	simm.s32 $0x0;
	s11 =	simm.s32 $0x0  }
.LBB2_17:
.Ltmp29:
0x252: {  	(pc) =	sbr.rel .LBB2_44-.Ltmp29, $2  }
0x253: {  	_ =	sdelay $0x2  }
0x254: {  	s9 =	rddreg [dreg:$0xd]  }
.LBB2_43:
0x255: {  	s5 =	smov.u32 @p2 s5  }
0x256: {  	s9 =	rddreg [dreg:$0xd];
	s29 =	smov.u32 s5  }
.LBB2_44:
.Ltmp30:
0x257: {  	(pc) =	sbr.rel @p5 .LBB2_51-.Ltmp30, $2  }
0x258: {  	_ =	sdelay $0x2  }
0x259: {  	s31 =	simm.s32 $0x0;
	s0 =	simm.s32 $0x0  }
0x25a: {  	p1 =	sne.s32 s9, $0x1  }
.Ltmp31:
0x25b: {  	_ = 	snop;
	(pc) =	sbr.rel @!p1 .LBB2_46-.Ltmp31, $3  }
0x25c: {  	_ =	sdelay $0x1  }
0x25d: {  	s2 =	simm.s32 $0xB500;
	s1 =	simm.s32 $0x8C00  }
0x25e: {  	s0 =	simm.s32 $0xA080;
	p0 =	por $0x0, $0x0;
	v9 =	vld [tilespmem:s2+$0x0];
	s2 =	sadd.s32 $0xFFFFFFFF, s9  }
0x25f: {  	_ =	sdelay $0x3  }
0x260: {  	vm0 =	veq.f32 v9, v2  }
0x261: {  	v9 =	vsel vm0, $0x1, v5  }
0x262: {  	v10 =	vld [tilespmem:s1+$0x0];
	(xrf0) =	vadd.scan.msk.s32 $0xffff, v9;
	_ =	sdelay $0x4  }
0x263: {  	[tilespmem:s31+$0xC980] =	vst.msk vm0, v10  }
0x264: {  	v9 =	vld [tilespmem:s0+$0x0];
	v10, _, _ =	vpop (xrf0)  }
0x265: {  	p1 =	sne.s32 s2, $0x1;
	(v2sf) =	vpush v10, $0xF  }
.Ltmp32:
0x266: {  	_ = 	snop;
	(pc) =	sbr.rel @!p1 .LBB2_48-.Ltmp32, $3  }
0x267: {  	_ =	sdelay $0x1  }
0x268: {  	s4 =	simm.s32 $0xB510;
	s5 =	sadd.s32 $0xFFFFFFFF, s2;
	s1 =	simm.s32 $0x8C10;
	[tilespmem:s31+$0xDE00] =	vst.msk vm0, v9  }
0x269: {  	p0 =	por $0x1, $0x1;
	s2 =	simm.s32 $0x0;
	s3 =	simm.s32 $0xA080;
	v9 =	vld [tilespmem:s4+$0x0]  }
.LBB2_49:
0x26a: {  	p1 =	sne.s32 s5, $0x1;
	v10 =	vld [tilespmem:s1+$0x0];
	_ =	sdelay $0x3  }
0x26b: {  	vm0 =	veq.f32 v9, v2  }
0x26c: {  	v9 =	vsel vm0, $0x1, v5  }
0x26d: {  	(xrf0) =	vadd.scan.msk.s32 $0xffff, v9;
	_ =	sdelay $0x2  }
0x26e: {  	s6 =	spop (v2sf)  }
0x26f: {  	s2 =	sadd.s32 s2, s6  }
0x270: {  	s3 =	sadd.s32 $0x10, s3;
	[tilespmem:s2+$0xC980] =	vst.msk vm0, v10  }
0x271: {  	v9 =	vld [tilespmem:s3+$0x0];
	v10, _, _ =	vpop (xrf0)  }
0x272: {  	(v2sf) =	vpush v10, $0xF  }
.Ltmp33:
0x273: {  	(pc) =	sbr.rel @p1 .LBB2_49-.Ltmp33, $3  }
0x274: {  	_ =	sdelay $0x1  }
0x275: {  	s4 =	sadd.s32 $0x10, s4;
	[tilespmem:s2+$0xDE00] =	vst.msk vm0, v9  }
0x276: {  	s5 =	sadd.s32 $0xFFFFFFFF, s5;
	s1 =	sadd.s32 $0x10, s1;
	v9 =	vld [tilespmem:s4+$0x0]  }
.LBB2_50:
0x277: {  	_ =	sdelay $0x3  }
0x278: {  	vm0 =	veq.f32 v9, v2  }
0x279: {  	v9 =	vsel vm0, $0x1, v5  }
0x27a: {  	(xrf0) =	vadd.scan.msk.s32 $0xffff, v9;
	_ =	sdelay $0x5  }
0x27b: {  	v9, _, _ =	vpop (xrf0)  }
0x27c: {  	(v2sf) =	vpush v9, $0xF;
	_ =	sdelay $0x4  }
0x27d: {  	v9 =	vld [tilespmem:s1+$0x0];
	_ =	sdelay $0x1  }
0x27e: {  	s1 =	spop @p0 (v2sf)  }
0x27f: {  	s1 =	sadd.s32 @p0 s2, s1;
	s2 =	simm.s32 $0x0  }
0x280: {  	s2 =	smov.u32 @p0 s1;
	s1 =	sadd.s32 @p0 $0x10, s3  }
0x281: {  	s0 =	smov.u32 @p0 s1;
	[tilespmem:s2+$0xC980] =	vst.msk vm0, v9  }
0x282: {  	v9 =	vld [tilespmem:s0+$0x0];
	_ =	sdelay $0x3  }
0x283: {  	s28 =	spop (v2sf)  }
0x284: {  	[tilespmem:s2+$0xDE00] =	vst.msk vm0, v9;
	s0 =	sadd.s32 s2, s28  }
.LBB2_51:
0x285: {  	s1 =	sadd.s32 $0xF, s0  }
0x286: {  	s2 =	sand.u32 $0xF, s1  }
0x287: {  	s28 =	sshra.s32 s1, $0x1F;
	p1 =	slt.s32 s1, $0x1;
	p0 =	sne.s32 s2, $0x0  }
0x288: {  	s2 =	sshrl.u32 s28, $0x1C;
	p0 =	por !p1, !p0  }
0x289: {  	s1 =	sadd.s32 s2, s1;
	s2 =	simm.s32 $0x1;
	p0 =	por !p0, !p0  }
0x28a: {  	s1 =	sshra.s32 s1, $0x4;
	s2 =	simm.s32 @!p0 $0x0  }
0x28b: {  	s1 =	ssub.s32 s1, s2  }
0x28c: {  	p0 =	slt.s32 s1, $0x1  }
.Ltmp34:
0x28d: {  	_ = 	snop;
	(pc) =	sbr.rel @p0 .LBB2_85-.Ltmp34, $3  }
0x28e: {  	_ =	sdelay $0x1  }
0x28f: {  	[tilespmem:s0+$0xC980] =	vst v5  }
0x290: {  	[tilespmem:s0+$0xDE00] =	vst v6  }
0x291: {  	s0 =	simm.s32 $0xC980  }
0x292: {  	s2 =	simm.s32 $0xF280;
	s3 =	simm.s32 $0x10700;
	s4 =	simm.s32 $0x11B80  }
0x293: {  	s5 =	simm.s32 $0x13000;
	s6 =	simm.s32 $0x14480;
	s7 =	smov.u32 s1  }
.LBB2_53:
0x294: {  	v9 =	vld [tilespmem:s0+$0x0];
	_ =	sdelay $0x7  }
0x295: {  	v10 =	vld.idx.msk [tilespmem:v9+s16+$0x0], $0xffff;
	_ =	sdelay $0x4  }
0x296: {  	[tilespmem:s2+$0x0] =	vst v10  }
0x297: {  	v10 =	vld.idx.msk [tilespmem:v9+s17+$0x0], $0xffff;
	_ =	sdelay $0x4  }
0x298: {  	[tilespmem:s3+$0x0] =	vst v10  }
0x299: {  	v10 =	vld.idx.msk [tilespmem:v9+s18+$0x0], $0xffff;
	_ =	sdelay $0x4  }
0x29a: {  	[tilespmem:s4+$0x0] =	vst v10  }
0x29b: {  	v10 =	vld.idx.msk [tilespmem:v9+s19+$0x0], $0xffff;
	_ =	sdelay $0x4  }
0x29c: {  	[tilespmem:s5+$0x0] =	vst v10  }
0x29d: {  	p0 =	seq.s32 s7, $0x1;
	v9 =	vld.idx.msk [tilespmem:v9+s20+$0x0], $0xffff  }
.Ltmp35:
0x29e: {  	_ = 	snop;
	(pc) =	sbr.rel @!p0 .LBB2_53-.Ltmp35, $4  }
0x29f: {  	_ = 	snop  }
0x2a0: {  	s0 =	sadd.s32 $0x10, s0  }
0x2a1: {  	s7 =	sadd.s32 $0xFFFFFFFF, s7;
	s2 =	sadd.s32 $0x10, s2;
	s3 =	sadd.s32 $0x10, s3  }
0x2a2: {  	s4 =	sadd.s32 $0x10, s4;
	s5 =	sadd.s32 $0x10, s5;
	[tilespmem:s6+$0x0] =	vst v9;
	s6 =	sadd.s32 $0x10, s6  }
0x2a3: {  	p0 =	seq.s32 s1, $0x1  }
.Ltmp36:
0x2a4: {  	_ = 	snop;
	(pc) =	sbr.rel @p0 .LBB2_55-.Ltmp36, $4  }
0x2a5: {  	s0 =	simm.f32 $-3.000000010e+38;
	p4 =	por $0x0, $0x0  }
0x2a6: {  	s31 =	simm.s32 $0xDE00;
	s4 =	simm.s32 $0x0;
	s2 =	simm.s32 @!p4 $0x0  }
0x2a7: {  	s3 =	sadd.s32 $0xFFFFFFFF, s1;
	p2 =	por $0x0, $0x0;
	s2 =	simm.s32 @p4 $0x1  }
0x2a8: {  	p3 =	por $0x0, $0x0;
	p1 =	por $0x0, $0x0;
	[smem:$0x7F1] =	sst s2  }
0x2a9: {  	p0 =	seq.s32 s3, $0x1  }
.Ltmp37:
0x2aa: {  	_ = 	snop;
	(pc) =	sbr.rel @p0 .LBB2_59-.Ltmp37, $2  }
0x2ab: {  	_ =	sdelay $0x2  }
0x2ac: {  	s2 =	sadd.s32 $0xFFFFFFFF, s3;
	v11 =	vld [tilespmem:s31+$0x0];
	p2 =	por $0x1, $0x1  }
0x2ad: {  	p0 =	seq.s32 s2, $0x1  }
.Ltmp38:
0x2ae: {  	_ = 	snop;
	(pc) =	sbr.rel @p0 .LBB2_61-.Ltmp38, $3  }
0x2af: {  	_ =	sdelay $0x1  }
0x2b0: {  	s5 =	simm.s32 $0xDE10  }
0x2b1: {  	s2 =	sadd.s32 $0xFFFFFFFF, s2;
	p3 =	por $0x1, $0x1;
	v10 =	vld [tilespmem:s5+$0x0];
	(xrf0) =	vmax.scan.msk.f32 $0xffff, v11  }
0x2b2: {  	_ = 	snop  }
0x2b3: {  	p0 =	seq.s32 s2, $0x1  }
.Ltmp39:
0x2b4: {  	_ = 	snop;
	(pc) =	sbr.rel @p0 .LBB2_63-.Ltmp39, $3  }
0x2b5: {  	_ =	sdelay $0x1  }
0x2b6: {  	s5 =	simm.s32 $0xDE20;
	v12, _, _ =	vpop (xrf0)  }
0x2b7: {  	s2 =	sadd.s32 $0xFFFFFFFF, s2;
	p1 =	por $0x1, $0x1;
	v9 =	vld [tilespmem:s5+$0x0];
	(xrf0) =	vmax.scan.msk.f32 $0xffff, v10;
	v15 =	vbroadcast v12, $0xF;
	(v2sf) =	vpush v12, $0xF  }
0x2b8: {  	_ = 	snop  }
0x2b9: {  	p0 =	seq.s32 s2, $0x1;
	vm0 =	veq.f32 v11, v15;
	v11 =	vxor.u32 s4, v7  }
.Ltmp40:
0x2ba: {  	v11 =	vnsel vm0, $0xC0000000, v11;
	(pc) =	sbr.rel @p0 .LBB2_65-.Ltmp40, $4  }
0x2bb: {  	p4 =	por $0x1, $0x1  }
0x2bc: {  	s7 =	simm.s32 @!p4 $0x0  }
0x2bd: {  	s5 =	simm.s32 $0xDE30;
	s7 =	simm.s32 @p4 $0x1;
	(xrf0) =	vmin.scan.msk.u32 $0xffff, v11;
	v11, _, _ =	vpop (xrf0)  }
0x2be: {  	s2 =	sadd.s32 $0xFFFFFFFF, s2;
	s6 =	simm.s32 $0x10;
	v12 =	vld [tilespmem:s5+$0x0];
	[smem:$0x7F1] =	sst s7;
	(xrf0) =	vmax.scan.msk.f32 $0xffff, v9;
	v15 =	vbroadcast v11, $0xF;
	(v2sf) =	vpush v11, $0xF  }
0x2bf: {  	_ = 	snop  }
0x2c0: {  	vm0 =	veq.f32 v10, v15;
	v10 =	vxor.u32 s6, v7  }
0x2c1: {  	v10 =	vnsel vm0, $0xC0000000, v10;
	_ =	sdelay $0x1  }
0x2c2: {  	v11, _, _ =	vpop (xrf0)  }
0x2c3: {  	(xrf0) =	vmin.scan.msk.u32 $0xffff, v10;
	v10, _, _ =	vpop (xrf0);
	(v2sf) =	vpush v11, $0xF  }
0x2c4: {  	(v2sf) =	vpush v10, $0xF;
	_ =	sdelay $0x7  }
0x2c5: {  	p0 =	seq.s32 s2, $0x1  }
.Ltmp41:
0x2c6: {  	_ = 	snop;
	(pc) =	sbr.rel @p0 .LBB2_67-.Ltmp41, $3  }
0x2c7: {  	_ =	sdelay $0x1  }
0x2c8: {  	s5 =	simm.s32 $0xDE40  }
0x2c9: {  	s2 =	sadd.s32 $0xFFFFFFFF, s2;
	s10 =	simm.s32 $0x20;
	v14 =	vld [tilespmem:s5+$0x0];
	(xrf0) =	vmax.scan.msk.f32 $0xffff, v12;
	v13 =	vbroadcast v10, $0xF  }
0x2ca: {  	_ =	sdelay $0x3  }
0x2cb: {  	v11, _, _ =	vpop (xrf0)  }
0x2cc: {  	(v2sf) =	vpush v11, $0xF;
	v15, _, _ =	vpop (xrf0)  }
0x2cd: {  	(v2sf) =	vpush v15, $0xF  }
0x2ce: {  	p0 =	por $0x1, $0x1  }
0x2cf: {  	s5 =	simm.s32 @!p0 $0x0  }
0x2d0: {  	v10 =	vxor.u32 s10, v7;
	s7 =	spop (v2sf);
	p5 =	por $0x1, $0x1;
	vm0 =	veq.f32 v9, v13;
	s5 =	simm.s32 @p0 $0x1  }
0x2d1: {  	p0 =	seq.s32 s2, $0x1;
	v10 =	vnsel vm0, $0xC0000000, v10;
	[smem:$0x7F0] =	sst s5;
	s5 =	simm.s32 $0xDE50  }
.Ltmp42:
0x2d2: {  	p4 =	sgt.f32 s7, s0;
	s8 =	simm.s32 @!p5 $0x0;
	(xrf0) =	vmin.scan.msk.u32 $0xffff, v10;
	v10 =	vld [tilespmem:s5+$0x0];
	(pc) =	sbr.rel @p0 .LBB2_69-.Ltmp42, $4  }
0x2d3: {  	s8 =	simm.s32 @p5 $0x1  }
0x2d4: {  	[smem:$0x7EF] =	sst s8;
	s8 =	simm.s32 @!p4 $0x0  }
0x2d5: {  	s12 =	simm.f32 $-3.000000010e+38;
	s2 =	sadd.s32 $0xFFFFFFFF, s2;
	s8 =	simm.s32 @p4 $0x1  }
0x2d6: {  	s12 =	smov.u32 @p4 s7;
	s7 =	simm.s32 $0x30;
	(xrf0) =	vmax.scan.msk.f32 $0xffff, v14;
	[smem:$0x7ED] =	sst s8;
	v16 =	vbroadcast v15, $0xF  }
0x2d7: {  	_ = 	snop  }
0x2d8: {  	v11 =	vxor.u32 s7, v7;
	vm0 =	veq.f32 v12, v16  }
0x2d9: {  	v11 =	vnsel vm0, $0xC0000000, v11;
	_ =	sdelay $0x1  }
0x2da: {  	v15, _, _ =	vpop (xrf0)  }
0x2db: {  	(v2sf) =	vpush v15, $0xF;
	(xrf0) =	vmin.scan.msk.u32 $0xffff, v11;
	v11, _, _ =	vpop (xrf0)  }
0x2dc: {  	(v2sf) =	vpush v11, $0xF;
	_ =	sdelay $0x3  }
0x2dd: {  	p5 =	seq.s32 s2, $0x1  }
.Ltmp43:
0x2de: {  	s9 =	spop (v2sf);
	(pc) =	sbr.rel @p5 .LBB2_71-.Ltmp43, $4  }
0x2df: {  	p6 =	por p4, p4;
	p4 =	por $0x1, $0x1;
	p0 =	sgt.f32 s9, s12  }
0x2e0: {  	s8 =	smov.u32 s12;
	s5 =	simm.s32 $0xDE60;
	s11 =	simm.s32 @!p4 $0x0;
	(xrf0) =	vmax.scan.msk.f32 $0xffff, v10  }
0x2e1: {  	s2 =	sadd.s32 $0xFFFFFFFF, s2;
	v18 =	vld [tilespmem:s5+$0x0];
	s11 =	simm.s32 @p4 $0x1;
	s8 =	smov.u32 @p0 s9;
	v15 =	vbroadcast v11, $0xF  }
0x2e2: {  	s9 =	simm.s32 $0x40;
	[smem:$0x7EE] =	sst s11;
	s11 =	simm.s32 $0x0;
	v11 =	vmov v14  }
.LBB2_72:
0x2e3: {  	p5 =	seq.s32 s2, $0x1;
	s2 =	sadd.s32 $0xFFFFFFFF, s2;
	vm0 =	veq.f32 v11, v15;
	v15 =	vxor.u32 s9, v7;
	s13 =	spop (v2sf);
	v11 =	vmov v10  }
.Ltmp44:
0x2e4: {  	v15 =	vnsel vm0, $0xC0000000, v15;
	s14 =	spop (v2sf);
	s13 =	sxor.u32 $0x80000000, s13;
	(pc) =	sbr.rel @!p5 .LBB2_72-.Ltmp44, $4  }
0x2e5: {  	(xrf0) =	vmin.scan.msk.u32 $0xffff, v15;
	v10, _, _ =	vpop (xrf0);
	s11 =	smov.u32 @p6 s13;
	p6 =	por p0, p0;
	p0 =	sgt.f32 s14, s8  }
0x2e6: {  	s5 =	sadd.s32 $0x10, s5;
	(xrf0) =	vmax.scan.msk.f32 $0xffff, v18;
	v17, _, _ =	vpop (xrf0);
	(v2sf) =	vpush v10, $0xF;
	v10 =	vmov v18  }
0x2e7: {  	v18 =	vld [tilespmem:s5+$0x0];
	v15 =	vbroadcast v17, $0xF;
	(v2sf) =	vpush v17, $0xF;
	s8 =	smov.u32 @p0 s14  }
0x2e8: {  	s9 =	sadd.s32 $0x10, s9  }
0x2e9: {  	_ =	sdelay $0x2  }
0x2ea: {  	v17 =	vmov v10;
	v10 =	vmov v18  }
.LBB2_74:
0x2eb: {  	s2 =	sld [smem:$0x7F1];
	_ =	sdelay $0x2  }
0x2ec: {  	p4 =	seq.s32 s2, $0x1  }
0x2ed: {  	s2 =	simm.s32 @!p4 $0x0  }
0x2ee: {  	s2 =	simm.s32 @p4 $0x1  }
0x2ef: {  	[smem:$0x7F1] =	sst s2;
	s2 =	sadd.s32 @p2 $0x10, s5  }
0x2f0: {  	s31 =	smov.u32 @p2 s2;
	s2 =	simm.s32 @!p2 $0x0  }
0x2f1: {  	s13 =	sld [smem:$0x7F0];
	s2 =	simm.s32 @p2 $0x1  }
0x2f2: {  	[smem:$0x7E7] =	sst s2  }
0x2f3: {  	vm0 =	veq.f32 @p1 v11, v15;
	v11 =	vxor.u32 @p1 s9, v7;
	s2 =	sadd.s32 @p1 $0x10, s9;
	s9 =	sld [smem:$0x7EE];
	_ =	sdelay $0x1  }
0x2f4: {  	p5 =	seq.s32 s13, $0x1  }
0x2f5: {  	v18, _, _ =	vpop @p4 (xrf0);
	s5 =	simm.s32 @!p5 $0x0;
	p4 =	seq.s32 s9, $0x1  }
0x2f6: {  	v11 =	vnsel @p1 vm0, $0xC0000000, v11;
	s5 =	simm.s32 @p5 $0x1;
	s7 =	smov.u32 @p1 s2;
	s2 =	spop @p4 (v2sf)  }
0x2f7: {  	v19, _, _ =	vpop @p3 (xrf0);
	(xrf0) =	vmin.scan.msk.u32 @p1 $0xffff, v11;
	[smem:$0x7F0] =	sst s5;
	s5 =	spop @p5 (v2sf)  }
0x2f8: {  	(xrf0) =	vmax.scan.msk.f32 @p2 $0xffff, v10;
	p2 =	sgt.f32 @p5 s5, s8;
	_ =	sdelay $0x1  }
0x2f9: {  	s14 =	sld [smem:$0x7F1];
	s9 =	simm.s32 @!p2 $0x0  }
0x2fa: {  	s9 =	simm.s32 @p2 $0x1  }
0x2fb: {  	[smem:$0x7EA] =	sst s9  }
0x2fc: {  	p2 =	seq.s32 s14, $0x1;
	s21 =	sld [smem:$0x7EA]  }
0x2fd: {  	(v2sf) =	vpush @p2 v18, $0xF;
	p2 =	por !p6, !p4  }
0x2fe: {  	s9 =	simm.s32 @!p2 $0x0  }
0x2ff: {  	s9 =	simm.s32 @p2 $0x1;
	p2 =	seq.s32 s21, $0x1  }
0x300: {  	p5 =	por !p2, !p5  }
0x301: {  	[smem:$0x7E8] =	sst s9;
	s9 =	simm.s32 @!p5 $0x0  }
0x302: {  	s25 =	sld [smem:$0x7E8];
	s9 =	simm.s32 @p5 $0x1  }
0x303: {  	[smem:$0x7E9] =	sst s9  }
0x304: {  	s26 =	sld [smem:$0x7E9]  }
0x305: {  	s28 =	sld [smem:$0x7ED]  }
0x306: {  	v20 =	vld [tilespmem:s31+$0x0];
	s31 =	sld [smem:$0x7F0];
	s2 =	sxor.u32 @p4 $0x80000000, s2;
	p5 =	seq.s32 s25, $0x1  }
0x307: {  	s2 =	smov.u32 @p5 s11;
	p5 =	seq.s32 s26, $0x1  }
0x308: {  	s9 =	sld [smem:$0x7EF];
	s5 =	smov.u32 @p5 s8;
	s8 =	simm.s32 $0x0  }
0x309: {  	p5 =	seq.s32 s31, $0x1;
	s8 =	smov.u32 @p4 s2;
	p4 =	seq.s32 s28, $0x1  }
0x30a: {  	p2 =	por @!p5 p4, p4  }
0x30b: {  	s2 =	simm.s32 @!p2 $0x0  }
0x30c: {  	s11 =	sld [smem:$0x7F1];
	s2 =	simm.s32 @p2 $0x1;
	p2 =	seq.s32 s9, $0x1  }
0x30d: {  	[smem:$0x7EA] =	sst s2;
	s2 =	simm.s32 @!p2 $0x0;
	p4 =	por @p2 p0, p0  }
0x30e: {  	s2 =	simm.s32 @p2 $0x1;
	p4 =	por @!p2 p0, p0  }
0x30f: {  	v15 =	vbroadcast @p3 v19, $0xF;
	[smem:$0x7EF] =	sst s2;
	s2 =	spop @p2 (v2sf);
	p2 =	seq.s32 s11, $0x1  }
0x310: {  	s12 =	smov.u32 @p5 s5;
	s5 =	spop @p2 (v2sf)  }
0x311: {  	v11 =	vpsel p3, v17, v12;
	v12 =	vpsel p3, v15, v16;
	p0 =	sgt.f32 @p2 s5, s12  }
0x312: {  	vm0 =	veq.f32 @p3 v11, v12;
	v11 =	vxor.u32 @p3 s7, v7;
	s7 =	sadd.s32 @p3 $0x10, s7  }
0x313: {  	s15 =	sld [smem:$0x7E7];
	s10 =	smov.u32 @p3 s7;
	s7 =	simm.s32 @!p0 $0x0  }
0x314: {  	s13 =	sld [smem:$0x7EF];
	s7 =	simm.s32 @p0 $0x1  }
0x315: {  	[smem:$0x7EB] =	sst s7  }
0x316: {  	v11 =	vnsel @p3 vm0, $0xC0000000, v11;
	s14 =	sld [smem:$0x7EB]  }
0x317: {  	(xrf0) =	vmin.scan.msk.u32 @p3 $0xffff, v11;
	p6 =	por p1, p1;
	p0 =	seq.s32 s13, $0x1  }
0x318: {  	(xrf0) =	vmax.scan.msk.f32 $0xffff, v20;
	p1 =	seq.s32 s15, $0x1;
	s2 =	sxor.u32 @p0 $0x80000000, s2;
	p4 =	por !p4, !p0  }
0x319: {  	s7 =	sadd.s32 @p1 $0x10, s10;
	s2 =	smov.u32 @p4 s8;
	p4 =	seq.s32 s14, $0x1  }
0x31a: {  	(v2sf) =	vpush @p3 v19, $0xF;
	v11, _, _ =	vpop @p6 (xrf0);
	s6 =	smov.u32 @p1 s7;
	p4 =	por !p4, !p2  }
0x31b: {  	v12, _, _ =	vpop @p1 (xrf0);
	s7 =	simm.f32 $-3.000000010e+38;
	s8 =	spop @p5 (v2sf);
	s5 =	smov.u32 @p4 s12  }
0x31c: {  	v10 =	vpsel p1, v10, v14;
	v14 =	vbroadcast @p1 v12, $0xF;
	s7 =	smov.u32 @p2 s5;
	s5 =	spop @p6 (v2sf)  }
0x31d: {  	(v2sf) =	vpush @p6 v11, $0xF;
	v11, _, _ =	vpop @p3 (xrf0);
	p0 =	sgt.f32 @p6 s5, s7  }
0x31e: {  	v9 =	vpsel p1, v10, v9;
	v10 =	vpsel p1, v14, v13;
	v63, _, _ =	vpop (xrf0)  }
0x31f: {  	vm0 =	veq.f32 @p1 v9, v10;
	v9 =	vxor.u32 @p1 s10, v7;
	s15 =	sld [smem:$0x7EA];
	v10 =	vbroadcast v63, $0xF;
	s9 =	simm.s32 @!p0 $0x0  }
0x320: {  	v9 =	vnsel @p1 vm0, $0xC0000000, v9;
	(v2sf) =	vpush @p1 v12, $0xF;
	s21 =	sld [smem:$0x7EF];
	s9 =	simm.s32 @p0 $0x1  }
0x321: {  	(xrf0) =	vmin.scan.msk.u32 @p1 $0xffff, v9;
	vm15 =	veq.f32 v20, v10;
	v9 =	vxor.u32 s6, v7;
	[smem:$0x7EC] =	sst s9  }
0x322: {  	v9 =	vnsel vm15, $0xC0000000, v9;
	s25 =	sld [smem:$0x7EC]  }
0x323: {  	s6 =	simm.s32 $0x0;
	(xrf0) =	vmin.scan.msk.u32 $0xffff, v9;
	p4 =	seq.s32 s15, $0x1;
	p0 =	seq.s32 s21, $0x1  }
0x324: {  	s26 =	sld [smem:$0x7EB];
	p4 =	por @p5 p4, p4;
	s6 =	smov.u32 @p0 s2  }
0x325: {  	(v2sf) =	vpush @p3 v11, $0xF;
	p4 =	por @!p5 p0, p0;
	s2 =	sxor.u32 @p5 $0x80000000, s8;
	p0 =	seq.s32 s25, $0x1  }
0x326: {  	s8 =	simm.s32 $0x0;
	p4 =	por !p4, !p5;
	p0 =	por !p0, !p6  }
0x327: {  	v9, _, _ =	vpop @p1 (xrf0);
	(v2sf) =	vpush v63, $0xF;
	s2 =	smov.u32 @p4 s6;
	s5 =	smov.u32 @p0 s7;
	p0 =	seq.s32 s26, $0x1  }
0x328: {  	s6 =	simm.f32 $-3.000000010e+38;
	s7 =	spop @p2 (v2sf);
	(v2sf) =	vpush @p1 v9, $0xF;
	p0 =	por @!p2 p0, p0  }
0x329: {  	v9, _, _ =	vpop (xrf0);
	s6 =	smov.u32 @p6 s5;
	s5 =	spop @p3 (v2sf);
	p4 =	por @p2 p0, p0  }
0x32a: {  	s28 =	sld [smem:$0x7EC];
	(v2sf) =	vpush v9, $0xF;
	p4 =	por @!p2 p0, p0;
	p0 =	sgt.f32 @p3 s5, s6  }
0x32b: {  	s8 =	smov.u32 @p5 s2;
	s2 =	sxor.u32 @p2 $0x80000000, s7;
	p4 =	por !p4, !p2  }
0x32c: {  	s7 =	simm.s32 $0x0;
	s2 =	smov.u32 @p4 s8;
	p4 =	por !p0, !p3  }
0x32d: {  	s5 =	smov.u32 @p4 s6;
	p4 =	seq.s32 s28, $0x1;
	s6 =	simm.f32 $-3.000000010e+38  }
0x32e: {  	p4 =	por @!p6 p0, p0;
	s6 =	smov.u32 @p3 s5;
	s5 =	spop @p6 (v2sf)  }
0x32f: {  	s7 =	smov.u32 @p2 s2;
	p5 =	por @p6 p4, p4;
	s8 =	spop @p1 (v2sf)  }
0x330: {  	s2 =	sxor.u32 @p6 $0x80000000, s5;
	p5 =	por @!p6 p0, p0;
	p4 =	sgt.f32 @p1 s8, s6  }
0x331: {  	s5 =	simm.s32 $0x0;
	p0 =	por @!p3 p0, p0;
	p5 =	por !p5, !p6  }
0x332: {  	p0 =	por @p3 p0, p0;
	s2 =	smov.u32 @p5 s7;
	p5 =	por !p4, !p1  }
0x333: {  	p0 =	por @!p3 p0, p0;
	s8 =	smov.u32 @p5 s6;
	s5 =	smov.u32 @p6 s2  }
0x334: {  	s2 =	spop @p3 (v2sf);
	p4 =	por @!p1 p0, p0;
	p0 =	por !p0, !p3  }
0x335: {  	s6 =	simm.s32 $0x0;
	s2 =	sxor.u32 @p3 $0x80000000, s2;
	s0 =	smov.u32 @p1 s8  }
0x336: {  	s2 =	smov.u32 @p0 s5;
	p0 =	por @p1 p4, p4;
	s5 =	spop (v2sf)  }
0x337: {  	p0 =	por @!p1 p0, p0;
	s6 =	smov.u32 @p3 s2;
	s2 =	spop @p1 (v2sf)  }
0x338: {  	p2 =	sgt.f32 s5, s0;
	s2 =	sxor.u32 @p1 $0x80000000, s2;
	p0 =	por !p0, !p1  }
0x339: {  	s31 =	spop (v2sf);
	s2 =	smov.u32 @p0 s6  }
0x33a: {  	p0 =	por p2, p2;
	s4 =	smov.u32 @p1 s2;
	s2 =	sxor.u32 $0x80000000, s31  }
0x33b: {  	s0 =	smov.u32 @p2 s5;
	s4 =	smov.u32 @p0 s2  }
0x33c: {  	p0 =	sgt.f32 s0, $0.0e+00  }
.Ltmp45:
0x33d: {  	_ = 	snop;
	(pc) =	sbr.rel @!p0 .LBB2_57-.Ltmp45, $2  }
0x33e: {  	s2 =	sld [smem:$0x7FD];
	_ =	sdelay $0x2  }
0x33f: {  	s31 =	simm.s32 $0x0;
	s5 =	simm.s32 $0x0;
	p5 =	seq.s32 s2, $0x1  }
.LBB2_75:
0x340: {  	s2 =	sadd.s32 $0x130, s5  }
0x341: {  	v9 =	vld.msk [tilespmem:s4+$0xC980 ss:$0x0], $0xffff;
	v15 =	vmov s2  }
0x342: {  	v13 =	vld.msk [tilespmem:s4+$0x11B80 ss:$0x0], $0xffff;
	p2 =	sne.s32 s1, $0x1  }
.Ltmp46:
0x343: {  	v11 =	vld.msk [tilespmem:s4+$0xF280 ss:$0x0], $0xffff;
	(pc) =	sbr.rel @!p2 .LBB2_76-.Ltmp46, $4  }
0x344: {  	v12 =	vld.msk [tilespmem:s4+$0x13000 ss:$0x0], $0xffff  }
0x345: {  	v16 =	vmov s0;
	v14 =	vld.msk [tilespmem:s4+$0x10700 ss:$0x0], $0xffff;
	s0 =	simm.f32 $-3.000000010e+38;
	s11 =	simm.s32 $0x11B80;
	s10 =	simm.s32 $0xF280  }
0x346: {  	v10 =	vld.msk [tilespmem:s4+$0x14480 ss:$0x0], $0xffff;
	s9 =	simm.s32 $0x13000;
	s8 =	simm.s32 $0x10700;
	s7 =	simm.s32 $0x14480;
	[tilespmem:v15+s22+$0x0] =	vst.idx.msk $0x1, v9  }
0x347: {  	s6 =	simm.s32 $0xDE00;
	p0 =	por $0x0, $0x0;
	p1 =	por $0x0, $0x0;
	v9 =	vmov s4;
	[tilespmem:v15+s23+$0x0] =	vst.idx.msk $0x1, v16  }
0x348: {  	p2 =	sne.s32 s3, $0x1  }
.Ltmp47:
0x349: {  	_ = 	snop;
	(pc) =	sbr.rel @!p2 .LBB2_78-.Ltmp47, $4  }
0x34a: {  	_ = 	snop  }
0x34b: {  	v17 =	vld [tilespmem:s11+$0x0]  }
0x34c: {  	v18 =	vld [tilespmem:s10+$0x0]  }
0x34d: {  	s2 =	sadd.s32 $0xFFFFFFFF, s3;
	v19 =	vld [tilespmem:s9+$0x0];
	p0 =	por $0x1, $0x1  }
0x34e: {  	v15 =	vld [tilespmem:s8+$0x0];
	_ =	sdelay $0x3  }
0x34f: {  	v16 =	vmin.f32 v17, v13;
	v17 =	vld [tilespmem:s7+$0x0]  }
0x350: {  	v18 =	vmax.f32 v18, v11;
	v19 =	vmin.f32 v19, v12;
	v15 =	vmax.f32 v15, v14  }
0x351: {  	v16 =	vsub.f32 v16, v18;
	v15 =	vsub.f32 v19, v15;
	_ =	sdelay $0x1  }
0x352: {  	v16 =	vmax.f32 v16, $0.0e+00;
	v15 =	vmax.f32 v15, $0.0e+00  }
0x353: {  	v15 =	vmul.f32 v15, v16;
	v16 =	vadd.f32 v17, v10;
	_ =	sdelay $0x1  }
0x354: {  	v16 =	vsub.f32 v16, v15;
	_ =	sdelay $0x1  }
0x355: {  	v16 =	vadd.f32 $9.999999710e-10, v16;
	_ =	sdelay $0x1  }
0x356: {  	(erf) = vrcp.f32 v16;
	_ =	sdelay $0x8  }
0x357: {  	v16 =	vld [tilespmem:s6+$0x0];
	v17 =	vpop (erf)  }
0x358: {  	v15 =	vmul.f32 v17, v15  }
0x359: {  	v19 =	vor.u32 s31, v4  }
0x35a: {  	vm1 =	veq.s32 v19, v9;
	vm0 =	vgt.f32 v15, $6.000000240e-01  }
0x35b: {  	p2 =	sne.s32 s2, $0x1;
	vm0 =	vmor vm1, vm0  }
.Ltmp48:
0x35c: {  	v15 =	vsel vm0, $0xFF61B1E6, v16;
	(pc) =	sbr.rel @!p2 .LBB2_80-.Ltmp48, $4  }
0x35d: {  	s26 =	simm.s32 $0x11B90;
	s13 =	simm.s32 $0xF290;
	[tilespmem:s6+$0x0] =	vst v15;
	(xrf0) =	vmax.scan.msk.f32 $0xffff, v15  }
0x35e: {  	s14 =	simm.s32 $0x13010;
	s30 =	sadd.s32 $0xFFFFFFFF, s2;
	s2 =	simm.s32 $0x10710;
	v17 =	vld [tilespmem:s26+$0x0]  }
0x35f: {  	p1 =	por $0x1, $0x1;
	s21 =	simm.s32 $0x14480;
	s4 =	simm.f32 $-3.000000010e+38;
	v18 =	vld [tilespmem:s13+$0x0]  }
0x360: {  	s15 =	simm.s32 $0xDE00;
	s28 =	simm.s32 $0x0;
	s12 =	simm.s32 $0x0;
	v16 =	vxor.u32 $0x80000000, v19;
	v19 =	vld [tilespmem:s14+$0x0]  }
.LBB2_81:
0x361: {  	p2 =	sne.s32 s30, $0x1;
	v20 =	vld [tilespmem:s2+$0x0];
	_ =	sdelay $0x1  }
0x362: {  	v21, _, _ =	vpop (xrf0)  }
0x363: {  	s21 =	sadd.s32 $0x10, s21;
	v22 =	vbroadcast v21, $0xF;
	(v2sf) =	vpush v21, $0xF  }
0x364: {  	v17 =	vmin.f32 v17, v13;
	v21 =	vld [tilespmem:s21+$0x0]  }
0x365: {  	v18 =	vmax.f32 v18, v11;
	v19 =	vmin.f32 v19, v12;
	v20 =	vmax.f32 v20, v14  }
0x366: {  	v17 =	vsub.f32 v17, v18;
	vm0 =	veq.f32 v15, v22;
	v18 =	vsub.f32 v19, v20  }
0x367: {  	v15 =	vnsel vm0, $0xC0000000, v16  }
0x368: {  	v16 =	vmax.f32 v17, $0.0e+00;
	v17 =	vmax.f32 v18, $0.0e+00;
	(xrf0) =	vmin.scan.msk.u32 $0xffff, v15  }
0x369: {  	v15 =	vmul.f32 v17, v16;
	v16 =	vadd.f32 v21, v10;
	_ =	sdelay $0x1  }
0x36a: {  	v16 =	vsub.f32 v16, v15;
	_ =	sdelay $0x1  }
0x36b: {  	v16 =	vadd.f32 $9.999999710e-10, v16  }
0x36c: {  	v17, _, _ =	vpop (xrf0)  }
0x36d: {  	(erf) = vrcp.f32 v16;
	(v2sf) =	vpush v17, $0xF;
	_ =	sdelay $0x2  }
0x36e: {  	s25 =	spop (v2sf)  }
0x36f: {  	p3 =	sgt.f32 s25, s4;
	_ =	sdelay $0x1  }
0x370: {  	s4 =	smov.u32 @p3 s25;
	_ =	sdelay $0x1  }
0x371: {  	s15 =	sadd.s32 $0x10, s15  }
0x372: {  	v17 =	vld [tilespmem:s15+$0x0];
	v16 =	vpop (erf)  }
0x373: {  	s28 =	sadd.s32 $0x10, s28;
	v15 =	vmul.f32 v16, v15  }
0x374: {  	v16 =	vor.u32 s28, v4  }
0x375: {  	vm1 =	veq.s32 v16, v9;
	v16 =	vxor.u32 $0x80000000, v16;
	vm0 =	vgt.f32 v15, $6.000000240e-01  }
0x376: {  	vm0 =	vmor vm1, vm0  }
.Ltmp49:
0x377: {  	v15 =	vsel vm0, $0xFF61B1E6, v17;
	(pc) =	sbr.rel @p2 .LBB2_81-.Ltmp49, $4  }
0x378: {  	s26 =	sadd.s32 $0x10, s26;
	[tilespmem:s15+$0x0] =	vst v15;
	(xrf0) =	vmax.scan.msk.f32 $0xffff, v15;
	s25 =	spop (v2sf)  }
0x379: {  	s13 =	sadd.s32 $0x10, s13;
	v17 =	vld [tilespmem:s26+$0x0];
	s25 =	sxor.u32 $0x80000000, s25  }
0x37a: {  	s14 =	sadd.s32 $0x10, s14;
	v18 =	vld [tilespmem:s13+$0x0];
	s12 =	smov.u32 @p3 s25  }
0x37b: {  	s30 =	sadd.s32 $0xFFFFFFFF, s30;
	s2 =	sadd.s32 $0x10, s2;
	v19 =	vld [tilespmem:s14+$0x0]  }
0x37c: {  	s30 =	simm.s32 $0x16100  }
.LBB2_83:
0x37d: {  	v20 =	vld @p0 [tilespmem:s2+$0x0];
	_ =	sdelay $0x1  }
0x37e: {  	s21 =	sadd.s32 @p1 $0x10, s21;
	s25 =	simm.s32 $0x14480  }
0x37f: {  	s25 =	smov.u32 @p1 s21  }
0x380: {  	v17 =	vmin.f32 @p0 v17, v13;
	v21 =	vld @p0 [tilespmem:s25+$0x0]  }
0x381: {  	v18 =	vmax.f32 @p0 v18, v11;
	v19 =	vmin.f32 @p0 v19, v12;
	v20 =	vmax.f32 @p0 v20, v14  }
0x382: {  	v17 =	vsub.f32 @p0 v17, v18;
	v18 =	vsub.f32 @p0 v19, v20;
	_ =	sdelay $0x1  }
0x383: {  	v17 =	vmax.f32 @p0 v17, $0.0e+00;
	v18 =	vmax.f32 @p0 v18, $0.0e+00  }
0x384: {  	v17 =	vmul.f32 @p0 v18, v17;
	v18 =	vadd.f32 @p0 v21, v10;
	_ =	sdelay $0x1  }
0x385: {  	v18 =	vsub.f32 @p0 v18, v17;
	_ =	sdelay $0x1  }
0x386: {  	v18 =	vadd.f32 @p0 $9.999999710e-10, v18;
	_ =	sdelay $0x1  }
0x387: {  	(erf) = vrcp.f32 @p0 v18;
	_ =	sdelay $0x6  }
0x388: {  	s15 =	sadd.s32 @p1 $0x10, s15;
	s21 =	simm.s32 $0xDE00  }
0x389: {  	s21 =	smov.u32 @p1 s15  }
0x38a: {  	s15 =	sadd.s32 @p1 $0x10, s28;
	s28 =	simm.s32 $0x0;
	v18 =	vld @p0 [tilespmem:s21+$0x0];
	v19 =	vpop @p0 (erf)  }
0x38b: {  	s28 =	smov.u32 @p1 s15;
	v17 =	vmul.f32 @p0 v19, v17  }
0x38c: {  	v19 =	vor.u32 @p0 s28, v4  }
0x38d: {  	vm1 =	veq.s32 @p0 v19, v9;
	vm0 =	vgt.f32 @p0 v17, $6.000000240e-01  }
0x38e: {  	vm0 =	vmor @p0 vm1, vm0  }
0x38f: {  	s15 =	sadd.s32 @p0 $0x10, s26;
	v17 =	vsel @p0 vm0, $0xFF61B1E6, v18  }
0x390: {  	s13 =	sadd.s32 @p0 $0x10, s13;
	s11 =	smov.u32 @p0 s15;
	[tilespmem:s21+$0x0] =	vst @p0 v17  }
0x391: {  	s2 =	sadd.s32 @p0 $0x10, s2;
	s10 =	smov.u32 @p0 s13;
	v52 =	vld [tilespmem:s11+$0x0]  }
0x392: {  	s8 =	smov.u32 @p0 s2;
	s11 =	sadd.s32 @p0 $0x10, s14;
	v53 =	vld [tilespmem:s10+$0x0]  }
0x393: {  	v22 =	vld [tilespmem:s8+$0x0];
	s9 =	smov.u32 @p0 s11  }
0x394: {  	v54 =	vld [tilespmem:s9+$0x0];
	_ =	sdelay $0x1  }
0x395: {  	s2 =	sadd.s32 @p0 $0x10, s25  }
0x396: {  	s7 =	smov.u32 @p0 s2  }
0x397: {  	v56 =	vld [tilespmem:s7+$0x0];
	v55 =	vmin.f32 v52, v13  }
0x398: {  	v11 =	vmax.f32 v53, v11;
	v58 =	vmax.f32 v22, v14;
	v57 =	vmin.f32 v54, v12  }
0x399: {  	v11 =	vsub.f32 v55, v11;
	v12 =	vsub.f32 v57, v58;
	_ =	sdelay $0x1  }
0x39a: {  	v11 =	vmax.f32 v11, $0.0e+00;
	v12 =	vmax.f32 v12, $0.0e+00  }
0x39b: {  	v10 =	vadd.f32 v56, v10;
	v11 =	vmul.f32 v12, v11;
	_ =	sdelay $0x1  }
0x39c: {  	v12, _, _ =	vpop @p1 (xrf0);
	v10 =	vsub.f32 v10, v11  }
0x39d: {  	v13 =	vbroadcast @p1 v12, $0xF  }
0x39e: {  	v10 =	vadd.f32 $9.999999710e-10, v10  }
0x39f: {  	vm0 =	veq.f32 @p1 v15, v13  }
0x3a0: {  	v13 =	vnsel @p1 vm0, $0xC0000000, v16;
	(erf) = vrcp.f32 v10  }
0x3a1: {  	(xrf0) =	vmin.scan.msk.u32 @p1 $0xffff, v13  }
0x3a2: {  	(xrf0) =	vmax.scan.msk.f32 @p0 $0xffff, v17;
	_ =	sdelay $0x4  }
0x3a3: {  	s2 =	sadd.s32 @p0 $0x10, s21;
	v10, _, _ =	vpop @p1 (xrf0)  }
0x3a4: {  	s6 =	smov.u32 @p0 s2;
	s2 =	sadd.s32 @p0 $0x10, s28;
	s7 =	simm.s32 $0x0;
	v13, _, _ =	vpop @p0 (xrf0)  }
0x3a5: {  	v59 =	vld [tilespmem:s6+$0x0];
	s7 =	smov.u32 @p0 s2;
	v60 =	vpop (erf)  }
0x3a6: {  	v61 =	vor.u32 s7, v4;
	v18 =	vbroadcast @p0 v13, $0xF;
	v11 =	vmul.f32 v60, v11  }
0x3a7: {  	vm2 =	veq.s32 v61, v9;
	v15 =	vpsel p0, v17, v0;
	v16 =	vxor.u32 @p0 $0x80000000, v19  }
0x3a8: {  	v16 =	vpsel p0, v16, v0;
	vm0 =	veq.f32 @p0 v15, v18;
	vm14 =	vgt.f32 v11, $6.000000240e-01  }
0x3a9: {  	v9 =	vnsel @p0 vm0, $0xC0000000, v16;
	vm15 =	vmor vm2, vm14  }
0x3aa: {  	(v2sf) =	vpush @p1 v12, $0xF;
	(xrf0) =	vmin.scan.msk.u32 @p0 $0xffff, v9;
	v9 =	vsel vm15, $0xFF61B1E6, v59  }
0x3ab: {  	(xrf0) =	vmax.scan.msk.f32 $0xffff, v9;
	_ =	sdelay $0x2  }
0x3ac: {  	(v2sf) =	vpush @p1 v10, $0xF  }
0x3ad: {  	(v2sf) =	vpush @p0 v13, $0xF  }
0x3ae: {  	v11, _, _ =	vpop @p0 (xrf0)  }
0x3af: {  	v62, _, _ =	vpop (xrf0)  }
0x3b0: {  	v10 =	vbroadcast v62, $0xF  }
0x3b1: {  	(v2sf) =	vpush @p0 v11, $0xF  }
0x3b2: {  	v63 =	vxor.u32 $0x80000000, v61;
	(v2sf) =	vpush v62, $0xF;
	vm0 =	veq.f32 v9, v10  }
0x3b3: {  	v10 =	vnsel vm0, $0xC0000000, v63  }
0x3b4: {  	(xrf0) =	vmin.scan.msk.u32 $0xffff, v10;
	_ =	sdelay $0x2  }
0x3b5: {  	s2 =	spop @p1 (v2sf)  }
0x3b6: {  	p2 =	sgt.f32 @p1 s2, s4;
	_ =	sdelay $0x1  }
0x3b7: {  	p2 =	por !p2, !p1;
	v10, _, _ =	vpop (xrf0)  }
0x3b8: {  	s2 =	smov.u32 @p2 s4;
	s4 =	simm.f32 $-3.000000010e+38;
	s7 =	spop @p1 (v2sf);
	(v2sf) =	vpush v10, $0xF  }
0x3b9: {  	s4 =	smov.u32 @p1 s2;
	s8 =	spop @p0 (v2sf)  }
0x3ba: {  	p3 =	sgt.f32 @p0 s8, s4;
	_ =	sdelay $0x1  }
0x3bb: {  	p4 =	por !p3, !p0  }
0x3bc: {  	s8 =	smov.u32 @p4 s4;
	s2 =	spop @p0 (v2sf)  }
0x3bd: {  	s0 =	smov.u32 @p0 s8;
	s4 =	spop (v2sf)  }
0x3be: {  	s7 =	sxor.u32 @p1 $0x80000000, s7;
	p3 =	sgt.f32 s4, s0  }
0x3bf: {  	s7 =	smov.u32 @p2 s12  }
0x3c0: {  	p2 =	sgt.u32 s5, $0x12A;
	s8 =	simm.s32 $0x0;
	s0 =	smov.u32 @p3 s4  }
0x3c1: {  	s8 =	smov.u32 @p1 s7;
	s2 =	sxor.u32 @p0 $0x80000000, s2;
	p1 =	sgt.f32 @!p2 s0, $0.0e+00  }
0x3c2: {  	s2 =	smov.u32 @p4 s8;
	s4 =	simm.s32 $0x0  }
0x3c3: {  	s4 =	smov.u32 @p0 s2;
	p0 =	por p2, !p1  }
.Ltmp50:
0x3c4: {  	_ = 	snop;
	(pc) =	sbr.rel @!p0 .LBB2_75-.Ltmp50, $4  }
.Ltmp51:
0x3c5: {  	_ = 	snop;
	(pc) =	sbr.rel @p0 .LBB2_84-.Ltmp51, $4  }
0x3c6: {  	s28 =	spop (v2sf)  }
0x3c7: {  	s2 =	sxor.u32 $0x80000000, s28  }
0x3c8: {  	[tilespmem:s6+$0x0] =	vst v9;
	s5 =	sadd.s32 $0x1, s5;
	s4 =	smov.u32 @p3 s2  }
0x3c9: {  	_ = 	snop  }
.LBB2_76:
.Ltmp52:
0x3ca: {  	(pc) =	sbr.rel .LBB2_83-.Ltmp52, $4  }
0x3cb: {  	_ = 	snop  }
0x3cc: {  	s2 =	simm.s32 $0x10700;
	s21 =	simm.s32 $0x14480;
	s4 =	simm.f32 $-3.000000010e+38  }
0x3cd: {  	s15 =	simm.s32 $0xDE00;
	s28 =	simm.s32 $0x0;
	s26 =	simm.s32 $0x11B80  }
0x3ce: {  	s13 =	simm.s32 $0xF280;
	s14 =	simm.s32 $0x13000;
	s12 =	simm.s32 $0x0  }
.LBB2_78:
.Ltmp53:
0x3cf: {  	(pc) =	sbr.rel .LBB2_83-.Ltmp53, $4  }
0x3d0: {  	_ = 	snop  }
0x3d1: {  	s2 =	simm.s32 $0x10700;
	s21 =	simm.s32 $0x14480;
	s4 =	simm.f32 $-3.000000010e+38  }
0x3d2: {  	s15 =	simm.s32 $0xDE00;
	s28 =	simm.s32 $0x0;
	s26 =	simm.s32 $0x11B80  }
0x3d3: {  	s13 =	simm.s32 $0xF280;
	s14 =	simm.s32 $0x13000;
	s12 =	simm.s32 $0x0  }
.LBB2_80:
.Ltmp54:
0x3d4: {  	(pc) =	sbr.rel .LBB2_83-.Ltmp54, $3  }
0x3d5: {  	_ =	sdelay $0x1  }
0x3d6: {  	s21 =	simm.s32 $0x14480;
	s4 =	simm.f32 $-3.000000010e+38;
	s15 =	simm.s32 $0xDE00  }
0x3d7: {  	s28 =	simm.s32 $0x0;
	s12 =	simm.s32 $0x0;
	s30 =	simm.s32 $0x16100  }
.LBB2_57:
.Ltmp55:
0x3d8: {  	(pc) =	sbr.rel .LBB2_85-.Ltmp55, $2  }
0x3d9: {  	_ =	sdelay $0x2  }
0x3da: {  	s9 =	rddreg [dreg:$0xd]  }
.LBB2_84:
0x3db: {  	s5 =	smov.u32 @p2 s5  }
0x3dc: {  	s9 =	rddreg [dreg:$0xd];
	s31 =	smov.u32 s5  }
.LBB2_85:
.Ltmp56:
0x3dd: {  	(pc) =	sbr.rel @p5 .LBB2_92-.Ltmp56, $2  }
0x3de: {  	_ =	sdelay $0x2  }
0x3df: {  	s4 =	simm.s32 $0x0;
	s0 =	simm.s32 $0x0  }
0x3e0: {  	p1 =	sne.s32 s9, $0x1  }
.Ltmp57:
0x3e1: {  	_ = 	snop;
	(pc) =	sbr.rel @!p1 .LBB2_87-.Ltmp57, $3  }
0x3e2: {  	_ =	sdelay $0x1  }
0x3e3: {  	s2 =	simm.s32 $0xB500;
	s1 =	simm.s32 $0x8C00  }
0x3e4: {  	s0 =	simm.s32 $0xA080;
	p0 =	por $0x0, $0x0;
	v9 =	vld [tilespmem:s2+$0x0];
	s2 =	sadd.s32 $0xFFFFFFFF, s9  }
0x3e5: {  	_ =	sdelay $0x3  }
0x3e6: {  	vm0 =	veq.f32 v9, v3  }
0x3e7: {  	v9 =	vsel vm0, $0x1, v5  }
0x3e8: {  	v10 =	vld [tilespmem:s1+$0x0];
	(xrf0) =	vadd.scan.msk.s32 $0xffff, v9;
	_ =	sdelay $0x4  }
0x3e9: {  	[tilespmem:s4+$0xC980] =	vst.msk vm0, v10  }
0x3ea: {  	v9 =	vld [tilespmem:s0+$0x0];
	v10, _, _ =	vpop (xrf0)  }
0x3eb: {  	p1 =	sne.s32 s2, $0x1;
	(v2sf) =	vpush v10, $0xF  }
.Ltmp58:
0x3ec: {  	_ = 	snop;
	(pc) =	sbr.rel @!p1 .LBB2_89-.Ltmp58, $3  }
0x3ed: {  	_ =	sdelay $0x1  }
0x3ee: {  	s5 =	simm.s32 $0xB510;
	s6 =	sadd.s32 $0xFFFFFFFF, s2;
	s1 =	simm.s32 $0x8C10;
	[tilespmem:s4+$0xDE00] =	vst.msk vm0, v9  }
0x3ef: {  	p0 =	por $0x1, $0x1;
	s2 =	simm.s32 $0x0;
	s3 =	simm.s32 $0xA080;
	v9 =	vld [tilespmem:s5+$0x0]  }
.LBB2_90:
0x3f0: {  	p1 =	sne.s32 s6, $0x1;
	v10 =	vld [tilespmem:s1+$0x0];
	_ =	sdelay $0x3  }
0x3f1: {  	vm0 =	veq.f32 v9, v3  }
0x3f2: {  	v9 =	vsel vm0, $0x1, v5  }
0x3f3: {  	(xrf0) =	vadd.scan.msk.s32 $0xffff, v9;
	_ =	sdelay $0x2  }
0x3f4: {  	s7 =	spop (v2sf)  }
0x3f5: {  	s2 =	sadd.s32 s2, s7  }
0x3f6: {  	s3 =	sadd.s32 $0x10, s3;
	[tilespmem:s2+$0xC980] =	vst.msk vm0, v10  }
0x3f7: {  	v9 =	vld [tilespmem:s3+$0x0];
	v10, _, _ =	vpop (xrf0)  }
0x3f8: {  	(v2sf) =	vpush v10, $0xF  }
.Ltmp59:
0x3f9: {  	(pc) =	sbr.rel @p1 .LBB2_90-.Ltmp59, $3  }
0x3fa: {  	_ =	sdelay $0x1  }
0x3fb: {  	s5 =	sadd.s32 $0x10, s5;
	[tilespmem:s2+$0xDE00] =	vst.msk vm0, v9  }
0x3fc: {  	s6 =	sadd.s32 $0xFFFFFFFF, s6;
	s1 =	sadd.s32 $0x10, s1;
	v9 =	vld [tilespmem:s5+$0x0]  }
.LBB2_91:
0x3fd: {  	_ =	sdelay $0x3  }
0x3fe: {  	vm0 =	veq.f32 v9, v3  }
0x3ff: {  	v9 =	vsel vm0, $0x1, v5  }
0x400: {  	(xrf0) =	vadd.scan.msk.s32 $0xffff, v9;
	_ =	sdelay $0x5  }
0x401: {  	v9, _, _ =	vpop (xrf0)  }
0x402: {  	(v2sf) =	vpush v9, $0xF;
	_ =	sdelay $0x4  }
0x403: {  	v9 =	vld [tilespmem:s1+$0x0];
	_ =	sdelay $0x1  }
0x404: {  	s1 =	spop @p0 (v2sf)  }
0x405: {  	s1 =	sadd.s32 @p0 s2, s1;
	s2 =	simm.s32 $0x0  }
0x406: {  	s2 =	smov.u32 @p0 s1;
	s1 =	sadd.s32 @p0 $0x10, s3  }
0x407: {  	s0 =	smov.u32 @p0 s1;
	[tilespmem:s2+$0xC980] =	vst.msk vm0, v9  }
0x408: {  	v9 =	vld [tilespmem:s0+$0x0];
	_ =	sdelay $0x3  }
0x409: {  	s28 =	spop (v2sf)  }
0x40a: {  	[tilespmem:s2+$0xDE00] =	vst.msk vm0, v9;
	s0 =	sadd.s32 s2, s28  }
.LBB2_92:
0x40b: {  	s1 =	sadd.s32 $0xF, s0  }
0x40c: {  	s2 =	sand.u32 $0xF, s1  }
0x40d: {  	s28 =	sshra.s32 s1, $0x1F;
	p1 =	slt.s32 s1, $0x1;
	p0 =	sne.s32 s2, $0x0  }
0x40e: {  	s2 =	sshrl.u32 s28, $0x1C;
	p0 =	por !p1, !p0  }
0x40f: {  	s1 =	sadd.s32 s2, s1;
	s2 =	simm.s32 $0x1;
	p0 =	por !p0, !p0  }
0x410: {  	s1 =	sshra.s32 s1, $0x4;
	s2 =	simm.s32 @!p0 $0x0  }
0x411: {  	s1 =	ssub.s32 s1, s2  }
0x412: {  	p0 =	slt.s32 s1, $0x1  }
.Ltmp60:
0x413: {  	_ = 	snop;
	(pc) =	sbr.rel @p0 .LBB2_125-.Ltmp60, $3  }
0x414: {  	_ =	sdelay $0x1  }
0x415: {  	[tilespmem:s0+$0xC980] =	vst v5  }
0x416: {  	[tilespmem:s0+$0xDE00] =	vst v6  }
0x417: {  	s0 =	simm.s32 $0xC980  }
0x418: {  	s2 =	simm.s32 $0xF280;
	s3 =	simm.s32 $0x10700;
	s4 =	simm.s32 $0x11B80  }
0x419: {  	s5 =	simm.s32 $0x13000;
	s6 =	simm.s32 $0x14480;
	s7 =	smov.u32 s1  }
.LBB2_94:
0x41a: {  	v9 =	vld [tilespmem:s0+$0x0];
	_ =	sdelay $0x7  }
0x41b: {  	v10 =	vld.idx.msk [tilespmem:v9+s16+$0x0], $0xffff;
	_ =	sdelay $0x4  }
0x41c: {  	[tilespmem:s2+$0x0] =	vst v10  }
0x41d: {  	v10 =	vld.idx.msk [tilespmem:v9+s17+$0x0], $0xffff;
	_ =	sdelay $0x4  }
0x41e: {  	[tilespmem:s3+$0x0] =	vst v10  }
0x41f: {  	v10 =	vld.idx.msk [tilespmem:v9+s18+$0x0], $0xffff;
	_ =	sdelay $0x4  }
0x420: {  	[tilespmem:s4+$0x0] =	vst v10  }
0x421: {  	v10 =	vld.idx.msk [tilespmem:v9+s19+$0x0], $0xffff;
	_ =	sdelay $0x4  }
0x422: {  	[tilespmem:s5+$0x0] =	vst v10  }
0x423: {  	p0 =	seq.s32 s7, $0x1;
	v9 =	vld.idx.msk [tilespmem:v9+s20+$0x0], $0xffff  }
.Ltmp61:
0x424: {  	_ = 	snop;
	(pc) =	sbr.rel @!p0 .LBB2_94-.Ltmp61, $4  }
0x425: {  	_ = 	snop  }
0x426: {  	s0 =	sadd.s32 $0x10, s0  }
0x427: {  	s7 =	sadd.s32 $0xFFFFFFFF, s7;
	s2 =	sadd.s32 $0x10, s2;
	s3 =	sadd.s32 $0x10, s3  }
0x428: {  	s4 =	sadd.s32 $0x10, s4;
	s5 =	sadd.s32 $0x10, s5;
	[tilespmem:s6+$0x0] =	vst v9;
	s6 =	sadd.s32 $0x10, s6  }
0x429: {  	p4 =	seq.s32 s1, $0x1  }
.Ltmp62:
0x42a: {  	_ = 	snop;
	(pc) =	sbr.rel @p4 .LBB2_96-.Ltmp62, $4  }
0x42b: {  	s0 =	simm.f32 $-3.000000010e+38;
	p3 =	por $0x0, $0x0  }
0x42c: {  	s4 =	simm.s32 $0xDE00;
	s30 =	simm.s32 $0x0;
	s2 =	simm.s32 @!p3 $0x0  }
0x42d: {  	s3 =	sadd.s32 $0xFFFFFFFF, s1;
	p1 =	por $0x0, $0x0;
	s2 =	simm.s32 @p3 $0x1  }
0x42e: {  	p0 =	por $0x0, $0x0;
	p2 =	por $0x0, $0x0;
	[smem:$0x7E6] =	sst s2  }
0x42f: {  	p4 =	seq.s32 s3, $0x1  }
.Ltmp63:
0x430: {  	_ = 	snop;
	(pc) =	sbr.rel @p4 .LBB2_100-.Ltmp63, $2  }
0x431: {  	_ =	sdelay $0x2  }
0x432: {  	s2 =	sadd.s32 $0xFFFFFFFF, s3;
	v11 =	vld [tilespmem:s4+$0x0];
	p1 =	por $0x1, $0x1  }
0x433: {  	p4 =	seq.s32 s2, $0x1  }
.Ltmp64:
0x434: {  	_ = 	snop;
	(pc) =	sbr.rel @p4 .LBB2_102-.Ltmp64, $3  }
0x435: {  	_ =	sdelay $0x1  }
0x436: {  	s5 =	simm.s32 $0xDE10  }
0x437: {  	s2 =	sadd.s32 $0xFFFFFFFF, s2;
	p0 =	por $0x1, $0x1;
	v10 =	vld [tilespmem:s5+$0x0];
	(xrf0) =	vmax.scan.msk.f32 $0xffff, v11  }
0x438: {  	_ = 	snop  }
0x439: {  	p4 =	seq.s32 s2, $0x1  }
.Ltmp65:
0x43a: {  	_ = 	snop;
	(pc) =	sbr.rel @p4 .LBB2_104-.Ltmp65, $3  }
0x43b: {  	_ =	sdelay $0x1  }
0x43c: {  	s5 =	simm.s32 $0xDE20;
	v12, _, _ =	vpop (xrf0)  }
0x43d: {  	s2 =	sadd.s32 $0xFFFFFFFF, s2;
	p2 =	por $0x1, $0x1;
	v9 =	vld [tilespmem:s5+$0x0];
	(xrf0) =	vmax.scan.msk.f32 $0xffff, v10;
	v15 =	vbroadcast v12, $0xF;
	(v2sf) =	vpush v12, $0xF  }
0x43e: {  	_ = 	snop  }
0x43f: {  	p4 =	seq.s32 s2, $0x1;
	vm0 =	veq.f32 v11, v15;
	v11 =	vxor.u32 s30, v7  }
.Ltmp66:
0x440: {  	v11 =	vnsel vm0, $0xC0000000, v11;
	(pc) =	sbr.rel @p4 .LBB2_106-.Ltmp66, $4  }
0x441: {  	p3 =	por $0x1, $0x1  }
0x442: {  	s7 =	simm.s32 @!p3 $0x0  }
0x443: {  	s5 =	simm.s32 $0xDE30;
	s7 =	simm.s32 @p3 $0x1;
	(xrf0) =	vmin.scan.msk.u32 $0xffff, v11;
	v11, _, _ =	vpop (xrf0)  }
0x444: {  	s2 =	sadd.s32 $0xFFFFFFFF, s2;
	s6 =	simm.s32 $0x10;
	v12 =	vld [tilespmem:s5+$0x0];
	[smem:$0x7E6] =	sst s7;
	(xrf0) =	vmax.scan.msk.f32 $0xffff, v9;
	v15 =	vbroadcast v11, $0xF;
	(v2sf) =	vpush v11, $0xF  }
0x445: {  	_ = 	snop  }
0x446: {  	vm0 =	veq.f32 v10, v15;
	v10 =	vxor.u32 s6, v7  }
0x447: {  	v10 =	vnsel vm0, $0xC0000000, v10;
	_ =	sdelay $0x1  }
0x448: {  	v11, _, _ =	vpop (xrf0)  }
0x449: {  	(xrf0) =	vmin.scan.msk.u32 $0xffff, v10;
	v10, _, _ =	vpop (xrf0);
	(v2sf) =	vpush v11, $0xF  }
0x44a: {  	(v2sf) =	vpush v10, $0xF;
	_ =	sdelay $0x7  }
0x44b: {  	p4 =	seq.s32 s2, $0x1  }
.Ltmp67:
0x44c: {  	_ = 	snop;
	(pc) =	sbr.rel @p4 .LBB2_108-.Ltmp67, $3  }
0x44d: {  	_ =	sdelay $0x1  }
0x44e: {  	s5 =	simm.s32 $0xDE40  }
0x44f: {  	s2 =	sadd.s32 $0xFFFFFFFF, s2;
	s10 =	simm.s32 $0x20;
	v14 =	vld [tilespmem:s5+$0x0];
	(xrf0) =	vmax.scan.msk.f32 $0xffff, v12;
	v13 =	vbroadcast v10, $0xF  }
0x450: {  	_ =	sdelay $0x3  }
0x451: {  	v11, _, _ =	vpop (xrf0)  }
0x452: {  	(v2sf) =	vpush v11, $0xF;
	v15, _, _ =	vpop (xrf0)  }
0x453: {  	(v2sf) =	vpush v15, $0xF  }
0x454: {  	p4 =	por $0x1, $0x1  }
0x455: {  	s5 =	simm.s32 @!p4 $0x0  }
0x456: {  	v10 =	vxor.u32 s10, v7;
	s7 =	spop (v2sf);
	p5 =	por $0x1, $0x1;
	vm0 =	veq.f32 v9, v13;
	s5 =	simm.s32 @p4 $0x1  }
0x457: {  	p4 =	seq.s32 s2, $0x1;
	v10 =	vnsel vm0, $0xC0000000, v10;
	[smem:$0x7E5] =	sst s5;
	s5 =	simm.s32 $0xDE50  }
.Ltmp68:
0x458: {  	p3 =	sgt.f32 s7, s0;
	s8 =	simm.s32 @!p5 $0x0;
	(xrf0) =	vmin.scan.msk.u32 $0xffff, v10;
	v10 =	vld [tilespmem:s5+$0x0];
	(pc) =	sbr.rel @p4 .LBB2_110-.Ltmp68, $4  }
0x459: {  	s8 =	simm.s32 @p5 $0x1  }
0x45a: {  	[smem:$0x7E4] =	sst s8;
	s8 =	simm.s32 @!p3 $0x0  }
0x45b: {  	s12 =	simm.f32 $-3.000000010e+38;
	s2 =	sadd.s32 $0xFFFFFFFF, s2;
	s8 =	simm.s32 @p3 $0x1  }
0x45c: {  	s12 =	smov.u32 @p3 s7;
	s7 =	simm.s32 $0x30;
	(xrf0) =	vmax.scan.msk.f32 $0xffff, v14;
	[smem:$0x7E2] =	sst s8;
	v16 =	vbroadcast v15, $0xF  }
0x45d: {  	_ = 	snop  }
0x45e: {  	v11 =	vxor.u32 s7, v7;
	vm0 =	veq.f32 v12, v16  }
0x45f: {  	v11 =	vnsel vm0, $0xC0000000, v11;
	_ =	sdelay $0x1  }
0x460: {  	v15, _, _ =	vpop (xrf0)  }
0x461: {  	(v2sf) =	vpush v15, $0xF;
	(xrf0) =	vmin.scan.msk.u32 $0xffff, v11;
	v11, _, _ =	vpop (xrf0)  }
0x462: {  	(v2sf) =	vpush v11, $0xF;
	_ =	sdelay $0x3  }
0x463: {  	p4 =	seq.s32 s2, $0x1  }
.Ltmp69:
0x464: {  	s9 =	spop (v2sf);
	(pc) =	sbr.rel @p4 .LBB2_112-.Ltmp69, $4  }
0x465: {  	p5 =	por p3, p3;
	p3 =	por $0x1, $0x1;
	p6 =	sgt.f32 s9, s12  }
0x466: {  	s8 =	smov.u32 s12;
	s5 =	simm.s32 $0xDE60;
	s11 =	simm.s32 @!p3 $0x0;
	(xrf0) =	vmax.scan.msk.f32 $0xffff, v10  }
0x467: {  	s2 =	sadd.s32 $0xFFFFFFFF, s2;
	v18 =	vld [tilespmem:s5+$0x0];
	s11 =	simm.s32 @p3 $0x1;
	s8 =	smov.u32 @p6 s9;
	v15 =	vbroadcast v11, $0xF  }
0x468: {  	s9 =	simm.s32 $0x40;
	[smem:$0x7E3] =	sst s11;
	s11 =	simm.s32 $0x0;
	v11 =	vmov v14  }
.LBB2_113:
0x469: {  	p4 =	seq.s32 s2, $0x1;
	s2 =	sadd.s32 $0xFFFFFFFF, s2;
	vm0 =	veq.f32 v11, v15;
	v15 =	vxor.u32 s9, v7;
	s13 =	spop (v2sf);
	v11 =	vmov v10  }
.Ltmp70:
0x46a: {  	v15 =	vnsel vm0, $0xC0000000, v15;
	s14 =	spop (v2sf);
	s13 =	sxor.u32 $0x80000000, s13;
	(pc) =	sbr.rel @!p4 .LBB2_113-.Ltmp70, $4  }
0x46b: {  	(xrf0) =	vmin.scan.msk.u32 $0xffff, v15;
	v10, _, _ =	vpop (xrf0);
	s11 =	smov.u32 @p5 s13;
	p5 =	por p6, p6;
	p6 =	sgt.f32 s14, s8  }
0x46c: {  	s5 =	sadd.s32 $0x10, s5;
	(xrf0) =	vmax.scan.msk.f32 $0xffff, v18;
	v17, _, _ =	vpop (xrf0);
	(v2sf) =	vpush v10, $0xF;
	v10 =	vmov v18  }
0x46d: {  	v18 =	vld [tilespmem:s5+$0x0];
	v15 =	vbroadcast v17, $0xF;
	(v2sf) =	vpush v17, $0xF;
	s8 =	smov.u32 @p6 s14  }
0x46e: {  	s9 =	sadd.s32 $0x10, s9  }
0x46f: {  	_ =	sdelay $0x2  }
0x470: {  	v17 =	vmov v10;
	v10 =	vmov v18  }
.LBB2_115:
0x471: {  	s2 =	sld [smem:$0x7E6];
	_ =	sdelay $0x2  }
0x472: {  	p3 =	seq.s32 s2, $0x1  }
0x473: {  	s2 =	simm.s32 @!p3 $0x0  }
0x474: {  	s2 =	simm.s32 @p3 $0x1  }
0x475: {  	[smem:$0x7E6] =	sst s2;
	s2 =	sadd.s32 @p1 $0x10, s5  }
0x476: {  	s4 =	smov.u32 @p1 s2;
	s2 =	simm.s32 @!p1 $0x0  }
0x477: {  	s2 =	simm.s32 @p1 $0x1  }
0x478: {  	[smem:$0x7DC] =	sst s2  }
0x479: {  	vm0 =	veq.f32 @p2 v11, v15;
	v11 =	vxor.u32 @p2 s9, v7;
	s2 =	sadd.s32 @p2 $0x10, s9;
	s9 =	sld [smem:$0x7E5]  }
0x47a: {  	s5 =	sld [smem:$0x7E3];
	_ =	sdelay $0x1  }
0x47b: {  	p4 =	seq.s32 s9, $0x1  }
0x47c: {  	v18, _, _ =	vpop @p3 (xrf0);
	v20 =	vld [tilespmem:s4+$0x0];
	p3 =	seq.s32 s5, $0x1;
	s4 =	simm.s32 @!p4 $0x0  }
0x47d: {  	v11 =	vnsel @p2 vm0, $0xC0000000, v11;
	s7 =	smov.u32 @p2 s2;
	s2 =	spop @p3 (v2sf);
	s4 =	simm.s32 @p4 $0x1  }
0x47e: {  	v19, _, _ =	vpop @p0 (xrf0);
	(xrf0) =	vmin.scan.msk.u32 @p2 $0xffff, v11;
	[smem:$0x7E5] =	sst s4;
	s4 =	spop @p4 (v2sf)  }
0x47f: {  	(xrf0) =	vmax.scan.msk.f32 @p1 $0xffff, v10;
	p1 =	sgt.f32 @p4 s4, s8;
	_ =	sdelay $0x1  }
0x480: {  	s13 =	sld [smem:$0x7E6];
	s5 =	simm.s32 @!p1 $0x0  }
0x481: {  	s5 =	simm.s32 @p1 $0x1  }
0x482: {  	[smem:$0x7DF] =	sst s5  }
0x483: {  	p1 =	seq.s32 s13, $0x1;
	s15 =	sld [smem:$0x7DF]  }
0x484: {  	(v2sf) =	vpush @p1 v18, $0xF;
	p1 =	por !p5, !p3  }
0x485: {  	s5 =	simm.s32 @!p1 $0x0  }
0x486: {  	s5 =	simm.s32 @p1 $0x1;
	p1 =	seq.s32 s15, $0x1  }
0x487: {  	s26 =	sld [smem:$0x7E2];
	p4 =	por !p1, !p4  }
0x488: {  	[smem:$0x7DD] =	sst s5;
	s5 =	simm.s32 @!p4 $0x0  }
0x489: {  	s21 =	sld [smem:$0x7DD];
	s5 =	simm.s32 @p4 $0x1  }
0x48a: {  	[smem:$0x7DE] =	sst s5  }
0x48b: {  	s25 =	sld [smem:$0x7DE]  }
0x48c: {  	s2 =	sxor.u32 @p3 $0x80000000, s2;
	s28 =	sld [smem:$0x7E5];
	p4 =	seq.s32 s21, $0x1  }
0x48d: {  	v15 =	vbroadcast @p0 v19, $0xF;
	s14 =	sld [smem:$0x7DC];
	s2 =	smov.u32 @p4 s11;
	s5 =	simm.s32 $0x0  }
0x48e: {  	s5 =	smov.u32 @p3 s2;
	p3 =	seq.s32 s26, $0x1;
	p4 =	seq.s32 s25, $0x1  }
0x48f: {  	v11 =	vpsel p0, v17, v12;
	v12 =	vpsel p0, v15, v16;
	s4 =	smov.u32 @p4 s8;
	p4 =	seq.s32 s28, $0x1;
	s8 =	sld [smem:$0x7E4]  }
0x490: {  	vm0 =	veq.f32 @p0 v11, v12;
	v11 =	vxor.u32 @p0 s7, v7;
	p1 =	por @!p4 p3, p3  }
0x491: {  	v11 =	vnsel @p0 vm0, $0xC0000000, v11;
	s9 =	sld [smem:$0x7E6];
	p5 =	por p0, p0;
	s2 =	simm.s32 @!p1 $0x0  }
0x492: {  	(xrf0) =	vmin.scan.msk.u32 @p0 $0xffff, v11;
	(v2sf) =	vpush @p0 v19, $0xF;
	p0 =	seq.s32 s14, $0x1;
	s2 =	simm.s32 @p1 $0x1;
	p1 =	seq.s32 s8, $0x1  }
0x493: {  	[smem:$0x7DF] =	sst s2;
	s2 =	simm.s32 @!p1 $0x0;
	p6 =	por @p1 p6, p6  }
0x494: {  	s2 =	simm.s32 @p1 $0x1;
	p6 =	por @!p1 p0, p0  }
0x495: {  	[smem:$0x7E4] =	sst s2;
	s2 =	spop @p1 (v2sf);
	p1 =	seq.s32 s9, $0x1  }
0x496: {  	s12 =	smov.u32 @p4 s4;
	s4 =	spop @p1 (v2sf)  }
0x497: {  	p3 =	sgt.f32 @p1 s4, s12  }
0x498: {  	s7 =	sadd.s32 @p5 $0x10, s7  }
0x499: {  	s10 =	smov.u32 @p5 s7;
	s7 =	simm.s32 @!p3 $0x0  }
0x49a: {  	s11 =	sld [smem:$0x7E4];
	s7 =	simm.s32 @p3 $0x1  }
0x49b: {  	[smem:$0x7E0] =	sst s7  }
0x49c: {  	s13 =	sld [smem:$0x7E0]  }
0x49d: {  	(xrf0) =	vmax.scan.msk.f32 $0xffff, v20;
	p3 =	seq.s32 s11, $0x1  }
0x49e: {  	s2 =	sxor.u32 @p3 $0x80000000, s2;
	p6 =	por !p6, !p3  }
0x49f: {  	v11, _, _ =	vpop @p2 (xrf0);
	s7 =	sadd.s32 @p0 $0x10, s10;
	s2 =	smov.u32 @p6 s5;
	p6 =	seq.s32 s13, $0x1  }
0x4a0: {  	v12, _, _ =	vpop @p0 (xrf0);
	s6 =	smov.u32 @p0 s7;
	p3 =	por !p6, !p1  }
0x4a1: {  	v10 =	vpsel p0, v10, v14;
	v14 =	vbroadcast @p0 v12, $0xF;
	s5 =	simm.f32 $-3.000000010e+38;
	s7 =	spop @p4 (v2sf);
	s4 =	smov.u32 @p3 s12  }
0x4a2: {  	(v2sf) =	vpush @p2 v11, $0xF;
	v11, _, _ =	vpop @p5 (xrf0);
	s5 =	smov.u32 @p1 s4;
	s4 =	spop @p2 (v2sf)  }
0x4a3: {  	v9 =	vpsel p0, v10, v9;
	v10 =	vpsel p0, v14, v13;
	v63, _, _ =	vpop (xrf0);
	p6 =	sgt.f32 @p2 s4, s5  }
0x4a4: {  	vm0 =	veq.f32 @p0 v9, v10;
	v9 =	vxor.u32 @p0 s10, v7;
	s14 =	sld [smem:$0x7DF];
	v10 =	vbroadcast v63, $0xF  }
0x4a5: {  	v9 =	vnsel @p0 vm0, $0xC0000000, v9;
	(v2sf) =	vpush @p0 v12, $0xF;
	s15 =	sld [smem:$0x7E4];
	s8 =	simm.s32 @!p6 $0x0  }
0x4a6: {  	(xrf0) =	vmin.scan.msk.u32 @p0 $0xffff, v9;
	vm15 =	veq.f32 v20, v10;
	s25 =	sld [smem:$0x7E0];
	v9 =	vxor.u32 s6, v7;
	s8 =	simm.s32 @p6 $0x1  }
0x4a7: {  	v9 =	vnsel vm15, $0xC0000000, v9;
	p3 =	seq.s32 s14, $0x1;
	[smem:$0x7E1] =	sst s8  }
0x4a8: {  	(xrf0) =	vmin.scan.msk.u32 $0xffff, v9;
	p3 =	por @p4 p3, p3;
	s21 =	sld [smem:$0x7E1]  }
0x4a9: {  	s6 =	simm.s32 $0x0;
	p3 =	por @!p4 p0, p0;
	p6 =	seq.s32 s15, $0x1  }
0x4aa: {  	(v2sf) =	vpush @p5 v11, $0xF;
	p3 =	por !p3, !p4;
	s6 =	smov.u32 @p6 s2;
	s2 =	sxor.u32 @p4 $0x80000000, s7  }
0x4ab: {  	s7 =	simm.s32 $0x0;
	s2 =	smov.u32 @p3 s6;
	p6 =	seq.s32 s21, $0x1  }
0x4ac: {  	v9, _, _ =	vpop @p0 (xrf0);
	(v2sf) =	vpush v63, $0xF;
	p3 =	seq.s32 s25, $0x1;
	s6 =	spop @p1 (v2sf);
	p6 =	por !p6, !p2  }
0x4ad: {  	(v2sf) =	vpush @p0 v9, $0xF;
	p3 =	por @!p1 p0, p0;
	s4 =	smov.u32 @p6 s5;
	s5 =	simm.f32 $-3.000000010e+38  }
0x4ae: {  	v9, _, _ =	vpop (xrf0);
	p3 =	por @p1 p3, p3;
	s5 =	smov.u32 @p2 s4;
	s4 =	spop @p5 (v2sf)  }
0x4af: {  	s26 =	sld [smem:$0x7E1];
	p3 =	por @!p1 p0, p0;
	(v2sf) =	vpush v9, $0xF;
	p6 =	sgt.f32 @p5 s4, s5  }
0x4b0: {  	s7 =	smov.u32 @p4 s2;
	s2 =	sxor.u32 @p1 $0x80000000, s6;
	p3 =	por !p3, !p1  }
0x4b1: {  	s6 =	simm.s32 $0x0;
	s2 =	smov.u32 @p3 s7;
	p3 =	por !p6, !p5  }
0x4b2: {  	s4 =	smov.u32 @p3 s5;
	p3 =	seq.s32 s26, $0x1;
	s5 =	simm.f32 $-3.000000010e+38  }
0x4b3: {  	p3 =	por @!p2 p0, p0;
	s5 =	smov.u32 @p5 s4;
	s4 =	spop @p2 (v2sf)  }
0x4b4: {  	s6 =	smov.u32 @p1 s2;
	p4 =	por @p2 p3, p3;
	s7 =	spop @p0 (v2sf)  }
0x4b5: {  	p6 =	por @!p5 p0, p0;
	p4 =	por @!p2 p0, p0;
	p3 =	sgt.f32 @p0 s7, s5  }
0x4b6: {  	s2 =	sxor.u32 @p2 $0x80000000, s4;
	s4 =	simm.s32 $0x0;
	p4 =	por !p4, !p2  }
0x4b7: {  	s2 =	smov.u32 @p4 s6;
	p4 =	por !p3, !p0;
	p3 =	por @!p0 p0, p0  }
0x4b8: {  	s7 =	smov.u32 @p4 s5;
	s4 =	smov.u32 @p2 s2;
	p2 =	por @p5 p6, p6  }
0x4b9: {  	s2 =	spop @p5 (v2sf);
	s5 =	simm.s32 $0x0;
	p2 =	por @!p5 p0, p0  }
0x4ba: {  	s2 =	sxor.u32 @p5 $0x80000000, s2;
	s0 =	smov.u32 @p0 s7;
	p2 =	por !p2, !p5  }
0x4bb: {  	s2 =	smov.u32 @p2 s4;
	p2 =	por @p0 p3, p3;
	s4 =	spop (v2sf)  }
0x4bc: {  	p2 =	por @!p0 p0, p0;
	s5 =	smov.u32 @p5 s2;
	s2 =	spop @p0 (v2sf)  }
0x4bd: {  	p1 =	sgt.f32 s4, s0;
	s2 =	sxor.u32 @p0 $0x80000000, s2;
	p2 =	por !p2, !p0  }
0x4be: {  	s28 =	spop (v2sf);
	s2 =	smov.u32 @p2 s5  }
0x4bf: {  	s30 =	smov.u32 @p0 s2;
	p0 =	por p1, p1;
	s2 =	sxor.u32 $0x80000000, s28  }
0x4c0: {  	s0 =	smov.u32 @p1 s4;
	s30 =	smov.u32 @p0 s2  }
0x4c1: {  	p0 =	sgt.f32 s0, $0.0e+00  }
.Ltmp71:
0x4c2: {  	_ = 	snop;
	(pc) =	sbr.rel @!p0 .LBB2_98-.Ltmp71, $2  }
0x4c3: {  	_ =	sdelay $0x2  }
0x4c4: {  	s4 =	simm.s32 $0x0;
	s5 =	simm.s32 $0x0  }
.LBB2_116:
0x4c5: {  	s2 =	sadd.s32 $0x260, s5  }
0x4c6: {  	v9 =	vld.msk [tilespmem:s30+$0xC980 ss:$0x0], $0xffff;
	v15 =	vmov s2  }
0x4c7: {  	v13 =	vld.msk [tilespmem:s30+$0x11B80 ss:$0x0], $0xffff;
	p2 =	sne.s32 s1, $0x1  }
.Ltmp72:
0x4c8: {  	v11 =	vld.msk [tilespmem:s30+$0xF280 ss:$0x0], $0xffff;
	(pc) =	sbr.rel @!p2 .LBB2_117-.Ltmp72, $4  }
0x4c9: {  	v12 =	vld.msk [tilespmem:s30+$0x13000 ss:$0x0], $0xffff  }
0x4ca: {  	v16 =	vmov s0;
	v14 =	vld.msk [tilespmem:s30+$0x10700 ss:$0x0], $0xffff;
	s0 =	simm.f32 $-3.000000010e+38;
	s12 =	simm.s32 $0x11B80;
	s11 =	simm.s32 $0xF280  }
0x4cb: {  	v10 =	vld.msk [tilespmem:s30+$0x14480 ss:$0x0], $0xffff;
	s10 =	simm.s32 $0x13000;
	s9 =	simm.s32 $0x10700;
	s8 =	simm.s32 $0x14480;
	[tilespmem:v15+s22+$0x0] =	vst.idx.msk $0x1, v9  }
0x4cc: {  	s6 =	simm.s32 $0xDE00;
	p0 =	por $0x0, $0x0;
	p1 =	por $0x0, $0x0;
	v9 =	vmov s30;
	[tilespmem:v15+s23+$0x0] =	vst.idx.msk $0x1, v16  }
0x4cd: {  	p2 =	sne.s32 s3, $0x1  }
.Ltmp73:
0x4ce: {  	_ = 	snop;
	(pc) =	sbr.rel @!p2 .LBB2_119-.Ltmp73, $4  }
0x4cf: {  	_ = 	snop  }
0x4d0: {  	v17 =	vld [tilespmem:s12+$0x0]  }
0x4d1: {  	v18 =	vld [tilespmem:s11+$0x0]  }
0x4d2: {  	s2 =	sadd.s32 $0xFFFFFFFF, s3;
	v19 =	vld [tilespmem:s10+$0x0];
	p0 =	por $0x1, $0x1  }
0x4d3: {  	v15 =	vld [tilespmem:s9+$0x0];
	_ =	sdelay $0x3  }
0x4d4: {  	v16 =	vmin.f32 v17, v13;
	v17 =	vld [tilespmem:s8+$0x0]  }
0x4d5: {  	v18 =	vmax.f32 v18, v11;
	v19 =	vmin.f32 v19, v12;
	v15 =	vmax.f32 v15, v14  }
0x4d6: {  	v16 =	vsub.f32 v16, v18;
	v15 =	vsub.f32 v19, v15;
	_ =	sdelay $0x1  }
0x4d7: {  	v16 =	vmax.f32 v16, $0.0e+00;
	v15 =	vmax.f32 v15, $0.0e+00  }
0x4d8: {  	v15 =	vmul.f32 v15, v16;
	v16 =	vadd.f32 v17, v10;
	_ =	sdelay $0x1  }
0x4d9: {  	v16 =	vsub.f32 v16, v15;
	_ =	sdelay $0x1  }
0x4da: {  	v16 =	vadd.f32 $9.999999710e-10, v16;
	_ =	sdelay $0x1  }
0x4db: {  	(erf) = vrcp.f32 v16;
	_ =	sdelay $0x8  }
0x4dc: {  	v16 =	vld [tilespmem:s6+$0x0];
	v17 =	vpop (erf)  }
0x4dd: {  	v15 =	vmul.f32 v17, v15  }
0x4de: {  	v19 =	vor.u32 s4, v4  }
0x4df: {  	vm1 =	veq.s32 v19, v9;
	vm0 =	vgt.f32 v15, $6.000000240e-01  }
0x4e0: {  	p2 =	sne.s32 s2, $0x1;
	vm0 =	vmor vm1, vm0  }
.Ltmp74:
0x4e1: {  	v15 =	vsel vm0, $0xFF61B1E6, v16;
	(pc) =	sbr.rel @!p2 .LBB2_121-.Ltmp74, $4  }
0x4e2: {  	s26 =	simm.s32 $0x11B90;
	s13 =	simm.s32 $0xF290;
	[tilespmem:s6+$0x0] =	vst v15;
	(xrf0) =	vmax.scan.msk.f32 $0xffff, v15  }
0x4e3: {  	s14 =	simm.s32 $0x13010;
	s25 =	sadd.s32 $0xFFFFFFFF, s2;
	s2 =	simm.s32 $0x10710;
	v17 =	vld [tilespmem:s26+$0x0]  }
0x4e4: {  	p1 =	por $0x1, $0x1;
	s21 =	simm.s32 $0x14480;
	s7 =	simm.f32 $-3.000000010e+38;
	v18 =	vld [tilespmem:s13+$0x0]  }
0x4e5: {  	s15 =	simm.s32 $0xDE00;
	s28 =	simm.s32 $0x0;
	s30 =	simm.s32 $0x0;
	v16 =	vxor.u32 $0x80000000, v19;
	v19 =	vld [tilespmem:s14+$0x0]  }
.LBB2_122:
0x4e6: {  	p2 =	sne.s32 s25, $0x1;
	v20 =	vld [tilespmem:s2+$0x0];
	_ =	sdelay $0x1  }
0x4e7: {  	v21, _, _ =	vpop (xrf0)  }
0x4e8: {  	s21 =	sadd.s32 $0x10, s21;
	v22 =	vbroadcast v21, $0xF;
	(v2sf) =	vpush v21, $0xF  }
0x4e9: {  	v17 =	vmin.f32 v17, v13;
	v21 =	vld [tilespmem:s21+$0x0]  }
0x4ea: {  	v18 =	vmax.f32 v18, v11;
	v19 =	vmin.f32 v19, v12;
	v20 =	vmax.f32 v20, v14  }
0x4eb: {  	v17 =	vsub.f32 v17, v18;
	vm0 =	veq.f32 v15, v22;
	v18 =	vsub.f32 v19, v20  }
0x4ec: {  	v15 =	vnsel vm0, $0xC0000000, v16  }
0x4ed: {  	v16 =	vmax.f32 v17, $0.0e+00;
	v17 =	vmax.f32 v18, $0.0e+00;
	(xrf0) =	vmin.scan.msk.u32 $0xffff, v15  }
0x4ee: {  	v15 =	vmul.f32 v17, v16;
	v16 =	vadd.f32 v21, v10;
	_ =	sdelay $0x1  }
0x4ef: {  	v16 =	vsub.f32 v16, v15;
	_ =	sdelay $0x1  }
0x4f0: {  	v16 =	vadd.f32 $9.999999710e-10, v16  }
0x4f1: {  	v17, _, _ =	vpop (xrf0)  }
0x4f2: {  	(erf) = vrcp.f32 v16;
	(v2sf) =	vpush v17, $0xF;
	_ =	sdelay $0x2  }
0x4f3: {  	s24 =	spop (v2sf)  }
0x4f4: {  	p3 =	sgt.f32 s24, s7;
	_ =	sdelay $0x1  }
0x4f5: {  	s7 =	smov.u32 @p3 s24;
	_ =	sdelay $0x1  }
0x4f6: {  	s15 =	sadd.s32 $0x10, s15  }
0x4f7: {  	v17 =	vld [tilespmem:s15+$0x0];
	v16 =	vpop (erf)  }
0x4f8: {  	s28 =	sadd.s32 $0x10, s28;
	v15 =	vmul.f32 v16, v15  }
0x4f9: {  	v16 =	vor.u32 s28, v4  }
0x4fa: {  	vm1 =	veq.s32 v16, v9;
	v16 =	vxor.u32 $0x80000000, v16;
	vm0 =	vgt.f32 v15, $6.000000240e-01  }
0x4fb: {  	vm0 =	vmor vm1, vm0  }
.Ltmp75:
0x4fc: {  	v15 =	vsel vm0, $0xFF61B1E6, v17;
	(pc) =	sbr.rel @p2 .LBB2_122-.Ltmp75, $4  }
0x4fd: {  	s26 =	sadd.s32 $0x10, s26;
	[tilespmem:s15+$0x0] =	vst v15;
	(xrf0) =	vmax.scan.msk.f32 $0xffff, v15;
	s24 =	spop (v2sf)  }
0x4fe: {  	s13 =	sadd.s32 $0x10, s13;
	v17 =	vld [tilespmem:s26+$0x0];
	s24 =	sxor.u32 $0x80000000, s24  }
0x4ff: {  	s14 =	sadd.s32 $0x10, s14;
	v18 =	vld [tilespmem:s13+$0x0];
	s30 =	smov.u32 @p3 s24  }
0x500: {  	s25 =	sadd.s32 $0xFFFFFFFF, s25;
	s2 =	sadd.s32 $0x10, s2;
	v19 =	vld [tilespmem:s14+$0x0]  }
.LBB2_123:
0x501: {  	v20 =	vld @p0 [tilespmem:s2+$0x0];
	_ =	sdelay $0x1  }
0x502: {  	s21 =	sadd.s32 @p1 $0x10, s21;
	s24 =	simm.s32 $0x14480  }
0x503: {  	s24 =	smov.u32 @p1 s21  }
0x504: {  	v17 =	vmin.f32 @p0 v17, v13;
	v21 =	vld @p0 [tilespmem:s24+$0x0]  }
0x505: {  	v18 =	vmax.f32 @p0 v18, v11;
	v19 =	vmin.f32 @p0 v19, v12;
	v20 =	vmax.f32 @p0 v20, v14  }
0x506: {  	v17 =	vsub.f32 @p0 v17, v18;
	v18 =	vsub.f32 @p0 v19, v20;
	_ =	sdelay $0x1  }
0x507: {  	v17 =	vmax.f32 @p0 v17, $0.0e+00;
	v18 =	vmax.f32 @p0 v18, $0.0e+00  }
0x508: {  	v17 =	vmul.f32 @p0 v18, v17;
	v18 =	vadd.f32 @p0 v21, v10;
	_ =	sdelay $0x1  }
0x509: {  	v18 =	vsub.f32 @p0 v18, v17;
	_ =	sdelay $0x1  }
0x50a: {  	v18 =	vadd.f32 @p0 $9.999999710e-10, v18;
	_ =	sdelay $0x1  }
0x50b: {  	(erf) = vrcp.f32 @p0 v18;
	_ =	sdelay $0x6  }
0x50c: {  	s15 =	sadd.s32 @p1 $0x10, s15;
	s21 =	simm.s32 $0xDE00  }
0x50d: {  	s21 =	smov.u32 @p1 s15  }
0x50e: {  	s25 =	simm.s32 $0x0;
	s15 =	sadd.s32 @p1 $0x10, s28;
	v18 =	vld @p0 [tilespmem:s21+$0x0];
	v19 =	vpop @p0 (erf)  }
0x50f: {  	s25 =	smov.u32 @p1 s15;
	v17 =	vmul.f32 @p0 v19, v17  }
0x510: {  	v19 =	vor.u32 @p0 s25, v4  }
0x511: {  	vm1 =	veq.s32 @p0 v19, v9;
	vm0 =	vgt.f32 @p0 v17, $6.000000240e-01  }
0x512: {  	vm0 =	vmor @p0 vm1, vm0  }
0x513: {  	s15 =	sadd.s32 @p0 $0x10, s26;
	v17 =	vsel @p0 vm0, $0xFF61B1E6, v18  }
0x514: {  	s13 =	sadd.s32 @p0 $0x10, s13;
	s12 =	smov.u32 @p0 s15;
	[tilespmem:s21+$0x0] =	vst @p0 v17  }
0x515: {  	s2 =	sadd.s32 @p0 $0x10, s2;
	s11 =	smov.u32 @p0 s13;
	v52 =	vld [tilespmem:s12+$0x0]  }
0x516: {  	s9 =	smov.u32 @p0 s2;
	s12 =	sadd.s32 @p0 $0x10, s14;
	v53 =	vld [tilespmem:s11+$0x0]  }
0x517: {  	v22 =	vld [tilespmem:s9+$0x0];
	s10 =	smov.u32 @p0 s12  }
0x518: {  	v54 =	vld [tilespmem:s10+$0x0];
	_ =	sdelay $0x1  }
0x519: {  	s2 =	sadd.s32 @p0 $0x10, s24  }
0x51a: {  	s8 =	smov.u32 @p0 s2  }
0x51b: {  	v56 =	vld [tilespmem:s8+$0x0];
	v55 =	vmin.f32 v52, v13  }
0x51c: {  	v11 =	vmax.f32 v53, v11;
	v58 =	vmax.f32 v22, v14;
	v57 =	vmin.f32 v54, v12  }
0x51d: {  	v11 =	vsub.f32 v55, v11;
	v12 =	vsub.f32 v57, v58;
	_ =	sdelay $0x1  }
0x51e: {  	v11 =	vmax.f32 v11, $0.0e+00;
	v12 =	vmax.f32 v12, $0.0e+00  }
0x51f: {  	v10 =	vadd.f32 v56, v10;
	v11 =	vmul.f32 v12, v11;
	_ =	sdelay $0x1  }
0x520: {  	v12, _, _ =	vpop @p1 (xrf0);
	v10 =	vsub.f32 v10, v11  }
0x521: {  	v13 =	vbroadcast @p1 v12, $0xF  }
0x522: {  	v10 =	vadd.f32 $9.999999710e-10, v10  }
0x523: {  	vm0 =	veq.f32 @p1 v15, v13  }
0x524: {  	v13 =	vnsel @p1 vm0, $0xC0000000, v16;
	(erf) = vrcp.f32 v10  }
0x525: {  	(xrf0) =	vmin.scan.msk.u32 @p1 $0xffff, v13  }
0x526: {  	(xrf0) =	vmax.scan.msk.f32 @p0 $0xffff, v17;
	_ =	sdelay $0x4  }
0x527: {  	s2 =	sadd.s32 @p0 $0x10, s21;
	v10, _, _ =	vpop @p1 (xrf0)  }
0x528: {  	s6 =	smov.u32 @p0 s2;
	s2 =	sadd.s32 @p0 $0x10, s25;
	s8 =	simm.s32 $0x0;
	v13, _, _ =	vpop @p0 (xrf0)  }
0x529: {  	v59 =	vld [tilespmem:s6+$0x0];
	s8 =	smov.u32 @p0 s2;
	v60 =	vpop (erf)  }
0x52a: {  	v61 =	vor.u32 s8, v4;
	v18 =	vbroadcast @p0 v13, $0xF;
	v11 =	vmul.f32 v60, v11  }
0x52b: {  	vm2 =	veq.s32 v61, v9;
	v15 =	vpsel p0, v17, v0;
	v16 =	vxor.u32 @p0 $0x80000000, v19  }
0x52c: {  	v16 =	vpsel p0, v16, v0;
	vm0 =	veq.f32 @p0 v15, v18;
	vm14 =	vgt.f32 v11, $6.000000240e-01  }
0x52d: {  	v9 =	vnsel @p0 vm0, $0xC0000000, v16;
	vm15 =	vmor vm2, vm14  }
0x52e: {  	(v2sf) =	vpush @p1 v12, $0xF;
	(xrf0) =	vmin.scan.msk.u32 @p0 $0xffff, v9;
	v9 =	vsel vm15, $0xFF61B1E6, v59  }
0x52f: {  	(xrf0) =	vmax.scan.msk.f32 $0xffff, v9;
	_ =	sdelay $0x2  }
0x530: {  	(v2sf) =	vpush @p1 v10, $0xF  }
0x531: {  	(v2sf) =	vpush @p0 v13, $0xF  }
0x532: {  	v11, _, _ =	vpop @p0 (xrf0)  }
0x533: {  	v62, _, _ =	vpop (xrf0)  }
0x534: {  	v10 =	vbroadcast v62, $0xF  }
0x535: {  	(v2sf) =	vpush @p0 v11, $0xF  }
0x536: {  	v63 =	vxor.u32 $0x80000000, v61;
	(v2sf) =	vpush v62, $0xF;
	vm0 =	veq.f32 v9, v10  }
0x537: {  	v10 =	vnsel vm0, $0xC0000000, v63  }
0x538: {  	(xrf0) =	vmin.scan.msk.u32 $0xffff, v10;
	_ =	sdelay $0x2  }
0x539: {  	s2 =	spop @p1 (v2sf)  }
0x53a: {  	p2 =	sgt.f32 @p1 s2, s7;
	_ =	sdelay $0x1  }
0x53b: {  	p2 =	por !p2, !p1;
	v10, _, _ =	vpop (xrf0)  }
0x53c: {  	s2 =	smov.u32 @p2 s7;
	s7 =	simm.f32 $-3.000000010e+38;
	s8 =	spop @p1 (v2sf);
	(v2sf) =	vpush v10, $0xF  }
0x53d: {  	s7 =	smov.u32 @p1 s2;
	s9 =	spop @p0 (v2sf)  }
0x53e: {  	p3 =	sgt.f32 @p0 s9, s7;
	_ =	sdelay $0x1  }
0x53f: {  	p4 =	por !p3, !p0  }
0x540: {  	s9 =	smov.u32 @p4 s7;
	s2 =	spop @p0 (v2sf)  }
0x541: {  	s0 =	smov.u32 @p0 s9;
	s7 =	spop (v2sf)  }
0x542: {  	s8 =	sxor.u32 @p1 $0x80000000, s8;
	p3 =	sgt.f32 s7, s0  }
0x543: {  	s8 =	smov.u32 @p2 s30  }
0x544: {  	p2 =	sgt.u32 s5, $0x12A;
	s9 =	simm.s32 $0x0;
	s0 =	smov.u32 @p3 s7  }
0x545: {  	s9 =	smov.u32 @p1 s8;
	s2 =	sxor.u32 @p0 $0x80000000, s2;
	p1 =	sgt.f32 @!p2 s0, $0.0e+00  }
0x546: {  	s30 =	simm.s32 $0x0;
	s2 =	smov.u32 @p4 s9  }
0x547: {  	s30 =	smov.u32 @p0 s2;
	p0 =	por p2, !p1  }
.Ltmp76:
0x548: {  	_ = 	snop;
	(pc) =	sbr.rel @!p0 .LBB2_116-.Ltmp76, $4  }
.Ltmp77:
0x549: {  	_ = 	snop;
	(pc) =	sbr.rel @p0 .LBB2_124-.Ltmp77, $4  }
0x54a: {  	s28 =	spop (v2sf)  }
0x54b: {  	s2 =	sxor.u32 $0x80000000, s28  }
0x54c: {  	s24 =	simm.s32 $0x16280;
	[tilespmem:s6+$0x0] =	vst v9;
	s5 =	sadd.s32 $0x1, s5;
	s30 =	smov.u32 @p3 s2  }
0x54d: {  	_ = 	snop  }
.LBB2_117:
.Ltmp78:
0x54e: {  	(pc) =	sbr.rel .LBB2_123-.Ltmp78, $4  }
0x54f: {  	_ = 	snop  }
0x550: {  	s2 =	simm.s32 $0x10700;
	s21 =	simm.s32 $0x14480;
	s7 =	simm.f32 $-3.000000010e+38  }
0x551: {  	s15 =	simm.s32 $0xDE00;
	s28 =	simm.s32 $0x0;
	s26 =	simm.s32 $0x11B80  }
0x552: {  	s13 =	simm.s32 $0xF280;
	s14 =	simm.s32 $0x13000;
	s30 =	simm.s32 $0x0  }
.LBB2_119:
.Ltmp79:
0x553: {  	(pc) =	sbr.rel .LBB2_123-.Ltmp79, $4  }
0x554: {  	_ = 	snop  }
0x555: {  	s2 =	simm.s32 $0x10700;
	s21 =	simm.s32 $0x14480;
	s7 =	simm.f32 $-3.000000010e+38  }
0x556: {  	s15 =	simm.s32 $0xDE00;
	s28 =	simm.s32 $0x0;
	s26 =	simm.s32 $0x11B80  }
0x557: {  	s13 =	simm.s32 $0xF280;
	s14 =	simm.s32 $0x13000;
	s30 =	simm.s32 $0x0  }
.LBB2_121:
.Ltmp80:
0x558: {  	(pc) =	sbr.rel .LBB2_123-.Ltmp80, $3  }
0x559: {  	_ =	sdelay $0x1  }
0x55a: {  	s21 =	simm.s32 $0x14480;
	s7 =	simm.f32 $-3.000000010e+38  }
0x55b: {  	s15 =	simm.s32 $0xDE00;
	s28 =	simm.s32 $0x0;
	s30 =	simm.s32 $0x0  }
.LBB2_98:
.Ltmp81:
0x55c: {  	(pc) =	sbr.rel .LBB2_125-.Ltmp81, $2  }
0x55d: {  	_ =	sdelay $0x2  }
0x55e: {  	s30 =	simm.s32 $0x16100  }
.LBB2_124:
0x55f: {  	s5 =	smov.u32 @p2 s5  }
0x560: {  	s30 =	simm.s32 $0x16100;
	s4 =	smov.u32 s5  }
.LBB2_125:
0x561: {  	v9 =	vld [tilespmem:$0x15900]  }
0x562: {  	v10 =	vld [tilespmem:$0x15A30];
	_ =	sdelay $0x2  }
0x563: {  	v11 =	vld [tilespmem:$0x15B60]  }
0x564: {  	(v2sf) =	vpush v9, $0x0  }
0x565: {  	(v2sf) =	vpush v10, $0x0;
	_ =	sdelay $0x2  }
0x566: {  	(v2sf) =	vpush v11, $0x0;
	_ =	sdelay $0xa  }
0x567: {  	s0 =	spop (v2sf)  }
0x568: {  	p0 =	seq.s32 s29, $0x0;
	p1 =	seq.s32 s31, $0x0;
	s1 =	spop (v2sf)  }
0x569: {  	s0 =	simm.s32 @p0 $0xFF61B1E6;
	s1 =	simm.s32 @p1 $0xFF61B1E6  }
0x56a: {  	p0 =	sgt.f32 s1, s0  }
0x56b: {  	p1 =	seq.s32 s4, $0x0;
	s2 =	spop (v2sf);
	s7 =	smov.u32 s0  }
0x56c: {  	s2 =	simm.s32 @p1 $0xFF61B1E6;
	s7 =	smov.u32 @p0 s1  }
0x56d: {  	p1 =	sgt.f32 s2, s7;
	_ =	sdelay $0x1  }
0x56e: {  	s7 =	smov.u32 @p1 s2  }
0x56f: {  	p2 =	sgt.f32 s7, $0.0e+00  }
.Ltmp82:
0x570: {  	_ = 	snop;
	(pc) =	sbr.rel @!p2 .LBB2_129-.Ltmp82, $2  }
0x571: {  	_ =	sdelay $0x2  }
0x572: {  	s9 =	simm.s32 $0x0;
	s3 =	rddreg [dreg:$0xc]  }
0x573: {  	s8 =	simm.s32 $0x1  }
0x574: {  	s3 =	simm.s32 $0x0;
	s5 =	simm.s32 $0x0;
	s8 =	simm.s32 @!p0 $0x0  }
0x575: {  	s6 =	simm.s32 $0x0;
	s9 =	simm.s32 $0x0;
	s8 =	simm.s32 @p1 $0x2  }
.LBB2_127:
0x576: {  	p0 =	seq.s32 s8, $0x1;
	s10 =	smov.u32 s3  }
0x577: {  	p1 =	seq.s32 s8, $0x2;
	s11 =	smul.u32 $0x130, s8;
	s10 =	smov.u32 @p0 s6  }
0x578: {  	s10 =	smov.u32 @p1 s5  }
0x579: {  	s12 =	sadd.s32 s10, s11  }
0x57a: {  	v9 =	vmov s9;
	v10 =	vld.msk [tilespmem:s12+$0x15D00 ss:$0x0], $0xffff;
	_ =	sdelay $0x2  }
0x57b: {  	s10 =	sadd.s32 $0x1, s10  }
0x57c: {  	p2 =	slt.s32 s10, $0x12B;
	s12 =	smov.u32 s10  }
0x57d: {  	s12 =	simm.s32 @!p2 $0x12B;
	[tilespmem:v9+s24+$0x0] =	vst.idx.msk $0x1, v10;
	v10 =	vmov s7  }
0x57e: {  	s28 =	sadd.s32 s12, s11;
	[tilespmem:v9+s30+$0x0] =	vst.idx.msk $0x1, v10  }
0x57f: {  	v9 =	vld [tilespmem:s28+$0x15900];
	_ =	sdelay $0x4  }
0x580: {  	(v2sf) =	vpush v9, $0x0;
	_ =	sdelay $0xb  }
0x581: {  	s7 =	smov.u32 s29  }
0x582: {  	s7 =	smov.u32 @p0 s31  }
0x583: {  	s7 =	smov.u32 @p1 s4  }
0x584: {  	p2 =	slt.s32 s10, s7;
	s11 =	spop (v2sf)  }
0x585: {  	p3 =	seq.s32 s8, $0x0;
	s11 =	simm.s32 @!p2 $0xFF61B1E6  }
0x586: {  	s0 =	smov.u32 @p3 s11;
	s1 =	smov.u32 @p0 s11  }
0x587: {  	p4 =	sgt.f32 s1, s0  }
0x588: {  	s7 =	smov.u32 s0  }
0x589: {  	s2 =	smov.u32 @p1 s11;
	s7 =	smov.u32 @p4 s1  }
0x58a: {  	p5 =	sgt.f32 s2, s7;
	_ =	sdelay $0x1  }
0x58b: {  	p2 =	sgt.u32 s9, $0x12A;
	s7 =	smov.u32 @p5 s2  }
0x58c: {  	p6 =	sgt.f32 @!p2 s7, $0.0e+00;
	_ =	sdelay $0x1  }
0x58d: {  	s6 =	smov.u32 @p0 s10;
	p0 =	por p2, !p6  }
.Ltmp83:
0x58e: {  	_ = 	snop;
	(pc) =	sbr.rel @!p0 .LBB2_127-.Ltmp83, $4  }
0x58f: {  	_ = 	snop  }
0x590: {  	s8 =	simm.s32 $0x1  }
0x591: {  	s3 =	smov.u32 @p3 s10;
	s8 =	simm.s32 @!p4 $0x0  }
0x592: {  	s5 =	smov.u32 @p1 s10;
	s9 =	sadd.s32 $0x1, s9;
	s8 =	simm.s32 @p5 $0x2  }
.Ltmp84:
0x593: {  	(pc) =	sbr.rel .LBB2_129-.Ltmp84, $2  }
0x594: {  	_ =	sdelay $0x2  }
0x595: {  	s9 =	smov.u32 @p2 s9;
	s3 =	rddreg [dreg:$0xc]  }
.LBB2_6:
.Ltmp85:
0x596: {  	(pc) =	sbr.rel .LBB2_10-.Ltmp85, $2  }
0x597: {  	_ =	sdelay $0x2  }
0x598: {  	s3 =	simm.s32 $0x0;
	s4 =	simm.s32 $0xA080  }
.LBB2_15:
0x599: {  	p0 =	por $0x0, $0x0  }
0x59a: {  	s8 =	simm.s32 $0x0;
	s2 =	simm.s32 @!p0 $0x0  }
0x59b: {  	s7 =	simm.f32 $-3.000000010e+38;
	s2 =	simm.s32 @p0 $0x1;
	p0 =	por $0x0, $0x0  }
.Ltmp86:
0x59c: {  	[smem:$0x7F9] =	sst s2;
	s2 =	simm.s32 @!p0 $0x0;
	(pc) =	sbr.rel .LBB2_34-.Ltmp86, $4  }
0x59d: {  	s10 =	simm.s32 $0x0;
	s2 =	simm.s32 @p0 $0x1;
	p0 =	por $0x0, $0x0  }
0x59e: {  	s5 =	simm.s32 $0xDE00;
	[smem:$0x7FA] =	sst s2;
	s2 =	simm.s32 @!p0 $0x0  }
0x59f: {  	s31 =	simm.s32 $0x0;
	s11 =	simm.f32 $-3.000000010e+38;
	s2 =	simm.s32 @p0 $0x1  }
0x5a0: {  	s9 =	simm.s32 $0x0;
	s6 =	simm.s32 $0x0;
	[smem:$0x7FB] =	sst s2  }
.LBB2_46:
.Ltmp87:
0x5a1: {  	(pc) =	sbr.rel .LBB2_50-.Ltmp87, $2  }
0x5a2: {  	_ =	sdelay $0x2  }
0x5a3: {  	s2 =	simm.s32 $0x0;
	s3 =	simm.s32 $0xA080  }
.LBB2_55:
0x5a4: {  	p0 =	por $0x0, $0x0  }
0x5a5: {  	s9 =	simm.s32 $0x0;
	s2 =	simm.s32 @!p0 $0x0  }
0x5a6: {  	s8 =	simm.f32 $-3.000000010e+38;
	s2 =	simm.s32 @p0 $0x1;
	p0 =	por $0x0, $0x0  }
.Ltmp88:
0x5a7: {  	[smem:$0x7EE] =	sst s2;
	s2 =	simm.s32 @!p0 $0x0;
	(pc) =	sbr.rel .LBB2_74-.Ltmp88, $4  }
0x5a8: {  	s11 =	simm.s32 $0x0;
	s2 =	simm.s32 @p0 $0x1;
	p0 =	por $0x0, $0x0  }
0x5a9: {  	s5 =	simm.s32 $0xDE00;
	[smem:$0x7EF] =	sst s2;
	s2 =	simm.s32 @!p0 $0x0  }
0x5aa: {  	s7 =	simm.s32 $0x0;
	s12 =	simm.f32 $-3.000000010e+38;
	s2 =	simm.s32 @p0 $0x1  }
0x5ab: {  	s10 =	simm.s32 $0x0;
	s6 =	simm.s32 $0x0;
	[smem:$0x7F0] =	sst s2  }
.LBB2_87:
.Ltmp89:
0x5ac: {  	(pc) =	sbr.rel .LBB2_91-.Ltmp89, $2  }
0x5ad: {  	_ =	sdelay $0x2  }
0x5ae: {  	s2 =	simm.s32 $0x0;
	s3 =	simm.s32 $0xA080  }
.LBB2_96:
0x5af: {  	p3 =	por $0x0, $0x0  }
0x5b0: {  	p4 =	por $0x0, $0x0;
	s2 =	simm.s32 @!p3 $0x0  }
0x5b1: {  	s9 =	simm.s32 $0x0;
	s8 =	simm.f32 $-3.000000010e+38;
	s2 =	simm.s32 @p3 $0x1  }
.Ltmp90:
0x5b2: {  	[smem:$0x7E3] =	sst s2;
	s2 =	simm.s32 @!p4 $0x0;
	(pc) =	sbr.rel .LBB2_115-.Ltmp90, $4  }
0x5b3: {  	s11 =	simm.s32 $0x0;
	s2 =	simm.s32 @p4 $0x1;
	p4 =	por $0x0, $0x0  }
0x5b4: {  	s5 =	simm.s32 $0xDE00;
	[smem:$0x7E4] =	sst s2;
	s2 =	simm.s32 @!p4 $0x0  }
0x5b5: {  	s7 =	simm.s32 $0x0;
	s12 =	simm.f32 $-3.000000010e+38;
	s2 =	simm.s32 @p4 $0x1  }
0x5b6: {  	s10 =	simm.s32 $0x0;
	s6 =	simm.s32 $0x0;
	[smem:$0x7E5] =	sst s2  }
.LBB2_8:
.Ltmp91:
0x5b7: {  	(pc) =	sbr.rel .LBB2_10-.Ltmp91, $2  }
0x5b8: {  	_ =	sdelay $0x2  }
0x5b9: {  	s3 =	simm.s32 $0x0;
	s4 =	simm.s32 $0xA080  }
.LBB2_19:
0x5ba: {  	p0 =	por $0x0, $0x0  }
0x5bb: {  	s8 =	simm.s32 $0x0;
	s2 =	simm.s32 @!p0 $0x0  }
0x5bc: {  	s7 =	simm.f32 $-3.000000010e+38;
	s2 =	simm.s32 @p0 $0x1;
	p0 =	por $0x0, $0x0  }
.Ltmp92:
0x5bd: {  	[smem:$0x7F9] =	sst s2;
	s2 =	simm.s32 @!p0 $0x0;
	(pc) =	sbr.rel .LBB2_34-.Ltmp92, $4  }
0x5be: {  	s10 =	simm.s32 $0x0;
	s2 =	simm.s32 @p0 $0x1;
	p0 =	por $0x0, $0x0  }
0x5bf: {  	s5 =	simm.s32 $0xDE00;
	[smem:$0x7FA] =	sst s2;
	s2 =	simm.s32 @!p0 $0x0  }
0x5c0: {  	s31 =	simm.s32 $0x0;
	s11 =	simm.f32 $-3.000000010e+38;
	s2 =	simm.s32 @p0 $0x1  }
0x5c1: {  	s9 =	simm.s32 $0x0;
	s6 =	simm.s32 $0x0;
	v10 =	vmov v11;
	[smem:$0x7FB] =	sst s2  }
.LBB2_48:
.Ltmp93:
0x5c2: {  	(pc) =	sbr.rel .LBB2_50-.Ltmp93, $2  }
0x5c3: {  	_ =	sdelay $0x2  }
0x5c4: {  	s2 =	simm.s32 $0x0;
	s3 =	simm.s32 $0xA080  }
.LBB2_59:
0x5c5: {  	p0 =	por $0x0, $0x0  }
0x5c6: {  	s9 =	simm.s32 $0x0;
	s2 =	simm.s32 @!p0 $0x0  }
0x5c7: {  	s8 =	simm.f32 $-3.000000010e+38;
	s2 =	simm.s32 @p0 $0x1;
	p0 =	por $0x0, $0x0  }
.Ltmp94:
0x5c8: {  	[smem:$0x7EE] =	sst s2;
	s2 =	simm.s32 @!p0 $0x0;
	(pc) =	sbr.rel .LBB2_74-.Ltmp94, $4  }
0x5c9: {  	s11 =	simm.s32 $0x0;
	s2 =	simm.s32 @p0 $0x1;
	p0 =	por $0x0, $0x0  }
0x5ca: {  	s5 =	simm.s32 $0xDE00;
	[smem:$0x7EF] =	sst s2;
	s2 =	simm.s32 @!p0 $0x0  }
0x5cb: {  	s7 =	simm.s32 $0x0;
	s12 =	simm.f32 $-3.000000010e+38;
	s2 =	simm.s32 @p0 $0x1  }
0x5cc: {  	s10 =	simm.s32 $0x0;
	s6 =	simm.s32 $0x0;
	v10 =	vmov v11;
	[smem:$0x7F0] =	sst s2  }
.LBB2_89:
.Ltmp95:
0x5cd: {  	(pc) =	sbr.rel .LBB2_91-.Ltmp95, $2  }
0x5ce: {  	_ =	sdelay $0x2  }
0x5cf: {  	s2 =	simm.s32 $0x0;
	s3 =	simm.s32 $0xA080  }
.LBB2_100:
0x5d0: {  	p3 =	por $0x0, $0x0  }
0x5d1: {  	p4 =	por $0x0, $0x0;
	s2 =	simm.s32 @!p3 $0x0  }
0x5d2: {  	s9 =	simm.s32 $0x0;
	s8 =	simm.f32 $-3.000000010e+38;
	s2 =	simm.s32 @p3 $0x1  }
.Ltmp96:
0x5d3: {  	[smem:$0x7E3] =	sst s2;
	s2 =	simm.s32 @!p4 $0x0;
	(pc) =	sbr.rel .LBB2_115-.Ltmp96, $4  }
0x5d4: {  	s11 =	simm.s32 $0x0;
	s2 =	simm.s32 @p4 $0x1;
	p4 =	por $0x0, $0x0  }
0x5d5: {  	s5 =	simm.s32 $0xDE00;
	[smem:$0x7E4] =	sst s2;
	s2 =	simm.s32 @!p4 $0x0  }
0x5d6: {  	s7 =	simm.s32 $0x0;
	s12 =	simm.f32 $-3.000000010e+38;
	s2 =	simm.s32 @p4 $0x1  }
0x5d7: {  	s10 =	simm.s32 $0x0;
	s6 =	simm.s32 $0x0;
	v10 =	vmov v11;
	[smem:$0x7E5] =	sst s2  }
.LBB2_21:
0x5d8: {  	p0 =	por $0x0, $0x0  }
0x5d9: {  	s2 =	simm.s32 @!p0 $0x0  }
0x5da: {  	s8 =	simm.s32 $0x0;
	s2 =	simm.s32 @p0 $0x1;
	p0 =	por $0x0, $0x0  }
.Ltmp97:
0x5db: {  	[smem:$0x7F9] =	sst s2;
	s2 =	simm.s32 @!p0 $0x0;
	(pc) =	sbr.rel .LBB2_34-.Ltmp97, $4  }
0x5dc: {  	s7 =	simm.f32 $-3.000000010e+38;
	s2 =	simm.s32 @p0 $0x1;
	p0 =	por $0x0, $0x0  }
0x5dd: {  	s10 =	simm.s32 $0x0;
	[smem:$0x7FA] =	sst s2;
	s2 =	simm.s32 @!p0 $0x0  }
0x5de: {  	s31 =	simm.s32 $0x0;
	s11 =	simm.f32 $-3.000000010e+38;
	s2 =	simm.s32 @p0 $0x1  }
0x5df: {  	v17 =	vmov v11;
	s9 =	simm.s32 $0x0;
	s6 =	simm.s32 $0x0;
	[smem:$0x7FB] =	sst s2  }
.LBB2_61:
0x5e0: {  	p0 =	por $0x0, $0x0  }
0x5e1: {  	s2 =	simm.s32 @!p0 $0x0  }
0x5e2: {  	s9 =	simm.s32 $0x0;
	s2 =	simm.s32 @p0 $0x1;
	p0 =	por $0x0, $0x0  }
.Ltmp98:
0x5e3: {  	[smem:$0x7EE] =	sst s2;
	s2 =	simm.s32 @!p0 $0x0;
	(pc) =	sbr.rel .LBB2_74-.Ltmp98, $4  }
0x5e4: {  	s8 =	simm.f32 $-3.000000010e+38;
	s2 =	simm.s32 @p0 $0x1;
	p0 =	por $0x0, $0x0  }
0x5e5: {  	s11 =	simm.s32 $0x0;
	[smem:$0x7EF] =	sst s2;
	s2 =	simm.s32 @!p0 $0x0  }
0x5e6: {  	s7 =	simm.s32 $0x0;
	s12 =	simm.f32 $-3.000000010e+38;
	s2 =	simm.s32 @p0 $0x1  }
0x5e7: {  	v17 =	vmov v11;
	s10 =	simm.s32 $0x0;
	s6 =	simm.s32 $0x0;
	[smem:$0x7F0] =	sst s2  }
.LBB2_102:
0x5e8: {  	p3 =	por $0x0, $0x0  }
0x5e9: {  	s2 =	simm.s32 @!p3 $0x0  }
0x5ea: {  	p4 =	por $0x0, $0x0;
	s9 =	simm.s32 $0x0;
	s2 =	simm.s32 @p3 $0x1  }
.Ltmp99:
0x5eb: {  	[smem:$0x7E3] =	sst s2;
	s2 =	simm.s32 @!p4 $0x0;
	(pc) =	sbr.rel .LBB2_115-.Ltmp99, $4  }
0x5ec: {  	s8 =	simm.f32 $-3.000000010e+38;
	s2 =	simm.s32 @p4 $0x1;
	p4 =	por $0x0, $0x0  }
0x5ed: {  	s11 =	simm.s32 $0x0;
	[smem:$0x7E4] =	sst s2;
	s2 =	simm.s32 @!p4 $0x0  }
0x5ee: {  	s7 =	simm.s32 $0x0;
	s12 =	simm.f32 $-3.000000010e+38;
	s2 =	simm.s32 @p4 $0x1  }
0x5ef: {  	v17 =	vmov v11;
	s10 =	simm.s32 $0x0;
	s6 =	simm.s32 $0x0;
	[smem:$0x7E5] =	sst s2  }
.LBB2_23:
0x5f0: {  	p0 =	por $0x0, $0x0  }
0x5f1: {  	s2 =	simm.s32 @!p0 $0x0  }
0x5f2: {  	s8 =	simm.s32 $0x0;
	s2 =	simm.s32 @p0 $0x1;
	p0 =	por $0x0, $0x0  }
.Ltmp100:
0x5f3: {  	[smem:$0x7F9] =	sst s2;
	s2 =	simm.s32 @!p0 $0x0;
	(pc) =	sbr.rel .LBB2_34-.Ltmp100, $4  }
0x5f4: {  	s7 =	simm.f32 $-3.000000010e+38;
	s2 =	simm.s32 @p0 $0x1;
	p0 =	por $0x0, $0x0  }
0x5f5: {  	s10 =	simm.s32 $0x0;
	[smem:$0x7FA] =	sst s2;
	s2 =	simm.s32 @!p0 $0x0  }
0x5f6: {  	s31 =	simm.s32 $0x0;
	s11 =	simm.f32 $-3.000000010e+38;
	s2 =	simm.s32 @p0 $0x1  }
0x5f7: {  	v17 =	vmov v10;
	s9 =	simm.s32 $0x0;
	s6 =	simm.s32 $0x0;
	v10 =	vmov v9;
	[smem:$0x7FB] =	sst s2  }
.LBB2_63:
0x5f8: {  	p0 =	por $0x0, $0x0  }
0x5f9: {  	s2 =	simm.s32 @!p0 $0x0  }
0x5fa: {  	s9 =	simm.s32 $0x0;
	s2 =	simm.s32 @p0 $0x1;
	p0 =	por $0x0, $0x0  }
.Ltmp101:
0x5fb: {  	[smem:$0x7EE] =	sst s2;
	s2 =	simm.s32 @!p0 $0x0;
	(pc) =	sbr.rel .LBB2_74-.Ltmp101, $4  }
0x5fc: {  	s8 =	simm.f32 $-3.000000010e+38;
	s2 =	simm.s32 @p0 $0x1;
	p0 =	por $0x0, $0x0  }
0x5fd: {  	s11 =	simm.s32 $0x0;
	[smem:$0x7EF] =	sst s2;
	s2 =	simm.s32 @!p0 $0x0  }
0x5fe: {  	s7 =	simm.s32 $0x0;
	s12 =	simm.f32 $-3.000000010e+38;
	s2 =	simm.s32 @p0 $0x1  }
0x5ff: {  	v17 =	vmov v10;
	s10 =	simm.s32 $0x0;
	s6 =	simm.s32 $0x0;
	v10 =	vmov v9;
	[smem:$0x7F0] =	sst s2  }
.LBB2_104:
0x600: {  	p3 =	por $0x0, $0x0  }
0x601: {  	s2 =	simm.s32 @!p3 $0x0  }
0x602: {  	p4 =	por $0x0, $0x0;
	s9 =	simm.s32 $0x0;
	s2 =	simm.s32 @p3 $0x1  }
.Ltmp102:
0x603: {  	[smem:$0x7E3] =	sst s2;
	s2 =	simm.s32 @!p4 $0x0;
	(pc) =	sbr.rel .LBB2_115-.Ltmp102, $4  }
0x604: {  	s8 =	simm.f32 $-3.000000010e+38;
	s2 =	simm.s32 @p4 $0x1;
	p4 =	por $0x0, $0x0  }
0x605: {  	s11 =	simm.s32 $0x0;
	[smem:$0x7E4] =	sst s2;
	s2 =	simm.s32 @!p4 $0x0  }
0x606: {  	s7 =	simm.s32 $0x0;
	s12 =	simm.f32 $-3.000000010e+38;
	s2 =	simm.s32 @p4 $0x1  }
0x607: {  	v17 =	vmov v10;
	s10 =	simm.s32 $0x0;
	s6 =	simm.s32 $0x0;
	v10 =	vmov v9;
	[smem:$0x7E5] =	sst s2  }
.LBB2_25:
0x608: {  	p0 =	por $0x0, $0x0  }
0x609: {  	s2 =	simm.s32 @!p0 $0x0  }
0x60a: {  	s2 =	simm.s32 @p0 $0x1;
	p0 =	por $0x0, $0x0  }
.Ltmp103:
0x60b: {  	[smem:$0x7F9] =	sst s2;
	s2 =	simm.s32 @!p0 $0x0;
	(pc) =	sbr.rel .LBB2_34-.Ltmp103, $4  }
0x60c: {  	s8 =	simm.s32 $0x10;
	s2 =	simm.s32 @p0 $0x1;
	p0 =	por $0x0, $0x0  }
0x60d: {  	s7 =	simm.f32 $-3.000000010e+38;
	[smem:$0x7FA] =	sst s2;
	s2 =	simm.s32 @!p0 $0x0  }
0x60e: {  	s10 =	simm.s32 $0x0;
	s31 =	simm.s32 $0x0;
	s2 =	simm.s32 @p0 $0x1  }
0x60f: {  	v11 =	vmov v10;
	v17 =	vmov v9;
	s11 =	simm.f32 $-3.000000010e+38;
	s9 =	simm.s32 $0x0;
	v10 =	vmov v12;
	[smem:$0x7FB] =	sst s2  }
.LBB2_65:
0x610: {  	p0 =	por $0x0, $0x0  }
0x611: {  	s2 =	simm.s32 @!p0 $0x0  }
0x612: {  	s2 =	simm.s32 @p0 $0x1;
	p0 =	por $0x0, $0x0  }
.Ltmp104:
0x613: {  	[smem:$0x7EE] =	sst s2;
	s2 =	simm.s32 @!p0 $0x0;
	(pc) =	sbr.rel .LBB2_74-.Ltmp104, $4  }
0x614: {  	s9 =	simm.s32 $0x10;
	s2 =	simm.s32 @p0 $0x1;
	p0 =	por $0x0, $0x0  }
0x615: {  	s8 =	simm.f32 $-3.000000010e+38;
	[smem:$0x7EF] =	sst s2;
	s2 =	simm.s32 @!p0 $0x0  }
0x616: {  	s11 =	simm.s32 $0x0;
	s7 =	simm.s32 $0x0;
	s2 =	simm.s32 @p0 $0x1  }
0x617: {  	v11 =	vmov v10;
	v17 =	vmov v9;
	s12 =	simm.f32 $-3.000000010e+38;
	s10 =	simm.s32 $0x0;
	v10 =	vmov v12;
	[smem:$0x7F0] =	sst s2  }
.LBB2_106:
0x618: {  	p3 =	por $0x0, $0x0  }
0x619: {  	s2 =	simm.s32 @!p3 $0x0  }
0x61a: {  	p4 =	por $0x0, $0x0;
	s2 =	simm.s32 @p3 $0x1  }
.Ltmp105:
0x61b: {  	[smem:$0x7E3] =	sst s2;
	s2 =	simm.s32 @!p4 $0x0;
	(pc) =	sbr.rel .LBB2_115-.Ltmp105, $4  }
0x61c: {  	s9 =	simm.s32 $0x10;
	s2 =	simm.s32 @p4 $0x1;
	p4 =	por $0x0, $0x0  }
0x61d: {  	s8 =	simm.f32 $-3.000000010e+38;
	[smem:$0x7E4] =	sst s2;
	s2 =	simm.s32 @!p4 $0x0  }
0x61e: {  	s11 =	simm.s32 $0x0;
	s7 =	simm.s32 $0x0;
	s2 =	simm.s32 @p4 $0x1  }
0x61f: {  	v11 =	vmov v10;
	v17 =	vmov v9;
	s12 =	simm.f32 $-3.000000010e+38;
	s10 =	simm.s32 $0x0;
	v10 =	vmov v12;
	[smem:$0x7E5] =	sst s2  }
.LBB2_27:
0x620: {  	p0 =	por $0x0, $0x0  }
0x621: {  	s2 =	simm.s32 @!p0 $0x0  }
0x622: {  	s2 =	simm.s32 @p0 $0x1;
	p0 =	por $0x0, $0x0  }
.Ltmp106:
0x623: {  	[smem:$0x7F9] =	sst s2;
	s2 =	simm.s32 @!p0 $0x0;
	(pc) =	sbr.rel .LBB2_34-.Ltmp106, $4  }
0x624: {  	s2 =	simm.s32 @p0 $0x1;
	p0 =	por $0x1, $0x1  }
0x625: {  	s8 =	simm.s32 $0x20;
	[smem:$0x7FA] =	sst s2;
	s2 =	simm.s32 @!p0 $0x0  }
0x626: {  	s7 =	simm.f32 $-3.000000010e+38;
	s10 =	simm.s32 $0x0;
	s2 =	simm.s32 @p0 $0x1  }
0x627: {  	v17 =	vmovc v12;
	v11 =	vmov v9;
	s31 =	simm.s32 $0x0;
	s11 =	simm.f32 $-3.000000010e+38;
	v15 =	vmov v13;
	v10 =	vmov v14;
	[smem:$0x7FB] =	sst s2  }
.LBB2_67:
0x628: {  	p0 =	por $0x0, $0x0  }
0x629: {  	s2 =	simm.s32 @!p0 $0x0  }
0x62a: {  	s2 =	simm.s32 @p0 $0x1;
	p0 =	por $0x0, $0x0  }
.Ltmp107:
0x62b: {  	[smem:$0x7EE] =	sst s2;
	s2 =	simm.s32 @!p0 $0x0;
	(pc) =	sbr.rel .LBB2_74-.Ltmp107, $4  }
0x62c: {  	s2 =	simm.s32 @p0 $0x1;
	p0 =	por $0x1, $0x1  }
0x62d: {  	s9 =	simm.s32 $0x20;
	[smem:$0x7EF] =	sst s2;
	s2 =	simm.s32 @!p0 $0x0  }
0x62e: {  	s8 =	simm.f32 $-3.000000010e+38;
	s11 =	simm.s32 $0x0;
	s2 =	simm.s32 @p0 $0x1  }
0x62f: {  	v17 =	vmovc v12;
	v11 =	vmov v9;
	s7 =	simm.s32 $0x0;
	s12 =	simm.f32 $-3.000000010e+38;
	v15 =	vmov v13;
	v10 =	vmov v14;
	[smem:$0x7F0] =	sst s2  }
.LBB2_108:
0x630: {  	p3 =	por $0x0, $0x0  }
0x631: {  	s2 =	simm.s32 @!p3 $0x0  }
0x632: {  	p4 =	por $0x0, $0x0;
	s2 =	simm.s32 @p3 $0x1  }
.Ltmp108:
0x633: {  	[smem:$0x7E3] =	sst s2;
	s2 =	simm.s32 @!p4 $0x0;
	(pc) =	sbr.rel .LBB2_115-.Ltmp108, $4  }
0x634: {  	s2 =	simm.s32 @p4 $0x1;
	p4 =	por $0x1, $0x1  }
0x635: {  	s9 =	simm.s32 $0x20;
	[smem:$0x7E4] =	sst s2;
	s2 =	simm.s32 @!p4 $0x0  }
0x636: {  	s8 =	simm.f32 $-3.000000010e+38;
	s11 =	simm.s32 $0x0;
	s2 =	simm.s32 @p4 $0x1  }
0x637: {  	v17 =	vmovc v12;
	v11 =	vmov v9;
	s7 =	simm.s32 $0x0;
	s12 =	simm.f32 $-3.000000010e+38;
	v15 =	vmov v13;
	v10 =	vmov v14;
	[smem:$0x7E5] =	sst s2  }
.LBB2_29:
.Ltmp109:
0x638: {  	(pc) =	sbr.rel .LBB2_34-.Ltmp109, $4  }
0x639: {  	p0 =	por $0x0, $0x0  }
0x63a: {  	s2 =	simm.s32 @!p0 $0x0  }
0x63b: {  	s8 =	simm.s32 $0x30;
	s7 =	smov.u32 s11;
	s2 =	simm.s32 @p0 $0x1  }
0x63c: {  	v11 =	vmov v12;
	v17 =	vmov v14;
	s10 =	simm.s32 $0x0;
	v15 =	vmov v16;
	p0 =	por p4, p4;
	[smem:$0x7F9] =	sst s2  }
0x63d: {  	_ = 	snop  }
.LBB2_69:
.Ltmp110:
0x63e: {  	(pc) =	sbr.rel .LBB2_74-.Ltmp110, $4  }
0x63f: {  	p0 =	por $0x0, $0x0  }
0x640: {  	s2 =	simm.s32 @!p0 $0x0  }
0x641: {  	s9 =	simm.s32 $0x30;
	s8 =	smov.u32 s12;
	s2 =	simm.s32 @p0 $0x1  }
0x642: {  	v11 =	vmov v12;
	v17 =	vmov v14;
	s11 =	simm.s32 $0x0;
	v15 =	vmov v16;
	p0 =	por p4, p4;
	[smem:$0x7EE] =	sst s2  }
0x643: {  	_ = 	snop  }
.LBB2_110:
.Ltmp111:
0x644: {  	(pc) =	sbr.rel .LBB2_115-.Ltmp111, $4  }
0x645: {  	p6 =	por p3, p3;
	p3 =	por $0x0, $0x0  }
0x646: {  	s2 =	simm.s32 @!p3 $0x0  }
0x647: {  	s9 =	simm.s32 $0x30;
	s2 =	simm.s32 @p3 $0x1;
	_ =	sdelay $0x1  }
0x648: {  	v11 =	vmov v12;
	v17 =	vmov v14;
	s8 =	smov.u32 s12;
	s11 =	simm.s32 $0x0;
	v15 =	vmov v16;
	[smem:$0x7E3] =	sst s2  }
.LBB2_31:
.Ltmp112:
0x649: {  	(pc) =	sbr.rel .LBB2_34-.Ltmp112, $2  }
0x64a: {  	_ =	sdelay $0x2  }
0x64b: {  	v17 =	vmov v10;
	v11 =	vmov v14;
	s10 =	simm.s32 $0x0;
	v10 =	vmov v18  }
.LBB2_71:
.Ltmp113:
0x64c: {  	(pc) =	sbr.rel .LBB2_74-.Ltmp113, $2  }
0x64d: {  	_ =	sdelay $0x2  }
0x64e: {  	v17 =	vmov v10;
	v11 =	vmov v14;
	s11 =	simm.s32 $0x0;
	v10 =	vmov v18  }
.LBB2_112:
.Ltmp114:
0x64f: {  	(pc) =	sbr.rel .LBB2_115-.Ltmp114, $2  }
0x650: {  	_ =	sdelay $0x2  }
0x651: {  	v17 =	vmov v10;
	v11 =	vmov v14;
	s11 =	simm.s32 $0x0;
	v10 =	vmov v18  }
.LBB2_130:
0x652: {  	_ =	sfence.sel $0x180000  }
0x653: {  	[bflag:$0x0] =	sbarrier.arrive $0xFFFF  }
0x654: {  	_ =	strace $0x90000047  }
0x655: {  	s0 =	stileid.u32;
	[bflag:$0x2] =	sbarrier.arrive $0xFFFF  }
0x656: {  	p0 =	sne.s32 s0, $0x0;
	s0 =	rddreg [dreg:$0x1]  }
0x657: {  	s0 =	sadd.s32 @!p0 $0x100000, s0  }
0x658: {  	[sflag:s0] =	ssyncadd.tile.s32 @!p0 $0x1;
	_ =	shalt  }
.Lfunc_end2:
_tile_overlayer_lowered:
.L_overlay_start_2:
0x659: {  	(tag) =	ssettag $0x2  }
0x65a: {  	s0 =	rddreg [dreg:$0x0];
	s2 =	stileid.u32  }
0x65b: {  	s1 =	rddreg [dreg:$0x1];
	p0 =	sne.s32 s2, $0x0  }
0x65c: {  	s3 =	rddreg [dreg:$0x2];
	[bflag:$0x3] =	sbarrier.arrive $0xFFFF;
	s2 =	simm.s32 @!p0 $0x1C02  }
0x65d: {  	[timem:s3], [sflag:s2] =	dma.local @!p0 [hbm:s0], s1  }
0x65e: {  	s0 =	simm.s32 @!p0 $0x2  }
0x65f: {  	_ =	swait.ge @!p0 [sflag:s0], s1  }
0x660: {  	s1 =	ssub.s32 @!p0 $0x0, s1;
	[sflag:s0] =	ssyncset.done @!p0 $0x0  }
0x661: {  	[sflag:s0] =	ssyncadd.s32 @!p0 s1  }
0x662: {  	[bflag:$0x3] =	sbarrier.arrive $0xFFFF  }
0x663: {  	_ =	shalt  }

// kernel: kernel.8.cloned.1.call-start
scs
__scs_entry_jumppad:
0x0: {  	(pc) =	sbr.rel $0x88, $3  }
0x1: {  	(tag) =	ssettag $0x0;
	lr =	simm.s32 $0x1  }
0x2: {  	[smem:$0x3FA0] =	sst lr;
	_ =	strace $0xD0000000  }
0x3: {  	_ = 	snop  }
0x4: {  	_ = 	snop  }
0x5: {  	_ = 	snop  }
0x6: {  	_ = 	snop  }
0x7: {  	_ = 	snop  }
__scs_overlays_trampoline_lowered:
0x8: {  	[smem:$0x3FAF] =	sst s0  }
0x9: {  	[smem:$0x3FB0] =	sst s1  }
0xa: {  	[smem:$0x3FB1] =	sst s2  }
0xb: {  	[smem:$0x3FB2] =	sst s3  }
0xc: {  	[smem:$0x3FB3] =	sst s4  }
0xd: {  	[smem:$0x3FB4] =	sst s5  }
0xe: {  	[smem:$0x3FB5] =	sst s6  }
0xf: {  	[smem:$0x3FB6] =	sst s7  }
0x10: {  	[smem:$0x3FB7] =	sst s8  }
0x11: {  	[smem:$0x3FB8] =	sst s9;
	s0 =	simm.s32 @!p0 $0x0  }
0x12: {  	s1 =	sld [smem:$0x3F9E];
	s0 =	simm.s32 @p0 $0x1  }
0x13: {  	[smem:$0x3FB9] =	sst s0;
	s0 =	simm.s32 @!p1 $0x0  }
0x14: {  	s2 =	sld [smem:$0x3F9D];
	s0 =	simm.s32 @p1 $0x1  }
0x15: {  	[smem:$0x3FBA] =	sst s0;
	s0 =	simm.s32 @!p2 $0x0  }
0x16: {  	s3 =	sld [smem:$0x3FDB];
	s0 =	simm.s32 @p2 $0x1  }
0x17: {  	s4 =	simm.s32 $0x1BF5;
	[smem:$0x3FBC] =	sst s0  }
0x18: {  	s0 =	sld [smem:$0x3F9F];
	_ =	swait.ge [sflag:s4], $0x0  }
0x19: {  	s7 =	sld [smem:$0x3FA0]  }
0x1a: {  	s8 =	sadd.s32 $0xFFFFE003, lr  }
0x1b: {  	s9 =	sadd.s32 $0xFFFFFEF7, lr;
	s5 =	simm.s32 $0xFFFFFFFF;
	p2 =	slt.u32 s8, $0xFFFFF086  }
0x1c: {  	p1 =	slt.u32 s9, $0xF7A;
	s5 =	simm.s32 @!p2 $0x0  }
0x1d: {  	s5 =	simm.s32 @p1 $0x1;
	p0 =	seq.s32 s7, s2  }
0x1e: {  	s7 =	smul.u32 @!p0 $0xF7A, s2;
	p2 =	seq.s32 @!p0 s5, $0x0  }
0x1f: {  	s9 =	smul.u32 $0xF7A, s1;
	s8 =	simm.s32 @!p0 $0x1BF5;
	p2 =	por !p2, p0  }
0x20: {  	[sflag:s8] =	ssyncset.s32 @!p0 $0xFFFFF086;
	s6 =	sadd.s32 @!p0 s3, s7;
	s7 =	simm.s32 @!p0 $0x108  }
0x21: {  	s3 =	sadd.s32 s3, s9;
	s6 =	sadd.s32 @!p0 $0x88, s6;
	s7 =	simm.s32 @p2 $0x1082  }
0x22: {  	[simem:s7], [sflag:s8] =	dma.local @!p0 [hbm:s6], $0xF7A  }
0x23: {  	s9 =	sor.u32 $0xD0000000, s2;
	s6 =	simm.s32 $0x108;
	_ =	swait.ge @!p0 [sflag:s8], $0x0  }
0x24: {  	s3 =	sadd.s32 $0x88, s3;
	s6 =	simm.s32 @!p1 $0x1082;
	[sflag:s4] =	ssyncset.s32 $0xFFFFF086  }
0x25: {  	[simem:s6], [sflag:s4] =	dma.local [hbm:s3], $0xF7A  }
0x26: {  	[smem:$0x3FA0] =	sst s1;
	(tag) =	ssettag s2;
	_ =	strace s9  }
0x27: {  	s1 =	sld [smem:$0x3FB0]  }
0x28: {  	s2 =	sld [smem:$0x3FB1]  }
0x29: {  	s4 =	sld [smem:$0x3FB3]  }
0x2a: {  	p0 =	seq.s32 s5, $0x0;
	s5 =	sld [smem:$0x3FB4]  }
0x2b: {  	s6 =	sld [smem:$0x3FB5]  }
0x2c: {  	s7 =	sld [smem:$0x3FB6]  }
0x2d: {  	s3 =	simm.s32 $0x108;
	s8 =	sld [smem:$0x3FB7]  }
0x2e: {  	s3 =	simm.s32 @!p0 $0x1082;
	s9 =	sld [smem:$0x3FB8]  }
0x2f: {  	lr =	sadd.s32 s0, s3;
	s0 =	sld [smem:$0x3FAF]  }
0x30: {  	s3 =	sld [smem:$0x3FB2]  }
0x31: {  	[smem:$0x3FBB] =	sst s10  }
0x32: {  	s10 =	sld [smem:$0x3FB9];
	_ =	sdelay $0x3  }
0x33: {  	p0 =	seq.s32 s10, $0x1;
	s10 =	sld [smem:$0x3FBB];
	_ =	sdelay $0x3  }
0x34: {  	[smem:$0x3FBB] =	sst s10  }
0x35: {  	s10 =	sld [smem:$0x3FBA];
	_ =	sdelay $0x3  }
0x36: {  	p1 =	seq.s32 s10, $0x1;
	s10 =	sld [smem:$0x3FBB];
	_ =	sdelay $0x3  }
0x37: {  	[smem:$0x3FBB] =	sst s10  }
0x38: {  	s10 =	sld [smem:$0x3FBC]  }
0x39: {  	_ = 	snop;
	(pc) =	sbr.ind lr, $3  }
0x3a: {  	_ = 	snop  }
0x3b: {  	_ = 	snop  }
0x3c: {  	p2 =	seq.s32 s10, $0x1;
	s10 =	sld [smem:$0x3FBB]  }
0x3d: {  	_ =	shalt  }
0x3e: {  	_ =	shalt  }
0x3f: {  	_ =	shalt  }
0x40: {  	_ =	shalt  }
0x41: {  	_ =	shalt  }
0x42: {  	_ =	shalt  }
0x43: {  	_ =	shalt  }
0x44: {  	_ =	shalt  }
0x45: {  	_ =	shalt  }
0x46: {  	_ =	shalt  }
0x47: {  	_ =	shalt  }
0x48: {  	_ =	shalt  }
0x49: {  	_ =	shalt  }
0x4a: {  	_ =	shalt  }
0x4b: {  	_ =	shalt  }
0x4c: {  	_ =	shalt  }
0x4d: {  	_ =	shalt  }
0x4e: {  	_ =	shalt  }
0x4f: {  	_ =	shalt  }
0x50: {  	_ =	shalt  }
0x51: {  	_ =	shalt  }
0x52: {  	_ =	shalt  }
0x53: {  	_ =	shalt  }
0x54: {  	_ =	shalt  }
0x55: {  	_ =	shalt  }
0x56: {  	_ =	shalt  }
0x57: {  	_ =	shalt  }
0x58: {  	_ =	shalt  }
0x59: {  	_ =	shalt  }
0x5a: {  	_ =	shalt  }
0x5b: {  	_ =	shalt  }
0x5c: {  	_ =	shalt  }
0x5d: {  	_ =	shalt  }
0x5e: {  	_ =	shalt  }
0x5f: {  	_ =	shalt  }
0x60: {  	_ =	shalt  }
0x61: {  	_ =	shalt  }
0x62: {  	_ =	shalt  }
0x63: {  	_ =	shalt  }
0x64: {  	_ =	shalt  }
0x65: {  	_ =	shalt  }
0x66: {  	_ =	shalt  }
0x67: {  	_ =	shalt  }
0x68: {  	_ =	shalt  }
0x69: {  	_ =	shalt  }
0x6a: {  	_ =	shalt  }
0x6b: {  	_ =	shalt  }
0x6c: {  	_ =	shalt  }
0x6d: {  	_ =	shalt  }
0x6e: {  	_ =	shalt  }
0x6f: {  	_ =	shalt  }
0x70: {  	_ =	shalt  }
0x71: {  	_ =	shalt  }
0x72: {  	_ =	shalt  }
0x73: {  	_ =	shalt  }
0x74: {  	_ =	shalt  }
0x75: {  	_ =	shalt  }
0x76: {  	_ =	shalt  }
0x77: {  	_ =	shalt  }
0x78: {  	_ =	shalt  }
0x79: {  	_ =	shalt  }
0x7a: {  	_ =	shalt  }
0x7b: {  	_ =	shalt  }
0x7c: {  	_ =	shalt  }
0x7d: {  	_ =	shalt  }
0x7e: {  	_ =	shalt  }
0x7f: {  	_ =	shalt  }
0x80: {  	_ =	shalt  }
0x81: {  	_ =	shalt  }
0x82: {  	_ =	shalt  }
0x83: {  	_ =	shalt  }
0x84: {  	_ =	shalt  }
0x85: {  	_ =	shalt  }
0x86: {  	_ =	shalt  }
0x87: {  	_ =	shalt  }
.Lfunc_end0:
.L_simem_size_0:
called_computation.1_lowered:
.L_overlay_start_0:
0x88: {  	s2 =	sld [smem:$0x3FD9]  }
0x89: {  	s3 =	sld [smem:$0x3FFE];
	_ =	sdelay $0x1  }
0x8a: {  	s1 =	srdreg.scid  }
0x8b: {  	s0 =	sand.u32 $0x1, s1  }
0x8c: {  	s17 =	sshll.u32 s0, $0xA;
	s2 =	sadd.s32 s3, s2  }
0x8d: {  	s2 =	sadd.s32 s2, s17  }
0x8e: {  	[smem:$0x3FC7] =	sst s2  }
0x8f: {  	_ = 	snop  }
0x90: {  	s2 =	sld [smem:$0x3FD0];
	(tm) =	ssettm $0x1  }
0x91: {  	s18 =	sld [smem:$0x3FFB];
	_ =	sdelay $0x3  }
0x92: {  	_ =	strace s18  }
0x93: {  	s3 =	sld [smem:$0x3FFC];
	_ =	sdelay $0x3  }
0x94: {  	_ =	strace s3  }
0x95: {  	s3 =	sld [smem:$0x3FFD];
	_ =	sdelay $0x3  }
0x96: {  	_ =	strace s3  }
0x97: {  	_ =	strace $0x8FFFFFFF  }
0x98: {  	s19 =	sld [smem:$0x3FDB];
	_ =	sdelay $0x1  }
0x99: {  	s4 =	simm.s32 $_scs_section_size  }
0x9a: {  	s5 =	simm.s32 $_size__tile_overlayer_lowered;
	s6 =	simm.s32 $_tile_overlayer_lowered  }
0x9b: {  	s22 =	simm.s32 $0x1BFF;
	s21 =	sshll.u32 s6, $0x1;
	s3 =	sadd.s32 s4, s19  }
0x9c: {  	s7 =	simm.s32 $0x0;
	s20 =	sshll.u32 s5, $0x1;
	s5 =	sadd.s32 s21, s3  }
0x9d: {  	[timem:s7], [sflag:s22] =	dma.local [hbm:s5], s20  }
0x9e: {  	_ =	swait.ge [sflag:s22], s20  }
0x9f: {  	s4 =	ssub.s32 $0x0, s20;
	[sflag:s22] =	ssyncset.done $0x0  }
0xa0: {  	[sflag:s22] =	ssyncadd.s32 s4;
	_ =	sdelay $0x1  }
0xa1: {  	s23 =	simm.s32 $0x1B8B  }
0xa2: {  	_ =	swait.ge [sflag:s23], $0x1  }
0xa3: {  	[sflag:s23] =	ssyncset.done $0x0  }
0xa4: {  	s25 =	simm.s32 $0x1B8E;
	s24 =	sld [smem:$0x3FFE];
	[sflag:s23] =	ssyncadd.s32 $0xFFFFFFFF  }
0xa5: {  	s26 =	simm.s32 $execute0_lowered;
	[smem:$0x3FD2] =	sst s25  }
0xa6: {  	s5 =	sshll.u32 s26, $0x1;
	_ =	strace $0x80000049;
	[dreg:$0x1] =	wrdreg $0xFFFFFFFF  }
0xa7: {  	s28 =	simm.s32 $_size_execute0_lowered;
	s3 =	sadd.s32 s3, s5;
	[dreg:$0x0] =	wrdreg $0x0  }
0xa8: {  	s5 =	sshll.u32 s28, $0x1;
	[dreg:$0x2] =	wrdreg s3  }
0xa9: {  	[dreg:$0x3] =	wrdreg s5  }
0xaa: {  	[dreg:$0x4] =	wrdreg $0xC0  }
0xab: {  	_ =	task [dreg:s7], $0x5FFFF  }
0xac: {  	[dreg:$0x1] =	wrdreg $0xFFFFFFFF  }
0xad: {  	[dreg:$0x0] =	wrdreg $0x60  }
0xae: {  	[dreg:$0x2] =	wrdreg s24  }
0xaf: {  	[dreg:$0x3] =	wrdreg s2  }
0xb0: {  	[dreg:$0x4] =	wrdreg $0x9  }
0xb1: {  	_ =	task.clear_ibuf [dreg:s7], $0x5FFFF;
	_ =	strace $0x90000049  }
0xb2: {  	s29 =	simm.s32 $0x9;
	_ =	strace $0x8000004B  }
0xb3: {  	_ =	swait.ge [sflag:s29], $0x1  }
0xb4: {  	[sflag:s29] =	ssyncadd.s32 $0xFFFFFFFF  }
0xb5: {  	_ =	strace $0x9000004B  }
0xb6: {  	_ =	sfence  }
0xb7: {  	s30 =	sld [smem:$0x0];
	_ =	sdelay $0x2  }
0xb8: {  	s31 =	sshll.u32 s1, $0xD;
	s1 =	sshrl.u32 s1, $0x2  }
0xb9: {  	s3 =	sand.u32 $0x4000, s31;
	s1 =	sadd.s32 s1, s30  }
0xba: {  	s0 =	sor.u32 s3, s0;
	s1 =	sshll.u32 s1, $0x11  }
0xbb: {  	s0 =	sor.u32 s1, s0  }
0xbc: {  	s0 =	sadd.s32 $0x8F2B, s0  }
0xbd: {  	[sflag:s0] =	ssyncadd.remote.s32 $0x1  }
0xbe: {  	_ =	sfence.sel $0xFFFF  }
0xbf: {  	[dreg:$0x0] =	wrdreg $0xFFFFFFFF;
	(pc) =	sbr.abs _section_cstart, $3  }
0xc0: {  	[dreg:$0x1] =	wrdreg $0xFFFFFFFF  }
0xc1: {  	_ =	task.clear_ibuf [dreg:s7], $0x2FFFF;
	_ =	strace $0x9FFFFFFF  }
0xc2: {  	(tm) =	ssettm $0x7FFFFFFF  }
0xc3: {  	_ =	shalt  }
tec
execute0_lowered:
.L_overlay_start_1:
0x0: {  	(tag) =	ssettag $0x1  }
0x1: {  	s1 =	srdreg.scid  }
0x2: {  	s4 =	sand.u32 $0x1, s1;
	s1 =	stileid.u32  }
0x3: {  	s6 =	sshll.u32 s1, $0x1;
	s7 =	ssub.s32 $0x0, s4  }
0x4: {  	p0 =	sne.s32 s6, s7  }
.Ltmp0:
0x5: {  	_ = 	snop;
	(pc) =	sbr.rel @p0 .LBB2_9-.Ltmp0, $4  }
0x6: {  	s5 =	rddreg [dreg:$0x0]  }
0x7: {  	s2 =	rddreg [dreg:$0x1];
	s3 =	simm.s32 $0x0  }
0x8: {  	[smem:$0x7FF] =	sst s3  }
0x9: {  	s0 =	rddreg [dreg:$0x2];
	_ =	strace $0x8000004A  }
0xa: {  	v0 =	vimm.s32 $0x17AC;
	vm14 =	vcmask $0x300  }
0xb: {  	vm13 =	vcmask $0x704;
	vm12 =	vcmask $0xB08;
	vm11 =	vcmask $0xF0C  }
0xc: {  	vm10 =	vcmask $0x1310;
	vm9 =	vcmask $0x1714;
	vm8 =	vcmask $0x1B18  }
0xd: {  	vm7 =	vcmask $0x1F1C;
	vm6 =	vcmask $0x2320;
	vm5 =	vcmask $0x2724  }
0xe: {  	vm4 =	vcmask $0x2B28;
	vm3 =	vcmask $0x2F2C;
	vm1 =	vcmask $0x3330  }
0xf: {  	vm2 =	vcmask $0x3734;
	vm0 =	vcmask $0x3B38;
	v2 =	vimm.s32 $0xF80  }
0x10: {  	v3 =	vimm.s32 $0x2FAC;
	v4 =	vimm.s32 $0x2780;
	v0 =	vsel vm14, $0x82C, v0  }
0x11: {  	v2 =	vsel vm14, $0x0, v2;
	v3 =	vsel vm14, $0x202C, v3;
	v4 =	vsel vm14, $0x1800, v4  }
0x12: {  	v0 =	vsel vm13, $0x8AC, v0;
	v2 =	vsel vm13, $0x80, v2;
	v3 =	vsel vm13, $0x20AC, v3  }
0x13: {  	v4 =	vsel vm13, $0x1880, v4;
	v0 =	vsel vm12, $0x92C, v0;
	v2 =	vsel vm12, $0x100, v2  }
0x14: {  	v3 =	vsel vm12, $0x212C, v3;
	v4 =	vsel vm12, $0x1900, v4;
	v0 =	vsel vm11, $0x9AC, v0  }
0x15: {  	v2 =	vsel vm11, $0x180, v2;
	v3 =	vsel vm11, $0x21AC, v3;
	v4 =	vsel vm11, $0x1980, v4  }
0x16: {  	v0 =	vsel vm10, $0xA2C, v0;
	v2 =	vsel vm10, $0x200, v2;
	v3 =	vsel vm10, $0x222C, v3  }
0x17: {  	v4 =	vsel vm10, $0x1A00, v4;
	v0 =	vsel vm9, $0xAAC, v0;
	v2 =	vsel vm9, $0x280, v2  }
0x18: {  	v3 =	vsel vm9, $0x22AC, v3;
	v4 =	vsel vm9, $0x1A80, v4;
	v0 =	vsel vm8, $0xB2C, v0  }
0x19: {  	v2 =	vsel vm8, $0x300, v2;
	v3 =	vsel vm8, $0x232C, v3;
	v4 =	vsel vm8, $0x1B00, v4  }
0x1a: {  	v0 =	vsel vm7, $0xBAC, v0;
	v2 =	vsel vm7, $0x380, v2;
	v3 =	vsel vm7, $0x23AC, v3  }
0x1b: {  	v4 =	vsel vm7, $0x1B80, v4;
	v0 =	vsel vm6, $0x142C, v0;
	v2 =	vsel vm6, $0xC00, v2  }
0x1c: {  	v3 =	vsel vm6, $0x2C2C, v3;
	v4 =	vsel vm6, $0x2400, v4;
	v0 =	vsel vm5, $0x14AC, v0  }
0x1d: {  	s10 =	sadd.s32 $0xC00, s5;
	s6 =	ssub.s32 $0x2, s4;
	v2 =	vsel vm5, $0xC80, v2;
	v3 =	vsel vm5, $0x2CAC, v3;
	v4 =	vsel vm5, $0x2480, v4  }
0x1e: {  	s4 =	sadd.s32 $0x3400, s5;
	s5 =	sadd.s32 $0x3A00, s5;
	s12 =	simm.s32 $0x3000;
	v0 =	vsel vm4, $0x152C, v0;
	v2 =	vsel vm4, $0xD00, v2;
	v3 =	vsel vm4, $0x2D2C, v3  }
0x1f: {  	s13 =	simm.s32 $0x80;
	s14 =	simm.s32 $0x400;
	s15 =	simm.s32 $0x6000;
	v4 =	vsel vm4, $0x2500, v4;
	v1 =	vsel vm3, $0x15AC, v0;
	v0 =	vimm.s32 $0x0  }
0x20: {  	s16 =	simm.s32 $0x7400;
	s17 =	simm.s32 $0x8800;
	s18 =	simm.s32 $0x9C00;
	v2 =	vsel vm3, $0xD80, v2;
	v3 =	vsel vm3, $0x2DAC, v3;
	v4 =	vsel vm3, $0x2580, v4  }
0x21: {  	s19 =	simm.s32 $0xB000;
	s20 =	simm.s32 $0x1;
	s21 =	simm.s32 $0xC400;
	v1 =	vsel vm1, $0x162C, v1;
	v2 =	vsel vm1, $0xE00, v2;
	v3 =	vsel vm1, $0x2E2C, v3  }
0x22: {  	s22 =	simm.s32 $0xC580;
	s23 =	simm.s32 $0xC700;
	s24 =	simm.s32 $0x2;
	v4 =	vsel vm1, $0x2600, v4;
	v1 =	vsel vm2, $0x16AC, v1;
	v2 =	vsel vm2, $0xE80, v2  }
0x23: {  	s25 =	simm.s32 $0x0;
	s7 =	sshrl.u32 s6, $0x1;
	s8 =	sadd.s32 $0x1410, s10;
	v3 =	vsel vm2, $0x2EAC, v3;
	v5 =	vsel vm2, $0x2680, v4;
	v4 =	vlaneseq.u32  }
0x24: {  	s9 =	sadd.s32 $0x1400, s10;
	s11 =	ssub.s32 s6, s7;
	s6 =	sadd.s32 $0x10, s10;
	v1 =	vsel vm0, $0x172C, v1;
	v2 =	vsel vm0, $0xF00, v2;
	v3 =	vsel vm0, $0x2F2C, v3  }
0x25: {  	s7 =	sadd.s32 $0x1420, s10;
	s10 =	sadd.s32 $0x70, s10;
	s11 =	smax.u32 s11, $0x1;
	v5 =	vsel vm0, $0x2700, v5;
	v6 =	vor.u32 $0x80000000, v4;
	vm0 =	vmxor vm0, vm0  }
.LBB2_2:
0x26: {  	s26 =	simm.s32 $0x0  }
0x27: {  	[tilespmem:s26], [sflag:$0x1] =	stream.linear.gather [hbm4b:s4+s26], $0x3000, $0x38;
	[tilespmem:$0xCE80] =	vst v63  }
0x28: {  	_ = 	snop  }
0x29: {  	[tilespmem:s12], [sflag:$0x1] =	stream.linear.gather [hbm4b:s5+s26], $0x3000, $0x38;
	[tilespmem:$0xCE80] =	vst v63  }
0x2a: {  	_ = 	snop  }
0x2b: {  	[tilespmem:s15], [sflag:$0x1] =	stream.strided.gather [hbm4b:s10+s13], $0x1400, s14, s13, $0x38;
	[tilespmem:$0xCE80] =	vst v63  }
0x2c: {  	_ = 	snop  }
0x2d: {  	[tilespmem:s16], [sflag:$0x1] =	stream.strided.gather [hbm4b:s9+s13], $0x1400, s14, s13, $0x38;
	[tilespmem:$0xCE80] =	vst v63  }
0x2e: {  	_ = 	snop  }
0x2f: {  	[tilespmem:s17], [sflag:$0x1] =	stream.strided.gather [hbm4b:s8+s13], $0x1400, s14, s13, $0x38;
	[tilespmem:$0xCE80] =	vst v63  }
0x30: {  	_ = 	snop  }
0x31: {  	[tilespmem:s18], [sflag:$0x1] =	stream.strided.gather [hbm4b:s7+s13], $0x1400, s14, s13, $0x38;
	[tilespmem:$0xCE80] =	vst v63  }
0x32: {  	_ = 	snop  }
0x33: {  	[tilespmem:s19], [sflag:$0x1] =	stream.strided.gather [hbm4b:s6+s13], $0x1400, s14, s13, $0x38;
	[tilespmem:$0xCE80] =	vst v63  }
0x34: {  	_ =	swait.ge [sflag:s20], $0x3000  }
0x35: {  	[sflag:s20] =	ssyncset.done $0x0  }
0x36: {  	[sflag:s20] =	ssyncadd.s32 $0xFFFFD000  }
0x37: {  	_ =	swait.ge [sflag:s20], $0x3000  }
0x38: {  	[sflag:s20] =	ssyncset.done $0x0  }
0x39: {  	[sflag:s20] =	ssyncadd.s32 $0xFFFFD000  }
0x3a: {  	_ =	swait.ge [sflag:s20], $0x1400  }
0x3b: {  	[sflag:s20] =	ssyncset.done $0x0  }
0x3c: {  	[sflag:s20] =	ssyncadd.s32 $0xFFFFEC00  }
0x3d: {  	_ =	swait.ge [sflag:s20], $0x1400  }
0x3e: {  	[sflag:s20] =	ssyncset.done $0x0  }
0x3f: {  	[sflag:s20] =	ssyncadd.s32 $0xFFFFEC00  }
0x40: {  	_ =	swait.ge [sflag:s20], $0x1400  }
0x41: {  	[sflag:s20] =	ssyncset.done $0x0  }
0x42: {  	[sflag:s20] =	ssyncadd.s32 $0xFFFFEC00  }
0x43: {  	_ =	swait.ge [sflag:s20], $0x1400  }
0x44: {  	[sflag:s20] =	ssyncset.done $0x0  }
0x45: {  	[sflag:s20] =	ssyncadd.s32 $0xFFFFEC00  }
0x46: {  	_ =	swait.ge [sflag:s20], $0x1400  }
0x47: {  	[sflag:s20] =	ssyncset.done $0x0  }
0x48: {  	[sflag:s20] =	ssyncadd.s32 $0xFFFFEC00  }
0x49: {  	[tilespmem:$0xC400] =	vst v0  }
0x4a: {  	[tilespmem:$0xC410] =	vst v0  }
0x4b: {  	[tilespmem:$0xC420] =	vst v0  }
0x4c: {  	[tilespmem:$0xC430] =	vst v0  }
0x4d: {  	[tilespmem:$0xC440] =	vst v0  }
0x4e: {  	[tilespmem:$0xC450] =	vst v0  }
0x4f: {  	[tilespmem:$0xC460] =	vst v0  }
0x50: {  	[tilespmem:$0xC470] =	vst v0  }
0x51: {  	[tilespmem:$0xC480] =	vst v0  }
0x52: {  	[tilespmem:$0xC490] =	vst v0  }
0x53: {  	[tilespmem:$0xC4A0] =	vst v0  }
0x54: {  	[tilespmem:$0xC4B0] =	vst v0  }
0x55: {  	[tilespmem:$0xC4C0] =	vst v0  }
0x56: {  	[tilespmem:$0xC4D0] =	vst v0  }
0x57: {  	[tilespmem:$0xC4E0] =	vst v0  }
0x58: {  	[tilespmem:$0xC4F0] =	vst v0  }
0x59: {  	[tilespmem:$0xC500] =	vst v0  }
0x5a: {  	[tilespmem:$0xC510] =	vst v0  }
0x5b: {  	[tilespmem:$0xC520] =	vst v0  }
0x5c: {  	v7 =	vld.idx.msk [tilespmem:v1+s12+$0x0], $0xffff  }
0x5d: {  	v9 =	vld.idx.msk [tilespmem:v2+s26+$0x0], $0xffff  }
0x5e: {  	v8 =	vld.idx.msk [tilespmem:v3+s12+$0x0], $0xffff  }
0x5f: {  	v10 =	vld.idx.msk [tilespmem:v5+s26+$0x0], $0xffff;
	_ =	sdelay $0x2  }
0x60: {  	vm1 =	vgt.s32 v7, $0x0  }
0x61: {  	v9 =	vnsel vm1, $0xFF61B1E6, v9;
	vm1 =	vgt.s32 v8, $0x0  }
0x62: {  	v10 =	vnsel vm1, $0xFF61B1E6, v10;
	(xrf0) =	vmax.scan.msk.f32 $0xffff, v9  }
0x63: {  	(xrf0) =	vmax.scan.msk.f32 $0xffff, v10;
	_ =	sdelay $0x4  }
0x64: {  	v11, _, _ =	vpop (xrf0)  }
0x65: {  	(v2sf) =	vpush v11, $0xF;
	v11, _, _ =	vpop (xrf0)  }
0x66: {  	(v2sf) =	vpush v11, $0xF;
	_ =	sdelay $0xd  }
0x67: {  	s30 =	spop (v2sf)  }
0x68: {  	s31 =	spop (v2sf)  }
0x69: {  	p0 =	sgt.f32 s31, s30  }
0x6a: {  	s28 =	smov.u32 s30  }
0x6b: {  	s28 =	smov.u32 @p0 s31  }
0x6c: {  	p1 =	sgt.f32 s28, $0.0e+00  }
.Ltmp1:
0x6d: {  	_ = 	snop;
	(pc) =	sbr.rel @!p1 .LBB2_6-.Ltmp1, $2  }
0x6e: {  	_ =	sdelay $0x2  }
0x6f: {  	s29 =	simm.s32 $0x0  }
0x70: {  	p1 =	sgt.f32 s31, s30;
	_ =	sdelay $0x1  }
0x71: {  	v11 =	vpsel p1, v10, v9  }
0x72: {  	vm1 =	veq.f32 v11, s28  }
0x73: {  	v11 =	vnsel vm1, $0x80000010, v6  }
0x74: {  	(xrf0) =	vmin.scan.msk.u32 $0xffff, v11;
	_ =	sdelay $0x5  }
0x75: {  	v11, _, _ =	vpop (xrf0)  }
0x76: {  	(v2sf) =	vpush v11, $0xF;
	_ =	sdelay $0xe  }
0x77: {  	s29 =	simm.s32 $0x0;
	v12 =	vimm.s32 $0x0;
	v11 =	vimm.s32 $0x0;
	s30 =	spop (v2sf)  }
.LBB2_4:
0x78: {  	s30 =	sxor.u32 $0x80000000, s30  }
0x79: {  	v13 =	vmov s30  }
0x7a: {  	vm1 =	veq.s32 v13, v4;
	v13 =	vpsel p0, v11, v12  }
0x7b: {  	v13 =	vnsel vm1, $0x0, v13  }
0x7c: {  	(xrf0) =	vadd.scan.msk.s32 $0xffff, v13;
	_ =	sdelay $0x5  }
0x7d: {  	v13, _, _ =	vpop (xrf0)  }
0x7e: {  	(v2sf) =	vpush v13, $0xF;
	_ =	sdelay $0x5  }
0x7f: {  	s31 =	simm.s32 $0x10  }
0x80: {  	s31 =	simm.s32 @!p0 $0x0  }
0x81: {  	s30 =	sadd.s32 s31, s30  }
0x82: {  	v14 =	vmov s30;
	v13 =	vbroadcast v13, $0xF  }
0x83: {  	v15 =	vshrl.u32 v14, $0x3  }
0x84: {  	v15 =	vmul.u32 $0xC00, v15;
	v16 =	vshll.u32 v13, $0x3  }
0x85: {  	v16 =	vand.u32 $0xFFFFFC00, v16  }
0x86: {  	v14 =	vshll.u32 v14, $0x7;
	v13 =	vand.u32 $0x7F, v13;
	v16 =	vadd.s32 v15, v16  }
0x87: {  	v14 =	vand.u32 $0x380, v14;
	v13 =	vor.u32 v13, v16  }
0x88: {  	v13 =	vor.u32 v14, v13;
	s30 =	spop (v2sf)  }
0x89: {  	s30 =	sadd.s32 $0x1, s30  }
0x8a: {  	p1 =	slt.s32 s30, $0x12B;
	s31 =	smov.u32 s30  }
0x8b: {  	s31 =	simm.s32 @!p1 $0x12B  }
0x8c: {  	v62 =	vmov s31  }
0x8d: {  	v13 =	vld.idx.msk [tilespmem:v13+s12+$0x0], $0xffff;
	v17 =	vshll.u32 v62, $0x3  }
0x8e: {  	v17 =	vand.u32 $0xFFFFFC00, v17  }
0x8f: {  	v63 =	vmov s29;
	v16 =	vand.u32 $0x7F, v62;
	v15 =	vadd.s32 v15, v17  }
0x90: {  	v15 =	vor.u32 v16, v15  }
0x91: {  	v14 =	vor.u32 v14, v15;
	v15 =	vpsel p0, v8, v7  }
0x92: {  	v13 =	vbroadcast v13, $0x0;
	v15 =	vnsel vm1, $0x0, v15  }
0x93: {  	(xrf0) =	vadd.scan.msk.s32 $0xffff, v15  }
0x94: {  	[tilespmem:v63+s21+$0x0] =	vst.idx.msk $0x1, v13;
	v13 =	vmov s28  }
0x95: {  	[tilespmem:v63+s22+$0x0] =	vst.idx.msk $0x1, v13  }
0x96: {  	v13 =	vld.idx.msk [tilespmem:v14+s3+$0x0], $0xffff;
	_ =	sdelay $0x2  }
0x97: {  	v14, _, _ =	vpop (xrf0)  }
0x98: {  	(v2sf) =	vpush v14, $0xF  }
0x99: {  	(v2sf) =	vpush v13, $0x0;
	_ =	sdelay $0xd  }
0x9a: {  	vm2 =	vmmov vm0;
	p1 =	por !p0, !p0;
	s28 =	spop (v2sf)  }
0x9b: {  	vm3 =	vmmov vm0;
	vm2 =	vmneg @p1 vm2;
	s31 =	spop (v2sf);
	p2 =	slt.s32 s30, s28  }
0x9c: {  	vm3 =	vmneg @p0 vm3;
	vm2 =	vmand vm2, vm1;
	s31 =	simm.s32 @!p2 $0xFF61B1E6  }
0x9d: {  	vm1 =	vmand vm3, vm1;
	v9 =	vsel vm2, s31, v9  }
0x9e: {  	v10 =	vsel vm1, s31, v10;
	(xrf0) =	vmax.scan.msk.f32 $0xffff, v9  }
0x9f: {  	(xrf0) =	vmax.scan.msk.f32 $0xffff, v10;
	_ =	sdelay $0x4  }
0xa0: {  	v13, _, _ =	vpop (xrf0)  }
0xa1: {  	(v2sf) =	vpush v13, $0xF;
	v13, _, _ =	vpop (xrf0)  }
0xa2: {  	(v2sf) =	vpush v13, $0xF;
	_ =	sdelay $0xd  }
0xa3: {  	s28 =	spop (v2sf)  }
0xa4: {  	s31 =	spop (v2sf)  }
0xa5: {  	p0 =	sgt.f32 s31, s28;
	_ =	sdelay $0x1  }
0xa6: {  	s28 =	smov.u32 @p0 s31;
	v13 =	vpsel p0, v10, v9  }
0xa7: {  	vm3 =	veq.f32 v13, s28  }
0xa8: {  	v13 =	vnsel vm3, $0x80000010, v6  }
0xa9: {  	(xrf0) =	vmin.scan.msk.u32 $0xffff, v13;
	_ =	sdelay $0x5  }
0xaa: {  	v13, _, _ =	vpop (xrf0)  }
0xab: {  	(v2sf) =	vpush v13, $0xF;
	_ =	sdelay $0x6  }
0xac: {  	p1 =	sgt.u32 s29, $0x12A  }
0xad: {  	p2 =	sgt.f32 @!p1 s28, $0.0e+00;
	_ =	sdelay $0x1  }
0xae: {  	p2 =	por p1, !p2  }
.Ltmp2:
0xaf: {  	_ = 	snop;
	(pc) =	sbr.rel @!p2 .LBB2_4-.Ltmp2, $2  }
0xb0: {  	_ =	sdelay $0x2  }
0xb1: {  	s29 =	sadd.s32 $0x1, s29;
	v12 =	vsel vm2, s30, v12;
	v11 =	vsel vm1, s30, v11;
	s30 =	spop (v2sf)  }
0xb2: {  	s29 =	smov.u32 @p1 s29  }
.LBB2_6:
0xb3: {  	s28 =	simm.s32 $0xC400  }
0xb4: {  	v8 =	vld [tilespmem:s28+$0x0];
	_ =	sdelay $0x2  }
0xb5: {  	v7 =	vmov s29;
	v9 =	vor.u32 s26, v4  }
0xb6: {  	vm1 =	vlt.u32 v9, v7  }
0xb7: {  	v8 =	vnsel vm1, $0x0, v8;
	_ =	sdelay $0x4  }
0xb8: {  	v9 =	vmul.u32 $0x6, v9;
	v10 =	vld.idx.msk [tilespmem:v8+s15+$0x0], $0xffff;
	_ =	sdelay $0x4  }
0xb9: {  	v10 =	vnsel vm1, $0x0, v10  }
0xba: {  	[tilespmem:v9+s23+$0x0] =	vst.idx.msk $0xffff, v10  }
0xbb: {  	v10 =	vld.idx.msk [tilespmem:v8+s16+$0x0], $0xffff  }
0xbc: {  	v11 =	vor.u32 $0x1, v9;
	_ =	sdelay $0x3  }
0xbd: {  	v10 =	vnsel vm1, $0x0, v10  }
0xbe: {  	[tilespmem:v11+s23+$0x0] =	vst.idx.msk $0xffff, v10  }
0xbf: {  	v10 =	vld.idx.msk [tilespmem:v8+s17+$0x0], $0xffff  }
0xc0: {  	v11 =	vadd.s32 $0x2, v9;
	_ =	sdelay $0x3  }
0xc1: {  	v10 =	vnsel vm1, $0x0, v10  }
0xc2: {  	[tilespmem:v11+s23+$0x0] =	vst.idx.msk $0xffff, v10  }
0xc3: {  	v10 =	vld.idx.msk [tilespmem:v8+s18+$0x0], $0xffff  }
0xc4: {  	v11 =	vadd.s32 $0x3, v9;
	_ =	sdelay $0x3  }
0xc5: {  	v10 =	vnsel vm1, $0x0, v10  }
0xc6: {  	s29 =	simm.s32 $0xC580;
	[tilespmem:v11+s23+$0x0] =	vst.idx.msk $0xffff, v10  }
0xc7: {  	v10 =	vld [tilespmem:s29+$0x0]  }
0xc8: {  	v11 =	vadd.s32 $0x4, v9;
	_ =	sdelay $0x3  }
0xc9: {  	v10 =	vnsel vm1, $0x0, v10  }
0xca: {  	[tilespmem:v11+s23+$0x0] =	vst.idx.msk $0xffff, v10  }
0xcb: {  	v10 =	vld.idx.msk [tilespmem:v8+s19+$0x0], $0xffff  }
0xcc: {  	v8 =	vadd.s32 $0x5, v9;
	_ =	sdelay $0x3  }
0xcd: {  	s26 =	simm.s32 $0x10;
	v9 =	vnsel vm1, $0x0, v10  }
.LBB2_7:
0xce: {  	p0 =	sne.s32 s26, $0x120;
	[tilespmem:v8+s23+$0x0] =	vst.idx.msk $0xffff, v9;
	s28 =	sadd.s32 $0x10, s28;
	s29 =	sadd.s32 $0x10, s29  }
0xcf: {  	s30 =	smov.u32 s26;
	s26 =	sadd.s32 $0x10, s26;
	v8 =	vld [tilespmem:s28+$0x0];
	_ =	sdelay $0x2  }
0xd0: {  	v9 =	vor.u32 s30, v4  }
0xd1: {  	vm1 =	vlt.u32 v9, v7  }
0xd2: {  	v8 =	vnsel vm1, $0x0, v8;
	_ =	sdelay $0x4  }
0xd3: {  	v10 =	vld.idx.msk [tilespmem:v8+s15+$0x0], $0xffff  }
0xd4: {  	v9 =	vmul.u32 $0x6, v9;
	_ =	sdelay $0x4  }
0xd5: {  	v10 =	vnsel vm1, $0x0, v10  }
0xd6: {  	[tilespmem:v9+s23+$0x0] =	vst.idx.msk $0xffff, v10  }
0xd7: {  	v10 =	vld.idx.msk [tilespmem:v8+s16+$0x0], $0xffff;
	_ =	sdelay $0x1  }
0xd8: {  	v11 =	vor.u32 $0x1, v9;
	_ =	sdelay $0x3  }
0xd9: {  	v10 =	vnsel vm1, $0x0, v10  }
0xda: {  	[tilespmem:v11+s23+$0x0] =	vst.idx.msk $0xffff, v10  }
0xdb: {  	v10 =	vld.idx.msk [tilespmem:v8+s17+$0x0], $0xffff;
	_ =	sdelay $0x1  }
0xdc: {  	v11 =	vadd.s32 $0x2, v9;
	_ =	sdelay $0x3  }
0xdd: {  	v10 =	vnsel vm1, $0x0, v10  }
0xde: {  	[tilespmem:v11+s23+$0x0] =	vst.idx.msk $0xffff, v10  }
0xdf: {  	v10 =	vld.idx.msk [tilespmem:v8+s18+$0x0], $0xffff;
	_ =	sdelay $0x1  }
0xe0: {  	v11 =	vadd.s32 $0x3, v9;
	_ =	sdelay $0x3  }
0xe1: {  	v10 =	vnsel vm1, $0x0, v10  }
0xe2: {  	[tilespmem:v11+s23+$0x0] =	vst.idx.msk $0xffff, v10  }
0xe3: {  	v10 =	vld [tilespmem:s29+$0x0]  }
0xe4: {  	v11 =	vadd.s32 $0x4, v9;
	_ =	sdelay $0x3  }
0xe5: {  	v10 =	vnsel vm1, $0x0, v10  }
0xe6: {  	[tilespmem:v11+s23+$0x0] =	vst.idx.msk $0xffff, v10  }
0xe7: {  	v10 =	vld.idx.msk [tilespmem:v8+s19+$0x0], $0xffff;
	_ =	sdelay $0x1  }
.Ltmp3:
0xe8: {  	v8 =	vadd.s32 $0x5, v9;
	(pc) =	sbr.rel @p0 .LBB2_7-.Ltmp3, $2  }
0xe9: {  	_ =	sdelay $0x2  }
0xea: {  	v9 =	vnsel vm1, $0x0, v10  }
0xeb: {  	_ =	sdelay $0x1  }
0xec: {  	s25 =	sadd.s32 $0x1, s25  }
0xed: {  	p0 =	sne.s32 s25, s11  }
.Ltmp4:
0xee: {  	[tilespmem:v8+s23+$0x0] =	vst.idx.msk $0xffff, v9;
	(pc) =	sbr.rel @p0 .LBB2_2-.Ltmp4, $4  }
0xef: {  	[hbm4b:s2+s3] =	stream.linear.scatter [tilespmem:s23], [sflag:$0x2], $0x780, $0x38;
	[tilespmem:$0xCE80] =	vst v63  }
0xf0: {  	_ =	swait.ge [sflag:s24], $0x780  }
0xf1: {  	[sflag:s24] =	ssyncset.done $0x0  }
0xf2: {  	[sflag:s24] =	ssyncadd.s32 $0xFFFFF880  }
.LBB2_9:
0xf3: {  	_ =	sfence.sel $0x180000  }
0xf4: {  	[bflag:$0x0] =	sbarrier.arrive $0xFFFF  }
0xf5: {  	p0 =	sne.s32 s1, $0x0;
	_ =	strace $0x9000004A  }
0xf6: {  	s0 =	sadd.s32 @!p0 $0x100000, s0;
	[bflag:$0x2] =	sbarrier.arrive $0xFFFF  }
0xf7: {  	[sflag:s0] =	ssyncadd.tile.s32 @!p0 $0x1;
	_ =	shalt  }
.Lfunc_end2:
_tile_overlayer_lowered:
.L_overlay_start_2:
0xf8: {  	(tag) =	ssettag $0x2  }
0xf9: {  	s0 =	rddreg [dreg:$0x0];
	s2 =	stileid.u32  }
0xfa: {  	s1 =	rddreg [dreg:$0x1];
	p0 =	sne.s32 s2, $0x0  }
0xfb: {  	s3 =	rddreg [dreg:$0x2];
	[bflag:$0x3] =	sbarrier.arrive $0xFFFF;
	s2 =	simm.s32 @!p0 $0x1C02  }
0xfc: {  	[timem:s3], [sflag:s2] =	dma.local @!p0 [hbm:s0], s1  }
0xfd: {  	s0 =	simm.s32 @!p0 $0x2  }
0xfe: {  	_ =	swait.ge @!p0 [sflag:s0], s1  }
0xff: {  	s1 =	ssub.s32 @!p0 $0x0, s1;
	[sflag:s0] =	ssyncset.done @!p0 $0x0  }
0x100: {  	[sflag:s0] =	ssyncadd.s32 @!p0 s1  }
0x101: {  	[bflag:$0x3] =	sbarrier.arrive $0xFFFF  }
0x102: {  	_ =	shalt  }

</sc_bundles>
